<compile_context>
chip_gen: v7x
topology: tpu7x:2x2x1
jax: 0.10.2.dev20260603
libtpu: 0.0.44.dev20260713+nightly
codegen_flags: <defaults>
</compile_context>

<pallas_src>
import functools

import jax
import jax.numpy as jnp
from jax import lax
from jax.experimental import pallas as pl
from jax.experimental.pallas import tpu as pltpu
from jax.experimental.pallas import tpu_sc as plsc

N_NODES = 10000
N_EDGES = 2000
EP = 2048
F = 128
N_PAD = 10752
N_USED = 10240

SC_PASSES = 6
ROWS_PER_SC = 896
ROWS_PER_PASS = 1792
N_TILES = 16
PAIR_PAD = 327680
TILE_SHARE = PAIR_PAD // N_TILES
CHUNK = 1024
CBUF = 2080
DUMMY_FLAT = ROWS_PER_SC * EP
BLK_ELEMS = (ROWS_PER_SC + 1) * EP
T_ROWS = ROWS_PER_SC // N_TILES
STRIPE = T_ROWS * EP

BR = 512
NBLK = N_USED // BR
_PREC = lax.Precision.HIGHEST
_W_OUT = 6 * F


def _sc_build_s(src_p, dst_p, ones_c, zeros_c):
    mesh = plsc.VectorSubcoreMesh(core_axis_name="c", subcore_axis_name="s")

    @functools.partial(
        pl.kernel,
        out_type=jax.ShapeDtypeStruct((N_PAD * EP,), jnp.float32),
        mesh=mesh,
        scratch_types=[
            pltpu.VMEM_SHARED((BLK_ELEMS,), jnp.float32),
            pltpu.VMEM((CHUNK,), jnp.int32),
            pltpu.VMEM((CHUNK,), jnp.int32),
            pltpu.VMEM((CBUF,), jnp.int32),
            pltpu.VMEM((CBUF,), jnp.float32),
            pltpu.VMEM((EP,), jnp.float32),
            pltpu.VMEM((EP,), jnp.float32),
            pltpu.VMEM((EP,), jnp.float32),
            pltpu.SemaphoreType.DMA,
            pltpu.SemaphoreType.DMA,
        ],
        compiler_params=pltpu.CompilerParams(needs_layout_passes=False),
    )
    def build(src_hbm, dst_hbm, ones_hbm, zeros_hbm, s_hbm,
              blk, srcv, dstv, flatv, onesv, zbuf, wb0, wb1, sem_z, sem_o):
        c = lax.axis_index("c")
        t = lax.axis_index("s")
        pltpu.sync_copy(ones_hbm, onesv)
        pltpu.sync_copy(zeros_hbm, zbuf)

        def brow(i):
            return blk.at[pl.ds(t * STRIPE + i * EP, EP)]

        for p in range(SC_PASSES):
            lo = p * ROWS_PER_PASS + c * ROWS_PER_SC
            out_base = (p * ROWS_PER_PASS + c * ROWS_PER_SC) * EP + t * STRIPE

            def zfire(i, _):
                pltpu.async_copy(zbuf, brow(i), sem_z)
                return 0
            lax.fori_loop(0, T_ROWS, zfire, 0)

            @pl.when(t == 0)
            def _():
                pltpu.async_copy(zbuf, blk.at[pl.ds(DUMMY_FLAT, EP)], sem_z)

            def zdrain(i, _):
                pltpu.make_async_copy(zbuf, brow(i), sem_z).wait()
                return 0
            lax.fori_loop(0, T_ROWS, zdrain, 0)

            @pl.when(t == 0)
            def _():
                pltpu.make_async_copy(
                    zbuf, blk.at[pl.ds(DUMMY_FLAT, EP)], sem_z).wait()

            plsc.subcore_barrier()

            def dfill(i, _):
                flatv[pl.ds(i * 16, 16)] = jnp.full((16,), DUMMY_FLAT,
                                                    jnp.int32)
                return 0
            lax.fori_loop(0, CBUF // 16, dfill, 0)

            def chunk_body(ci, ptr):
                base = t * TILE_SHARE + ci * CHUNK
                pltpu.sync_copy(src_hbm.at[pl.ds(base, CHUNK)], srcv)
                pltpu.sync_copy(dst_hbm.at[pl.ds(base, CHUNK)], dstv)

                def vec0(i, ptr_in):
                    off = i * 16
                    s16 = srcv[pl.ds(off, 16)]
                    d16 = dstv[pl.ds(off, 16)]
                    row = s16 - lo
                    ok = (row >= 0) & (row < ROWS_PER_SC)
                    flat = jnp.where(ok, row * EP + d16, DUMMY_FLAT)
                    flatv[pl.ds(ptr_in, 16)] = lax.sort(flat)
                    cnt = jnp.max(plsc.all_reduce_population_count(ok))
                    return ptr_in + cnt
                ptr = lax.fori_loop(0, CHUNK // 16, vec0, ptr)

                @pl.when(ptr >= 1024)
                def _():
                    pltpu.sync_copy(onesv, blk.at[flatv], add=True)
                    lax.fori_loop(0, CBUF // 16, dfill, 0)
                return jnp.where(ptr >= 1024, 0, ptr)
            ptr = lax.fori_loop(0, TILE_SHARE // CHUNK, chunk_body, 0)

            @pl.when(ptr > 0)
            def _():
                pltpu.sync_copy(onesv, blk.at[flatv], add=True)

            plsc.subcore_barrier()

            def hrow(i):
                return s_hbm.at[pl.ds(out_base + i * EP, EP)]

            def wb2(j, _):
                @pl.when(j > 0)
                def _():
                    pltpu.make_async_copy(wb0, hrow(2 * j - 2), sem_o).wait()
                    pltpu.make_async_copy(wb1, hrow(2 * j - 1), sem_o).wait()
                pltpu.sync_copy(brow(2 * j), wb0)
                pltpu.async_copy(wb0, hrow(2 * j), sem_o)
                pltpu.sync_copy(brow(2 * j + 1), wb1)
                pltpu.async_copy(wb1, hrow(2 * j + 1), sem_o)
                return 0
            lax.fori_loop(0, T_ROWS // 2, wb2, 0)
            pltpu.make_async_copy(wb0, hrow(T_ROWS - 2), sem_o).wait()
            pltpu.make_async_copy(wb1, hrow(T_ROWS - 1), sem_o).wait()

    return build(src_p, dst_p, ones_c, zeros_c)


def _hilo(v):
    hi = v.astype(jnp.bfloat16)
    lo = (v - hi.astype(jnp.float32)).astype(jnp.bfloat16)
    return hi, lo


def _t1_kernel(s_ref, x_ref, m_ref, e1_ref, dhe_ref):
    g = pl.program_id(0)
    sb = s_ref[...].astype(jnp.float32)
    sb_bf = sb.astype(jnp.bfloat16)
    xb = x_ref[...]
    dv = jnp.sum(sb, axis=1)
    dvi = jnp.where(dv > 0, 1.0 / dv, 0.0)
    a = sb * dvi[:, None]
    e1c = lax.dot_general(a, xb, (((0,), (0,)), ((), ())),
                          preferred_element_type=jnp.float32, precision=_PREC)
    at_hi, at_lo = _hilo(jnp.transpose(a))
    dn1 = (((1,), (0,)), ((), ()))
    mc = (lax.dot_general(at_hi, sb_bf, dn1, preferred_element_type=jnp.float32)
          + lax.dot_general(at_lo, sb_bf, dn1, preferred_element_type=jnp.float32))
    ones8 = jnp.ones((BR, 8), jnp.float32)
    dhec = lax.dot_general(sb, ones8, (((0,), (0,)), ((), ())),
                           preferred_element_type=jnp.float32, precision=_PREC)

    @pl.when(g == 0)
    def _():
        m_ref[...] = mc
        e1_ref[...] = e1c
        dhe_ref[...] = dhec

    @pl.when(g > 0)
    def _():
        m_ref[...] += mc
        e1_ref[...] += e1c
        dhe_ref[...] += dhec


MRB = 256


def _t2_kernel(m_ref, e1_ref, dhe_ref, cp_ref, ea, eb):
    dhe = dhe_ref[:, 0:1]
    dhei = jnp.where(dhe > 0, 1.0 / dhe, 0.0)
    ea[...] = e1_ref[...]
    bufs = (ea, eb)
    snap = {2: 0, 4: 1, 8: 2, 16: 3}
    for k in range(2, 17):
        cur = bufs[k % 2]
        nxt = bufs[(k + 1) % 2]
        u = dhei * cur[...]

        def rb_body(rb, _):
            mb = m_ref[pl.ds(rb * MRB, MRB), :]
            nxt[pl.ds(rb * MRB, MRB), :] = lax.dot_general(
                mb, u, (((1,), (0,)), ((), ())),
                preferred_element_type=jnp.float32, precision=_PREC)
            return 0
        lax.fori_loop(0, EP // MRB, rb_body, 0)
        if k in snap:
            cp_ref[:, snap[k] * F:(snap[k] + 1) * F] = nxt[...]


def _t2b_kernel(e1_ref, cp_ref, attr_ref, dhe_ref, sep_ref, sen_ref, c_ref):
    dhe = dhe_ref[:, 0:1]
    dhei = jnp.where(dhe > 0, 1.0 / dhe, 0.0)
    e1 = e1_ref[...]
    e2 = cp_ref[:, 0 * F:1 * F]
    e4 = cp_ref[:, 1 * F:2 * F]
    e8 = cp_ref[:, 2 * F:3 * F]
    e16 = cp_ref[:, 3 * F:4 * F]
    ew = [-e1, e1 - e2, e2 - e4, e4 - e8, e8 - e16, e16]
    attr = attr_ref[...]
    for i in range(6):
        wc = ew[i] + attr if i == 0 else ew[i]
        sep_ref[:, i * F:(i + 1) * F] = jnp.maximum(wc, 0.0)
        sen_ref[:, i * F:(i + 1) * F] = jnp.maximum(-wc, 0.0)
        c_ref[:, i * F:(i + 1) * F] = dhei * ew[i]


def _t3_kernel(s_ref, x_ref, c_ref, p_ref, n_ref):
    sb_bf = s_ref[...].astype(jnp.bfloat16)
    c_hi, c_lo = _hilo(c_ref[...])
    dn = (((1,), (0,)), ((), ()))
    wn = (lax.dot_general(sb_bf, c_hi, dn, preferred_element_type=jnp.float32)
          + lax.dot_general(sb_bf, c_lo, dn, preferred_element_type=jnp.float32))
    wn = jnp.concatenate([wn[:, :F] + x_ref[...], wn[:, F:]], axis=1)
    p_ref[...] = jnp.maximum(wn, 0.0)
    n_ref[...] = jnp.maximum(-wn, 0.0)


def _dense_pipeline(s_mat, x_pad, attr):
    m, e1, dhe = pl.pallas_call(
        _t1_kernel,
        grid=(NBLK,),
        in_specs=[
            pl.BlockSpec((BR, EP), lambda g: (g, 0)),
            pl.BlockSpec((BR, F), lambda g: (g, 0)),
        ],
        out_specs=[
            pl.BlockSpec((EP, EP), lambda g: (0, 0)),
            pl.BlockSpec((EP, F), lambda g: (0, 0)),
            pl.BlockSpec((EP, 8), lambda g: (0, 0)),
        ],
        out_shape=[
            jax.ShapeDtypeStruct((EP, EP), jnp.float32),
            jax.ShapeDtypeStruct((EP, F), jnp.float32),
            jax.ShapeDtypeStruct((EP, 8), jnp.float32),
        ],
        compiler_params=pltpu.CompilerParams(
            dimension_semantics=("arbitrary",),
            vmem_limit_bytes=100 * 2**20),
    )(s_mat, x_pad)

    cp = pl.pallas_call(
        _t2_kernel,
        out_shape=jax.ShapeDtypeStruct((EP, 4 * F), jnp.float32),
        scratch_shapes=[
            pltpu.VMEM((EP, F), jnp.float32),
            pltpu.VMEM((EP, F), jnp.float32),
        ],
        compiler_params=pltpu.CompilerParams(
            vmem_limit_bytes=60 * 2**20),
    )(m, e1, dhe)

    sep, sen, c_mat = pl.pallas_call(
        _t2b_kernel,
        out_shape=[
            jax.ShapeDtypeStruct((EP, _W_OUT), jnp.float32),
            jax.ShapeDtypeStruct((EP, _W_OUT), jnp.float32),
            jax.ShapeDtypeStruct((EP, _W_OUT), jnp.float32),
        ],
        compiler_params=pltpu.CompilerParams(
            vmem_limit_bytes=60 * 2**20),
    )(e1, cp, attr, dhe)

    snp, snn = pl.pallas_call(
        _t3_kernel,
        grid=(NBLK,),
        in_specs=[
            pl.BlockSpec((BR, EP), lambda g: (g, 0)),
            pl.BlockSpec((BR, F), lambda g: (g, 0)),
            pl.BlockSpec((EP, _W_OUT), lambda g: (0, 0)),
        ],
        out_specs=[
            pl.BlockSpec((BR, _W_OUT), lambda g: (g, 0)),
            pl.BlockSpec((BR, _W_OUT), lambda g: (g, 0)),
        ],
        out_shape=[
            jax.ShapeDtypeStruct((N_USED, _W_OUT), jnp.float32),
            jax.ShapeDtypeStruct((N_USED, _W_OUT), jnp.float32),
        ],
        compiler_params=pltpu.CompilerParams(
            dimension_semantics=("arbitrary",),
            vmem_limit_bytes=100 * 2**20),
    )(s_mat, x_pad, c_mat)
    return sep, sen, snp, snn


def kernel(x, hyperedge_index, hyperedge_attr):
    src = hyperedge_index[0].astype(jnp.int32)
    dst = hyperedge_index[1].astype(jnp.int32)
    npad = PAIR_PAD - src.shape[0]
    src_p = jnp.concatenate([src, jnp.full((npad,), 2 * N_PAD, jnp.int32)])
    dst_p = jnp.concatenate([dst, jnp.zeros((npad,), jnp.int32)])

    s_flat = _sc_build_s(src_p, dst_p,
                         jnp.ones((CBUF,), jnp.float32),
                         jnp.zeros((EP,), jnp.float32))
    s_mat = s_flat.reshape(N_PAD, EP)

    x_pad = jnp.concatenate(
        [x, jnp.zeros((N_USED - N_NODES, F), jnp.float32)], axis=0)
    attr_pad = jnp.concatenate(
        [hyperedge_attr, jnp.zeros((EP - N_EDGES, F), jnp.float32)], axis=0)

    sep, sen, snp, snn = _dense_pipeline(s_mat, x_pad, attr_pad)

    s_edges = jnp.stack([sep[:N_EDGES], sen[:N_EDGES]],
                        axis=-1).reshape(N_EDGES, 2 * _W_OUT)
    s_nodes = jnp.stack([snp, snn], axis=-1).reshape(N_USED, 2 * _W_OUT)[:N_NODES]
    return (s_nodes, s_edges)

# --- scband reference (transcript-rebuilt; emitter-appended) ---
"""Pipeline reference for scband-hyper-scattering-module-20779051778658 (READ-ONLY COPY).

The authoritative reference and input builder live on the scoring server;
editing this copy changes nothing except your own understanding.
"""

import jax, jax.numpy as jnp
import numpy as np

NUM_NODES = 10000
NUM_EDGES = 2000
NUM_INC = 320000
D_FEAT = 128
DIFF_LEVELS = 16


def _wavelet_matrix():
    W = np.zeros((6, 17), dtype=np.float32)
    scales = [0, 1, 2, 4, 8, 16]
    for i in range(5):
        W[i, scales[i]] = 1.0
        W[i, scales[i + 1]] = -1.0
    W[5, 16] = 1.0
    return jnp.asarray(W)


def setup_inputs(seed: int = 0) -> dict:
    key = jax.random.key(seed)
    k1, k2, k3, k4 = jax.random.split(key, 4)
    x = jax.random.normal(k1, (NUM_NODES, D_FEAT), dtype=jnp.float32)
    src = jax.random.randint(k2, (NUM_INC,), 0, NUM_NODES, dtype=jnp.int64 if jax.config.read('jax_enable_x64') else jnp.int32)
    dst = jax.random.randint(k3, (NUM_INC,), 0, NUM_EDGES, dtype=src.dtype)
    hyperedge_index = jnp.stack([src, dst], axis=0)
    hyperedge_attr = jax.random.normal(k4, (NUM_EDGES, D_FEAT), dtype=jnp.float32)
    return {"x": x, "hyperedge_index": hyperedge_index, "hyperedge_attr": hyperedge_attr}


def reference(x, hyperedge_index, hyperedge_attr):
    num_nodes = x.shape[0]
    num_edges = hyperedge_attr.shape[0]
    src = hyperedge_index[0]
    dst = hyperedge_index[1]
    hyperedge_weight = jnp.ones((num_edges,), dtype=x.dtype)

    # D_v_inv: node degree (weighted by hyperedge weight), inverted with inf -> 0
    D_v = jax.ops.segment_sum(hyperedge_weight[dst], src, num_segments=num_nodes)
    D_v_inv = jnp.where(D_v > 0, 1.0 / D_v, 0.0)
    # D_he_inv: hyperedge cardinality, inverted with inf -> 0
    D_he = jax.ops.segment_sum(jnp.ones((src.shape[0],), dtype=x.dtype), dst, num_segments=num_edges)
    D_he_inv = jnp.where(D_he > 0, 1.0 / D_he, 0.0)

    def diffuse(xn):
        # normalize='right', fixed_weights=True, trainable_laziness=False
        out = D_v_inv[:, None] * xn
        out_edge = jax.ops.segment_sum(out[src], dst, num_segments=num_edges)
        out2 = D_he_inv[:, None] * out_edge
        out_node = jax.ops.segment_sum(out2[dst], src, num_segments=num_nodes)
        return out_node, out_edge

    node_features = [x]
    edge_features = [hyperedge_attr]
    for _ in range(DIFF_LEVELS):
        n_feat, e_feat = diffuse(node_features[-1])
        node_features.append(n_feat)
        edge_features.append(e_feat)

    W = _wavelet_matrix()
    diffusion_levels = jnp.stack(node_features, axis=0)        # [17, N, F]
    edge_diffusion_levels = jnp.stack(edge_features, axis=0)    # [17, E, F]
    wavelet_coeffs = jnp.einsum('ij,jkl->ikl', W, diffusion_levels)        # [6, N, F]
    wavelet_coeffs_edges = jnp.einsum('ij,jkl->ikl', W, edge_diffusion_levels)  # [6, E, F]

    # activation='blis': [relu(x), relu(-x)]
    activated = jnp.stack([jax.nn.relu(wavelet_coeffs), jax.nn.relu(-wavelet_coeffs)], axis=0)          # [2, 6, N, F]
    activated_edges = jnp.stack([jax.nn.relu(wavelet_coeffs_edges), jax.nn.relu(-wavelet_coeffs_edges)], axis=0)  # [2, 6, E, F]

    # rearrange 'a w n f -> n (w f a)'
    a, w, n, f = activated.shape
    s_nodes = jnp.transpose(activated, (2, 1, 3, 0)).reshape(n, w * f * a)
    a2, w2, e, f2 = activated_edges.shape
    s_edges = jnp.transpose(activated_edges, (2, 1, 3, 0)).reshape(e, w2 * f2 * a2)
    return (s_nodes, s_edges)

if __name__ == "__main__":
    import jax
    _d = setup_inputs()
    print(jax.jit(kernel)(*tuple(_d.values())))

</pallas_src>

<mosaic_0001>
#map = affine_map<(d0, d1) -> (0)>
module attributes {stable_mosaic.version = 14 : i64} {
  func.func @build(%arg0: i32, %arg1: i32, %arg2: memref<327680xi32, #tpu.memory_space<hbm>>, %arg3: memref<327680xi32, #tpu.memory_space<hbm>>, %arg4: memref<2080xf32, #tpu.memory_space<hbm>>, %arg5: memref<2048xf32, #tpu.memory_space<hbm>>, %arg6: memref<22020096xf32, #tpu.memory_space<hbm>>, %arg7: memref<1837056xf32, #tpu.memory_space<vmem_shared>>, %arg8: memref<1024xi32, #tpu.memory_space<vmem>>, %arg9: memref<1024xi32, #tpu.memory_space<vmem>>, %arg10: memref<2080xi32, #tpu.memory_space<vmem>>, %arg11: memref<2080xf32, #tpu.memory_space<vmem>>, %arg12: memref<2048xf32, #tpu.memory_space<vmem>>, %arg13: memref<2048xf32, #tpu.memory_space<vmem>>, %arg14: memref<2048xf32, #tpu.memory_space<vmem>>, %arg15: memref<!tpu.dma_semaphore, #tpu.memory_space<semaphore_mem>>, %arg16: memref<!tpu.dma_semaphore, #tpu.memory_space<semaphore_mem>>) attributes {dimension_semantics = [#tpu.dimension_semantics<core_parallel>, #tpu.dimension_semantics<subcore_parallel>], iteration_bounds = array<i64: 2, 16>, scalar_prefetch = 0 : i64, scratch_operands = 10 : i64, tpu.core_type = #tpu.core_type<sc_vector_subcore>, window_params = [{transform_indices = #map}, {transform_indices = #map}, {transform_indices = #map}, {transform_indices = #map}, {transform_indices = #map}]} {
    "tpu.region"() ({
      %run_scoped3A = tpu.sem_alloc : memref<!tpu.dma_semaphore, #tpu.memory_space<semaphore_mem>>
      tpu.enqueue_dma source(%arg4 : memref<2080xf32, #tpu.memory_space<hbm>>) target(%arg11 : memref<2080xf32, #tpu.memory_space<vmem>>) target_semaphore(%run_scoped3A : memref<!tpu.dma_semaphore, #tpu.memory_space<semaphore_mem>>)
      tpu.wait_dma2 semaphore(%run_scoped3A : memref<!tpu.dma_semaphore, #tpu.memory_space<semaphore_mem>>) src(%arg4 : memref<2080xf32, #tpu.memory_space<hbm>>) dst(%arg11 : memref<2080xf32, #tpu.memory_space<vmem>>)
      tpu.yield
    }) : () -> ()
    "tpu.region"() ({
      %run_scoped3A = tpu.sem_alloc : memref<!tpu.dma_semaphore, #tpu.memory_space<semaphore_mem>>
      tpu.enqueue_dma source(%arg5 : memref<2048xf32, #tpu.memory_space<hbm>>) target(%arg12 : memref<2048xf32, #tpu.memory_space<vmem>>) target_semaphore(%run_scoped3A : memref<!tpu.dma_semaphore, #tpu.memory_space<semaphore_mem>>)
      tpu.wait_dma2 semaphore(%run_scoped3A : memref<!tpu.dma_semaphore, #tpu.memory_space<semaphore_mem>>) src(%arg5 : memref<2048xf32, #tpu.memory_space<hbm>>) dst(%arg12 : memref<2048xf32, #tpu.memory_space<vmem>>)
      tpu.yield
    }) : () -> ()
    %mul3A = arith.constant 896 : i32
    %mul3A_0 = arith.muli %arg0, %mul3A : i32
    %add3A = arith.constant 0 : i32
    %add3A_1 = arith.addi %add3A, %mul3A_0 : i32
    %mul3A_2 = arith.constant 896 : i32
    %mul3A_3 = arith.muli %arg0, %mul3A_2 : i32
    %add3A_4 = arith.constant 0 : i32
    %add3A_5 = arith.addi %add3A_4, %mul3A_3 : i32
    %mul3A_6 = arith.constant 2048 : i32
    %mul3A_7 = arith.muli %add3A_5, %mul3A_6 : i32
    %mul3A_8 = arith.constant 114688 : i32
    %mul3A_9 = arith.muli %arg1, %mul3A_8 : i32
    %add3A_10 = arith.addi %mul3A_7, %mul3A_9 : i32
    %scan3A = arith.constant 0 : i32
    %scan3A_11 = arith.constant 0 : i32
    %scan3A_12 = arith.constant 56 : i32
    %scan3A_13 = arith.addi %scan3A_11, %scan3A_12 : i32
    %scan3A_14 = arith.constant 1 : i32
    %scan3A_15 = scf.for %scan3A_429 = %scan3A_11 to %scan3A_13 step %scan3A_14 iter_args(%scan3A_430 = %scan3A) -> (i32)  : i32 {
      %mul3A_431 = arith.constant 114688 : i32
      %mul3A_432 = arith.muli %arg1, %mul3A_431 : i32
      %mul3A_433 = arith.constant 2048 : i32
      %mul3A_434 = arith.muli %scan3A_429, %mul3A_433 : i32
      %add3A_435 = arith.addi %mul3A_432, %mul3A_434 : i32
      %dma_start3A = tpu.memref_slice %arg7[%add3A_435] : memref<1837056xf32, #tpu.memory_space<vmem_shared>> -> memref<2048xf32, #tpu.memory_space<vmem_shared>>
      %dma_start3A_436 = tpu.memref_slice %arg7[%add3A_435] : memref<1837056xf32, #tpu.memory_space<vmem_shared>> -> memref<2048xf32, #tpu.memory_space<vmem_shared>>
      tpu.enqueue_dma source(%arg12 : memref<2048xf32, #tpu.memory_space<vmem>>) target(%dma_start3A_436 : memref<2048xf32, #tpu.memory_space<vmem_shared>>) target_semaphore(%arg15 : memref<!tpu.dma_semaphore, #tpu.memory_space<semaphore_mem>>)
      %scan3A_437 = arith.constant 0 : i32
      scf.yield %scan3A_437 : i32
    }
    %scan3A_16 = arith.constant 56 : i32
    %eq3A = arith.constant 0 : i32
    %eq3A_17 = arith.cmpi eq, %arg1, %eq3A : i32
    %convert_element_type3A = arith.extui %eq3A_17 : i1 to i32
    %cond3A = arith.constant 0 : i32
    %cond3A_18 = arith.cmpi ne, %convert_element_type3A, %cond3A : i32
    scf.if %cond3A_18 {
      %dma_start3A = arith.constant 1835008 : i32
      %dma_start3A_429 = tpu.memref_slice %arg7[%dma_start3A] : memref<1837056xf32, #tpu.memory_space<vmem_shared>> -> memref<2048xf32, #tpu.memory_space<vmem_shared>>
      %dma_start3A_430 = arith.constant 1835008 : i32
      %dma_start3A_431 = tpu.memref_slice %arg7[%dma_start3A_430] : memref<1837056xf32, #tpu.memory_space<vmem_shared>> -> memref<2048xf32, #tpu.memory_space<vmem_shared>>
      tpu.enqueue_dma source(%arg12 : memref<2048xf32, #tpu.memory_space<vmem>>) target(%dma_start3A_431 : memref<2048xf32, #tpu.memory_space<vmem_shared>>) target_semaphore(%arg15 : memref<!tpu.dma_semaphore, #tpu.memory_space<semaphore_mem>>)
    } else {
    }
    %scan3A_19 = arith.constant 0 : i32
    %scan3A_20 = arith.constant 0 : i32
    %scan3A_21 = arith.constant 56 : i32
    %scan3A_22 = arith.addi %scan3A_20, %scan3A_21 : i32
    %scan3A_23 = arith.constant 1 : i32
    %scan3A_24 = scf.for %scan3A_429 = %scan3A_20 to %scan3A_22 step %scan3A_23 iter_args(%scan3A_430 = %scan3A_19) -> (i32)  : i32 {
      %mul3A_431 = arith.constant 114688 : i32
      %mul3A_432 = arith.muli %arg1, %mul3A_431 : i32
      %mul3A_433 = arith.constant 2048 : i32
      %mul3A_434 = arith.muli %scan3A_429, %mul3A_433 : i32
      %add3A_435 = arith.addi %mul3A_432, %mul3A_434 : i32
      %dma_wait3A_436 = tpu.memref_slice %arg7[%add3A_435] : memref<1837056xf32, #tpu.memory_space<vmem_shared>> -> memref<2048xf32, #tpu.memory_space<vmem_shared>>
      %dma_wait3A_437 = tpu.memref_slice %arg7[%add3A_435] : memref<1837056xf32, #tpu.memory_space<vmem_shared>> -> memref<2048xf32, #tpu.memory_space<vmem_shared>>
      tpu.wait_dma2 semaphore(%arg15 : memref<!tpu.dma_semaphore, #tpu.memory_space<semaphore_mem>>) src(%arg12 : memref<2048xf32, #tpu.memory_space<vmem>>) dst(%dma_wait3A_437 : memref<2048xf32, #tpu.memory_space<vmem_shared>>)
      %scan3A_438 = arith.constant 0 : i32
      scf.yield %scan3A_438 : i32
    }
    %scan3A_25 = arith.constant 56 : i32
    %eq3A_26 = arith.constant 0 : i32
    %eq3A_27 = arith.cmpi eq, %arg1, %eq3A_26 : i32
    %convert_element_type3A_28 = arith.extui %eq3A_27 : i1 to i32
    %cond3A_29 = arith.constant 0 : i32
    %cond3A_30 = arith.cmpi ne, %convert_element_type3A_28, %cond3A_29 : i32
    scf.if %cond3A_30 {
      %dma_wait3A_429 = arith.constant 1835008 : i32
      %dma_wait3A_430 = tpu.memref_slice %arg7[%dma_wait3A_429] : memref<1837056xf32, #tpu.memory_space<vmem_shared>> -> memref<2048xf32, #tpu.memory_space<vmem_shared>>
      %dma_wait3A_431 = arith.constant 1835008 : i32
      %dma_wait3A_432 = tpu.memref_slice %arg7[%dma_wait3A_431] : memref<1837056xf32, #tpu.memory_space<vmem_shared>> -> memref<2048xf32, #tpu.memory_space<vmem_shared>>
      tpu.wait_dma2 semaphore(%arg15 : memref<!tpu.dma_semaphore, #tpu.memory_space<semaphore_mem>>) src(%arg12 : memref<2048xf32, #tpu.memory_space<vmem>>) dst(%dma_wait3A_432 : memref<2048xf32, #tpu.memory_space<vmem_shared>>)
    } else {
    }
    %barrier3A = arith.constant 0 : index
    tpu.barrier barrier_id(%barrier3A)
    %scan3A_31 = arith.constant 0 : i32
    %scan3A_32 = arith.constant 0 : i32
    %scan3A_33 = arith.constant 130 : i32
    %scan3A_34 = arith.addi %scan3A_32, %scan3A_33 : i32
    %scan3A_35 = arith.constant 1 : i32
    %scan3A_36 = scf.for %scan3A_429 = %scan3A_32 to %scan3A_34 step %scan3A_35 iter_args(%scan3A_430 = %scan3A_31) -> (i32)  : i32 {
      %broadcast_in_dim3A = arith.constant 1835008 : i32
      %broadcast_in_dim3A_431 = vector.broadcast %broadcast_in_dim3A : i32 to vector<16xi32>
      %mul3A_432 = arith.constant 16 : i32
      %mul3A_433 = arith.muli %scan3A_429, %mul3A_432 : i32
      %swap3A = arith.index_cast %mul3A_433 : i32 to index
      %swap3A_434 = tpu.vector_load %arg10[%swap3A] {strides = array<i32>} : memref<2080xi32, #tpu.memory_space<vmem>>, vector<16xi32>,
      tpu.vector_store %arg10[%swap3A], %broadcast_in_dim3A_431 {strides = array<i32>} : memref<2080xi32, #tpu.memory_space<vmem>>, vector<16xi32>,
      %scan3A_435 = arith.constant 0 : i32
      scf.yield %scan3A_435 : i32
    }
    %scan3A_37 = arith.constant 130 : i32
    %scan3A_38 = arith.constant 0 : i32
    %scan3A_39 = arith.constant 0 : i32
    %scan3A_40 = arith.constant 20 : i32
    %scan3A_41 = arith.addi %scan3A_39, %scan3A_40 : i32
    %scan3A_42 = arith.constant 1 : i32
    %scan3A_43 = scf.for %scan3A_429 = %scan3A_39 to %scan3A_41 step %scan3A_42 iter_args(%scan3A_430 = %scan3A_38) -> (i32)  : i32 {
      %mul3A_431 = arith.constant 20480 : i32
      %mul3A_432 = arith.muli %arg1, %mul3A_431 : i32
      %mul3A_433 = arith.constant 1024 : i32
      %mul3A_434 = arith.muli %scan3A_429, %mul3A_433 : i32
      %add3A_435 = arith.addi %mul3A_432, %mul3A_434 : i32
      "tpu.region"() ({
        %run_scoped3A = tpu.sem_alloc : memref<!tpu.dma_semaphore, #tpu.memory_space<semaphore_mem>>
        %dma_start3A = tpu.memref_slice %arg2[%add3A_435] : memref<327680xi32, #tpu.memory_space<hbm>> -> memref<1024xi32, #tpu.memory_space<hbm>>
        %dma_start3A_448 = tpu.memref_slice %arg2[%add3A_435] : memref<327680xi32, #tpu.memory_space<hbm>> -> memref<1024xi32, #tpu.memory_space<hbm>>
        tpu.enqueue_dma source(%dma_start3A_448 : memref<1024xi32, #tpu.memory_space<hbm>>) target(%arg8 : memref<1024xi32, #tpu.memory_space<vmem>>) target_semaphore(%run_scoped3A : memref<!tpu.dma_semaphore, #tpu.memory_space<semaphore_mem>>)
        %dma_wait3A_449 = tpu.memref_slice %arg2[%add3A_435] : memref<327680xi32, #tpu.memory_space<hbm>> -> memref<1024xi32, #tpu.memory_space<hbm>>
        %dma_wait3A_450 = tpu.memref_slice %arg2[%add3A_435] : memref<327680xi32, #tpu.memory_space<hbm>> -> memref<1024xi32, #tpu.memory_space<hbm>>
        tpu.wait_dma2 semaphore(%run_scoped3A : memref<!tpu.dma_semaphore, #tpu.memory_space<semaphore_mem>>) src(%dma_wait3A_450 : memref<1024xi32, #tpu.memory_space<hbm>>) dst(%arg8 : memref<1024xi32, #tpu.memory_space<vmem>>)
        tpu.yield
      }) : () -> ()
      "tpu.region"() ({
        %run_scoped3A = tpu.sem_alloc : memref<!tpu.dma_semaphore, #tpu.memory_space<semaphore_mem>>
        %dma_start3A = tpu.memref_slice %arg3[%add3A_435] : memref<327680xi32, #tpu.memory_space<hbm>> -> memref<1024xi32, #tpu.memory_space<hbm>>
        %dma_start3A_448 = tpu.memref_slice %arg3[%add3A_435] : memref<327680xi32, #tpu.memory_space<hbm>> -> memref<1024xi32, #tpu.memory_space<hbm>>
        tpu.enqueue_dma source(%dma_start3A_448 : memref<1024xi32, #tpu.memory_space<hbm>>) target(%arg9 : memref<1024xi32, #tpu.memory_space<vmem>>) target_semaphore(%run_scoped3A : memref<!tpu.dma_semaphore, #tpu.memory_space<semaphore_mem>>)
        %dma_wait3A_449 = tpu.memref_slice %arg3[%add3A_435] : memref<327680xi32, #tpu.memory_space<hbm>> -> memref<1024xi32, #tpu.memory_space<hbm>>
        %dma_wait3A_450 = tpu.memref_slice %arg3[%add3A_435] : memref<327680xi32, #tpu.memory_space<hbm>> -> memref<1024xi32, #tpu.memory_space<hbm>>
        tpu.wait_dma2 semaphore(%run_scoped3A : memref<!tpu.dma_semaphore, #tpu.memory_space<semaphore_mem>>) src(%dma_wait3A_450 : memref<1024xi32, #tpu.memory_space<hbm>>) dst(%arg9 : memref<1024xi32, #tpu.memory_space<vmem>>)
        tpu.yield
      }) : () -> ()
      %scan3A_436 = arith.constant 0 : i32
      %scan3A_437 = arith.constant 64 : i32
      %scan3A_438 = arith.addi %scan3A_436, %scan3A_437 : i32
      %scan3A_439 = arith.constant 1 : i32
      %scan3A_440 = scf.for %scan3A_448 = %scan3A_436 to %scan3A_438 step %scan3A_439 iter_args(%scan3A_449 = %scan3A_430) -> (i32)  : i32 {
        %mul3A_450 = arith.constant 16 : i32
        %mul3A_451 = arith.muli %scan3A_448, %mul3A_450 : i32
        %get3A = arith.index_cast %mul3A_451 : i32 to index
        %get3A_452 = tpu.vector_load %arg8[%get3A] {strides = array<i32>} : memref<1024xi32, #tpu.memory_space<vmem>>, vector<16xi32>,
        %get3A_453 = arith.index_cast %mul3A_451 : i32 to index
        %get3A_454 = tpu.vector_load %arg9[%get3A_453] {strides = array<i32>} : memref<1024xi32, #tpu.memory_space<vmem>>, vector<16xi32>,
        %sub3A = vector.broadcast %add3A_1 : i32 to vector<16xi32>
        %sub3A_455 = arith.subi %get3A_452, %sub3A : vector<16xi32>
        %ge3A_456 = arith.constant 0 : i32
        %ge3A_457 = vector.broadcast %ge3A_456 : i32 to vector<16xi32>
        %ge3A_458 = arith.cmpi sge, %sub3A_455, %ge3A_457 : vector<16xi32>
        %lt3A = arith.constant 896 : i32
        %lt3A_459 = vector.broadcast %lt3A : i32 to vector<16xi32>
        %lt3A_460 = arith.cmpi slt, %sub3A_455, %lt3A_459 : vector<16xi32>
        %and3A = arith.andi %ge3A_458, %lt3A_460 : vector<16xi1>
        %mul3A_461 = arith.constant 2048 : i32
        %mul3A_462 = vector.broadcast %mul3A_461 : i32 to vector<16xi32>
        %mul3A_463 = arith.muli %sub3A_455, %mul3A_462 : vector<16xi32>
        %add3A_464 = arith.addi %mul3A_463, %get3A_454 : vector<16xi32>
        %jit3A_465 = arith.constant 1835008 : i32
        %broadcast_in_dim3A = vector.broadcast %jit3A_465 : i32 to vector<16xi32>
        %select_n3A_466 = arith.select %and3A, %add3A_464, %broadcast_in_dim3A : vector<16xi1>, vector<16xi32>
        %sort3A = arith.constant dense<true> : vector<16xi1>
        %sort3A_467, %sort3A_468, %sort3A_469 = tpu.sort %select_n3A_466, %select_n3A_466 masked %sort3A : (vector<16xi32>, vector<16xi32>, vector<16xi1>) -> (vector<16xi1>, vector<16xi32>, vector<16xi32>)
        %swap3A = arith.index_cast %scan3A_449 : i32 to index
        %swap3A_470 = tpu.vector_load %arg10[%swap3A] {strides = array<i32>} : memref<2080xi32, #tpu.memory_space<vmem>>, vector<16xi32>,
        tpu.vector_store %arg10[%swap3A], %sort3A_468 {strides = array<i32>} : memref<2080xi32, #tpu.memory_space<vmem>>, vector<16xi32>,
        %all_reduce_population_count3A = tpu.all_reduce %and3A {dim = 0 : i64, kind = #tpu.reduction_kind<sum>} : vector<16xi1> -> vector<16xi32>
        %reduce_max3A = arith.constant true
        %reduce_max3A_471 = vector.broadcast %reduce_max3A : i1 to vector<16xi1>
        %reduce_max3A_472 = arith.constant -2147483648 : i32
        %reduce_max3A_473 = vector.broadcast %reduce_max3A_472 : i32 to vector<16xi32>
        %reduce_max3A_474 = arith.xori %all_reduce_population_count3A, %reduce_max3A_473 : vector<16xi32>
        %reduce_max3A_475 = tpu.scan <max>, %reduce_max3A_474 masked %reduce_max3A_471 : vector<16xi32>, vector<16xi1> -> vector<16xi32>
        %reduce_max3A_476 = arith.xori %reduce_max3A_475, %reduce_max3A_473 : vector<16xi32>
        %reduce_max3A_477 = vector.extract %reduce_max3A_476[15] : i32 from vector<16xi32>
        %add3A_478 = arith.addi %scan3A_449, %reduce_max3A_477 : i32
        scf.yield %add3A_478 : i32
      }
      %scan3A_441 = arith.constant 64 : i32
      %ge3A = arith.constant 1024 : i32
      %ge3A_442 = arith.cmpi sge, %scan3A_440, %ge3A : i32
      %convert_element_type3A_443 = arith.extui %ge3A_442 : i1 to i32
      %cond3A_444 = arith.constant 0 : i32
      %cond3A_445 = arith.cmpi ne, %convert_element_type3A_443, %cond3A_444 : i32
      scf.if %cond3A_445 {
        "tpu.region"() ({
          %run_scoped3A = tpu.sem_alloc : memref<!tpu.dma_semaphore, #tpu.memory_space<semaphore_mem>>
          %dma_start3A = arith.constant 0 : i32
          %dma_start3A_455 = tpu.memref_slice %arg7[%dma_start3A] : memref<1837056xf32, #tpu.memory_space<vmem_shared>> -> memref<1837056xf32, #tpu.memory_space<vmem_shared>>
          tpu.enqueue_indirect_dma source(%arg11 : memref<2080xf32, #tpu.memory_space<vmem>>) target(%dma_start3A_455 : memref<1837056xf32, #tpu.memory_space<vmem_shared>>) offsets(%arg10 : memref<2080xi32, #tpu.memory_space<vmem>>) semaphore(%run_scoped3A : memref<!tpu.dma_semaphore, #tpu.memory_space<semaphore_mem>>) {add = true}
          %dma_wait3A_456 = arith.constant 0 : i32
          %dma_wait3A_457 = tpu.memref_slice %arg7[%dma_wait3A_456] : memref<1837056xf32, #tpu.memory_space<vmem_shared>> -> memref<1837056xf32, #tpu.memory_space<vmem_shared>>
          tpu.wait_indirect_dma semaphore(%run_scoped3A : memref<!tpu.dma_semaphore, #tpu.memory_space<semaphore_mem>>) src(%arg11 : memref<2080xf32, #tpu.memory_space<vmem>>) dst(%dma_wait3A_457 : memref<1837056xf32, #tpu.memory_space<vmem_shared>>)
          tpu.yield
        }) : () -> ()
        %scan3A_448 = arith.constant 0 : i32
        %scan3A_449 = arith.constant 0 : i32
        %scan3A_450 = arith.constant 130 : i32
        %scan3A_451 = arith.addi %scan3A_449, %scan3A_450 : i32
        %scan3A_452 = arith.constant 1 : i32
        %scan3A_453 = scf.for %scan3A_455 = %scan3A_449 to %scan3A_451 step %scan3A_452 iter_args(%scan3A_456 = %scan3A_448) -> (i32)  : i32 {
          %broadcast_in_dim3A = arith.constant 1835008 : i32
          %broadcast_in_dim3A_457 = vector.broadcast %broadcast_in_dim3A : i32 to vector<16xi32>
          %mul3A_458 = arith.constant 16 : i32
          %mul3A_459 = arith.muli %scan3A_455, %mul3A_458 : i32
          %swap3A = arith.index_cast %mul3A_459 : i32 to index
          %swap3A_460 = tpu.vector_load %arg10[%swap3A] {strides = array<i32>} : memref<2080xi32, #tpu.memory_space<vmem>>, vector<16xi32>,
          tpu.vector_store %arg10[%swap3A], %broadcast_in_dim3A_457 {strides = array<i32>} : memref<2080xi32, #tpu.memory_space<vmem>>, vector<16xi32>,
          %scan3A_461 = arith.constant 0 : i32
          scf.yield %scan3A_461 : i32
        }
        %scan3A_454 = arith.constant 130 : i32
      } else {
      }
      %ge3A_446 = arith.constant 1024 : i32
      %ge3A_447 = arith.cmpi sge, %scan3A_440, %ge3A_446 : i32
      %jit3A = arith.constant 0 : i32
      %select_n3A = arith.select %ge3A_447, %jit3A, %scan3A_440 : i32
      scf.yield %select_n3A : i32
    }
    %scan3A_44 = arith.constant 20 : i32
    %gt3A = arith.constant 0 : i32
    %gt3A_45 = arith.cmpi sgt, %scan3A_43, %gt3A : i32
    %convert_element_type3A_46 = arith.extui %gt3A_45 : i1 to i32
    %cond3A_47 = arith.constant 0 : i32
    %cond3A_48 = arith.cmpi ne, %convert_element_type3A_46, %cond3A_47 : i32
    scf.if %cond3A_48 {
      "tpu.region"() ({
        %run_scoped3A = tpu.sem_alloc : memref<!tpu.dma_semaphore, #tpu.memory_space<semaphore_mem>>
        %dma_start3A = arith.constant 0 : i32
        %dma_start3A_429 = tpu.memref_slice %arg7[%dma_start3A] : memref<1837056xf32, #tpu.memory_space<vmem_shared>> -> memref<1837056xf32, #tpu.memory_space<vmem_shared>>
        tpu.enqueue_indirect_dma source(%arg11 : memref<2080xf32, #tpu.memory_space<vmem>>) target(%dma_start3A_429 : memref<1837056xf32, #tpu.memory_space<vmem_shared>>) offsets(%arg10 : memref<2080xi32, #tpu.memory_space<vmem>>) semaphore(%run_scoped3A : memref<!tpu.dma_semaphore, #tpu.memory_space<semaphore_mem>>) {add = true}
        %dma_wait3A_430 = arith.constant 0 : i32
        %dma_wait3A_431 = tpu.memref_slice %arg7[%dma_wait3A_430] : memref<1837056xf32, #tpu.memory_space<vmem_shared>> -> memref<1837056xf32, #tpu.memory_space<vmem_shared>>
        tpu.wait_indirect_dma semaphore(%run_scoped3A : memref<!tpu.dma_semaphore, #tpu.memory_space<semaphore_mem>>) src(%arg11 : memref<2080xf32, #tpu.memory_space<vmem>>) dst(%dma_wait3A_431 : memref<1837056xf32, #tpu.memory_space<vmem_shared>>)
        tpu.yield
      }) : () -> ()
    } else {
    }
    %barrier3A_49 = arith.constant 0 : index
    tpu.barrier barrier_id(%barrier3A_49)
    %scan3A_50 = arith.constant 0 : i32
    %scan3A_51 = arith.constant 0 : i32
    %scan3A_52 = arith.constant 28 : i32
    %scan3A_53 = arith.addi %scan3A_51, %scan3A_52 : i32
    %scan3A_54 = arith.constant 1 : i32
    %scan3A_55 = scf.for %scan3A_429 = %scan3A_51 to %scan3A_53 step %scan3A_54 iter_args(%scan3A_430 = %scan3A_50) -> (i32)  : i32 {
      %gt3A_431 = arith.constant 0 : i32
      %gt3A_432 = arith.cmpi sgt, %scan3A_429, %gt3A_431 : i32
      %convert_element_type3A_433 = arith.extui %gt3A_432 : i1 to i32
      %cond3A_434 = arith.constant 0 : i32
      %cond3A_435 = arith.cmpi ne, %convert_element_type3A_433, %cond3A_434 : i32
      scf.if %cond3A_435 {
        %mul3A_468 = arith.constant 2 : i32
        %mul3A_469 = arith.muli %mul3A_468, %scan3A_429 : i32
        %sub3A = arith.constant 2 : i32
        %sub3A_470 = arith.subi %mul3A_469, %sub3A : i32
        %mul3A_471 = arith.constant 2048 : i32
        %mul3A_472 = arith.muli %sub3A_470, %mul3A_471 : i32
        %add3A_473 = arith.addi %add3A_10, %mul3A_472 : i32
        %dma_wait3A_474 = tpu.memref_slice %arg6[%add3A_473] : memref<22020096xf32, #tpu.memory_space<hbm>> -> memref<2048xf32, #tpu.memory_space<hbm>>
        %dma_wait3A_475 = tpu.memref_slice %arg6[%add3A_473] : memref<22020096xf32, #tpu.memory_space<hbm>> -> memref<2048xf32, #tpu.memory_space<hbm>>
        tpu.wait_dma2 semaphore(%arg16 : memref<!tpu.dma_semaphore, #tpu.memory_space<semaphore_mem>>) src(%arg13 : memref<2048xf32, #tpu.memory_space<vmem>>) dst(%dma_wait3A_475 : memref<2048xf32, #tpu.memory_space<hbm>>)
        %mul3A_476 = arith.constant 2 : i32
        %mul3A_477 = arith.muli %mul3A_476, %scan3A_429 : i32
        %sub3A_478 = arith.constant 1 : i32
        %sub3A_479 = arith.subi %mul3A_477, %sub3A_478 : i32
        %mul3A_480 = arith.constant 2048 : i32
        %mul3A_481 = arith.muli %sub3A_479, %mul3A_480 : i32
        %add3A_482 = arith.addi %add3A_10, %mul3A_481 : i32
        %dma_wait3A_483 = tpu.memref_slice %arg6[%add3A_482] : memref<22020096xf32, #tpu.memory_space<hbm>> -> memref<2048xf32, #tpu.memory_space<hbm>>
        %dma_wait3A_484 = tpu.memref_slice %arg6[%add3A_482] : memref<22020096xf32, #tpu.memory_space<hbm>> -> memref<2048xf32, #tpu.memory_space<hbm>>
        tpu.wait_dma2 semaphore(%arg16 : memref<!tpu.dma_semaphore, #tpu.memory_space<semaphore_mem>>) src(%arg14 : memref<2048xf32, #tpu.memory_space<vmem>>) dst(%dma_wait3A_484 : memref<2048xf32, #tpu.memory_space<hbm>>)
      } else {
      }
      %mul3A_436 = arith.constant 2 : i32
      %mul3A_437 = arith.muli %mul3A_436, %scan3A_429 : i32
      %mul3A_438 = arith.constant 114688 : i32
      %mul3A_439 = arith.muli %arg1, %mul3A_438 : i32
      %mul3A_440 = arith.constant 2048 : i32
      %mul3A_441 = arith.muli %mul3A_437, %mul3A_440 : i32
      %add3A_442 = arith.addi %mul3A_439, %mul3A_441 : i32
      "tpu.region"() ({
        %run_scoped3A = tpu.sem_alloc : memref<!tpu.dma_semaphore, #tpu.memory_space<semaphore_mem>>
        %dma_start3A_468 = tpu.memref_slice %arg7[%add3A_442] : memref<1837056xf32, #tpu.memory_space<vmem_shared>> -> memref<2048xf32, #tpu.memory_space<vmem_shared>>
        %dma_start3A_469 = tpu.memref_slice %arg7[%add3A_442] : memref<1837056xf32, #tpu.memory_space<vmem_shared>> -> memref<2048xf32, #tpu.memory_space<vmem_shared>>
        tpu.enqueue_dma source(%dma_start3A_469 : memref<2048xf32, #tpu.memory_space<vmem_shared>>) target(%arg13 : memref<2048xf32, #tpu.memory_space<vmem>>) target_semaphore(%run_scoped3A : memref<!tpu.dma_semaphore, #tpu.memory_space<semaphore_mem>>)
        %dma_wait3A_470 = tpu.memref_slice %arg7[%add3A_442] : memref<1837056xf32, #tpu.memory_space<vmem_shared>> -> memref<2048xf32, #tpu.memory_space<vmem_shared>>
        %dma_wait3A_471 = tpu.memref_slice %arg7[%add3A_442] : memref<1837056xf32, #tpu.memory_space<vmem_shared>> -> memref<2048xf32, #tpu.memory_space<vmem_shared>>
        tpu.wait_dma2 semaphore(%run_scoped3A : memref<!tpu.dma_semaphore, #tpu.memory_space<semaphore_mem>>) src(%dma_wait3A_471 : memref<2048xf32, #tpu.memory_space<vmem_shared>>) dst(%arg13 : memref<2048xf32, #tpu.memory_space<vmem>>)
        tpu.yield
      }) : () -> ()
      %mul3A_443 = arith.constant 2 : i32
      %mul3A_444 = arith.muli %mul3A_443, %scan3A_429 : i32
      %mul3A_445 = arith.constant 2048 : i32
      %mul3A_446 = arith.muli %mul3A_444, %mul3A_445 : i32
      %add3A_447 = arith.addi %add3A_10, %mul3A_446 : i32
      %dma_start3A = tpu.memref_slice %arg6[%add3A_447] : memref<22020096xf32, #tpu.memory_space<hbm>> -> memref<2048xf32, #tpu.memory_space<hbm>>
      %dma_start3A_448 = tpu.memref_slice %arg6[%add3A_447] : memref<22020096xf32, #tpu.memory_space<hbm>> -> memref<2048xf32, #tpu.memory_space<hbm>>
      tpu.enqueue_dma source(%arg13 : memref<2048xf32, #tpu.memory_space<vmem>>) target(%dma_start3A_448 : memref<2048xf32, #tpu.memory_space<hbm>>) target_semaphore(%arg16 : memref<!tpu.dma_semaphore, #tpu.memory_space<semaphore_mem>>)
      %mul3A_449 = arith.constant 2 : i32
      %mul3A_450 = arith.muli %mul3A_449, %scan3A_429 : i32
      %add3A_451 = arith.constant 1 : i32
      %add3A_452 = arith.addi %mul3A_450, %add3A_451 : i32
      %mul3A_453 = arith.constant 114688 : i32
      %mul3A_454 = arith.muli %arg1, %mul3A_453 : i32
      %mul3A_455 = arith.constant 2048 : i32
      %mul3A_456 = arith.muli %add3A_452, %mul3A_455 : i32
      %add3A_457 = arith.addi %mul3A_454, %mul3A_456 : i32
      "tpu.region"() ({
        %run_scoped3A = tpu.sem_alloc : memref<!tpu.dma_semaphore, #tpu.memory_space<semaphore_mem>>
        %dma_start3A_468 = tpu.memref_slice %arg7[%add3A_457] : memref<1837056xf32, #tpu.memory_space<vmem_shared>> -> memref<2048xf32, #tpu.memory_space<vmem_shared>>
        %dma_start3A_469 = tpu.memref_slice %arg7[%add3A_457] : memref<1837056xf32, #tpu.memory_space<vmem_shared>> -> memref<2048xf32, #tpu.memory_space<vmem_shared>>
        tpu.enqueue_dma source(%dma_start3A_469 : memref<2048xf32, #tpu.memory_space<vmem_shared>>) target(%arg14 : memref<2048xf32, #tpu.memory_space<vmem>>) target_semaphore(%run_scoped3A : memref<!tpu.dma_semaphore, #tpu.memory_space<semaphore_mem>>)
        %dma_wait3A_470 = tpu.memref_slice %arg7[%add3A_457] : memref<1837056xf32, #tpu.memory_space<vmem_shared>> -> memref<2048xf32, #tpu.memory_space<vmem_shared>>
        %dma_wait3A_471 = tpu.memref_slice %arg7[%add3A_457] : memref<1837056xf32, #tpu.memory_space<vmem_shared>> -> memref<2048xf32, #tpu.memory_space<vmem_shared>>
        tpu.wait_dma2 semaphore(%run_scoped3A : memref<!tpu.dma_semaphore, #tpu.memory_space<semaphore_mem>>) src(%dma_wait3A_471 : memref<2048xf32, #tpu.memory_space<vmem_shared>>) dst(%arg14 : memref<2048xf32, #tpu.memory_space<vmem>>)
        tpu.yield
      }) : () -> ()
      %mul3A_458 = arith.constant 2 : i32
      %mul3A_459 = arith.muli %mul3A_458, %scan3A_429 : i32
      %add3A_460 = arith.constant 1 : i32
      %add3A_461 = arith.addi %mul3A_459, %add3A_460 : i32
      %mul3A_462 = arith.constant 2048 : i32
      %mul3A_463 = arith.muli %add3A_461, %mul3A_462 : i32
      %add3A_464 = arith.addi %add3A_10, %mul3A_463 : i32
      %dma_start3A_465 = tpu.memref_slice %arg6[%add3A_464] : memref<22020096xf32, #tpu.memory_space<hbm>> -> memref<2048xf32, #tpu.memory_space<hbm>>
      %dma_start3A_466 = tpu.memref_slice %arg6[%add3A_464] : memref<22020096xf32, #tpu.memory_space<hbm>> -> memref<2048xf32, #tpu.memory_space<hbm>>
      tpu.enqueue_dma source(%arg14 : memref<2048xf32, #tpu.memory_space<vmem>>) target(%dma_start3A_466 : memref<2048xf32, #tpu.memory_space<hbm>>) target_semaphore(%arg16 : memref<!tpu.dma_semaphore, #tpu.memory_space<semaphore_mem>>)
      %scan3A_467 = arith.constant 0 : i32
      scf.yield %scan3A_467 : i32
    }
    %scan3A_56 = arith.constant 28 : i32
    %add3A_57 = arith.constant 110592 : i32
    %add3A_58 = arith.addi %add3A_10, %add3A_57 : i32
    %dma_wait3A = tpu.memref_slice %arg6[%add3A_58] : memref<22020096xf32, #tpu.memory_space<hbm>> -> memref<2048xf32, #tpu.memory_space<hbm>>
    %dma_wait3A_59 = tpu.memref_slice %arg6[%add3A_58] : memref<22020096xf32, #tpu.memory_space<hbm>> -> memref<2048xf32, #tpu.memory_space<hbm>>
    tpu.wait_dma2 semaphore(%arg16 : memref<!tpu.dma_semaphore, #tpu.memory_space<semaphore_mem>>) src(%arg13 : memref<2048xf32, #tpu.memory_space<vmem>>) dst(%dma_wait3A_59 : memref<2048xf32, #tpu.memory_space<hbm>>)
    %add3A_60 = arith.constant 112640 : i32
    %add3A_61 = arith.addi %add3A_10, %add3A_60 : i32
    %dma_wait3A_62 = tpu.memref_slice %arg6[%add3A_61] : memref<22020096xf32, #tpu.memory_space<hbm>> -> memref<2048xf32, #tpu.memory_space<hbm>>
    %dma_wait3A_63 = tpu.memref_slice %arg6[%add3A_61] : memref<22020096xf32, #tpu.memory_space<hbm>> -> memref<2048xf32, #tpu.memory_space<hbm>>
    tpu.wait_dma2 semaphore(%arg16 : memref<!tpu.dma_semaphore, #tpu.memory_space<semaphore_mem>>) src(%arg14 : memref<2048xf32, #tpu.memory_space<vmem>>) dst(%dma_wait3A_63 : memref<2048xf32, #tpu.memory_space<hbm>>)
    %mul3A_64 = arith.constant 896 : i32
    %mul3A_65 = arith.muli %arg0, %mul3A_64 : i32
    %add3A_66 = arith.constant 1792 : i32
    %add3A_67 = arith.addi %add3A_66, %mul3A_65 : i32
    %mul3A_68 = arith.constant 896 : i32
    %mul3A_69 = arith.muli %arg0, %mul3A_68 : i32
    %add3A_70 = arith.constant 1792 : i32
    %add3A_71 = arith.addi %add3A_70, %mul3A_69 : i32
    %mul3A_72 = arith.constant 2048 : i32
    %mul3A_73 = arith.muli %add3A_71, %mul3A_72 : i32
    %mul3A_74 = arith.constant 114688 : i32
    %mul3A_75 = arith.muli %arg1, %mul3A_74 : i32
    %add3A_76 = arith.addi %mul3A_73, %mul3A_75 : i32
    %scan3A_77 = arith.constant 0 : i32
    %scan3A_78 = arith.constant 0 : i32
    %scan3A_79 = arith.constant 56 : i32
    %scan3A_80 = arith.addi %scan3A_78, %scan3A_79 : i32
    %scan3A_81 = arith.constant 1 : i32
    %scan3A_82 = scf.for %scan3A_429 = %scan3A_78 to %scan3A_80 step %scan3A_81 iter_args(%scan3A_430 = %scan3A_77) -> (i32)  : i32 {
      %mul3A_431 = arith.constant 114688 : i32
      %mul3A_432 = arith.muli %arg1, %mul3A_431 : i32
      %mul3A_433 = arith.constant 2048 : i32
      %mul3A_434 = arith.muli %scan3A_429, %mul3A_433 : i32
      %add3A_435 = arith.addi %mul3A_432, %mul3A_434 : i32
      %dma_start3A = tpu.memref_slice %arg7[%add3A_435] : memref<1837056xf32, #tpu.memory_space<vmem_shared>> -> memref<2048xf32, #tpu.memory_space<vmem_shared>>
      %dma_start3A_436 = tpu.memref_slice %arg7[%add3A_435] : memref<1837056xf32, #tpu.memory_space<vmem_shared>> -> memref<2048xf32, #tpu.memory_space<vmem_shared>>
      tpu.enqueue_dma source(%arg12 : memref<2048xf32, #tpu.memory_space<vmem>>) target(%dma_start3A_436 : memref<2048xf32, #tpu.memory_space<vmem_shared>>) target_semaphore(%arg15 : memref<!tpu.dma_semaphore, #tpu.memory_space<semaphore_mem>>)
      %scan3A_437 = arith.constant 0 : i32
      scf.yield %scan3A_437 : i32
    }
    %scan3A_83 = arith.constant 56 : i32
    %eq3A_84 = arith.constant 0 : i32
    %eq3A_85 = arith.cmpi eq, %arg1, %eq3A_84 : i32
    %convert_element_type3A_86 = arith.extui %eq3A_85 : i1 to i32
    %cond3A_87 = arith.constant 0 : i32
    %cond3A_88 = arith.cmpi ne, %convert_element_type3A_86, %cond3A_87 : i32
    scf.if %cond3A_88 {
      %dma_start3A = arith.constant 1835008 : i32
      %dma_start3A_429 = tpu.memref_slice %arg7[%dma_start3A] : memref<1837056xf32, #tpu.memory_space<vmem_shared>> -> memref<2048xf32, #tpu.memory_space<vmem_shared>>
      %dma_start3A_430 = arith.constant 1835008 : i32
      %dma_start3A_431 = tpu.memref_slice %arg7[%dma_start3A_430] : memref<1837056xf32, #tpu.memory_space<vmem_shared>> -> memref<2048xf32, #tpu.memory_space<vmem_shared>>
      tpu.enqueue_dma source(%arg12 : memref<2048xf32, #tpu.memory_space<vmem>>) target(%dma_start3A_431 : memref<2048xf32, #tpu.memory_space<vmem_shared>>) target_semaphore(%arg15 : memref<!tpu.dma_semaphore, #tpu.memory_space<semaphore_mem>>)
    } else {
    }
    %scan3A_89 = arith.constant 0 : i32
    %scan3A_90 = arith.constant 0 : i32
    %scan3A_91 = arith.constant 56 : i32
    %scan3A_92 = arith.addi %scan3A_90, %scan3A_91 : i32
    %scan3A_93 = arith.constant 1 : i32
    %scan3A_94 = scf.for %scan3A_429 = %scan3A_90 to %scan3A_92 step %scan3A_93 iter_args(%scan3A_430 = %scan3A_89) -> (i32)  : i32 {
      %mul3A_431 = arith.constant 114688 : i32
      %mul3A_432 = arith.muli %arg1, %mul3A_431 : i32
      %mul3A_433 = arith.constant 2048 : i32
      %mul3A_434 = arith.muli %scan3A_429, %mul3A_433 : i32
      %add3A_435 = arith.addi %mul3A_432, %mul3A_434 : i32
      %dma_wait3A_436 = tpu.memref_slice %arg7[%add3A_435] : memref<1837056xf32, #tpu.memory_space<vmem_shared>> -> memref<2048xf32, #tpu.memory_space<vmem_shared>>
      %dma_wait3A_437 = tpu.memref_slice %arg7[%add3A_435] : memref<1837056xf32, #tpu.memory_space<vmem_shared>> -> memref<2048xf32, #tpu.memory_space<vmem_shared>>
      tpu.wait_dma2 semaphore(%arg15 : memref<!tpu.dma_semaphore, #tpu.memory_space<semaphore_mem>>) src(%arg12 : memref<2048xf32, #tpu.memory_space<vmem>>) dst(%dma_wait3A_437 : memref<2048xf32, #tpu.memory_space<vmem_shared>>)
      %scan3A_438 = arith.constant 0 : i32
      scf.yield %scan3A_438 : i32
    }
    %scan3A_95 = arith.constant 56 : i32
    %eq3A_96 = arith.constant 0 : i32
    %eq3A_97 = arith.cmpi eq, %arg1, %eq3A_96 : i32
    %convert_element_type3A_98 = arith.extui %eq3A_97 : i1 to i32
    %cond3A_99 = arith.constant 0 : i32
    %cond3A_100 = arith.cmpi ne, %convert_element_type3A_98, %cond3A_99 : i32
    scf.if %cond3A_100 {
      %dma_wait3A_429 = arith.constant 1835008 : i32
      %dma_wait3A_430 = tpu.memref_slice %arg7[%dma_wait3A_429] : memref<1837056xf32, #tpu.memory_space<vmem_shared>> -> memref<2048xf32, #tpu.memory_space<vmem_shared>>
      %dma_wait3A_431 = arith.constant 1835008 : i32
      %dma_wait3A_432 = tpu.memref_slice %arg7[%dma_wait3A_431] : memref<1837056xf32, #tpu.memory_space<vmem_shared>> -> memref<2048xf32, #tpu.memory_space<vmem_shared>>
      tpu.wait_dma2 semaphore(%arg15 : memref<!tpu.dma_semaphore, #tpu.memory_space<semaphore_mem>>) src(%arg12 : memref<2048xf32, #tpu.memory_space<vmem>>) dst(%dma_wait3A_432 : memref<2048xf32, #tpu.memory_space<vmem_shared>>)
    } else {
    }
    %barrier3A_101 = arith.constant 0 : index
    tpu.barrier barrier_id(%barrier3A_101)
    %scan3A_102 = arith.constant 0 : i32
    %scan3A_103 = arith.constant 0 : i32
    %scan3A_104 = arith.constant 130 : i32
    %scan3A_105 = arith.addi %scan3A_103, %scan3A_104 : i32
    %scan3A_106 = arith.constant 1 : i32
    %scan3A_107 = scf.for %scan3A_429 = %scan3A_103 to %scan3A_105 step %scan3A_106 iter_args(%scan3A_430 = %scan3A_102) -> (i32)  : i32 {
      %broadcast_in_dim3A = arith.constant 1835008 : i32
      %broadcast_in_dim3A_431 = vector.broadcast %broadcast_in_dim3A : i32 to vector<16xi32>
      %mul3A_432 = arith.constant 16 : i32
      %mul3A_433 = arith.muli %scan3A_429, %mul3A_432 : i32
      %swap3A = arith.index_cast %mul3A_433 : i32 to index
      %swap3A_434 = tpu.vector_load %arg10[%swap3A] {strides = array<i32>} : memref<2080xi32, #tpu.memory_space<vmem>>, vector<16xi32>,
      tpu.vector_store %arg10[%swap3A], %broadcast_in_dim3A_431 {strides = array<i32>} : memref<2080xi32, #tpu.memory_space<vmem>>, vector<16xi32>,
      %scan3A_435 = arith.constant 0 : i32
      scf.yield %scan3A_435 : i32
    }
    %scan3A_108 = arith.constant 130 : i32
    %scan3A_109 = arith.constant 0 : i32
    %scan3A_110 = arith.constant 0 : i32
    %scan3A_111 = arith.constant 20 : i32
    %scan3A_112 = arith.addi %scan3A_110, %scan3A_111 : i32
    %scan3A_113 = arith.constant 1 : i32
    %scan3A_114 = scf.for %scan3A_429 = %scan3A_110 to %scan3A_112 step %scan3A_113 iter_args(%scan3A_430 = %scan3A_109) -> (i32)  : i32 {
      %mul3A_431 = arith.constant 20480 : i32
      %mul3A_432 = arith.muli %arg1, %mul3A_431 : i32
      %mul3A_433 = arith.constant 1024 : i32
      %mul3A_434 = arith.muli %scan3A_429, %mul3A_433 : i32
      %add3A_435 = arith.addi %mul3A_432, %mul3A_434 : i32
      "tpu.region"() ({
        %run_scoped3A = tpu.sem_alloc : memref<!tpu.dma_semaphore, #tpu.memory_space<semaphore_mem>>
        %dma_start3A = tpu.memref_slice %arg2[%add3A_435] : memref<327680xi32, #tpu.memory_space<hbm>> -> memref<1024xi32, #tpu.memory_space<hbm>>
        %dma_start3A_448 = tpu.memref_slice %arg2[%add3A_435] : memref<327680xi32, #tpu.memory_space<hbm>> -> memref<1024xi32, #tpu.memory_space<hbm>>
        tpu.enqueue_dma source(%dma_start3A_448 : memref<1024xi32, #tpu.memory_space<hbm>>) target(%arg8 : memref<1024xi32, #tpu.memory_space<vmem>>) target_semaphore(%run_scoped3A : memref<!tpu.dma_semaphore, #tpu.memory_space<semaphore_mem>>)
        %dma_wait3A_449 = tpu.memref_slice %arg2[%add3A_435] : memref<327680xi32, #tpu.memory_space<hbm>> -> memref<1024xi32, #tpu.memory_space<hbm>>
        %dma_wait3A_450 = tpu.memref_slice %arg2[%add3A_435] : memref<327680xi32, #tpu.memory_space<hbm>> -> memref<1024xi32, #tpu.memory_space<hbm>>
        tpu.wait_dma2 semaphore(%run_scoped3A : memref<!tpu.dma_semaphore, #tpu.memory_space<semaphore_mem>>) src(%dma_wait3A_450 : memref<1024xi32, #tpu.memory_space<hbm>>) dst(%arg8 : memref<1024xi32, #tpu.memory_space<vmem>>)
        tpu.yield
      }) : () -> ()
      "tpu.region"() ({
        %run_scoped3A = tpu.sem_alloc : memref<!tpu.dma_semaphore, #tpu.memory_space<semaphore_mem>>
        %dma_start3A = tpu.memref_slice %arg3[%add3A_435] : memref<327680xi32, #tpu.memory_space<hbm>> -> memref<1024xi32, #tpu.memory_space<hbm>>
        %dma_start3A_448 = tpu.memref_slice %arg3[%add3A_435] : memref<327680xi32, #tpu.memory_space<hbm>> -> memref<1024xi32, #tpu.memory_space<hbm>>
        tpu.enqueue_dma source(%dma_start3A_448 : memref<1024xi32, #tpu.memory_space<hbm>>) target(%arg9 : memref<1024xi32, #tpu.memory_space<vmem>>) target_semaphore(%run_scoped3A : memref<!tpu.dma_semaphore, #tpu.memory_space<semaphore_mem>>)
        %dma_wait3A_449 = tpu.memref_slice %arg3[%add3A_435] : memref<327680xi32, #tpu.memory_space<hbm>> -> memref<1024xi32, #tpu.memory_space<hbm>>
        %dma_wait3A_450 = tpu.memref_slice %arg3[%add3A_435] : memref<327680xi32, #tpu.memory_space<hbm>> -> memref<1024xi32, #tpu.memory_space<hbm>>
        tpu.wait_dma2 semaphore(%run_scoped3A : memref<!tpu.dma_semaphore, #tpu.memory_space<semaphore_mem>>) src(%dma_wait3A_450 : memref<1024xi32, #tpu.memory_space<hbm>>) dst(%arg9 : memref<1024xi32, #tpu.memory_space<vmem>>)
        tpu.yield
      }) : () -> ()
      %scan3A_436 = arith.constant 0 : i32
      %scan3A_437 = arith.constant 64 : i32
      %scan3A_438 = arith.addi %scan3A_436, %scan3A_437 : i32
      %scan3A_439 = arith.constant 1 : i32
      %scan3A_440 = scf.for %scan3A_448 = %scan3A_436 to %scan3A_438 step %scan3A_439 iter_args(%scan3A_449 = %scan3A_430) -> (i32)  : i32 {
        %mul3A_450 = arith.constant 16 : i32
        %mul3A_451 = arith.muli %scan3A_448, %mul3A_450 : i32
        %get3A = arith.index_cast %mul3A_451 : i32 to index
        %get3A_452 = tpu.vector_load %arg8[%get3A] {strides = array<i32>} : memref<1024xi32, #tpu.memory_space<vmem>>, vector<16xi32>,
        %get3A_453 = arith.index_cast %mul3A_451 : i32 to index
        %get3A_454 = tpu.vector_load %arg9[%get3A_453] {strides = array<i32>} : memref<1024xi32, #tpu.memory_space<vmem>>, vector<16xi32>,
        %sub3A = vector.broadcast %add3A_67 : i32 to vector<16xi32>
        %sub3A_455 = arith.subi %get3A_452, %sub3A : vector<16xi32>
        %ge3A_456 = arith.constant 0 : i32
        %ge3A_457 = vector.broadcast %ge3A_456 : i32 to vector<16xi32>
        %ge3A_458 = arith.cmpi sge, %sub3A_455, %ge3A_457 : vector<16xi32>
        %lt3A = arith.constant 896 : i32
        %lt3A_459 = vector.broadcast %lt3A : i32 to vector<16xi32>
        %lt3A_460 = arith.cmpi slt, %sub3A_455, %lt3A_459 : vector<16xi32>
        %and3A = arith.andi %ge3A_458, %lt3A_460 : vector<16xi1>
        %mul3A_461 = arith.constant 2048 : i32
        %mul3A_462 = vector.broadcast %mul3A_461 : i32 to vector<16xi32>
        %mul3A_463 = arith.muli %sub3A_455, %mul3A_462 : vector<16xi32>
        %add3A_464 = arith.addi %mul3A_463, %get3A_454 : vector<16xi32>
        %jit3A_465 = arith.constant 1835008 : i32
        %broadcast_in_dim3A = vector.broadcast %jit3A_465 : i32 to vector<16xi32>
        %select_n3A_466 = arith.select %and3A, %add3A_464, %broadcast_in_dim3A : vector<16xi1>, vector<16xi32>
        %sort3A = arith.constant dense<true> : vector<16xi1>
        %sort3A_467, %sort3A_468, %sort3A_469 = tpu.sort %select_n3A_466, %select_n3A_466 masked %sort3A : (vector<16xi32>, vector<16xi32>, vector<16xi1>) -> (vector<16xi1>, vector<16xi32>, vector<16xi32>)
        %swap3A = arith.index_cast %scan3A_449 : i32 to index
        %swap3A_470 = tpu.vector_load %arg10[%swap3A] {strides = array<i32>} : memref<2080xi32, #tpu.memory_space<vmem>>, vector<16xi32>,
        tpu.vector_store %arg10[%swap3A], %sort3A_468 {strides = array<i32>} : memref<2080xi32, #tpu.memory_space<vmem>>, vector<16xi32>,
        %all_reduce_population_count3A = tpu.all_reduce %and3A {dim = 0 : i64, kind = #tpu.reduction_kind<sum>} : vector<16xi1> -> vector<16xi32>
        %reduce_max3A = arith.constant true
        %reduce_max3A_471 = vector.broadcast %reduce_max3A : i1 to vector<16xi1>
        %reduce_max3A_472 = arith.constant -2147483648 : i32
        %reduce_max3A_473 = vector.broadcast %reduce_max3A_472 : i32 to vector<16xi32>
        %reduce_max3A_474 = arith.xori %all_reduce_population_count3A, %reduce_max3A_473 : vector<16xi32>
        %reduce_max3A_475 = tpu.scan <max>, %reduce_max3A_474 masked %reduce_max3A_471 : vector<16xi32>, vector<16xi1> -> vector<16xi32>
        %reduce_max3A_476 = arith.xori %reduce_max3A_475, %reduce_max3A_473 : vector<16xi32>
        %reduce_max3A_477 = vector.extract %reduce_max3A_476[15] : i32 from vector<16xi32>
        %add3A_478 = arith.addi %scan3A_449, %reduce_max3A_477 : i32
        scf.yield %add3A_478 : i32
      }
      %scan3A_441 = arith.constant 64 : i32
      %ge3A = arith.constant 1024 : i32
      %ge3A_442 = arith.cmpi sge, %scan3A_440, %ge3A : i32
      %convert_element_type3A_443 = arith.extui %ge3A_442 : i1 to i32
      %cond3A_444 = arith.constant 0 : i32
      %cond3A_445 = arith.cmpi ne, %convert_element_type3A_443, %cond3A_444 : i32
      scf.if %cond3A_445 {
        "tpu.region"() ({
          %run_scoped3A = tpu.sem_alloc : memref<!tpu.dma_semaphore, #tpu.memory_space<semaphore_mem>>
          %dma_start3A = arith.constant 0 : i32
          %dma_start3A_455 = tpu.memref_slice %arg7[%dma_start3A] : memref<1837056xf32, #tpu.memory_space<vmem_shared>> -> memref<1837056xf32, #tpu.memory_space<vmem_shared>>
          tpu.enqueue_indirect_dma source(%arg11 : memref<2080xf32, #tpu.memory_space<vmem>>) target(%dma_start3A_455 : memref<1837056xf32, #tpu.memory_space<vmem_shared>>) offsets(%arg10 : memref<2080xi32, #tpu.memory_space<vmem>>) semaphore(%run_scoped3A : memref<!tpu.dma_semaphore, #tpu.memory_space<semaphore_mem>>) {add = true}
          %dma_wait3A_456 = arith.constant 0 : i32
          %dma_wait3A_457 = tpu.memref_slice %arg7[%dma_wait3A_456] : memref<1837056xf32, #tpu.memory_space<vmem_shared>> -> memref<1837056xf32, #tpu.memory_space<vmem_shared>>
          tpu.wait_indirect_dma semaphore(%run_scoped3A : memref<!tpu.dma_semaphore, #tpu.memory_space<semaphore_mem>>) src(%arg11 : memref<2080xf32, #tpu.memory_space<vmem>>) dst(%dma_wait3A_457 : memref<1837056xf32, #tpu.memory_space<vmem_shared>>)
          tpu.yield
        }) : () -> ()
        %scan3A_448 = arith.constant 0 : i32
        %scan3A_449 = arith.constant 0 : i32
        %scan3A_450 = arith.constant 130 : i32
        %scan3A_451 = arith.addi %scan3A_449, %scan3A_450 : i32
        %scan3A_452 = arith.constant 1 : i32
        %scan3A_453 = scf.for %scan3A_455 = %scan3A_449 to %scan3A_451 step %scan3A_452 iter_args(%scan3A_456 = %scan3A_448) -> (i32)  : i32 {
          %broadcast_in_dim3A = arith.constant 1835008 : i32
          %broadcast_in_dim3A_457 = vector.broadcast %broadcast_in_dim3A : i32 to vector<16xi32>
          %mul3A_458 = arith.constant 16 : i32
          %mul3A_459 = arith.muli %scan3A_455, %mul3A_458 : i32
          %swap3A = arith.index_cast %mul3A_459 : i32 to index
          %swap3A_460 = tpu.vector_load %arg10[%swap3A] {strides = array<i32>} : memref<2080xi32, #tpu.memory_space<vmem>>, vector<16xi32>,
          tpu.vector_store %arg10[%swap3A], %broadcast_in_dim3A_457 {strides = array<i32>} : memref<2080xi32, #tpu.memory_space<vmem>>, vector<16xi32>,
          %scan3A_461 = arith.constant 0 : i32
          scf.yield %scan3A_461 : i32
        }
        %scan3A_454 = arith.constant 130 : i32
      } else {
      }
      %ge3A_446 = arith.constant 1024 : i32
      %ge3A_447 = arith.cmpi sge, %scan3A_440, %ge3A_446 : i32
      %jit3A = arith.constant 0 : i32
      %select_n3A = arith.select %ge3A_447, %jit3A, %scan3A_440 : i32
      scf.yield %select_n3A : i32
    }
    %scan3A_115 = arith.constant 20 : i32
    %gt3A_116 = arith.constant 0 : i32
    %gt3A_117 = arith.cmpi sgt, %scan3A_114, %gt3A_116 : i32
    %convert_element_type3A_118 = arith.extui %gt3A_117 : i1 to i32
    %cond3A_119 = arith.constant 0 : i32
    %cond3A_120 = arith.cmpi ne, %convert_element_type3A_118, %cond3A_119 : i32
    scf.if %cond3A_120 {
      "tpu.region"() ({
        %run_scoped3A = tpu.sem_alloc : memref<!tpu.dma_semaphore, #tpu.memory_space<semaphore_mem>>
        %dma_start3A = arith.constant 0 : i32
        %dma_start3A_429 = tpu.memref_slice %arg7[%dma_start3A] : memref<1837056xf32, #tpu.memory_space<vmem_shared>> -> memref<1837056xf32, #tpu.memory_space<vmem_shared>>
        tpu.enqueue_indirect_dma source(%arg11 : memref<2080xf32, #tpu.memory_space<vmem>>) target(%dma_start3A_429 : memref<1837056xf32, #tpu.memory_space<vmem_shared>>) offsets(%arg10 : memref<2080xi32, #tpu.memory_space<vmem>>) semaphore(%run_scoped3A : memref<!tpu.dma_semaphore, #tpu.memory_space<semaphore_mem>>) {add = true}
        %dma_wait3A_430 = arith.constant 0 : i32
        %dma_wait3A_431 = tpu.memref_slice %arg7[%dma_wait3A_430] : memref<1837056xf32, #tpu.memory_space<vmem_shared>> -> memref<1837056xf32, #tpu.memory_space<vmem_shared>>
        tpu.wait_indirect_dma semaphore(%run_scoped3A : memref<!tpu.dma_semaphore, #tpu.memory_space<semaphore_mem>>) src(%arg11 : memref<2080xf32, #tpu.memory_space<vmem>>) dst(%dma_wait3A_431 : memref<1837056xf32, #tpu.memory_space<vmem_shared>>)
        tpu.yield
      }) : () -> ()
    } else {
    }
    %barrier3A_121 = arith.constant 0 : index
    tpu.barrier barrier_id(%barrier3A_121)
    %scan3A_122 = arith.constant 0 : i32
    %scan3A_123 = arith.constant 0 : i32
    %scan3A_124 = arith.constant 28 : i32
    %scan3A_125 = arith.addi %scan3A_123, %scan3A_124 : i32
    %scan3A_126 = arith.constant 1 : i32
    %scan3A_127 = scf.for %scan3A_429 = %scan3A_123 to %scan3A_125 step %scan3A_126 iter_args(%scan3A_430 = %scan3A_122) -> (i32)  : i32 {
      %gt3A_431 = arith.constant 0 : i32
      %gt3A_432 = arith.cmpi sgt, %scan3A_429, %gt3A_431 : i32
      %convert_element_type3A_433 = arith.extui %gt3A_432 : i1 to i32
      %cond3A_434 = arith.constant 0 : i32
      %cond3A_435 = arith.cmpi ne, %convert_element_type3A_433, %cond3A_434 : i32
      scf.if %cond3A_435 {
        %mul3A_468 = arith.constant 2 : i32
        %mul3A_469 = arith.muli %mul3A_468, %scan3A_429 : i32
        %sub3A = arith.constant 2 : i32
        %sub3A_470 = arith.subi %mul3A_469, %sub3A : i32
        %mul3A_471 = arith.constant 2048 : i32
        %mul3A_472 = arith.muli %sub3A_470, %mul3A_471 : i32
        %add3A_473 = arith.addi %add3A_76, %mul3A_472 : i32
        %dma_wait3A_474 = tpu.memref_slice %arg6[%add3A_473] : memref<22020096xf32, #tpu.memory_space<hbm>> -> memref<2048xf32, #tpu.memory_space<hbm>>
        %dma_wait3A_475 = tpu.memref_slice %arg6[%add3A_473] : memref<22020096xf32, #tpu.memory_space<hbm>> -> memref<2048xf32, #tpu.memory_space<hbm>>
        tpu.wait_dma2 semaphore(%arg16 : memref<!tpu.dma_semaphore, #tpu.memory_space<semaphore_mem>>) src(%arg13 : memref<2048xf32, #tpu.memory_space<vmem>>) dst(%dma_wait3A_475 : memref<2048xf32, #tpu.memory_space<hbm>>)
        %mul3A_476 = arith.constant 2 : i32
        %mul3A_477 = arith.muli %mul3A_476, %scan3A_429 : i32
        %sub3A_478 = arith.constant 1 : i32
        %sub3A_479 = arith.subi %mul3A_477, %sub3A_478 : i32
        %mul3A_480 = arith.constant 2048 : i32
        %mul3A_481 = arith.muli %sub3A_479, %mul3A_480 : i32
        %add3A_482 = arith.addi %add3A_76, %mul3A_481 : i32
        %dma_wait3A_483 = tpu.memref_slice %arg6[%add3A_482] : memref<22020096xf32, #tpu.memory_space<hbm>> -> memref<2048xf32, #tpu.memory_space<hbm>>
        %dma_wait3A_484 = tpu.memref_slice %arg6[%add3A_482] : memref<22020096xf32, #tpu.memory_space<hbm>> -> memref<2048xf32, #tpu.memory_space<hbm>>
        tpu.wait_dma2 semaphore(%arg16 : memref<!tpu.dma_semaphore, #tpu.memory_space<semaphore_mem>>) src(%arg14 : memref<2048xf32, #tpu.memory_space<vmem>>) dst(%dma_wait3A_484 : memref<2048xf32, #tpu.memory_space<hbm>>)
      } else {
      }
      %mul3A_436 = arith.constant 2 : i32
      %mul3A_437 = arith.muli %mul3A_436, %scan3A_429 : i32
      %mul3A_438 = arith.constant 114688 : i32
      %mul3A_439 = arith.muli %arg1, %mul3A_438 : i32
      %mul3A_440 = arith.constant 2048 : i32
      %mul3A_441 = arith.muli %mul3A_437, %mul3A_440 : i32
      %add3A_442 = arith.addi %mul3A_439, %mul3A_441 : i32
      "tpu.region"() ({
        %run_scoped3A = tpu.sem_alloc : memref<!tpu.dma_semaphore, #tpu.memory_space<semaphore_mem>>
        %dma_start3A_468 = tpu.memref_slice %arg7[%add3A_442] : memref<1837056xf32, #tpu.memory_space<vmem_shared>> -> memref<2048xf32, #tpu.memory_space<vmem_shared>>
        %dma_start3A_469 = tpu.memref_slice %arg7[%add3A_442] : memref<1837056xf32, #tpu.memory_space<vmem_shared>> -> memref<2048xf32, #tpu.memory_space<vmem_shared>>
        tpu.enqueue_dma source(%dma_start3A_469 : memref<2048xf32, #tpu.memory_space<vmem_shared>>) target(%arg13 : memref<2048xf32, #tpu.memory_space<vmem>>) target_semaphore(%run_scoped3A : memref<!tpu.dma_semaphore, #tpu.memory_space<semaphore_mem>>)
        %dma_wait3A_470 = tpu.memref_slice %arg7[%add3A_442] : memref<1837056xf32, #tpu.memory_space<vmem_shared>> -> memref<2048xf32, #tpu.memory_space<vmem_shared>>
        %dma_wait3A_471 = tpu.memref_slice %arg7[%add3A_442] : memref<1837056xf32, #tpu.memory_space<vmem_shared>> -> memref<2048xf32, #tpu.memory_space<vmem_shared>>
        tpu.wait_dma2 semaphore(%run_scoped3A : memref<!tpu.dma_semaphore, #tpu.memory_space<semaphore_mem>>) src(%dma_wait3A_471 : memref<2048xf32, #tpu.memory_space<vmem_shared>>) dst(%arg13 : memref<2048xf32, #tpu.memory_space<vmem>>)
        tpu.yield
      }) : () -> ()
      %mul3A_443 = arith.constant 2 : i32
      %mul3A_444 = arith.muli %mul3A_443, %scan3A_429 : i32
      %mul3A_445 = arith.constant 2048 : i32
      %mul3A_446 = arith.muli %mul3A_444, %mul3A_445 : i32
      %add3A_447 = arith.addi %add3A_76, %mul3A_446 : i32
      %dma_start3A = tpu.memref_slice %arg6[%add3A_447] : memref<22020096xf32, #tpu.memory_space<hbm>> -> memref<2048xf32, #tpu.memory_space<hbm>>
      %dma_start3A_448 = tpu.memref_slice %arg6[%add3A_447] : memref<22020096xf32, #tpu.memory_space<hbm>> -> memref<2048xf32, #tpu.memory_space<hbm>>
      tpu.enqueue_dma source(%arg13 : memref<2048xf32, #tpu.memory_space<vmem>>) target(%dma_start3A_448 : memref<2048xf32, #tpu.memory_space<hbm>>) target_semaphore(%arg16 : memref<!tpu.dma_semaphore, #tpu.memory_space<semaphore_mem>>)
      %mul3A_449 = arith.constant 2 : i32
      %mul3A_450 = arith.muli %mul3A_449, %scan3A_429 : i32
      %add3A_451 = arith.constant 1 : i32
      %add3A_452 = arith.addi %mul3A_450, %add3A_451 : i32
      %mul3A_453 = arith.constant 114688 : i32
      %mul3A_454 = arith.muli %arg1, %mul3A_453 : i32
      %mul3A_455 = arith.constant 2048 : i32
      %mul3A_456 = arith.muli %add3A_452, %mul3A_455 : i32
      %add3A_457 = arith.addi %mul3A_454, %mul3A_456 : i32
      "tpu.region"() ({
        %run_scoped3A = tpu.sem_alloc : memref<!tpu.dma_semaphore, #tpu.memory_space<semaphore_mem>>
        %dma_start3A_468 = tpu.memref_slice %arg7[%add3A_457] : memref<1837056xf32, #tpu.memory_space<vmem_shared>> -> memref<2048xf32, #tpu.memory_space<vmem_shared>>
        %dma_start3A_469 = tpu.memref_slice %arg7[%add3A_457] : memref<1837056xf32, #tpu.memory_space<vmem_shared>> -> memref<2048xf32, #tpu.memory_space<vmem_shared>>
        tpu.enqueue_dma source(%dma_start3A_469 : memref<2048xf32, #tpu.memory_space<vmem_shared>>) target(%arg14 : memref<2048xf32, #tpu.memory_space<vmem>>) target_semaphore(%run_scoped3A : memref<!tpu.dma_semaphore, #tpu.memory_space<semaphore_mem>>)
        %dma_wait3A_470 = tpu.memref_slice %arg7[%add3A_457] : memref<1837056xf32, #tpu.memory_space<vmem_shared>> -> memref<2048xf32, #tpu.memory_space<vmem_shared>>
        %dma_wait3A_471 = tpu.memref_slice %arg7[%add3A_457] : memref<1837056xf32, #tpu.memory_space<vmem_shared>> -> memref<2048xf32, #tpu.memory_space<vmem_shared>>
        tpu.wait_dma2 semaphore(%run_scoped3A : memref<!tpu.dma_semaphore, #tpu.memory_space<semaphore_mem>>) src(%dma_wait3A_471 : memref<2048xf32, #tpu.memory_space<vmem_shared>>) dst(%arg14 : memref<2048xf32, #tpu.memory_space<vmem>>)
        tpu.yield
      }) : () -> ()
      %mul3A_458 = arith.constant 2 : i32
      %mul3A_459 = arith.muli %mul3A_458, %scan3A_429 : i32
      %add3A_460 = arith.constant 1 : i32
      %add3A_461 = arith.addi %mul3A_459, %add3A_460 : i32
      %mul3A_462 = arith.constant 2048 : i32
      %mul3A_463 = arith.muli %add3A_461, %mul3A_462 : i32
      %add3A_464 = arith.addi %add3A_76, %mul3A_463 : i32
      %dma_start3A_465 = tpu.memref_slice %arg6[%add3A_464] : memref<22020096xf32, #tpu.memory_space<hbm>> -> memref<2048xf32, #tpu.memory_space<hbm>>
      %dma_start3A_466 = tpu.memref_slice %arg6[%add3A_464] : memref<22020096xf32, #tpu.memory_space<hbm>> -> memref<2048xf32, #tpu.memory_space<hbm>>
      tpu.enqueue_dma source(%arg14 : memref<2048xf32, #tpu.memory_space<vmem>>) target(%dma_start3A_466 : memref<2048xf32, #tpu.memory_space<hbm>>) target_semaphore(%arg16 : memref<!tpu.dma_semaphore, #tpu.memory_space<semaphore_mem>>)
      %scan3A_467 = arith.constant 0 : i32
      scf.yield %scan3A_467 : i32
    }
    %scan3A_128 = arith.constant 28 : i32
    %add3A_129 = arith.constant 110592 : i32
    %add3A_130 = arith.addi %add3A_76, %add3A_129 : i32
    %dma_wait3A_131 = tpu.memref_slice %arg6[%add3A_130] : memref<22020096xf32, #tpu.memory_space<hbm>> -> memref<2048xf32, #tpu.memory_space<hbm>>
    %dma_wait3A_132 = tpu.memref_slice %arg6[%add3A_130] : memref<22020096xf32, #tpu.memory_space<hbm>> -> memref<2048xf32, #tpu.memory_space<hbm>>
    tpu.wait_dma2 semaphore(%arg16 : memref<!tpu.dma_semaphore, #tpu.memory_space<semaphore_mem>>) src(%arg13 : memref<2048xf32, #tpu.memory_space<vmem>>) dst(%dma_wait3A_132 : memref<2048xf32, #tpu.memory_space<hbm>>)
    %add3A_133 = arith.constant 112640 : i32
    %add3A_134 = arith.addi %add3A_76, %add3A_133 : i32
    %dma_wait3A_135 = tpu.memref_slice %arg6[%add3A_134] : memref<22020096xf32, #tpu.memory_space<hbm>> -> memref<2048xf32, #tpu.memory_space<hbm>>
    %dma_wait3A_136 = tpu.memref_slice %arg6[%add3A_134] : memref<22020096xf32, #tpu.memory_space<hbm>> -> memref<2048xf32, #tpu.memory_space<hbm>>
    tpu.wait_dma2 semaphore(%arg16 : memref<!tpu.dma_semaphore, #tpu.memory_space<semaphore_mem>>) src(%arg14 : memref<2048xf32, #tpu.memory_space<vmem>>) dst(%dma_wait3A_136 : memref<2048xf32, #tpu.memory_space<hbm>>)
    %mul3A_137 = arith.constant 896 : i32
    %mul3A_138 = arith.muli %arg0, %mul3A_137 : i32
    %add3A_139 = arith.constant 3584 : i32
    %add3A_140 = arith.addi %add3A_139, %mul3A_138 : i32
    %mul3A_141 = arith.constant 896 : i32
    %mul3A_142 = arith.muli %arg0, %mul3A_141 : i32
    %add3A_143 = arith.constant 3584 : i32
    %add3A_144 = arith.addi %add3A_143, %mul3A_142 : i32
    %mul3A_145 = arith.constant 2048 : i32
    %mul3A_146 = arith.muli %add3A_144, %mul3A_145 : i32
    %mul3A_147 = arith.constant 114688 : i32
    %mul3A_148 = arith.muli %arg1, %mul3A_147 : i32
    %add3A_149 = arith.addi %mul3A_146, %mul3A_148 : i32
    %scan3A_150 = arith.constant 0 : i32
    %scan3A_151 = arith.constant 0 : i32
    %scan3A_152 = arith.constant 56 : i32
    %scan3A_153 = arith.addi %scan3A_151, %scan3A_152 : i32
    %scan3A_154 = arith.constant 1 : i32
    %scan3A_155 = scf.for %scan3A_429 = %scan3A_151 to %scan3A_153 step %scan3A_154 iter_args(%scan3A_430 = %scan3A_150) -> (i32)  : i32 {
      %mul3A_431 = arith.constant 114688 : i32
      %mul3A_432 = arith.muli %arg1, %mul3A_431 : i32
      %mul3A_433 = arith.constant 2048 : i32
      %mul3A_434 = arith.muli %scan3A_429, %mul3A_433 : i32
      %add3A_435 = arith.addi %mul3A_432, %mul3A_434 : i32
      %dma_start3A = tpu.memref_slice %arg7[%add3A_435] : memref<1837056xf32, #tpu.memory_space<vmem_shared>> -> memref<2048xf32, #tpu.memory_space<vmem_shared>>
      %dma_start3A_436 = tpu.memref_slice %arg7[%add3A_435] : memref<1837056xf32, #tpu.memory_space<vmem_shared>> -> memref<2048xf32, #tpu.memory_space<vmem_shared>>
      tpu.enqueue_dma source(%arg12 : memref<2048xf32, #tpu.memory_space<vmem>>) target(%dma_start3A_436 : memref<2048xf32, #tpu.memory_space<vmem_shared>>) target_semaphore(%arg15 : memref<!tpu.dma_semaphore, #tpu.memory_space<semaphore_mem>>)
      %scan3A_437 = arith.constant 0 : i32
      scf.yield %scan3A_437 : i32
    }
    %scan3A_156 = arith.constant 56 : i32
    %eq3A_157 = arith.constant 0 : i32
    %eq3A_158 = arith.cmpi eq, %arg1, %eq3A_157 : i32
    %convert_element_type3A_159 = arith.extui %eq3A_158 : i1 to i32
    %cond3A_160 = arith.constant 0 : i32
    %cond3A_161 = arith.cmpi ne, %convert_element_type3A_159, %cond3A_160 : i32
    scf.if %cond3A_161 {
      %dma_start3A = arith.constant 1835008 : i32
      %dma_start3A_429 = tpu.memref_slice %arg7[%dma_start3A] : memref<1837056xf32, #tpu.memory_space<vmem_shared>> -> memref<2048xf32, #tpu.memory_space<vmem_shared>>
      %dma_start3A_430 = arith.constant 1835008 : i32
      %dma_start3A_431 = tpu.memref_slice %arg7[%dma_start3A_430] : memref<1837056xf32, #tpu.memory_space<vmem_shared>> -> memref<2048xf32, #tpu.memory_space<vmem_shared>>
      tpu.enqueue_dma source(%arg12 : memref<2048xf32, #tpu.memory_space<vmem>>) target(%dma_start3A_431 : memref<2048xf32, #tpu.memory_space<vmem_shared>>) target_semaphore(%arg15 : memref<!tpu.dma_semaphore, #tpu.memory_space<semaphore_mem>>)
    } else {
    }
    %scan3A_162 = arith.constant 0 : i32
    %scan3A_163 = arith.constant 0 : i32
    %scan3A_164 = arith.constant 56 : i32
    %scan3A_165 = arith.addi %scan3A_163, %scan3A_164 : i32
    %scan3A_166 = arith.constant 1 : i32
    %scan3A_167 = scf.for %scan3A_429 = %scan3A_163 to %scan3A_165 step %scan3A_166 iter_args(%scan3A_430 = %scan3A_162) -> (i32)  : i32 {
      %mul3A_431 = arith.constant 114688 : i32
      %mul3A_432 = arith.muli %arg1, %mul3A_431 : i32
      %mul3A_433 = arith.constant 2048 : i32
      %mul3A_434 = arith.muli %scan3A_429, %mul3A_433 : i32
      %add3A_435 = arith.addi %mul3A_432, %mul3A_434 : i32
      %dma_wait3A_436 = tpu.memref_slice %arg7[%add3A_435] : memref<1837056xf32, #tpu.memory_space<vmem_shared>> -> memref<2048xf32, #tpu.memory_space<vmem_shared>>
      %dma_wait3A_437 = tpu.memref_slice %arg7[%add3A_435] : memref<1837056xf32, #tpu.memory_space<vmem_shared>> -> memref<2048xf32, #tpu.memory_space<vmem_shared>>
      tpu.wait_dma2 semaphore(%arg15 : memref<!tpu.dma_semaphore, #tpu.memory_space<semaphore_mem>>) src(%arg12 : memref<2048xf32, #tpu.memory_space<vmem>>) dst(%dma_wait3A_437 : memref<2048xf32, #tpu.memory_space<vmem_shared>>)
      %scan3A_438 = arith.constant 0 : i32
      scf.yield %scan3A_438 : i32
    }
    %scan3A_168 = arith.constant 56 : i32
    %eq3A_169 = arith.constant 0 : i32
    %eq3A_170 = arith.cmpi eq, %arg1, %eq3A_169 : i32
    %convert_element_type3A_171 = arith.extui %eq3A_170 : i1 to i32
    %cond3A_172 = arith.constant 0 : i32
    %cond3A_173 = arith.cmpi ne, %convert_element_type3A_171, %cond3A_172 : i32
    scf.if %cond3A_173 {
      %dma_wait3A_429 = arith.constant 1835008 : i32
      %dma_wait3A_430 = tpu.memref_slice %arg7[%dma_wait3A_429] : memref<1837056xf32, #tpu.memory_space<vmem_shared>> -> memref<2048xf32, #tpu.memory_space<vmem_shared>>
      %dma_wait3A_431 = arith.constant 1835008 : i32
      %dma_wait3A_432 = tpu.memref_slice %arg7[%dma_wait3A_431] : memref<1837056xf32, #tpu.memory_space<vmem_shared>> -> memref<2048xf32, #tpu.memory_space<vmem_shared>>
      tpu.wait_dma2 semaphore(%arg15 : memref<!tpu.dma_semaphore, #tpu.memory_space<semaphore_mem>>) src(%arg12 : memref<2048xf32, #tpu.memory_space<vmem>>) dst(%dma_wait3A_432 : memref<2048xf32, #tpu.memory_space<vmem_shared>>)
    } else {
    }
    %barrier3A_174 = arith.constant 0 : index
    tpu.barrier barrier_id(%barrier3A_174)
    %scan3A_175 = arith.constant 0 : i32
    %scan3A_176 = arith.constant 0 : i32
    %scan3A_177 = arith.constant 130 : i32
    %scan3A_178 = arith.addi %scan3A_176, %scan3A_177 : i32
    %scan3A_179 = arith.constant 1 : i32
    %scan3A_180 = scf.for %scan3A_429 = %scan3A_176 to %scan3A_178 step %scan3A_179 iter_args(%scan3A_430 = %scan3A_175) -> (i32)  : i32 {
      %broadcast_in_dim3A = arith.constant 1835008 : i32
      %broadcast_in_dim3A_431 = vector.broadcast %broadcast_in_dim3A : i32 to vector<16xi32>
      %mul3A_432 = arith.constant 16 : i32
      %mul3A_433 = arith.muli %scan3A_429, %mul3A_432 : i32
      %swap3A = arith.index_cast %mul3A_433 : i32 to index
      %swap3A_434 = tpu.vector_load %arg10[%swap3A] {strides = array<i32>} : memref<2080xi32, #tpu.memory_space<vmem>>, vector<16xi32>,
      tpu.vector_store %arg10[%swap3A], %broadcast_in_dim3A_431 {strides = array<i32>} : memref<2080xi32, #tpu.memory_space<vmem>>, vector<16xi32>,
      %scan3A_435 = arith.constant 0 : i32
      scf.yield %scan3A_435 : i32
    }
    %scan3A_181 = arith.constant 130 : i32
    %scan3A_182 = arith.constant 0 : i32
    %scan3A_183 = arith.constant 0 : i32
    %scan3A_184 = arith.constant 20 : i32
    %scan3A_185 = arith.addi %scan3A_183, %scan3A_184 : i32
    %scan3A_186 = arith.constant 1 : i32
    %scan3A_187 = scf.for %scan3A_429 = %scan3A_183 to %scan3A_185 step %scan3A_186 iter_args(%scan3A_430 = %scan3A_182) -> (i32)  : i32 {
      %mul3A_431 = arith.constant 20480 : i32
      %mul3A_432 = arith.muli %arg1, %mul3A_431 : i32
      %mul3A_433 = arith.constant 1024 : i32
      %mul3A_434 = arith.muli %scan3A_429, %mul3A_433 : i32
      %add3A_435 = arith.addi %mul3A_432, %mul3A_434 : i32
      "tpu.region"() ({
        %run_scoped3A = tpu.sem_alloc : memref<!tpu.dma_semaphore, #tpu.memory_space<semaphore_mem>>
        %dma_start3A = tpu.memref_slice %arg2[%add3A_435] : memref<327680xi32, #tpu.memory_space<hbm>> -> memref<1024xi32, #tpu.memory_space<hbm>>
        %dma_start3A_448 = tpu.memref_slice %arg2[%add3A_435] : memref<327680xi32, #tpu.memory_space<hbm>> -> memref<1024xi32, #tpu.memory_space<hbm>>
        tpu.enqueue_dma source(%dma_start3A_448 : memref<1024xi32, #tpu.memory_space<hbm>>) target(%arg8 : memref<1024xi32, #tpu.memory_space<vmem>>) target_semaphore(%run_scoped3A : memref<!tpu.dma_semaphore, #tpu.memory_space<semaphore_mem>>)
        %dma_wait3A_449 = tpu.memref_slice %arg2[%add3A_435] : memref<327680xi32, #tpu.memory_space<hbm>> -> memref<1024xi32, #tpu.memory_space<hbm>>
        %dma_wait3A_450 = tpu.memref_slice %arg2[%add3A_435] : memref<327680xi32, #tpu.memory_space<hbm>> -> memref<1024xi32, #tpu.memory_space<hbm>>
        tpu.wait_dma2 semaphore(%run_scoped3A : memref<!tpu.dma_semaphore, #tpu.memory_space<semaphore_mem>>) src(%dma_wait3A_450 : memref<1024xi32, #tpu.memory_space<hbm>>) dst(%arg8 : memref<1024xi32, #tpu.memory_space<vmem>>)
        tpu.yield
      }) : () -> ()
      "tpu.region"() ({
        %run_scoped3A = tpu.sem_alloc : memref<!tpu.dma_semaphore, #tpu.memory_space<semaphore_mem>>
        %dma_start3A = tpu.memref_slice %arg3[%add3A_435] : memref<327680xi32, #tpu.memory_space<hbm>> -> memref<1024xi32, #tpu.memory_space<hbm>>
        %dma_start3A_448 = tpu.memref_slice %arg3[%add3A_435] : memref<327680xi32, #tpu.memory_space<hbm>> -> memref<1024xi32, #tpu.memory_space<hbm>>
        tpu.enqueue_dma source(%dma_start3A_448 : memref<1024xi32, #tpu.memory_space<hbm>>) target(%arg9 : memref<1024xi32, #tpu.memory_space<vmem>>) target_semaphore(%run_scoped3A : memref<!tpu.dma_semaphore, #tpu.memory_space<semaphore_mem>>)
        %dma_wait3A_449 = tpu.memref_slice %arg3[%add3A_435] : memref<327680xi32, #tpu.memory_space<hbm>> -> memref<1024xi32, #tpu.memory_space<hbm>>
        %dma_wait3A_450 = tpu.memref_slice %arg3[%add3A_435] : memref<327680xi32, #tpu.memory_space<hbm>> -> memref<1024xi32, #tpu.memory_space<hbm>>
        tpu.wait_dma2 semaphore(%run_scoped3A : memref<!tpu.dma_semaphore, #tpu.memory_space<semaphore_mem>>) src(%dma_wait3A_450 : memref<1024xi32, #tpu.memory_space<hbm>>) dst(%arg9 : memref<1024xi32, #tpu.memory_space<vmem>>)
        tpu.yield
      }) : () -> ()
      %scan3A_436 = arith.constant 0 : i32
      %scan3A_437 = arith.constant 64 : i32
      %scan3A_438 = arith.addi %scan3A_436, %scan3A_437 : i32
      %scan3A_439 = arith.constant 1 : i32
      %scan3A_440 = scf.for %scan3A_448 = %scan3A_436 to %scan3A_438 step %scan3A_439 iter_args(%scan3A_449 = %scan3A_430) -> (i32)  : i32 {
        %mul3A_450 = arith.constant 16 : i32
        %mul3A_451 = arith.muli %scan3A_448, %mul3A_450 : i32
        %get3A = arith.index_cast %mul3A_451 : i32 to index
        %get3A_452 = tpu.vector_load %arg8[%get3A] {strides = array<i32>} : memref<1024xi32, #tpu.memory_space<vmem>>, vector<16xi32>,
        %get3A_453 = arith.index_cast %mul3A_451 : i32 to index
        %get3A_454 = tpu.vector_load %arg9[%get3A_453] {strides = array<i32>} : memref<1024xi32, #tpu.memory_space<vmem>>, vector<16xi32>,
        %sub3A = vector.broadcast %add3A_140 : i32 to vector<16xi32>
        %sub3A_455 = arith.subi %get3A_452, %sub3A : vector<16xi32>
        %ge3A_456 = arith.constant 0 : i32
        %ge3A_457 = vector.broadcast %ge3A_456 : i32 to vector<16xi32>
        %ge3A_458 = arith.cmpi sge, %sub3A_455, %ge3A_457 : vector<16xi32>
        %lt3A = arith.constant 896 : i32
        %lt3A_459 = vector.broadcast %lt3A : i32 to vector<16xi32>
        %lt3A_460 = arith.cmpi slt, %sub3A_455, %lt3A_459 : vector<16xi32>
        %and3A = arith.andi %ge3A_458, %lt3A_460 : vector<16xi1>
        %mul3A_461 = arith.constant 2048 : i32
        %mul3A_462 = vector.broadcast %mul3A_461 : i32 to vector<16xi32>
        %mul3A_463 = arith.muli %sub3A_455, %mul3A_462 : vector<16xi32>
        %add3A_464 = arith.addi %mul3A_463, %get3A_454 : vector<16xi32>
        %jit3A_465 = arith.constant 1835008 : i32
        %broadcast_in_dim3A = vector.broadcast %jit3A_465 : i32 to vector<16xi32>
        %select_n3A_466 = arith.select %and3A, %add3A_464, %broadcast_in_dim3A : vector<16xi1>, vector<16xi32>
        %sort3A = arith.constant dense<true> : vector<16xi1>
        %sort3A_467, %sort3A_468, %sort3A_469 = tpu.sort %select_n3A_466, %select_n3A_466 masked %sort3A : (vector<16xi32>, vector<16xi32>, vector<16xi1>) -> (vector<16xi1>, vector<16xi32>, vector<16xi32>)
        %swap3A = arith.index_cast %scan3A_449 : i32 to index
        %swap3A_470 = tpu.vector_load %arg10[%swap3A] {strides = array<i32>} : memref<2080xi32, #tpu.memory_space<vmem>>, vector<16xi32>,
        tpu.vector_store %arg10[%swap3A], %sort3A_468 {strides = array<i32>} : memref<2080xi32, #tpu.memory_space<vmem>>, vector<16xi32>,
        %all_reduce_population_count3A = tpu.all_reduce %and3A {dim = 0 : i64, kind = #tpu.reduction_kind<sum>} : vector<16xi1> -> vector<16xi32>
        %reduce_max3A = arith.constant true
        %reduce_max3A_471 = vector.broadcast %reduce_max3A : i1 to vector<16xi1>
        %reduce_max3A_472 = arith.constant -2147483648 : i32
        %reduce_max3A_473 = vector.broadcast %reduce_max3A_472 : i32 to vector<16xi32>
        %reduce_max3A_474 = arith.xori %all_reduce_population_count3A, %reduce_max3A_473 : vector<16xi32>
        %reduce_max3A_475 = tpu.scan <max>, %reduce_max3A_474 masked %reduce_max3A_471 : vector<16xi32>, vector<16xi1> -> vector<16xi32>
        %reduce_max3A_476 = arith.xori %reduce_max3A_475, %reduce_max3A_473 : vector<16xi32>
        %reduce_max3A_477 = vector.extract %reduce_max3A_476[15] : i32 from vector<16xi32>
        %add3A_478 = arith.addi %scan3A_449, %reduce_max3A_477 : i32
        scf.yield %add3A_478 : i32
      }
      %scan3A_441 = arith.constant 64 : i32
      %ge3A = arith.constant 1024 : i32
      %ge3A_442 = arith.cmpi sge, %scan3A_440, %ge3A : i32
      %convert_element_type3A_443 = arith.extui %ge3A_442 : i1 to i32
      %cond3A_444 = arith.constant 0 : i32
      %cond3A_445 = arith.cmpi ne, %convert_element_type3A_443, %cond3A_444 : i32
      scf.if %cond3A_445 {
        "tpu.region"() ({
          %run_scoped3A = tpu.sem_alloc : memref<!tpu.dma_semaphore, #tpu.memory_space<semaphore_mem>>
          %dma_start3A = arith.constant 0 : i32
          %dma_start3A_455 = tpu.memref_slice %arg7[%dma_start3A] : memref<1837056xf32, #tpu.memory_space<vmem_shared>> -> memref<1837056xf32, #tpu.memory_space<vmem_shared>>
          tpu.enqueue_indirect_dma source(%arg11 : memref<2080xf32, #tpu.memory_space<vmem>>) target(%dma_start3A_455 : memref<1837056xf32, #tpu.memory_space<vmem_shared>>) offsets(%arg10 : memref<2080xi32, #tpu.memory_space<vmem>>) semaphore(%run_scoped3A : memref<!tpu.dma_semaphore, #tpu.memory_space<semaphore_mem>>) {add = true}
          %dma_wait3A_456 = arith.constant 0 : i32
          %dma_wait3A_457 = tpu.memref_slice %arg7[%dma_wait3A_456] : memref<1837056xf32, #tpu.memory_space<vmem_shared>> -> memref<1837056xf32, #tpu.memory_space<vmem_shared>>
          tpu.wait_indirect_dma semaphore(%run_scoped3A : memref<!tpu.dma_semaphore, #tpu.memory_space<semaphore_mem>>) src(%arg11 : memref<2080xf32, #tpu.memory_space<vmem>>) dst(%dma_wait3A_457 : memref<1837056xf32, #tpu.memory_space<vmem_shared>>)
          tpu.yield
        }) : () -> ()
        %scan3A_448 = arith.constant 0 : i32
        %scan3A_449 = arith.constant 0 : i32
        %scan3A_450 = arith.constant 130 : i32
        %scan3A_451 = arith.addi %scan3A_449, %scan3A_450 : i32
        %scan3A_452 = arith.constant 1 : i32
        %scan3A_453 = scf.for %scan3A_455 = %scan3A_449 to %scan3A_451 step %scan3A_452 iter_args(%scan3A_456 = %scan3A_448) -> (i32)  : i32 {
          %broadcast_in_dim3A = arith.constant 1835008 : i32
          %broadcast_in_dim3A_457 = vector.broadcast %broadcast_in_dim3A : i32 to vector<16xi32>
          %mul3A_458 = arith.constant 16 : i32
          %mul3A_459 = arith.muli %scan3A_455, %mul3A_458 : i32
          %swap3A = arith.index_cast %mul3A_459 : i32 to index
          %swap3A_460 = tpu.vector_load %arg10[%swap3A] {strides = array<i32>} : memref<2080xi32, #tpu.memory_space<vmem>>, vector<16xi32>,
          tpu.vector_store %arg10[%swap3A], %broadcast_in_dim3A_457 {strides = array<i32>} : memref<2080xi32, #tpu.memory_space<vmem>>, vector<16xi32>,
          %scan3A_461 = arith.constant 0 : i32
          scf.yield %scan3A_461 : i32
        }
        %scan3A_454 = arith.constant 130 : i32
      } else {
      }
      %ge3A_446 = arith.constant 1024 : i32
      %ge3A_447 = arith.cmpi sge, %scan3A_440, %ge3A_446 : i32
      %jit3A = arith.constant 0 : i32
      %select_n3A = arith.select %ge3A_447, %jit3A, %scan3A_440 : i32
      scf.yield %select_n3A : i32
    }
    %scan3A_188 = arith.constant 20 : i32
    %gt3A_189 = arith.constant 0 : i32
    %gt3A_190 = arith.cmpi sgt, %scan3A_187, %gt3A_189 : i32
    %convert_element_type3A_191 = arith.extui %gt3A_190 : i1 to i32
    %cond3A_192 = arith.constant 0 : i32
    %cond3A_193 = arith.cmpi ne, %convert_element_type3A_191, %cond3A_192 : i32
    scf.if %cond3A_193 {
      "tpu.region"() ({
        %run_scoped3A = tpu.sem_alloc : memref<!tpu.dma_semaphore, #tpu.memory_space<semaphore_mem>>
        %dma_start3A = arith.constant 0 : i32
        %dma_start3A_429 = tpu.memref_slice %arg7[%dma_start3A] : memref<1837056xf32, #tpu.memory_space<vmem_shared>> -> memref<1837056xf32, #tpu.memory_space<vmem_shared>>
        tpu.enqueue_indirect_dma source(%arg11 : memref<2080xf32, #tpu.memory_space<vmem>>) target(%dma_start3A_429 : memref<1837056xf32, #tpu.memory_space<vmem_shared>>) offsets(%arg10 : memref<2080xi32, #tpu.memory_space<vmem>>) semaphore(%run_scoped3A : memref<!tpu.dma_semaphore, #tpu.memory_space<semaphore_mem>>) {add = true}
        %dma_wait3A_430 = arith.constant 0 : i32
        %dma_wait3A_431 = tpu.memref_slice %arg7[%dma_wait3A_430] : memref<1837056xf32, #tpu.memory_space<vmem_shared>> -> memref<1837056xf32, #tpu.memory_space<vmem_shared>>
        tpu.wait_indirect_dma semaphore(%run_scoped3A : memref<!tpu.dma_semaphore, #tpu.memory_space<semaphore_mem>>) src(%arg11 : memref<2080xf32, #tpu.memory_space<vmem>>) dst(%dma_wait3A_431 : memref<1837056xf32, #tpu.memory_space<vmem_shared>>)
        tpu.yield
      }) : () -> ()
    } else {
    }
    %barrier3A_194 = arith.constant 0 : index
    tpu.barrier barrier_id(%barrier3A_194)
    %scan3A_195 = arith.constant 0 : i32
    %scan3A_196 = arith.constant 0 : i32
    %scan3A_197 = arith.constant 28 : i32
    %scan3A_198 = arith.addi %scan3A_196, %scan3A_197 : i32
    %scan3A_199 = arith.constant 1 : i32
    %scan3A_200 = scf.for %scan3A_429 = %scan3A_196 to %scan3A_198 step %scan3A_199 iter_args(%scan3A_430 = %scan3A_195) -> (i32)  : i32 {
      %gt3A_431 = arith.constant 0 : i32
      %gt3A_432 = arith.cmpi sgt, %scan3A_429, %gt3A_431 : i32
      %convert_element_type3A_433 = arith.extui %gt3A_432 : i1 to i32
      %cond3A_434 = arith.constant 0 : i32
      %cond3A_435 = arith.cmpi ne, %convert_element_type3A_433, %cond3A_434 : i32
      scf.if %cond3A_435 {
        %mul3A_468 = arith.constant 2 : i32
        %mul3A_469 = arith.muli %mul3A_468, %scan3A_429 : i32
        %sub3A = arith.constant 2 : i32
        %sub3A_470 = arith.subi %mul3A_469, %sub3A : i32
        %mul3A_471 = arith.constant 2048 : i32
        %mul3A_472 = arith.muli %sub3A_470, %mul3A_471 : i32
        %add3A_473 = arith.addi %add3A_149, %mul3A_472 : i32
        %dma_wait3A_474 = tpu.memref_slice %arg6[%add3A_473] : memref<22020096xf32, #tpu.memory_space<hbm>> -> memref<2048xf32, #tpu.memory_space<hbm>>
        %dma_wait3A_475 = tpu.memref_slice %arg6[%add3A_473] : memref<22020096xf32, #tpu.memory_space<hbm>> -> memref<2048xf32, #tpu.memory_space<hbm>>
        tpu.wait_dma2 semaphore(%arg16 : memref<!tpu.dma_semaphore, #tpu.memory_space<semaphore_mem>>) src(%arg13 : memref<2048xf32, #tpu.memory_space<vmem>>) dst(%dma_wait3A_475 : memref<2048xf32, #tpu.memory_space<hbm>>)
        %mul3A_476 = arith.constant 2 : i32
        %mul3A_477 = arith.muli %mul3A_476, %scan3A_429 : i32
        %sub3A_478 = arith.constant 1 : i32
        %sub3A_479 = arith.subi %mul3A_477, %sub3A_478 : i32
        %mul3A_480 = arith.constant 2048 : i32
        %mul3A_481 = arith.muli %sub3A_479, %mul3A_480 : i32
        %add3A_482 = arith.addi %add3A_149, %mul3A_481 : i32
        %dma_wait3A_483 = tpu.memref_slice %arg6[%add3A_482] : memref<22020096xf32, #tpu.memory_space<hbm>> -> memref<2048xf32, #tpu.memory_space<hbm>>
        %dma_wait3A_484 = tpu.memref_slice %arg6[%add3A_482] : memref<22020096xf32, #tpu.memory_space<hbm>> -> memref<2048xf32, #tpu.memory_space<hbm>>
        tpu.wait_dma2 semaphore(%arg16 : memref<!tpu.dma_semaphore, #tpu.memory_space<semaphore_mem>>) src(%arg14 : memref<2048xf32, #tpu.memory_space<vmem>>) dst(%dma_wait3A_484 : memref<2048xf32, #tpu.memory_space<hbm>>)
      } else {
      }
      %mul3A_436 = arith.constant 2 : i32
      %mul3A_437 = arith.muli %mul3A_436, %scan3A_429 : i32
      %mul3A_438 = arith.constant 114688 : i32
      %mul3A_439 = arith.muli %arg1, %mul3A_438 : i32
      %mul3A_440 = arith.constant 2048 : i32
      %mul3A_441 = arith.muli %mul3A_437, %mul3A_440 : i32
      %add3A_442 = arith.addi %mul3A_439, %mul3A_441 : i32
      "tpu.region"() ({
        %run_scoped3A = tpu.sem_alloc : memref<!tpu.dma_semaphore, #tpu.memory_space<semaphore_mem>>
        %dma_start3A_468 = tpu.memref_slice %arg7[%add3A_442] : memref<1837056xf32, #tpu.memory_space<vmem_shared>> -> memref<2048xf32, #tpu.memory_space<vmem_shared>>
        %dma_start3A_469 = tpu.memref_slice %arg7[%add3A_442] : memref<1837056xf32, #tpu.memory_space<vmem_shared>> -> memref<2048xf32, #tpu.memory_space<vmem_shared>>
        tpu.enqueue_dma source(%dma_start3A_469 : memref<2048xf32, #tpu.memory_space<vmem_shared>>) target(%arg13 : memref<2048xf32, #tpu.memory_space<vmem>>) target_semaphore(%run_scoped3A : memref<!tpu.dma_semaphore, #tpu.memory_space<semaphore_mem>>)
        %dma_wait3A_470 = tpu.memref_slice %arg7[%add3A_442] : memref<1837056xf32, #tpu.memory_space<vmem_shared>> -> memref<2048xf32, #tpu.memory_space<vmem_shared>>
        %dma_wait3A_471 = tpu.memref_slice %arg7[%add3A_442] : memref<1837056xf32, #tpu.memory_space<vmem_shared>> -> memref<2048xf32, #tpu.memory_space<vmem_shared>>
        tpu.wait_dma2 semaphore(%run_scoped3A : memref<!tpu.dma_semaphore, #tpu.memory_space<semaphore_mem>>) src(%dma_wait3A_471 : memref<2048xf32, #tpu.memory_space<vmem_shared>>) dst(%arg13 : memref<2048xf32, #tpu.memory_space<vmem>>)
        tpu.yield
      }) : () -> ()
      %mul3A_443 = arith.constant 2 : i32
      %mul3A_444 = arith.muli %mul3A_443, %scan3A_429 : i32
      %mul3A_445 = arith.constant 2048 : i32
      %mul3A_446 = arith.muli %mul3A_444, %mul3A_445 : i32
      %add3A_447 = arith.addi %add3A_149, %mul3A_446 : i32
      %dma_start3A = tpu.memref_slice %arg6[%add3A_447] : memref<22020096xf32, #tpu.memory_space<hbm>> -> memref<2048xf32, #tpu.memory_space<hbm>>
      %dma_start3A_448 = tpu.memref_slice %arg6[%add3A_447] : memref<22020096xf32, #tpu.memory_space<hbm>> -> memref<2048xf32, #tpu.memory_space<hbm>>
      tpu.enqueue_dma source(%arg13 : memref<2048xf32, #tpu.memory_space<vmem>>) target(%dma_start3A_448 : memref<2048xf32, #tpu.memory_space<hbm>>) target_semaphore(%arg16 : memref<!tpu.dma_semaphore, #tpu.memory_space<semaphore_mem>>)
      %mul3A_449 = arith.constant 2 : i32
      %mul3A_450 = arith.muli %mul3A_449, %scan3A_429 : i32
      %add3A_451 = arith.constant 1 : i32
      %add3A_452 = arith.addi %mul3A_450, %add3A_451 : i32
      %mul3A_453 = arith.constant 114688 : i32
      %mul3A_454 = arith.muli %arg1, %mul3A_453 : i32
      %mul3A_455 = arith.constant 2048 : i32
      %mul3A_456 = arith.muli %add3A_452, %mul3A_455 : i32
      %add3A_457 = arith.addi %mul3A_454, %mul3A_456 : i32
      "tpu.region"() ({
        %run_scoped3A = tpu.sem_alloc : memref<!tpu.dma_semaphore, #tpu.memory_space<semaphore_mem>>
        %dma_start3A_468 = tpu.memref_slice %arg7[%add3A_457] : memref<1837056xf32, #tpu.memory_space<vmem_shared>> -> memref<2048xf32, #tpu.memory_space<vmem_shared>>
        %dma_start3A_469 = tpu.memref_slice %arg7[%add3A_457] : memref<1837056xf32, #tpu.memory_space<vmem_shared>> -> memref<2048xf32, #tpu.memory_space<vmem_shared>>
        tpu.enqueue_dma source(%dma_start3A_469 : memref<2048xf32, #tpu.memory_space<vmem_shared>>) target(%arg14 : memref<2048xf32, #tpu.memory_space<vmem>>) target_semaphore(%run_scoped3A : memref<!tpu.dma_semaphore, #tpu.memory_space<semaphore_mem>>)
        %dma_wait3A_470 = tpu.memref_slice %arg7[%add3A_457] : memref<1837056xf32, #tpu.memory_space<vmem_shared>> -> memref<2048xf32, #tpu.memory_space<vmem_shared>>
        %dma_wait3A_471 = tpu.memref_slice %arg7[%add3A_457] : memref<1837056xf32, #tpu.memory_space<vmem_shared>> -> memref<2048xf32, #tpu.memory_space<vmem_shared>>
        tpu.wait_dma2 semaphore(%run_scoped3A : memref<!tpu.dma_semaphore, #tpu.memory_space<semaphore_mem>>) src(%dma_wait3A_471 : memref<2048xf32, #tpu.memory_space<vmem_shared>>) dst(%arg14 : memref<2048xf32, #tpu.memory_space<vmem>>)
        tpu.yield
      }) : () -> ()
      %mul3A_458 = arith.constant 2 : i32
      %mul3A_459 = arith.muli %mul3A_458, %scan3A_429 : i32
      %add3A_460 = arith.constant 1 : i32
      %add3A_461 = arith.addi %mul3A_459, %add3A_460 : i32
      %mul3A_462 = arith.constant 2048 : i32
      %mul3A_463 = arith.muli %add3A_461, %mul3A_462 : i32
      %add3A_464 = arith.addi %add3A_149, %mul3A_463 : i32
      %dma_start3A_465 = tpu.memref_slice %arg6[%add3A_464] : memref<22020096xf32, #tpu.memory_space<hbm>> -> memref<2048xf32, #tpu.memory_space<hbm>>
      %dma_start3A_466 = tpu.memref_slice %arg6[%add3A_464] : memref<22020096xf32, #tpu.memory_space<hbm>> -> memref<2048xf32, #tpu.memory_space<hbm>>
      tpu.enqueue_dma source(%arg14 : memref<2048xf32, #tpu.memory_space<vmem>>) target(%dma_start3A_466 : memref<2048xf32, #tpu.memory_space<hbm>>) target_semaphore(%arg16 : memref<!tpu.dma_semaphore, #tpu.memory_space<semaphore_mem>>)
      %scan3A_467 = arith.constant 0 : i32
      scf.yield %scan3A_467 : i32
    }
    %scan3A_201 = arith.constant 28 : i32
    %add3A_202 = arith.constant 110592 : i32
    %add3A_203 = arith.addi %add3A_149, %add3A_202 : i32
    %dma_wait3A_204 = tpu.memref_slice %arg6[%add3A_203] : memref<22020096xf32, #tpu.memory_space<hbm>> -> memref<2048xf32, #tpu.memory_space<hbm>>
    %dma_wait3A_205 = tpu.memref_slice %arg6[%add3A_203] : memref<22020096xf32, #tpu.memory_space<hbm>> -> memref<2048xf32, #tpu.memory_space<hbm>>
    tpu.wait_dma2 semaphore(%arg16 : memref<!tpu.dma_semaphore, #tpu.memory_space<semaphore_mem>>) src(%arg13 : memref<2048xf32, #tpu.memory_space<vmem>>) dst(%dma_wait3A_205 : memref<2048xf32, #tpu.memory_space<hbm>>)
    %add3A_206 = arith.constant 112640 : i32
    %add3A_207 = arith.addi %add3A_149, %add3A_206 : i32
    %dma_wait3A_208 = tpu.memref_slice %arg6[%add3A_207] : memref<22020096xf32, #tpu.memory_space<hbm>> -> memref<2048xf32, #tpu.memory_space<hbm>>
    %dma_wait3A_209 = tpu.memref_slice %arg6[%add3A_207] : memref<22020096xf32, #tpu.memory_space<hbm>> -> memref<2048xf32, #tpu.memory_space<hbm>>
    tpu.wait_dma2 semaphore(%arg16 : memref<!tpu.dma_semaphore, #tpu.memory_space<semaphore_mem>>) src(%arg14 : memref<2048xf32, #tpu.memory_space<vmem>>) dst(%dma_wait3A_209 : memref<2048xf32, #tpu.memory_space<hbm>>)
    %mul3A_210 = arith.constant 896 : i32
    %mul3A_211 = arith.muli %arg0, %mul3A_210 : i32
    %add3A_212 = arith.constant 5376 : i32
    %add3A_213 = arith.addi %add3A_212, %mul3A_211 : i32
    %mul3A_214 = arith.constant 896 : i32
    %mul3A_215 = arith.muli %arg0, %mul3A_214 : i32
    %add3A_216 = arith.constant 5376 : i32
    %add3A_217 = arith.addi %add3A_216, %mul3A_215 : i32
    %mul3A_218 = arith.constant 2048 : i32
    %mul3A_219 = arith.muli %add3A_217, %mul3A_218 : i32
    %mul3A_220 = arith.constant 114688 : i32
    %mul3A_221 = arith.muli %arg1, %mul3A_220 : i32
    %add3A_222 = arith.addi %mul3A_219, %mul3A_221 : i32
    %scan3A_223 = arith.constant 0 : i32
    %scan3A_224 = arith.constant 0 : i32
    %scan3A_225 = arith.constant 56 : i32
    %scan3A_226 = arith.addi %scan3A_224, %scan3A_225 : i32
    %scan3A_227 = arith.constant 1 : i32
    %scan3A_228 = scf.for %scan3A_429 = %scan3A_224 to %scan3A_226 step %scan3A_227 iter_args(%scan3A_430 = %scan3A_223) -> (i32)  : i32 {
      %mul3A_431 = arith.constant 114688 : i32
      %mul3A_432 = arith.muli %arg1, %mul3A_431 : i32
      %mul3A_433 = arith.constant 2048 : i32
      %mul3A_434 = arith.muli %scan3A_429, %mul3A_433 : i32
      %add3A_435 = arith.addi %mul3A_432, %mul3A_434 : i32
      %dma_start3A = tpu.memref_slice %arg7[%add3A_435] : memref<1837056xf32, #tpu.memory_space<vmem_shared>> -> memref<2048xf32, #tpu.memory_space<vmem_shared>>
      %dma_start3A_436 = tpu.memref_slice %arg7[%add3A_435] : memref<1837056xf32, #tpu.memory_space<vmem_shared>> -> memref<2048xf32, #tpu.memory_space<vmem_shared>>
      tpu.enqueue_dma source(%arg12 : memref<2048xf32, #tpu.memory_space<vmem>>) target(%dma_start3A_436 : memref<2048xf32, #tpu.memory_space<vmem_shared>>) target_semaphore(%arg15 : memref<!tpu.dma_semaphore, #tpu.memory_space<semaphore_mem>>)
      %scan3A_437 = arith.constant 0 : i32
      scf.yield %scan3A_437 : i32
    }
    %scan3A_229 = arith.constant 56 : i32
    %eq3A_230 = arith.constant 0 : i32
    %eq3A_231 = arith.cmpi eq, %arg1, %eq3A_230 : i32
    %convert_element_type3A_232 = arith.extui %eq3A_231 : i1 to i32
    %cond3A_233 = arith.constant 0 : i32
    %cond3A_234 = arith.cmpi ne, %convert_element_type3A_232, %cond3A_233 : i32
    scf.if %cond3A_234 {
      %dma_start3A = arith.constant 1835008 : i32
      %dma_start3A_429 = tpu.memref_slice %arg7[%dma_start3A] : memref<1837056xf32, #tpu.memory_space<vmem_shared>> -> memref<2048xf32, #tpu.memory_space<vmem_shared>>
      %dma_start3A_430 = arith.constant 1835008 : i32
      %dma_start3A_431 = tpu.memref_slice %arg7[%dma_start3A_430] : memref<1837056xf32, #tpu.memory_space<vmem_shared>> -> memref<2048xf32, #tpu.memory_space<vmem_shared>>
      tpu.enqueue_dma source(%arg12 : memref<2048xf32, #tpu.memory_space<vmem>>) target(%dma_start3A_431 : memref<2048xf32, #tpu.memory_space<vmem_shared>>) target_semaphore(%arg15 : memref<!tpu.dma_semaphore, #tpu.memory_space<semaphore_mem>>)
    } else {
    }
    %scan3A_235 = arith.constant 0 : i32
    %scan3A_236 = arith.constant 0 : i32
    %scan3A_237 = arith.constant 56 : i32
    %scan3A_238 = arith.addi %scan3A_236, %scan3A_237 : i32
    %scan3A_239 = arith.constant 1 : i32
    %scan3A_240 = scf.for %scan3A_429 = %scan3A_236 to %scan3A_238 step %scan3A_239 iter_args(%scan3A_430 = %scan3A_235) -> (i32)  : i32 {
      %mul3A_431 = arith.constant 114688 : i32
      %mul3A_432 = arith.muli %arg1, %mul3A_431 : i32
      %mul3A_433 = arith.constant 2048 : i32
      %mul3A_434 = arith.muli %scan3A_429, %mul3A_433 : i32
      %add3A_435 = arith.addi %mul3A_432, %mul3A_434 : i32
      %dma_wait3A_436 = tpu.memref_slice %arg7[%add3A_435] : memref<1837056xf32, #tpu.memory_space<vmem_shared>> -> memref<2048xf32, #tpu.memory_space<vmem_shared>>
      %dma_wait3A_437 = tpu.memref_slice %arg7[%add3A_435] : memref<1837056xf32, #tpu.memory_space<vmem_shared>> -> memref<2048xf32, #tpu.memory_space<vmem_shared>>
      tpu.wait_dma2 semaphore(%arg15 : memref<!tpu.dma_semaphore, #tpu.memory_space<semaphore_mem>>) src(%arg12 : memref<2048xf32, #tpu.memory_space<vmem>>) dst(%dma_wait3A_437 : memref<2048xf32, #tpu.memory_space<vmem_shared>>)
      %scan3A_438 = arith.constant 0 : i32
      scf.yield %scan3A_438 : i32
    }
    %scan3A_241 = arith.constant 56 : i32
    %eq3A_242 = arith.constant 0 : i32
    %eq3A_243 = arith.cmpi eq, %arg1, %eq3A_242 : i32
    %convert_element_type3A_244 = arith.extui %eq3A_243 : i1 to i32
    %cond3A_245 = arith.constant 0 : i32
    %cond3A_246 = arith.cmpi ne, %convert_element_type3A_244, %cond3A_245 : i32
    scf.if %cond3A_246 {
      %dma_wait3A_429 = arith.constant 1835008 : i32
      %dma_wait3A_430 = tpu.memref_slice %arg7[%dma_wait3A_429] : memref<1837056xf32, #tpu.memory_space<vmem_shared>> -> memref<2048xf32, #tpu.memory_space<vmem_shared>>
      %dma_wait3A_431 = arith.constant 1835008 : i32
      %dma_wait3A_432 = tpu.memref_slice %arg7[%dma_wait3A_431] : memref<1837056xf32, #tpu.memory_space<vmem_shared>> -> memref<2048xf32, #tpu.memory_space<vmem_shared>>
      tpu.wait_dma2 semaphore(%arg15 : memref<!tpu.dma_semaphore, #tpu.memory_space<semaphore_mem>>) src(%arg12 : memref<2048xf32, #tpu.memory_space<vmem>>) dst(%dma_wait3A_432 : memref<2048xf32, #tpu.memory_space<vmem_shared>>)
    } else {
    }
    %barrier3A_247 = arith.constant 0 : index
    tpu.barrier barrier_id(%barrier3A_247)
    %scan3A_248 = arith.constant 0 : i32
    %scan3A_249 = arith.constant 0 : i32
    %scan3A_250 = arith.constant 130 : i32
    %scan3A_251 = arith.addi %scan3A_249, %scan3A_250 : i32
    %scan3A_252 = arith.constant 1 : i32
    %scan3A_253 = scf.for %scan3A_429 = %scan3A_249 to %scan3A_251 step %scan3A_252 iter_args(%scan3A_430 = %scan3A_248) -> (i32)  : i32 {
      %broadcast_in_dim3A = arith.constant 1835008 : i32
      %broadcast_in_dim3A_431 = vector.broadcast %broadcast_in_dim3A : i32 to vector<16xi32>
      %mul3A_432 = arith.constant 16 : i32
      %mul3A_433 = arith.muli %scan3A_429, %mul3A_432 : i32
      %swap3A = arith.index_cast %mul3A_433 : i32 to index
      %swap3A_434 = tpu.vector_load %arg10[%swap3A] {strides = array<i32>} : memref<2080xi32, #tpu.memory_space<vmem>>, vector<16xi32>,
      tpu.vector_store %arg10[%swap3A], %broadcast_in_dim3A_431 {strides = array<i32>} : memref<2080xi32, #tpu.memory_space<vmem>>, vector<16xi32>,
      %scan3A_435 = arith.constant 0 : i32
      scf.yield %scan3A_435 : i32
    }
    %scan3A_254 = arith.constant 130 : i32
    %scan3A_255 = arith.constant 0 : i32
    %scan3A_256 = arith.constant 0 : i32
    %scan3A_257 = arith.constant 20 : i32
    %scan3A_258 = arith.addi %scan3A_256, %scan3A_257 : i32
    %scan3A_259 = arith.constant 1 : i32
    %scan3A_260 = scf.for %scan3A_429 = %scan3A_256 to %scan3A_258 step %scan3A_259 iter_args(%scan3A_430 = %scan3A_255) -> (i32)  : i32 {
      %mul3A_431 = arith.constant 20480 : i32
      %mul3A_432 = arith.muli %arg1, %mul3A_431 : i32
      %mul3A_433 = arith.constant 1024 : i32
      %mul3A_434 = arith.muli %scan3A_429, %mul3A_433 : i32
      %add3A_435 = arith.addi %mul3A_432, %mul3A_434 : i32
      "tpu.region"() ({
        %run_scoped3A = tpu.sem_alloc : memref<!tpu.dma_semaphore, #tpu.memory_space<semaphore_mem>>
        %dma_start3A = tpu.memref_slice %arg2[%add3A_435] : memref<327680xi32, #tpu.memory_space<hbm>> -> memref<1024xi32, #tpu.memory_space<hbm>>
        %dma_start3A_448 = tpu.memref_slice %arg2[%add3A_435] : memref<327680xi32, #tpu.memory_space<hbm>> -> memref<1024xi32, #tpu.memory_space<hbm>>
        tpu.enqueue_dma source(%dma_start3A_448 : memref<1024xi32, #tpu.memory_space<hbm>>) target(%arg8 : memref<1024xi32, #tpu.memory_space<vmem>>) target_semaphore(%run_scoped3A : memref<!tpu.dma_semaphore, #tpu.memory_space<semaphore_mem>>)
        %dma_wait3A_449 = tpu.memref_slice %arg2[%add3A_435] : memref<327680xi32, #tpu.memory_space<hbm>> -> memref<1024xi32, #tpu.memory_space<hbm>>
        %dma_wait3A_450 = tpu.memref_slice %arg2[%add3A_435] : memref<327680xi32, #tpu.memory_space<hbm>> -> memref<1024xi32, #tpu.memory_space<hbm>>
        tpu.wait_dma2 semaphore(%run_scoped3A : memref<!tpu.dma_semaphore, #tpu.memory_space<semaphore_mem>>) src(%dma_wait3A_450 : memref<1024xi32, #tpu.memory_space<hbm>>) dst(%arg8 : memref<1024xi32, #tpu.memory_space<vmem>>)
        tpu.yield
      }) : () -> ()
      "tpu.region"() ({
        %run_scoped3A = tpu.sem_alloc : memref<!tpu.dma_semaphore, #tpu.memory_space<semaphore_mem>>
        %dma_start3A = tpu.memref_slice %arg3[%add3A_435] : memref<327680xi32, #tpu.memory_space<hbm>> -> memref<1024xi32, #tpu.memory_space<hbm>>
        %dma_start3A_448 = tpu.memref_slice %arg3[%add3A_435] : memref<327680xi32, #tpu.memory_space<hbm>> -> memref<1024xi32, #tpu.memory_space<hbm>>
        tpu.enqueue_dma source(%dma_start3A_448 : memref<1024xi32, #tpu.memory_space<hbm>>) target(%arg9 : memref<1024xi32, #tpu.memory_space<vmem>>) target_semaphore(%run_scoped3A : memref<!tpu.dma_semaphore, #tpu.memory_space<semaphore_mem>>)
        %dma_wait3A_449 = tpu.memref_slice %arg3[%add3A_435] : memref<327680xi32, #tpu.memory_space<hbm>> -> memref<1024xi32, #tpu.memory_space<hbm>>
        %dma_wait3A_450 = tpu.memref_slice %arg3[%add3A_435] : memref<327680xi32, #tpu.memory_space<hbm>> -> memref<1024xi32, #tpu.memory_space<hbm>>
        tpu.wait_dma2 semaphore(%run_scoped3A : memref<!tpu.dma_semaphore, #tpu.memory_space<semaphore_mem>>) src(%dma_wait3A_450 : memref<1024xi32, #tpu.memory_space<hbm>>) dst(%arg9 : memref<1024xi32, #tpu.memory_space<vmem>>)
        tpu.yield
      }) : () -> ()
      %scan3A_436 = arith.constant 0 : i32
      %scan3A_437 = arith.constant 64 : i32
      %scan3A_438 = arith.addi %scan3A_436, %scan3A_437 : i32
      %scan3A_439 = arith.constant 1 : i32
      %scan3A_440 = scf.for %scan3A_448 = %scan3A_436 to %scan3A_438 step %scan3A_439 iter_args(%scan3A_449 = %scan3A_430) -> (i32)  : i32 {
        %mul3A_450 = arith.constant 16 : i32
        %mul3A_451 = arith.muli %scan3A_448, %mul3A_450 : i32
        %get3A = arith.index_cast %mul3A_451 : i32 to index
        %get3A_452 = tpu.vector_load %arg8[%get3A] {strides = array<i32>} : memref<1024xi32, #tpu.memory_space<vmem>>, vector<16xi32>,
        %get3A_453 = arith.index_cast %mul3A_451 : i32 to index
        %get3A_454 = tpu.vector_load %arg9[%get3A_453] {strides = array<i32>} : memref<1024xi32, #tpu.memory_space<vmem>>, vector<16xi32>,
        %sub3A = vector.broadcast %add3A_213 : i32 to vector<16xi32>
        %sub3A_455 = arith.subi %get3A_452, %sub3A : vector<16xi32>
        %ge3A_456 = arith.constant 0 : i32
        %ge3A_457 = vector.broadcast %ge3A_456 : i32 to vector<16xi32>
        %ge3A_458 = arith.cmpi sge, %sub3A_455, %ge3A_457 : vector<16xi32>
        %lt3A = arith.constant 896 : i32
        %lt3A_459 = vector.broadcast %lt3A : i32 to vector<16xi32>
        %lt3A_460 = arith.cmpi slt, %sub3A_455, %lt3A_459 : vector<16xi32>
        %and3A = arith.andi %ge3A_458, %lt3A_460 : vector<16xi1>
        %mul3A_461 = arith.constant 2048 : i32
        %mul3A_462 = vector.broadcast %mul3A_461 : i32 to vector<16xi32>
        %mul3A_463 = arith.muli %sub3A_455, %mul3A_462 : vector<16xi32>
        %add3A_464 = arith.addi %mul3A_463, %get3A_454 : vector<16xi32>
        %jit3A_465 = arith.constant 1835008 : i32
        %broadcast_in_dim3A = vector.broadcast %jit3A_465 : i32 to vector<16xi32>
        %select_n3A_466 = arith.select %and3A, %add3A_464, %broadcast_in_dim3A : vector<16xi1>, vector<16xi32>
        %sort3A = arith.constant dense<true> : vector<16xi1>
        %sort3A_467, %sort3A_468, %sort3A_469 = tpu.sort %select_n3A_466, %select_n3A_466 masked %sort3A : (vector<16xi32>, vector<16xi32>, vector<16xi1>) -> (vector<16xi1>, vector<16xi32>, vector<16xi32>)
        %swap3A = arith.index_cast %scan3A_449 : i32 to index
        %swap3A_470 = tpu.vector_load %arg10[%swap3A] {strides = array<i32>} : memref<2080xi32, #tpu.memory_space<vmem>>, vector<16xi32>,
        tpu.vector_store %arg10[%swap3A], %sort3A_468 {strides = array<i32>} : memref<2080xi32, #tpu.memory_space<vmem>>, vector<16xi32>,
        %all_reduce_population_count3A = tpu.all_reduce %and3A {dim = 0 : i64, kind = #tpu.reduction_kind<sum>} : vector<16xi1> -> vector<16xi32>
        %reduce_max3A = arith.constant true
        %reduce_max3A_471 = vector.broadcast %reduce_max3A : i1 to vector<16xi1>
        %reduce_max3A_472 = arith.constant -2147483648 : i32
        %reduce_max3A_473 = vector.broadcast %reduce_max3A_472 : i32 to vector<16xi32>
        %reduce_max3A_474 = arith.xori %all_reduce_population_count3A, %reduce_max3A_473 : vector<16xi32>
        %reduce_max3A_475 = tpu.scan <max>, %reduce_max3A_474 masked %reduce_max3A_471 : vector<16xi32>, vector<16xi1> -> vector<16xi32>
        %reduce_max3A_476 = arith.xori %reduce_max3A_475, %reduce_max3A_473 : vector<16xi32>
        %reduce_max3A_477 = vector.extract %reduce_max3A_476[15] : i32 from vector<16xi32>
        %add3A_478 = arith.addi %scan3A_449, %reduce_max3A_477 : i32
        scf.yield %add3A_478 : i32
      }
      %scan3A_441 = arith.constant 64 : i32
      %ge3A = arith.constant 1024 : i32
      %ge3A_442 = arith.cmpi sge, %scan3A_440, %ge3A : i32
      %convert_element_type3A_443 = arith.extui %ge3A_442 : i1 to i32
      %cond3A_444 = arith.constant 0 : i32
      %cond3A_445 = arith.cmpi ne, %convert_element_type3A_443, %cond3A_444 : i32
      scf.if %cond3A_445 {
        "tpu.region"() ({
          %run_scoped3A = tpu.sem_alloc : memref<!tpu.dma_semaphore, #tpu.memory_space<semaphore_mem>>
          %dma_start3A = arith.constant 0 : i32
          %dma_start3A_455 = tpu.memref_slice %arg7[%dma_start3A] : memref<1837056xf32, #tpu.memory_space<vmem_shared>> -> memref<1837056xf32, #tpu.memory_space<vmem_shared>>
          tpu.enqueue_indirect_dma source(%arg11 : memref<2080xf32, #tpu.memory_space<vmem>>) target(%dma_start3A_455 : memref<1837056xf32, #tpu.memory_space<vmem_shared>>) offsets(%arg10 : memref<2080xi32, #tpu.memory_space<vmem>>) semaphore(%run_scoped3A : memref<!tpu.dma_semaphore, #tpu.memory_space<semaphore_mem>>) {add = true}
          %dma_wait3A_456 = arith.constant 0 : i32
          %dma_wait3A_457 = tpu.memref_slice %arg7[%dma_wait3A_456] : memref<1837056xf32, #tpu.memory_space<vmem_shared>> -> memref<1837056xf32, #tpu.memory_space<vmem_shared>>
          tpu.wait_indirect_dma semaphore(%run_scoped3A : memref<!tpu.dma_semaphore, #tpu.memory_space<semaphore_mem>>) src(%arg11 : memref<2080xf32, #tpu.memory_space<vmem>>) dst(%dma_wait3A_457 : memref<1837056xf32, #tpu.memory_space<vmem_shared>>)
          tpu.yield
        }) : () -> ()
        %scan3A_448 = arith.constant 0 : i32
        %scan3A_449 = arith.constant 0 : i32
        %scan3A_450 = arith.constant 130 : i32
        %scan3A_451 = arith.addi %scan3A_449, %scan3A_450 : i32
        %scan3A_452 = arith.constant 1 : i32
        %scan3A_453 = scf.for %scan3A_455 = %scan3A_449 to %scan3A_451 step %scan3A_452 iter_args(%scan3A_456 = %scan3A_448) -> (i32)  : i32 {
          %broadcast_in_dim3A = arith.constant 1835008 : i32
          %broadcast_in_dim3A_457 = vector.broadcast %broadcast_in_dim3A : i32 to vector<16xi32>
          %mul3A_458 = arith.constant 16 : i32
          %mul3A_459 = arith.muli %scan3A_455, %mul3A_458 : i32
          %swap3A = arith.index_cast %mul3A_459 : i32 to index
          %swap3A_460 = tpu.vector_load %arg10[%swap3A] {strides = array<i32>} : memref<2080xi32, #tpu.memory_space<vmem>>, vector<16xi32>,
          tpu.vector_store %arg10[%swap3A], %broadcast_in_dim3A_457 {strides = array<i32>} : memref<2080xi32, #tpu.memory_space<vmem>>, vector<16xi32>,
          %scan3A_461 = arith.constant 0 : i32
          scf.yield %scan3A_461 : i32
        }
        %scan3A_454 = arith.constant 130 : i32
      } else {
      }
      %ge3A_446 = arith.constant 1024 : i32
      %ge3A_447 = arith.cmpi sge, %scan3A_440, %ge3A_446 : i32
      %jit3A = arith.constant 0 : i32
      %select_n3A = arith.select %ge3A_447, %jit3A, %scan3A_440 : i32
      scf.yield %select_n3A : i32
    }
    %scan3A_261 = arith.constant 20 : i32
    %gt3A_262 = arith.constant 0 : i32
    %gt3A_263 = arith.cmpi sgt, %scan3A_260, %gt3A_262 : i32
    %convert_element_type3A_264 = arith.extui %gt3A_263 : i1 to i32
    %cond3A_265 = arith.constant 0 : i32
    %cond3A_266 = arith.cmpi ne, %convert_element_type3A_264, %cond3A_265 : i32
    scf.if %cond3A_266 {
      "tpu.region"() ({
        %run_scoped3A = tpu.sem_alloc : memref<!tpu.dma_semaphore, #tpu.memory_space<semaphore_mem>>
        %dma_start3A = arith.constant 0 : i32
        %dma_start3A_429 = tpu.memref_slice %arg7[%dma_start3A] : memref<1837056xf32, #tpu.memory_space<vmem_shared>> -> memref<1837056xf32, #tpu.memory_space<vmem_shared>>
        tpu.enqueue_indirect_dma source(%arg11 : memref<2080xf32, #tpu.memory_space<vmem>>) target(%dma_start3A_429 : memref<1837056xf32, #tpu.memory_space<vmem_shared>>) offsets(%arg10 : memref<2080xi32, #tpu.memory_space<vmem>>) semaphore(%run_scoped3A : memref<!tpu.dma_semaphore, #tpu.memory_space<semaphore_mem>>) {add = true}
        %dma_wait3A_430 = arith.constant 0 : i32
        %dma_wait3A_431 = tpu.memref_slice %arg7[%dma_wait3A_430] : memref<1837056xf32, #tpu.memory_space<vmem_shared>> -> memref<1837056xf32, #tpu.memory_space<vmem_shared>>
        tpu.wait_indirect_dma semaphore(%run_scoped3A : memref<!tpu.dma_semaphore, #tpu.memory_space<semaphore_mem>>) src(%arg11 : memref<2080xf32, #tpu.memory_space<vmem>>) dst(%dma_wait3A_431 : memref<1837056xf32, #tpu.memory_space<vmem_shared>>)
        tpu.yield
      }) : () -> ()
    } else {
    }
    %barrier3A_267 = arith.constant 0 : index
    tpu.barrier barrier_id(%barrier3A_267)
    %scan3A_268 = arith.constant 0 : i32
    %scan3A_269 = arith.constant 0 : i32
    %scan3A_270 = arith.constant 28 : i32
    %scan3A_271 = arith.addi %scan3A_269, %scan3A_270 : i32
    %scan3A_272 = arith.constant 1 : i32
    %scan3A_273 = scf.for %scan3A_429 = %scan3A_269 to %scan3A_271 step %scan3A_272 iter_args(%scan3A_430 = %scan3A_268) -> (i32)  : i32 {
      %gt3A_431 = arith.constant 0 : i32
      %gt3A_432 = arith.cmpi sgt, %scan3A_429, %gt3A_431 : i32
      %convert_element_type3A_433 = arith.extui %gt3A_432 : i1 to i32
      %cond3A_434 = arith.constant 0 : i32
      %cond3A_435 = arith.cmpi ne, %convert_element_type3A_433, %cond3A_434 : i32
      scf.if %cond3A_435 {
        %mul3A_468 = arith.constant 2 : i32
        %mul3A_469 = arith.muli %mul3A_468, %scan3A_429 : i32
        %sub3A = arith.constant 2 : i32
        %sub3A_470 = arith.subi %mul3A_469, %sub3A : i32
        %mul3A_471 = arith.constant 2048 : i32
        %mul3A_472 = arith.muli %sub3A_470, %mul3A_471 : i32
        %add3A_473 = arith.addi %add3A_222, %mul3A_472 : i32
        %dma_wait3A_474 = tpu.memref_slice %arg6[%add3A_473] : memref<22020096xf32, #tpu.memory_space<hbm>> -> memref<2048xf32, #tpu.memory_space<hbm>>
        %dma_wait3A_475 = tpu.memref_slice %arg6[%add3A_473] : memref<22020096xf32, #tpu.memory_space<hbm>> -> memref<2048xf32, #tpu.memory_space<hbm>>
        tpu.wait_dma2 semaphore(%arg16 : memref<!tpu.dma_semaphore, #tpu.memory_space<semaphore_mem>>) src(%arg13 : memref<2048xf32, #tpu.memory_space<vmem>>) dst(%dma_wait3A_475 : memref<2048xf32, #tpu.memory_space<hbm>>)
        %mul3A_476 = arith.constant 2 : i32
        %mul3A_477 = arith.muli %mul3A_476, %scan3A_429 : i32
        %sub3A_478 = arith.constant 1 : i32
        %sub3A_479 = arith.subi %mul3A_477, %sub3A_478 : i32
        %mul3A_480 = arith.constant 2048 : i32
        %mul3A_481 = arith.muli %sub3A_479, %mul3A_480 : i32
        %add3A_482 = arith.addi %add3A_222, %mul3A_481 : i32
        %dma_wait3A_483 = tpu.memref_slice %arg6[%add3A_482] : memref<22020096xf32, #tpu.memory_space<hbm>> -> memref<2048xf32, #tpu.memory_space<hbm>>
        %dma_wait3A_484 = tpu.memref_slice %arg6[%add3A_482] : memref<22020096xf32, #tpu.memory_space<hbm>> -> memref<2048xf32, #tpu.memory_space<hbm>>
        tpu.wait_dma2 semaphore(%arg16 : memref<!tpu.dma_semaphore, #tpu.memory_space<semaphore_mem>>) src(%arg14 : memref<2048xf32, #tpu.memory_space<vmem>>) dst(%dma_wait3A_484 : memref<2048xf32, #tpu.memory_space<hbm>>)
      } else {
      }
      %mul3A_436 = arith.constant 2 : i32
      %mul3A_437 = arith.muli %mul3A_436, %scan3A_429 : i32
      %mul3A_438 = arith.constant 114688 : i32
      %mul3A_439 = arith.muli %arg1, %mul3A_438 : i32
      %mul3A_440 = arith.constant 2048 : i32
      %mul3A_441 = arith.muli %mul3A_437, %mul3A_440 : i32
      %add3A_442 = arith.addi %mul3A_439, %mul3A_441 : i32
      "tpu.region"() ({
        %run_scoped3A = tpu.sem_alloc : memref<!tpu.dma_semaphore, #tpu.memory_space<semaphore_mem>>
        %dma_start3A_468 = tpu.memref_slice %arg7[%add3A_442] : memref<1837056xf32, #tpu.memory_space<vmem_shared>> -> memref<2048xf32, #tpu.memory_space<vmem_shared>>
        %dma_start3A_469 = tpu.memref_slice %arg7[%add3A_442] : memref<1837056xf32, #tpu.memory_space<vmem_shared>> -> memref<2048xf32, #tpu.memory_space<vmem_shared>>
        tpu.enqueue_dma source(%dma_start3A_469 : memref<2048xf32, #tpu.memory_space<vmem_shared>>) target(%arg13 : memref<2048xf32, #tpu.memory_space<vmem>>) target_semaphore(%run_scoped3A : memref<!tpu.dma_semaphore, #tpu.memory_space<semaphore_mem>>)
        %dma_wait3A_470 = tpu.memref_slice %arg7[%add3A_442] : memref<1837056xf32, #tpu.memory_space<vmem_shared>> -> memref<2048xf32, #tpu.memory_space<vmem_shared>>
        %dma_wait3A_471 = tpu.memref_slice %arg7[%add3A_442] : memref<1837056xf32, #tpu.memory_space<vmem_shared>> -> memref<2048xf32, #tpu.memory_space<vmem_shared>>
        tpu.wait_dma2 semaphore(%run_scoped3A : memref<!tpu.dma_semaphore, #tpu.memory_space<semaphore_mem>>) src(%dma_wait3A_471 : memref<2048xf32, #tpu.memory_space<vmem_shared>>) dst(%arg13 : memref<2048xf32, #tpu.memory_space<vmem>>)
        tpu.yield
      }) : () -> ()
      %mul3A_443 = arith.constant 2 : i32
      %mul3A_444 = arith.muli %mul3A_443, %scan3A_429 : i32
      %mul3A_445 = arith.constant 2048 : i32
      %mul3A_446 = arith.muli %mul3A_444, %mul3A_445 : i32
      %add3A_447 = arith.addi %add3A_222, %mul3A_446 : i32
      %dma_start3A = tpu.memref_slice %arg6[%add3A_447] : memref<22020096xf32, #tpu.memory_space<hbm>> -> memref<2048xf32, #tpu.memory_space<hbm>>
      %dma_start3A_448 = tpu.memref_slice %arg6[%add3A_447] : memref<22020096xf32, #tpu.memory_space<hbm>> -> memref<2048xf32, #tpu.memory_space<hbm>>
      tpu.enqueue_dma source(%arg13 : memref<2048xf32, #tpu.memory_space<vmem>>) target(%dma_start3A_448 : memref<2048xf32, #tpu.memory_space<hbm>>) target_semaphore(%arg16 : memref<!tpu.dma_semaphore, #tpu.memory_space<semaphore_mem>>)
      %mul3A_449 = arith.constant 2 : i32
      %mul3A_450 = arith.muli %mul3A_449, %scan3A_429 : i32
      %add3A_451 = arith.constant 1 : i32
      %add3A_452 = arith.addi %mul3A_450, %add3A_451 : i32
      %mul3A_453 = arith.constant 114688 : i32
      %mul3A_454 = arith.muli %arg1, %mul3A_453 : i32
      %mul3A_455 = arith.constant 2048 : i32
      %mul3A_456 = arith.muli %add3A_452, %mul3A_455 : i32
      %add3A_457 = arith.addi %mul3A_454, %mul3A_456 : i32
      "tpu.region"() ({
        %run_scoped3A = tpu.sem_alloc : memref<!tpu.dma_semaphore, #tpu.memory_space<semaphore_mem>>
        %dma_start3A_468 = tpu.memref_slice %arg7[%add3A_457] : memref<1837056xf32, #tpu.memory_space<vmem_shared>> -> memref<2048xf32, #tpu.memory_space<vmem_shared>>
        %dma_start3A_469 = tpu.memref_slice %arg7[%add3A_457] : memref<1837056xf32, #tpu.memory_space<vmem_shared>> -> memref<2048xf32, #tpu.memory_space<vmem_shared>>
        tpu.enqueue_dma source(%dma_start3A_469 : memref<2048xf32, #tpu.memory_space<vmem_shared>>) target(%arg14 : memref<2048xf32, #tpu.memory_space<vmem>>) target_semaphore(%run_scoped3A : memref<!tpu.dma_semaphore, #tpu.memory_space<semaphore_mem>>)
        %dma_wait3A_470 = tpu.memref_slice %arg7[%add3A_457] : memref<1837056xf32, #tpu.memory_space<vmem_shared>> -> memref<2048xf32, #tpu.memory_space<vmem_shared>>
        %dma_wait3A_471 = tpu.memref_slice %arg7[%add3A_457] : memref<1837056xf32, #tpu.memory_space<vmem_shared>> -> memref<2048xf32, #tpu.memory_space<vmem_shared>>
        tpu.wait_dma2 semaphore(%run_scoped3A : memref<!tpu.dma_semaphore, #tpu.memory_space<semaphore_mem>>) src(%dma_wait3A_471 : memref<2048xf32, #tpu.memory_space<vmem_shared>>) dst(%arg14 : memref<2048xf32, #tpu.memory_space<vmem>>)
        tpu.yield
      }) : () -> ()
      %mul3A_458 = arith.constant 2 : i32
      %mul3A_459 = arith.muli %mul3A_458, %scan3A_429 : i32
      %add3A_460 = arith.constant 1 : i32
      %add3A_461 = arith.addi %mul3A_459, %add3A_460 : i32
      %mul3A_462 = arith.constant 2048 : i32
      %mul3A_463 = arith.muli %add3A_461, %mul3A_462 : i32
      %add3A_464 = arith.addi %add3A_222, %mul3A_463 : i32
      %dma_start3A_465 = tpu.memref_slice %arg6[%add3A_464] : memref<22020096xf32, #tpu.memory_space<hbm>> -> memref<2048xf32, #tpu.memory_space<hbm>>
      %dma_start3A_466 = tpu.memref_slice %arg6[%add3A_464] : memref<22020096xf32, #tpu.memory_space<hbm>> -> memref<2048xf32, #tpu.memory_space<hbm>>
      tpu.enqueue_dma source(%arg14 : memref<2048xf32, #tpu.memory_space<vmem>>) target(%dma_start3A_466 : memref<2048xf32, #tpu.memory_space<hbm>>) target_semaphore(%arg16 : memref<!tpu.dma_semaphore, #tpu.memory_space<semaphore_mem>>)
      %scan3A_467 = arith.constant 0 : i32
      scf.yield %scan3A_467 : i32
    }
    %scan3A_274 = arith.constant 28 : i32
    %add3A_275 = arith.constant 110592 : i32
    %add3A_276 = arith.addi %add3A_222, %add3A_275 : i32
    %dma_wait3A_277 = tpu.memref_slice %arg6[%add3A_276] : memref<22020096xf32, #tpu.memory_space<hbm>> -> memref<2048xf32, #tpu.memory_space<hbm>>
    %dma_wait3A_278 = tpu.memref_slice %arg6[%add3A_276] : memref<22020096xf32, #tpu.memory_space<hbm>> -> memref<2048xf32, #tpu.memory_space<hbm>>
    tpu.wait_dma2 semaphore(%arg16 : memref<!tpu.dma_semaphore, #tpu.memory_space<semaphore_mem>>) src(%arg13 : memref<2048xf32, #tpu.memory_space<vmem>>) dst(%dma_wait3A_278 : memref<2048xf32, #tpu.memory_space<hbm>>)
    %add3A_279 = arith.constant 112640 : i32
    %add3A_280 = arith.addi %add3A_222, %add3A_279 : i32
    %dma_wait3A_281 = tpu.memref_slice %arg6[%add3A_280] : memref<22020096xf32, #tpu.memory_space<hbm>> -> memref<2048xf32, #tpu.memory_space<hbm>>
    %dma_wait3A_282 = tpu.memref_slice %arg6[%add3A_280] : memref<22020096xf32, #tpu.memory_space<hbm>> -> memref<2048xf32, #tpu.memory_space<hbm>>
    tpu.wait_dma2 semaphore(%arg16 : memref<!tpu.dma_semaphore, #tpu.memory_space<semaphore_mem>>) src(%arg14 : memref<2048xf32, #tpu.memory_space<vmem>>) dst(%dma_wait3A_282 : memref<2048xf32, #tpu.memory_space<hbm>>)
    %mul3A_283 = arith.constant 896 : i32
    %mul3A_284 = arith.muli %arg0, %mul3A_283 : i32
    %add3A_285 = arith.constant 7168 : i32
    %add3A_286 = arith.addi %add3A_285, %mul3A_284 : i32
    %mul3A_287 = arith.constant 896 : i32
    %mul3A_288 = arith.muli %arg0, %mul3A_287 : i32
    %add3A_289 = arith.constant 7168 : i32
    %add3A_290 = arith.addi %add3A_289, %mul3A_288 : i32
    %mul3A_291 = arith.constant 2048 : i32
    %mul3A_292 = arith.muli %add3A_290, %mul3A_291 : i32
    %mul3A_293 = arith.constant 114688 : i32
    %mul3A_294 = arith.muli %arg1, %mul3A_293 : i32
    %add3A_295 = arith.addi %mul3A_292, %mul3A_294 : i32
    %scan3A_296 = arith.constant 0 : i32
    %scan3A_297 = arith.constant 0 : i32
    %scan3A_298 = arith.constant 56 : i32
    %scan3A_299 = arith.addi %scan3A_297, %scan3A_298 : i32
    %scan3A_300 = arith.constant 1 : i32
    %scan3A_301 = scf.for %scan3A_429 = %scan3A_297 to %scan3A_299 step %scan3A_300 iter_args(%scan3A_430 = %scan3A_296) -> (i32)  : i32 {
      %mul3A_431 = arith.constant 114688 : i32
      %mul3A_432 = arith.muli %arg1, %mul3A_431 : i32
      %mul3A_433 = arith.constant 2048 : i32
      %mul3A_434 = arith.muli %scan3A_429, %mul3A_433 : i32
      %add3A_435 = arith.addi %mul3A_432, %mul3A_434 : i32
      %dma_start3A = tpu.memref_slice %arg7[%add3A_435] : memref<1837056xf32, #tpu.memory_space<vmem_shared>> -> memref<2048xf32, #tpu.memory_space<vmem_shared>>
      %dma_start3A_436 = tpu.memref_slice %arg7[%add3A_435] : memref<1837056xf32, #tpu.memory_space<vmem_shared>> -> memref<2048xf32, #tpu.memory_space<vmem_shared>>
      tpu.enqueue_dma source(%arg12 : memref<2048xf32, #tpu.memory_space<vmem>>) target(%dma_start3A_436 : memref<2048xf32, #tpu.memory_space<vmem_shared>>) target_semaphore(%arg15 : memref<!tpu.dma_semaphore, #tpu.memory_space<semaphore_mem>>)
      %scan3A_437 = arith.constant 0 : i32
      scf.yield %scan3A_437 : i32
    }
    %scan3A_302 = arith.constant 56 : i32
    %eq3A_303 = arith.constant 0 : i32
    %eq3A_304 = arith.cmpi eq, %arg1, %eq3A_303 : i32
    %convert_element_type3A_305 = arith.extui %eq3A_304 : i1 to i32
    %cond3A_306 = arith.constant 0 : i32
    %cond3A_307 = arith.cmpi ne, %convert_element_type3A_305, %cond3A_306 : i32
    scf.if %cond3A_307 {
      %dma_start3A = arith.constant 1835008 : i32
      %dma_start3A_429 = tpu.memref_slice %arg7[%dma_start3A] : memref<1837056xf32, #tpu.memory_space<vmem_shared>> -> memref<2048xf32, #tpu.memory_space<vmem_shared>>
      %dma_start3A_430 = arith.constant 1835008 : i32
      %dma_start3A_431 = tpu.memref_slice %arg7[%dma_start3A_430] : memref<1837056xf32, #tpu.memory_space<vmem_shared>> -> memref<2048xf32, #tpu.memory_space<vmem_shared>>
      tpu.enqueue_dma source(%arg12 : memref<2048xf32, #tpu.memory_space<vmem>>) target(%dma_start3A_431 : memref<2048xf32, #tpu.memory_space<vmem_shared>>) target_semaphore(%arg15 : memref<!tpu.dma_semaphore, #tpu.memory_space<semaphore_mem>>)
    } else {
    }
    %scan3A_308 = arith.constant 0 : i32
    %scan3A_309 = arith.constant 0 : i32
    %scan3A_310 = arith.constant 56 : i32
    %scan3A_311 = arith.addi %scan3A_309, %scan3A_310 : i32
    %scan3A_312 = arith.constant 1 : i32
    %scan3A_313 = scf.for %scan3A_429 = %scan3A_309 to %scan3A_311 step %scan3A_312 iter_args(%scan3A_430 = %scan3A_308) -> (i32)  : i32 {
      %mul3A_431 = arith.constant 114688 : i32
      %mul3A_432 = arith.muli %arg1, %mul3A_431 : i32
      %mul3A_433 = arith.constant 2048 : i32
      %mul3A_434 = arith.muli %scan3A_429, %mul3A_433 : i32
      %add3A_435 = arith.addi %mul3A_432, %mul3A_434 : i32
      %dma_wait3A_436 = tpu.memref_slice %arg7[%add3A_435] : memref<1837056xf32, #tpu.memory_space<vmem_shared>> -> memref<2048xf32, #tpu.memory_space<vmem_shared>>
      %dma_wait3A_437 = tpu.memref_slice %arg7[%add3A_435] : memref<1837056xf32, #tpu.memory_space<vmem_shared>> -> memref<2048xf32, #tpu.memory_space<vmem_shared>>
      tpu.wait_dma2 semaphore(%arg15 : memref<!tpu.dma_semaphore, #tpu.memory_space<semaphore_mem>>) src(%arg12 : memref<2048xf32, #tpu.memory_space<vmem>>) dst(%dma_wait3A_437 : memref<2048xf32, #tpu.memory_space<vmem_shared>>)
      %scan3A_438 = arith.constant 0 : i32
      scf.yield %scan3A_438 : i32
    }
    %scan3A_314 = arith.constant 56 : i32
    %eq3A_315 = arith.constant 0 : i32
    %eq3A_316 = arith.cmpi eq, %arg1, %eq3A_315 : i32
    %convert_element_type3A_317 = arith.extui %eq3A_316 : i1 to i32
    %cond3A_318 = arith.constant 0 : i32
    %cond3A_319 = arith.cmpi ne, %convert_element_type3A_317, %cond3A_318 : i32
    scf.if %cond3A_319 {
      %dma_wait3A_429 = arith.constant 1835008 : i32
      %dma_wait3A_430 = tpu.memref_slice %arg7[%dma_wait3A_429] : memref<1837056xf32, #tpu.memory_space<vmem_shared>> -> memref<2048xf32, #tpu.memory_space<vmem_shared>>
      %dma_wait3A_431 = arith.constant 1835008 : i32
      %dma_wait3A_432 = tpu.memref_slice %arg7[%dma_wait3A_431] : memref<1837056xf32, #tpu.memory_space<vmem_shared>> -> memref<2048xf32, #tpu.memory_space<vmem_shared>>
      tpu.wait_dma2 semaphore(%arg15 : memref<!tpu.dma_semaphore, #tpu.memory_space<semaphore_mem>>) src(%arg12 : memref<2048xf32, #tpu.memory_space<vmem>>) dst(%dma_wait3A_432 : memref<2048xf32, #tpu.memory_space<vmem_shared>>)
    } else {
    }
    %barrier3A_320 = arith.constant 0 : index
    tpu.barrier barrier_id(%barrier3A_320)
    %scan3A_321 = arith.constant 0 : i32
    %scan3A_322 = arith.constant 0 : i32
    %scan3A_323 = arith.constant 130 : i32
    %scan3A_324 = arith.addi %scan3A_322, %scan3A_323 : i32
    %scan3A_325 = arith.constant 1 : i32
    %scan3A_326 = scf.for %scan3A_429 = %scan3A_322 to %scan3A_324 step %scan3A_325 iter_args(%scan3A_430 = %scan3A_321) -> (i32)  : i32 {
      %broadcast_in_dim3A = arith.constant 1835008 : i32
      %broadcast_in_dim3A_431 = vector.broadcast %broadcast_in_dim3A : i32 to vector<16xi32>
      %mul3A_432 = arith.constant 16 : i32
      %mul3A_433 = arith.muli %scan3A_429, %mul3A_432 : i32
      %swap3A = arith.index_cast %mul3A_433 : i32 to index
      %swap3A_434 = tpu.vector_load %arg10[%swap3A] {strides = array<i32>} : memref<2080xi32, #tpu.memory_space<vmem>>, vector<16xi32>,
      tpu.vector_store %arg10[%swap3A], %broadcast_in_dim3A_431 {strides = array<i32>} : memref<2080xi32, #tpu.memory_space<vmem>>, vector<16xi32>,
      %scan3A_435 = arith.constant 0 : i32
      scf.yield %scan3A_435 : i32
    }
    %scan3A_327 = arith.constant 130 : i32
    %scan3A_328 = arith.constant 0 : i32
    %scan3A_329 = arith.constant 0 : i32
    %scan3A_330 = arith.constant 20 : i32
    %scan3A_331 = arith.addi %scan3A_329, %scan3A_330 : i32
    %scan3A_332 = arith.constant 1 : i32
    %scan3A_333 = scf.for %scan3A_429 = %scan3A_329 to %scan3A_331 step %scan3A_332 iter_args(%scan3A_430 = %scan3A_328) -> (i32)  : i32 {
      %mul3A_431 = arith.constant 20480 : i32
      %mul3A_432 = arith.muli %arg1, %mul3A_431 : i32
      %mul3A_433 = arith.constant 1024 : i32
      %mul3A_434 = arith.muli %scan3A_429, %mul3A_433 : i32
      %add3A_435 = arith.addi %mul3A_432, %mul3A_434 : i32
      "tpu.region"() ({
        %run_scoped3A = tpu.sem_alloc : memref<!tpu.dma_semaphore, #tpu.memory_space<semaphore_mem>>
        %dma_start3A = tpu.memref_slice %arg2[%add3A_435] : memref<327680xi32, #tpu.memory_space<hbm>> -> memref<1024xi32, #tpu.memory_space<hbm>>
        %dma_start3A_448 = tpu.memref_slice %arg2[%add3A_435] : memref<327680xi32, #tpu.memory_space<hbm>> -> memref<1024xi32, #tpu.memory_space<hbm>>
        tpu.enqueue_dma source(%dma_start3A_448 : memref<1024xi32, #tpu.memory_space<hbm>>) target(%arg8 : memref<1024xi32, #tpu.memory_space<vmem>>) target_semaphore(%run_scoped3A : memref<!tpu.dma_semaphore, #tpu.memory_space<semaphore_mem>>)
        %dma_wait3A_449 = tpu.memref_slice %arg2[%add3A_435] : memref<327680xi32, #tpu.memory_space<hbm>> -> memref<1024xi32, #tpu.memory_space<hbm>>
        %dma_wait3A_450 = tpu.memref_slice %arg2[%add3A_435] : memref<327680xi32, #tpu.memory_space<hbm>> -> memref<1024xi32, #tpu.memory_space<hbm>>
        tpu.wait_dma2 semaphore(%run_scoped3A : memref<!tpu.dma_semaphore, #tpu.memory_space<semaphore_mem>>) src(%dma_wait3A_450 : memref<1024xi32, #tpu.memory_space<hbm>>) dst(%arg8 : memref<1024xi32, #tpu.memory_space<vmem>>)
        tpu.yield
      }) : () -> ()
      "tpu.region"() ({
        %run_scoped3A = tpu.sem_alloc : memref<!tpu.dma_semaphore, #tpu.memory_space<semaphore_mem>>
        %dma_start3A = tpu.memref_slice %arg3[%add3A_435] : memref<327680xi32, #tpu.memory_space<hbm>> -> memref<1024xi32, #tpu.memory_space<hbm>>
        %dma_start3A_448 = tpu.memref_slice %arg3[%add3A_435] : memref<327680xi32, #tpu.memory_space<hbm>> -> memref<1024xi32, #tpu.memory_space<hbm>>
        tpu.enqueue_dma source(%dma_start3A_448 : memref<1024xi32, #tpu.memory_space<hbm>>) target(%arg9 : memref<1024xi32, #tpu.memory_space<vmem>>) target_semaphore(%run_scoped3A : memref<!tpu.dma_semaphore, #tpu.memory_space<semaphore_mem>>)
        %dma_wait3A_449 = tpu.memref_slice %arg3[%add3A_435] : memref<327680xi32, #tpu.memory_space<hbm>> -> memref<1024xi32, #tpu.memory_space<hbm>>
        %dma_wait3A_450 = tpu.memref_slice %arg3[%add3A_435] : memref<327680xi32, #tpu.memory_space<hbm>> -> memref<1024xi32, #tpu.memory_space<hbm>>
        tpu.wait_dma2 semaphore(%run_scoped3A : memref<!tpu.dma_semaphore, #tpu.memory_space<semaphore_mem>>) src(%dma_wait3A_450 : memref<1024xi32, #tpu.memory_space<hbm>>) dst(%arg9 : memref<1024xi32, #tpu.memory_space<vmem>>)
        tpu.yield
      }) : () -> ()
      %scan3A_436 = arith.constant 0 : i32
      %scan3A_437 = arith.constant 64 : i32
      %scan3A_438 = arith.addi %scan3A_436, %scan3A_437 : i32
      %scan3A_439 = arith.constant 1 : i32
      %scan3A_440 = scf.for %scan3A_448 = %scan3A_436 to %scan3A_438 step %scan3A_439 iter_args(%scan3A_449 = %scan3A_430) -> (i32)  : i32 {
        %mul3A_450 = arith.constant 16 : i32
        %mul3A_451 = arith.muli %scan3A_448, %mul3A_450 : i32
        %get3A = arith.index_cast %mul3A_451 : i32 to index
        %get3A_452 = tpu.vector_load %arg8[%get3A] {strides = array<i32>} : memref<1024xi32, #tpu.memory_space<vmem>>, vector<16xi32>,
        %get3A_453 = arith.index_cast %mul3A_451 : i32 to index
        %get3A_454 = tpu.vector_load %arg9[%get3A_453] {strides = array<i32>} : memref<1024xi32, #tpu.memory_space<vmem>>, vector<16xi32>,
        %sub3A = vector.broadcast %add3A_286 : i32 to vector<16xi32>
        %sub3A_455 = arith.subi %get3A_452, %sub3A : vector<16xi32>
        %ge3A_456 = arith.constant 0 : i32
        %ge3A_457 = vector.broadcast %ge3A_456 : i32 to vector<16xi32>
        %ge3A_458 = arith.cmpi sge, %sub3A_455, %ge3A_457 : vector<16xi32>
        %lt3A = arith.constant 896 : i32
        %lt3A_459 = vector.broadcast %lt3A : i32 to vector<16xi32>
        %lt3A_460 = arith.cmpi slt, %sub3A_455, %lt3A_459 : vector<16xi32>
        %and3A = arith.andi %ge3A_458, %lt3A_460 : vector<16xi1>
        %mul3A_461 = arith.constant 2048 : i32
        %mul3A_462 = vector.broadcast %mul3A_461 : i32 to vector<16xi32>
        %mul3A_463 = arith.muli %sub3A_455, %mul3A_462 : vector<16xi32>
        %add3A_464 = arith.addi %mul3A_463, %get3A_454 : vector<16xi32>
        %jit3A_465 = arith.constant 1835008 : i32
        %broadcast_in_dim3A = vector.broadcast %jit3A_465 : i32 to vector<16xi32>
        %select_n3A_466 = arith.select %and3A, %add3A_464, %broadcast_in_dim3A : vector<16xi1>, vector<16xi32>
        %sort3A = arith.constant dense<true> : vector<16xi1>
        %sort3A_467, %sort3A_468, %sort3A_469 = tpu.sort %select_n3A_466, %select_n3A_466 masked %sort3A : (vector<16xi32>, vector<16xi32>, vector<16xi1>) -> (vector<16xi1>, vector<16xi32>, vector<16xi32>)
        %swap3A = arith.index_cast %scan3A_449 : i32 to index
        %swap3A_470 = tpu.vector_load %arg10[%swap3A] {strides = array<i32>} : memref<2080xi32, #tpu.memory_space<vmem>>, vector<16xi32>,
        tpu.vector_store %arg10[%swap3A], %sort3A_468 {strides = array<i32>} : memref<2080xi32, #tpu.memory_space<vmem>>, vector<16xi32>,
        %all_reduce_population_count3A = tpu.all_reduce %and3A {dim = 0 : i64, kind = #tpu.reduction_kind<sum>} : vector<16xi1> -> vector<16xi32>
        %reduce_max3A = arith.constant true
        %reduce_max3A_471 = vector.broadcast %reduce_max3A : i1 to vector<16xi1>
        %reduce_max3A_472 = arith.constant -2147483648 : i32
        %reduce_max3A_473 = vector.broadcast %reduce_max3A_472 : i32 to vector<16xi32>
        %reduce_max3A_474 = arith.xori %all_reduce_population_count3A, %reduce_max3A_473 : vector<16xi32>
        %reduce_max3A_475 = tpu.scan <max>, %reduce_max3A_474 masked %reduce_max3A_471 : vector<16xi32>, vector<16xi1> -> vector<16xi32>
        %reduce_max3A_476 = arith.xori %reduce_max3A_475, %reduce_max3A_473 : vector<16xi32>
        %reduce_max3A_477 = vector.extract %reduce_max3A_476[15] : i32 from vector<16xi32>
        %add3A_478 = arith.addi %scan3A_449, %reduce_max3A_477 : i32
        scf.yield %add3A_478 : i32
      }
      %scan3A_441 = arith.constant 64 : i32
      %ge3A = arith.constant 1024 : i32
      %ge3A_442 = arith.cmpi sge, %scan3A_440, %ge3A : i32
      %convert_element_type3A_443 = arith.extui %ge3A_442 : i1 to i32
      %cond3A_444 = arith.constant 0 : i32
      %cond3A_445 = arith.cmpi ne, %convert_element_type3A_443, %cond3A_444 : i32
      scf.if %cond3A_445 {
        "tpu.region"() ({
          %run_scoped3A = tpu.sem_alloc : memref<!tpu.dma_semaphore, #tpu.memory_space<semaphore_mem>>
          %dma_start3A = arith.constant 0 : i32
          %dma_start3A_455 = tpu.memref_slice %arg7[%dma_start3A] : memref<1837056xf32, #tpu.memory_space<vmem_shared>> -> memref<1837056xf32, #tpu.memory_space<vmem_shared>>
          tpu.enqueue_indirect_dma source(%arg11 : memref<2080xf32, #tpu.memory_space<vmem>>) target(%dma_start3A_455 : memref<1837056xf32, #tpu.memory_space<vmem_shared>>) offsets(%arg10 : memref<2080xi32, #tpu.memory_space<vmem>>) semaphore(%run_scoped3A : memref<!tpu.dma_semaphore, #tpu.memory_space<semaphore_mem>>) {add = true}
          %dma_wait3A_456 = arith.constant 0 : i32
          %dma_wait3A_457 = tpu.memref_slice %arg7[%dma_wait3A_456] : memref<1837056xf32, #tpu.memory_space<vmem_shared>> -> memref<1837056xf32, #tpu.memory_space<vmem_shared>>
          tpu.wait_indirect_dma semaphore(%run_scoped3A : memref<!tpu.dma_semaphore, #tpu.memory_space<semaphore_mem>>) src(%arg11 : memref<2080xf32, #tpu.memory_space<vmem>>) dst(%dma_wait3A_457 : memref<1837056xf32, #tpu.memory_space<vmem_shared>>)
          tpu.yield
        }) : () -> ()
        %scan3A_448 = arith.constant 0 : i32
        %scan3A_449 = arith.constant 0 : i32
        %scan3A_450 = arith.constant 130 : i32
        %scan3A_451 = arith.addi %scan3A_449, %scan3A_450 : i32
        %scan3A_452 = arith.constant 1 : i32
        %scan3A_453 = scf.for %scan3A_455 = %scan3A_449 to %scan3A_451 step %scan3A_452 iter_args(%scan3A_456 = %scan3A_448) -> (i32)  : i32 {
          %broadcast_in_dim3A = arith.constant 1835008 : i32
          %broadcast_in_dim3A_457 = vector.broadcast %broadcast_in_dim3A : i32 to vector<16xi32>
          %mul3A_458 = arith.constant 16 : i32
          %mul3A_459 = arith.muli %scan3A_455, %mul3A_458 : i32
          %swap3A = arith.index_cast %mul3A_459 : i32 to index
          %swap3A_460 = tpu.vector_load %arg10[%swap3A] {strides = array<i32>} : memref<2080xi32, #tpu.memory_space<vmem>>, vector<16xi32>,
          tpu.vector_store %arg10[%swap3A], %broadcast_in_dim3A_457 {strides = array<i32>} : memref<2080xi32, #tpu.memory_space<vmem>>, vector<16xi32>,
          %scan3A_461 = arith.constant 0 : i32
          scf.yield %scan3A_461 : i32
        }
        %scan3A_454 = arith.constant 130 : i32
      } else {
      }
      %ge3A_446 = arith.constant 1024 : i32
      %ge3A_447 = arith.cmpi sge, %scan3A_440, %ge3A_446 : i32
      %jit3A = arith.constant 0 : i32
      %select_n3A = arith.select %ge3A_447, %jit3A, %scan3A_440 : i32
      scf.yield %select_n3A : i32
    }
    %scan3A_334 = arith.constant 20 : i32
    %gt3A_335 = arith.constant 0 : i32
    %gt3A_336 = arith.cmpi sgt, %scan3A_333, %gt3A_335 : i32
    %convert_element_type3A_337 = arith.extui %gt3A_336 : i1 to i32
    %cond3A_338 = arith.constant 0 : i32
    %cond3A_339 = arith.cmpi ne, %convert_element_type3A_337, %cond3A_338 : i32
    scf.if %cond3A_339 {
      "tpu.region"() ({
        %run_scoped3A = tpu.sem_alloc : memref<!tpu.dma_semaphore, #tpu.memory_space<semaphore_mem>>
        %dma_start3A = arith.constant 0 : i32
        %dma_start3A_429 = tpu.memref_slice %arg7[%dma_start3A] : memref<1837056xf32, #tpu.memory_space<vmem_shared>> -> memref<1837056xf32, #tpu.memory_space<vmem_shared>>
        tpu.enqueue_indirect_dma source(%arg11 : memref<2080xf32, #tpu.memory_space<vmem>>) target(%dma_start3A_429 : memref<1837056xf32, #tpu.memory_space<vmem_shared>>) offsets(%arg10 : memref<2080xi32, #tpu.memory_space<vmem>>) semaphore(%run_scoped3A : memref<!tpu.dma_semaphore, #tpu.memory_space<semaphore_mem>>) {add = true}
        %dma_wait3A_430 = arith.constant 0 : i32
        %dma_wait3A_431 = tpu.memref_slice %arg7[%dma_wait3A_430] : memref<1837056xf32, #tpu.memory_space<vmem_shared>> -> memref<1837056xf32, #tpu.memory_space<vmem_shared>>
        tpu.wait_indirect_dma semaphore(%run_scoped3A : memref<!tpu.dma_semaphore, #tpu.memory_space<semaphore_mem>>) src(%arg11 : memref<2080xf32, #tpu.memory_space<vmem>>) dst(%dma_wait3A_431 : memref<1837056xf32, #tpu.memory_space<vmem_shared>>)
        tpu.yield
      }) : () -> ()
    } else {
    }
    %barrier3A_340 = arith.constant 0 : index
    tpu.barrier barrier_id(%barrier3A_340)
    %scan3A_341 = arith.constant 0 : i32
    %scan3A_342 = arith.constant 0 : i32
    %scan3A_343 = arith.constant 28 : i32
    %scan3A_344 = arith.addi %scan3A_342, %scan3A_343 : i32
    %scan3A_345 = arith.constant 1 : i32
    %scan3A_346 = scf.for %scan3A_429 = %scan3A_342 to %scan3A_344 step %scan3A_345 iter_args(%scan3A_430 = %scan3A_341) -> (i32)  : i32 {
      %gt3A_431 = arith.constant 0 : i32
      %gt3A_432 = arith.cmpi sgt, %scan3A_429, %gt3A_431 : i32
      %convert_element_type3A_433 = arith.extui %gt3A_432 : i1 to i32
      %cond3A_434 = arith.constant 0 : i32
      %cond3A_435 = arith.cmpi ne, %convert_element_type3A_433, %cond3A_434 : i32
      scf.if %cond3A_435 {
        %mul3A_468 = arith.constant 2 : i32
        %mul3A_469 = arith.muli %mul3A_468, %scan3A_429 : i32
        %sub3A = arith.constant 2 : i32
        %sub3A_470 = arith.subi %mul3A_469, %sub3A : i32
        %mul3A_471 = arith.constant 2048 : i32
        %mul3A_472 = arith.muli %sub3A_470, %mul3A_471 : i32
        %add3A_473 = arith.addi %add3A_295, %mul3A_472 : i32
        %dma_wait3A_474 = tpu.memref_slice %arg6[%add3A_473] : memref<22020096xf32, #tpu.memory_space<hbm>> -> memref<2048xf32, #tpu.memory_space<hbm>>
        %dma_wait3A_475 = tpu.memref_slice %arg6[%add3A_473] : memref<22020096xf32, #tpu.memory_space<hbm>> -> memref<2048xf32, #tpu.memory_space<hbm>>
        tpu.wait_dma2 semaphore(%arg16 : memref<!tpu.dma_semaphore, #tpu.memory_space<semaphore_mem>>) src(%arg13 : memref<2048xf32, #tpu.memory_space<vmem>>) dst(%dma_wait3A_475 : memref<2048xf32, #tpu.memory_space<hbm>>)
        %mul3A_476 = arith.constant 2 : i32
        %mul3A_477 = arith.muli %mul3A_476, %scan3A_429 : i32
        %sub3A_478 = arith.constant 1 : i32
        %sub3A_479 = arith.subi %mul3A_477, %sub3A_478 : i32
        %mul3A_480 = arith.constant 2048 : i32
        %mul3A_481 = arith.muli %sub3A_479, %mul3A_480 : i32
        %add3A_482 = arith.addi %add3A_295, %mul3A_481 : i32
        %dma_wait3A_483 = tpu.memref_slice %arg6[%add3A_482] : memref<22020096xf32, #tpu.memory_space<hbm>> -> memref<2048xf32, #tpu.memory_space<hbm>>
        %dma_wait3A_484 = tpu.memref_slice %arg6[%add3A_482] : memref<22020096xf32, #tpu.memory_space<hbm>> -> memref<2048xf32, #tpu.memory_space<hbm>>
        tpu.wait_dma2 semaphore(%arg16 : memref<!tpu.dma_semaphore, #tpu.memory_space<semaphore_mem>>) src(%arg14 : memref<2048xf32, #tpu.memory_space<vmem>>) dst(%dma_wait3A_484 : memref<2048xf32, #tpu.memory_space<hbm>>)
      } else {
      }
      %mul3A_436 = arith.constant 2 : i32
      %mul3A_437 = arith.muli %mul3A_436, %scan3A_429 : i32
      %mul3A_438 = arith.constant 114688 : i32
      %mul3A_439 = arith.muli %arg1, %mul3A_438 : i32
      %mul3A_440 = arith.constant 2048 : i32
      %mul3A_441 = arith.muli %mul3A_437, %mul3A_440 : i32
      %add3A_442 = arith.addi %mul3A_439, %mul3A_441 : i32
      "tpu.region"() ({
        %run_scoped3A = tpu.sem_alloc : memref<!tpu.dma_semaphore, #tpu.memory_space<semaphore_mem>>
        %dma_start3A_468 = tpu.memref_slice %arg7[%add3A_442] : memref<1837056xf32, #tpu.memory_space<vmem_shared>> -> memref<2048xf32, #tpu.memory_space<vmem_shared>>
        %dma_start3A_469 = tpu.memref_slice %arg7[%add3A_442] : memref<1837056xf32, #tpu.memory_space<vmem_shared>> -> memref<2048xf32, #tpu.memory_space<vmem_shared>>
        tpu.enqueue_dma source(%dma_start3A_469 : memref<2048xf32, #tpu.memory_space<vmem_shared>>) target(%arg13 : memref<2048xf32, #tpu.memory_space<vmem>>) target_semaphore(%run_scoped3A : memref<!tpu.dma_semaphore, #tpu.memory_space<semaphore_mem>>)
        %dma_wait3A_470 = tpu.memref_slice %arg7[%add3A_442] : memref<1837056xf32, #tpu.memory_space<vmem_shared>> -> memref<2048xf32, #tpu.memory_space<vmem_shared>>
        %dma_wait3A_471 = tpu.memref_slice %arg7[%add3A_442] : memref<1837056xf32, #tpu.memory_space<vmem_shared>> -> memref<2048xf32, #tpu.memory_space<vmem_shared>>
        tpu.wait_dma2 semaphore(%run_scoped3A : memref<!tpu.dma_semaphore, #tpu.memory_space<semaphore_mem>>) src(%dma_wait3A_471 : memref<2048xf32, #tpu.memory_space<vmem_shared>>) dst(%arg13 : memref<2048xf32, #tpu.memory_space<vmem>>)
        tpu.yield
      }) : () -> ()
      %mul3A_443 = arith.constant 2 : i32
      %mul3A_444 = arith.muli %mul3A_443, %scan3A_429 : i32
      %mul3A_445 = arith.constant 2048 : i32
      %mul3A_446 = arith.muli %mul3A_444, %mul3A_445 : i32
      %add3A_447 = arith.addi %add3A_295, %mul3A_446 : i32
      %dma_start3A = tpu.memref_slice %arg6[%add3A_447] : memref<22020096xf32, #tpu.memory_space<hbm>> -> memref<2048xf32, #tpu.memory_space<hbm>>
      %dma_start3A_448 = tpu.memref_slice %arg6[%add3A_447] : memref<22020096xf32, #tpu.memory_space<hbm>> -> memref<2048xf32, #tpu.memory_space<hbm>>
      tpu.enqueue_dma source(%arg13 : memref<2048xf32, #tpu.memory_space<vmem>>) target(%dma_start3A_448 : memref<2048xf32, #tpu.memory_space<hbm>>) target_semaphore(%arg16 : memref<!tpu.dma_semaphore, #tpu.memory_space<semaphore_mem>>)
      %mul3A_449 = arith.constant 2 : i32
      %mul3A_450 = arith.muli %mul3A_449, %scan3A_429 : i32
      %add3A_451 = arith.constant 1 : i32
      %add3A_452 = arith.addi %mul3A_450, %add3A_451 : i32
      %mul3A_453 = arith.constant 114688 : i32
      %mul3A_454 = arith.muli %arg1, %mul3A_453 : i32
      %mul3A_455 = arith.constant 2048 : i32
      %mul3A_456 = arith.muli %add3A_452, %mul3A_455 : i32
      %add3A_457 = arith.addi %mul3A_454, %mul3A_456 : i32
      "tpu.region"() ({
        %run_scoped3A = tpu.sem_alloc : memref<!tpu.dma_semaphore, #tpu.memory_space<semaphore_mem>>
        %dma_start3A_468 = tpu.memref_slice %arg7[%add3A_457] : memref<1837056xf32, #tpu.memory_space<vmem_shared>> -> memref<2048xf32, #tpu.memory_space<vmem_shared>>
        %dma_start3A_469 = tpu.memref_slice %arg7[%add3A_457] : memref<1837056xf32, #tpu.memory_space<vmem_shared>> -> memref<2048xf32, #tpu.memory_space<vmem_shared>>
        tpu.enqueue_dma source(%dma_start3A_469 : memref<2048xf32, #tpu.memory_space<vmem_shared>>) target(%arg14 : memref<2048xf32, #tpu.memory_space<vmem>>) target_semaphore(%run_scoped3A : memref<!tpu.dma_semaphore, #tpu.memory_space<semaphore_mem>>)
        %dma_wait3A_470 = tpu.memref_slice %arg7[%add3A_457] : memref<1837056xf32, #tpu.memory_space<vmem_shared>> -> memref<2048xf32, #tpu.memory_space<vmem_shared>>
        %dma_wait3A_471 = tpu.memref_slice %arg7[%add3A_457] : memref<1837056xf32, #tpu.memory_space<vmem_shared>> -> memref<2048xf32, #tpu.memory_space<vmem_shared>>
        tpu.wait_dma2 semaphore(%run_scoped3A : memref<!tpu.dma_semaphore, #tpu.memory_space<semaphore_mem>>) src(%dma_wait3A_471 : memref<2048xf32, #tpu.memory_space<vmem_shared>>) dst(%arg14 : memref<2048xf32, #tpu.memory_space<vmem>>)
        tpu.yield
      }) : () -> ()
      %mul3A_458 = arith.constant 2 : i32
      %mul3A_459 = arith.muli %mul3A_458, %scan3A_429 : i32
      %add3A_460 = arith.constant 1 : i32
      %add3A_461 = arith.addi %mul3A_459, %add3A_460 : i32
      %mul3A_462 = arith.constant 2048 : i32
      %mul3A_463 = arith.muli %add3A_461, %mul3A_462 : i32
      %add3A_464 = arith.addi %add3A_295, %mul3A_463 : i32
      %dma_start3A_465 = tpu.memref_slice %arg6[%add3A_464] : memref<22020096xf32, #tpu.memory_space<hbm>> -> memref<2048xf32, #tpu.memory_space<hbm>>
      %dma_start3A_466 = tpu.memref_slice %arg6[%add3A_464] : memref<22020096xf32, #tpu.memory_space<hbm>> -> memref<2048xf32, #tpu.memory_space<hbm>>
      tpu.enqueue_dma source(%arg14 : memref<2048xf32, #tpu.memory_space<vmem>>) target(%dma_start3A_466 : memref<2048xf32, #tpu.memory_space<hbm>>) target_semaphore(%arg16 : memref<!tpu.dma_semaphore, #tpu.memory_space<semaphore_mem>>)
      %scan3A_467 = arith.constant 0 : i32
      scf.yield %scan3A_467 : i32
    }
    %scan3A_347 = arith.constant 28 : i32
    %add3A_348 = arith.constant 110592 : i32
    %add3A_349 = arith.addi %add3A_295, %add3A_348 : i32
    %dma_wait3A_350 = tpu.memref_slice %arg6[%add3A_349] : memref<22020096xf32, #tpu.memory_space<hbm>> -> memref<2048xf32, #tpu.memory_space<hbm>>
    %dma_wait3A_351 = tpu.memref_slice %arg6[%add3A_349] : memref<22020096xf32, #tpu.memory_space<hbm>> -> memref<2048xf32, #tpu.memory_space<hbm>>
    tpu.wait_dma2 semaphore(%arg16 : memref<!tpu.dma_semaphore, #tpu.memory_space<semaphore_mem>>) src(%arg13 : memref<2048xf32, #tpu.memory_space<vmem>>) dst(%dma_wait3A_351 : memref<2048xf32, #tpu.memory_space<hbm>>)
    %add3A_352 = arith.constant 112640 : i32
    %add3A_353 = arith.addi %add3A_295, %add3A_352 : i32
    %dma_wait3A_354 = tpu.memref_slice %arg6[%add3A_353] : memref<22020096xf32, #tpu.memory_space<hbm>> -> memref<2048xf32, #tpu.memory_space<hbm>>
    %dma_wait3A_355 = tpu.memref_slice %arg6[%add3A_353] : memref<22020096xf32, #tpu.memory_space<hbm>> -> memref<2048xf32, #tpu.memory_space<hbm>>
    tpu.wait_dma2 semaphore(%arg16 : memref<!tpu.dma_semaphore, #tpu.memory_space<semaphore_mem>>) src(%arg14 : memref<2048xf32, #tpu.memory_space<vmem>>) dst(%dma_wait3A_355 : memref<2048xf32, #tpu.memory_space<hbm>>)
    %mul3A_356 = arith.constant 896 : i32
    %mul3A_357 = arith.muli %arg0, %mul3A_356 : i32
    %add3A_358 = arith.constant 8960 : i32
    %add3A_359 = arith.addi %add3A_358, %mul3A_357 : i32
    %mul3A_360 = arith.constant 896 : i32
    %mul3A_361 = arith.muli %arg0, %mul3A_360 : i32
    %add3A_362 = arith.constant 8960 : i32
    %add3A_363 = arith.addi %add3A_362, %mul3A_361 : i32
    %mul3A_364 = arith.constant 2048 : i32
    %mul3A_365 = arith.muli %add3A_363, %mul3A_364 : i32
    %mul3A_366 = arith.constant 114688 : i32
    %mul3A_367 = arith.muli %arg1, %mul3A_366 : i32
    %add3A_368 = arith.addi %mul3A_365, %mul3A_367 : i32
    %scan3A_369 = arith.constant 0 : i32
    %scan3A_370 = arith.constant 0 : i32
    %scan3A_371 = arith.constant 56 : i32
    %scan3A_372 = arith.addi %scan3A_370, %scan3A_371 : i32
    %scan3A_373 = arith.constant 1 : i32
    %scan3A_374 = scf.for %scan3A_429 = %scan3A_370 to %scan3A_372 step %scan3A_373 iter_args(%scan3A_430 = %scan3A_369) -> (i32)  : i32 {
      %mul3A_431 = arith.constant 114688 : i32
      %mul3A_432 = arith.muli %arg1, %mul3A_431 : i32
      %mul3A_433 = arith.constant 2048 : i32
      %mul3A_434 = arith.muli %scan3A_429, %mul3A_433 : i32
      %add3A_435 = arith.addi %mul3A_432, %mul3A_434 : i32
      %dma_start3A = tpu.memref_slice %arg7[%add3A_435] : memref<1837056xf32, #tpu.memory_space<vmem_shared>> -> memref<2048xf32, #tpu.memory_space<vmem_shared>>
      %dma_start3A_436 = tpu.memref_slice %arg7[%add3A_435] : memref<1837056xf32, #tpu.memory_space<vmem_shared>> -> memref<2048xf32, #tpu.memory_space<vmem_shared>>
      tpu.enqueue_dma source(%arg12 : memref<2048xf32, #tpu.memory_space<vmem>>) target(%dma_start3A_436 : memref<2048xf32, #tpu.memory_space<vmem_shared>>) target_semaphore(%arg15 : memref<!tpu.dma_semaphore, #tpu.memory_space<semaphore_mem>>)
      %scan3A_437 = arith.constant 0 : i32
      scf.yield %scan3A_437 : i32
    }
    %scan3A_375 = arith.constant 56 : i32
    %eq3A_376 = arith.constant 0 : i32
    %eq3A_377 = arith.cmpi eq, %arg1, %eq3A_376 : i32
    %convert_element_type3A_378 = arith.extui %eq3A_377 : i1 to i32
    %cond3A_379 = arith.constant 0 : i32
    %cond3A_380 = arith.cmpi ne, %convert_element_type3A_378, %cond3A_379 : i32
    scf.if %cond3A_380 {
      %dma_start3A = arith.constant 1835008 : i32
      %dma_start3A_429 = tpu.memref_slice %arg7[%dma_start3A] : memref<1837056xf32, #tpu.memory_space<vmem_shared>> -> memref<2048xf32, #tpu.memory_space<vmem_shared>>
      %dma_start3A_430 = arith.constant 1835008 : i32
      %dma_start3A_431 = tpu.memref_slice %arg7[%dma_start3A_430] : memref<1837056xf32, #tpu.memory_space<vmem_shared>> -> memref<2048xf32, #tpu.memory_space<vmem_shared>>
      tpu.enqueue_dma source(%arg12 : memref<2048xf32, #tpu.memory_space<vmem>>) target(%dma_start3A_431 : memref<2048xf32, #tpu.memory_space<vmem_shared>>) target_semaphore(%arg15 : memref<!tpu.dma_semaphore, #tpu.memory_space<semaphore_mem>>)
    } else {
    }
    %scan3A_381 = arith.constant 0 : i32
    %scan3A_382 = arith.constant 0 : i32
    %scan3A_383 = arith.constant 56 : i32
    %scan3A_384 = arith.addi %scan3A_382, %scan3A_383 : i32
    %scan3A_385 = arith.constant 1 : i32
    %scan3A_386 = scf.for %scan3A_429 = %scan3A_382 to %scan3A_384 step %scan3A_385 iter_args(%scan3A_430 = %scan3A_381) -> (i32)  : i32 {
      %mul3A_431 = arith.constant 114688 : i32
      %mul3A_432 = arith.muli %arg1, %mul3A_431 : i32
      %mul3A_433 = arith.constant 2048 : i32
      %mul3A_434 = arith.muli %scan3A_429, %mul3A_433 : i32
      %add3A_435 = arith.addi %mul3A_432, %mul3A_434 : i32
      %dma_wait3A_436 = tpu.memref_slice %arg7[%add3A_435] : memref<1837056xf32, #tpu.memory_space<vmem_shared>> -> memref<2048xf32, #tpu.memory_space<vmem_shared>>
      %dma_wait3A_437 = tpu.memref_slice %arg7[%add3A_435] : memref<1837056xf32, #tpu.memory_space<vmem_shared>> -> memref<2048xf32, #tpu.memory_space<vmem_shared>>
      tpu.wait_dma2 semaphore(%arg15 : memref<!tpu.dma_semaphore, #tpu.memory_space<semaphore_mem>>) src(%arg12 : memref<2048xf32, #tpu.memory_space<vmem>>) dst(%dma_wait3A_437 : memref<2048xf32, #tpu.memory_space<vmem_shared>>)
      %scan3A_438 = arith.constant 0 : i32
      scf.yield %scan3A_438 : i32
    }
    %scan3A_387 = arith.constant 56 : i32
    %eq3A_388 = arith.constant 0 : i32
    %eq3A_389 = arith.cmpi eq, %arg1, %eq3A_388 : i32
    %convert_element_type3A_390 = arith.extui %eq3A_389 : i1 to i32
    %cond3A_391 = arith.constant 0 : i32
    %cond3A_392 = arith.cmpi ne, %convert_element_type3A_390, %cond3A_391 : i32
    scf.if %cond3A_392 {
      %dma_wait3A_429 = arith.constant 1835008 : i32
      %dma_wait3A_430 = tpu.memref_slice %arg7[%dma_wait3A_429] : memref<1837056xf32, #tpu.memory_space<vmem_shared>> -> memref<2048xf32, #tpu.memory_space<vmem_shared>>
      %dma_wait3A_431 = arith.constant 1835008 : i32
      %dma_wait3A_432 = tpu.memref_slice %arg7[%dma_wait3A_431] : memref<1837056xf32, #tpu.memory_space<vmem_shared>> -> memref<2048xf32, #tpu.memory_space<vmem_shared>>
      tpu.wait_dma2 semaphore(%arg15 : memref<!tpu.dma_semaphore, #tpu.memory_space<semaphore_mem>>) src(%arg12 : memref<2048xf32, #tpu.memory_space<vmem>>) dst(%dma_wait3A_432 : memref<2048xf32, #tpu.memory_space<vmem_shared>>)
    } else {
    }
    %barrier3A_393 = arith.constant 0 : index
    tpu.barrier barrier_id(%barrier3A_393)
    %scan3A_394 = arith.constant 0 : i32
    %scan3A_395 = arith.constant 0 : i32
    %scan3A_396 = arith.constant 130 : i32
    %scan3A_397 = arith.addi %scan3A_395, %scan3A_396 : i32
    %scan3A_398 = arith.constant 1 : i32
    %scan3A_399 = scf.for %scan3A_429 = %scan3A_395 to %scan3A_397 step %scan3A_398 iter_args(%scan3A_430 = %scan3A_394) -> (i32)  : i32 {
      %broadcast_in_dim3A = arith.constant 1835008 : i32
      %broadcast_in_dim3A_431 = vector.broadcast %broadcast_in_dim3A : i32 to vector<16xi32>
      %mul3A_432 = arith.constant 16 : i32
      %mul3A_433 = arith.muli %scan3A_429, %mul3A_432 : i32
      %swap3A = arith.index_cast %mul3A_433 : i32 to index
      %swap3A_434 = tpu.vector_load %arg10[%swap3A] {strides = array<i32>} : memref<2080xi32, #tpu.memory_space<vmem>>, vector<16xi32>,
      tpu.vector_store %arg10[%swap3A], %broadcast_in_dim3A_431 {strides = array<i32>} : memref<2080xi32, #tpu.memory_space<vmem>>, vector<16xi32>,
      %scan3A_435 = arith.constant 0 : i32
      scf.yield %scan3A_435 : i32
    }
    %scan3A_400 = arith.constant 130 : i32
    %scan3A_401 = arith.constant 0 : i32
    %scan3A_402 = arith.constant 0 : i32
    %scan3A_403 = arith.constant 20 : i32
    %scan3A_404 = arith.addi %scan3A_402, %scan3A_403 : i32
    %scan3A_405 = arith.constant 1 : i32
    %scan3A_406 = scf.for %scan3A_429 = %scan3A_402 to %scan3A_404 step %scan3A_405 iter_args(%scan3A_430 = %scan3A_401) -> (i32)  : i32 {
      %mul3A_431 = arith.constant 20480 : i32
      %mul3A_432 = arith.muli %arg1, %mul3A_431 : i32
      %mul3A_433 = arith.constant 1024 : i32
      %mul3A_434 = arith.muli %scan3A_429, %mul3A_433 : i32
      %add3A_435 = arith.addi %mul3A_432, %mul3A_434 : i32
      "tpu.region"() ({
        %run_scoped3A = tpu.sem_alloc : memref<!tpu.dma_semaphore, #tpu.memory_space<semaphore_mem>>
        %dma_start3A = tpu.memref_slice %arg2[%add3A_435] : memref<327680xi32, #tpu.memory_space<hbm>> -> memref<1024xi32, #tpu.memory_space<hbm>>
        %dma_start3A_448 = tpu.memref_slice %arg2[%add3A_435] : memref<327680xi32, #tpu.memory_space<hbm>> -> memref<1024xi32, #tpu.memory_space<hbm>>
        tpu.enqueue_dma source(%dma_start3A_448 : memref<1024xi32, #tpu.memory_space<hbm>>) target(%arg8 : memref<1024xi32, #tpu.memory_space<vmem>>) target_semaphore(%run_scoped3A : memref<!tpu.dma_semaphore, #tpu.memory_space<semaphore_mem>>)
        %dma_wait3A_449 = tpu.memref_slice %arg2[%add3A_435] : memref<327680xi32, #tpu.memory_space<hbm>> -> memref<1024xi32, #tpu.memory_space<hbm>>
        %dma_wait3A_450 = tpu.memref_slice %arg2[%add3A_435] : memref<327680xi32, #tpu.memory_space<hbm>> -> memref<1024xi32, #tpu.memory_space<hbm>>
        tpu.wait_dma2 semaphore(%run_scoped3A : memref<!tpu.dma_semaphore, #tpu.memory_space<semaphore_mem>>) src(%dma_wait3A_450 : memref<1024xi32, #tpu.memory_space<hbm>>) dst(%arg8 : memref<1024xi32, #tpu.memory_space<vmem>>)
        tpu.yield
      }) : () -> ()
      "tpu.region"() ({
        %run_scoped3A = tpu.sem_alloc : memref<!tpu.dma_semaphore, #tpu.memory_space<semaphore_mem>>
        %dma_start3A = tpu.memref_slice %arg3[%add3A_435] : memref<327680xi32, #tpu.memory_space<hbm>> -> memref<1024xi32, #tpu.memory_space<hbm>>
        %dma_start3A_448 = tpu.memref_slice %arg3[%add3A_435] : memref<327680xi32, #tpu.memory_space<hbm>> -> memref<1024xi32, #tpu.memory_space<hbm>>
        tpu.enqueue_dma source(%dma_start3A_448 : memref<1024xi32, #tpu.memory_space<hbm>>) target(%arg9 : memref<1024xi32, #tpu.memory_space<vmem>>) target_semaphore(%run_scoped3A : memref<!tpu.dma_semaphore, #tpu.memory_space<semaphore_mem>>)
        %dma_wait3A_449 = tpu.memref_slice %arg3[%add3A_435] : memref<327680xi32, #tpu.memory_space<hbm>> -> memref<1024xi32, #tpu.memory_space<hbm>>
        %dma_wait3A_450 = tpu.memref_slice %arg3[%add3A_435] : memref<327680xi32, #tpu.memory_space<hbm>> -> memref<1024xi32, #tpu.memory_space<hbm>>
        tpu.wait_dma2 semaphore(%run_scoped3A : memref<!tpu.dma_semaphore, #tpu.memory_space<semaphore_mem>>) src(%dma_wait3A_450 : memref<1024xi32, #tpu.memory_space<hbm>>) dst(%arg9 : memref<1024xi32, #tpu.memory_space<vmem>>)
        tpu.yield
      }) : () -> ()
      %scan3A_436 = arith.constant 0 : i32
      %scan3A_437 = arith.constant 64 : i32
      %scan3A_438 = arith.addi %scan3A_436, %scan3A_437 : i32
      %scan3A_439 = arith.constant 1 : i32
      %scan3A_440 = scf.for %scan3A_448 = %scan3A_436 to %scan3A_438 step %scan3A_439 iter_args(%scan3A_449 = %scan3A_430) -> (i32)  : i32 {
        %mul3A_450 = arith.constant 16 : i32
        %mul3A_451 = arith.muli %scan3A_448, %mul3A_450 : i32
        %get3A = arith.index_cast %mul3A_451 : i32 to index
        %get3A_452 = tpu.vector_load %arg8[%get3A] {strides = array<i32>} : memref<1024xi32, #tpu.memory_space<vmem>>, vector<16xi32>,
        %get3A_453 = arith.index_cast %mul3A_451 : i32 to index
        %get3A_454 = tpu.vector_load %arg9[%get3A_453] {strides = array<i32>} : memref<1024xi32, #tpu.memory_space<vmem>>, vector<16xi32>,
        %sub3A = vector.broadcast %add3A_359 : i32 to vector<16xi32>
        %sub3A_455 = arith.subi %get3A_452, %sub3A : vector<16xi32>
        %ge3A_456 = arith.constant 0 : i32
        %ge3A_457 = vector.broadcast %ge3A_456 : i32 to vector<16xi32>
        %ge3A_458 = arith.cmpi sge, %sub3A_455, %ge3A_457 : vector<16xi32>
        %lt3A = arith.constant 896 : i32
        %lt3A_459 = vector.broadcast %lt3A : i32 to vector<16xi32>
        %lt3A_460 = arith.cmpi slt, %sub3A_455, %lt3A_459 : vector<16xi32>
        %and3A = arith.andi %ge3A_458, %lt3A_460 : vector<16xi1>
        %mul3A_461 = arith.constant 2048 : i32
        %mul3A_462 = vector.broadcast %mul3A_461 : i32 to vector<16xi32>
        %mul3A_463 = arith.muli %sub3A_455, %mul3A_462 : vector<16xi32>
        %add3A_464 = arith.addi %mul3A_463, %get3A_454 : vector<16xi32>
        %jit3A_465 = arith.constant 1835008 : i32
        %broadcast_in_dim3A = vector.broadcast %jit3A_465 : i32 to vector<16xi32>
        %select_n3A_466 = arith.select %and3A, %add3A_464, %broadcast_in_dim3A : vector<16xi1>, vector<16xi32>
        %sort3A = arith.constant dense<true> : vector<16xi1>
        %sort3A_467, %sort3A_468, %sort3A_469 = tpu.sort %select_n3A_466, %select_n3A_466 masked %sort3A : (vector<16xi32>, vector<16xi32>, vector<16xi1>) -> (vector<16xi1>, vector<16xi32>, vector<16xi32>)
        %swap3A = arith.index_cast %scan3A_449 : i32 to index
        %swap3A_470 = tpu.vector_load %arg10[%swap3A] {strides = array<i32>} : memref<2080xi32, #tpu.memory_space<vmem>>, vector<16xi32>,
        tpu.vector_store %arg10[%swap3A], %sort3A_468 {strides = array<i32>} : memref<2080xi32, #tpu.memory_space<vmem>>, vector<16xi32>,
        %all_reduce_population_count3A = tpu.all_reduce %and3A {dim = 0 : i64, kind = #tpu.reduction_kind<sum>} : vector<16xi1> -> vector<16xi32>
        %reduce_max3A = arith.constant true
        %reduce_max3A_471 = vector.broadcast %reduce_max3A : i1 to vector<16xi1>
        %reduce_max3A_472 = arith.constant -2147483648 : i32
        %reduce_max3A_473 = vector.broadcast %reduce_max3A_472 : i32 to vector<16xi32>
        %reduce_max3A_474 = arith.xori %all_reduce_population_count3A, %reduce_max3A_473 : vector<16xi32>
        %reduce_max3A_475 = tpu.scan <max>, %reduce_max3A_474 masked %reduce_max3A_471 : vector<16xi32>, vector<16xi1> -> vector<16xi32>
        %reduce_max3A_476 = arith.xori %reduce_max3A_475, %reduce_max3A_473 : vector<16xi32>
        %reduce_max3A_477 = vector.extract %reduce_max3A_476[15] : i32 from vector<16xi32>
        %add3A_478 = arith.addi %scan3A_449, %reduce_max3A_477 : i32
        scf.yield %add3A_478 : i32
      }
      %scan3A_441 = arith.constant 64 : i32
      %ge3A = arith.constant 1024 : i32
      %ge3A_442 = arith.cmpi sge, %scan3A_440, %ge3A : i32
      %convert_element_type3A_443 = arith.extui %ge3A_442 : i1 to i32
      %cond3A_444 = arith.constant 0 : i32
      %cond3A_445 = arith.cmpi ne, %convert_element_type3A_443, %cond3A_444 : i32
      scf.if %cond3A_445 {
        "tpu.region"() ({
          %run_scoped3A = tpu.sem_alloc : memref<!tpu.dma_semaphore, #tpu.memory_space<semaphore_mem>>
          %dma_start3A = arith.constant 0 : i32
          %dma_start3A_455 = tpu.memref_slice %arg7[%dma_start3A] : memref<1837056xf32, #tpu.memory_space<vmem_shared>> -> memref<1837056xf32, #tpu.memory_space<vmem_shared>>
          tpu.enqueue_indirect_dma source(%arg11 : memref<2080xf32, #tpu.memory_space<vmem>>) target(%dma_start3A_455 : memref<1837056xf32, #tpu.memory_space<vmem_shared>>) offsets(%arg10 : memref<2080xi32, #tpu.memory_space<vmem>>) semaphore(%run_scoped3A : memref<!tpu.dma_semaphore, #tpu.memory_space<semaphore_mem>>) {add = true}
          %dma_wait3A_456 = arith.constant 0 : i32
          %dma_wait3A_457 = tpu.memref_slice %arg7[%dma_wait3A_456] : memref<1837056xf32, #tpu.memory_space<vmem_shared>> -> memref<1837056xf32, #tpu.memory_space<vmem_shared>>
          tpu.wait_indirect_dma semaphore(%run_scoped3A : memref<!tpu.dma_semaphore, #tpu.memory_space<semaphore_mem>>) src(%arg11 : memref<2080xf32, #tpu.memory_space<vmem>>) dst(%dma_wait3A_457 : memref<1837056xf32, #tpu.memory_space<vmem_shared>>)
          tpu.yield
        }) : () -> ()
        %scan3A_448 = arith.constant 0 : i32
        %scan3A_449 = arith.constant 0 : i32
        %scan3A_450 = arith.constant 130 : i32
        %scan3A_451 = arith.addi %scan3A_449, %scan3A_450 : i32
        %scan3A_452 = arith.constant 1 : i32
        %scan3A_453 = scf.for %scan3A_455 = %scan3A_449 to %scan3A_451 step %scan3A_452 iter_args(%scan3A_456 = %scan3A_448) -> (i32)  : i32 {
          %broadcast_in_dim3A = arith.constant 1835008 : i32
          %broadcast_in_dim3A_457 = vector.broadcast %broadcast_in_dim3A : i32 to vector<16xi32>
          %mul3A_458 = arith.constant 16 : i32
          %mul3A_459 = arith.muli %scan3A_455, %mul3A_458 : i32
          %swap3A = arith.index_cast %mul3A_459 : i32 to index
          %swap3A_460 = tpu.vector_load %arg10[%swap3A] {strides = array<i32>} : memref<2080xi32, #tpu.memory_space<vmem>>, vector<16xi32>,
          tpu.vector_store %arg10[%swap3A], %broadcast_in_dim3A_457 {strides = array<i32>} : memref<2080xi32, #tpu.memory_space<vmem>>, vector<16xi32>,
          %scan3A_461 = arith.constant 0 : i32
          scf.yield %scan3A_461 : i32
        }
        %scan3A_454 = arith.constant 130 : i32
      } else {
      }
      %ge3A_446 = arith.constant 1024 : i32
      %ge3A_447 = arith.cmpi sge, %scan3A_440, %ge3A_446 : i32
      %jit3A = arith.constant 0 : i32
      %select_n3A = arith.select %ge3A_447, %jit3A, %scan3A_440 : i32
      scf.yield %select_n3A : i32
    }
    %scan3A_407 = arith.constant 20 : i32
    %gt3A_408 = arith.constant 0 : i32
    %gt3A_409 = arith.cmpi sgt, %scan3A_406, %gt3A_408 : i32
    %convert_element_type3A_410 = arith.extui %gt3A_409 : i1 to i32
    %cond3A_411 = arith.constant 0 : i32
    %cond3A_412 = arith.cmpi ne, %convert_element_type3A_410, %cond3A_411 : i32
    scf.if %cond3A_412 {
      "tpu.region"() ({
        %run_scoped3A = tpu.sem_alloc : memref<!tpu.dma_semaphore, #tpu.memory_space<semaphore_mem>>
        %dma_start3A = arith.constant 0 : i32
        %dma_start3A_429 = tpu.memref_slice %arg7[%dma_start3A] : memref<1837056xf32, #tpu.memory_space<vmem_shared>> -> memref<1837056xf32, #tpu.memory_space<vmem_shared>>
        tpu.enqueue_indirect_dma source(%arg11 : memref<2080xf32, #tpu.memory_space<vmem>>) target(%dma_start3A_429 : memref<1837056xf32, #tpu.memory_space<vmem_shared>>) offsets(%arg10 : memref<2080xi32, #tpu.memory_space<vmem>>) semaphore(%run_scoped3A : memref<!tpu.dma_semaphore, #tpu.memory_space<semaphore_mem>>) {add = true}
        %dma_wait3A_430 = arith.constant 0 : i32
        %dma_wait3A_431 = tpu.memref_slice %arg7[%dma_wait3A_430] : memref<1837056xf32, #tpu.memory_space<vmem_shared>> -> memref<1837056xf32, #tpu.memory_space<vmem_shared>>
        tpu.wait_indirect_dma semaphore(%run_scoped3A : memref<!tpu.dma_semaphore, #tpu.memory_space<semaphore_mem>>) src(%arg11 : memref<2080xf32, #tpu.memory_space<vmem>>) dst(%dma_wait3A_431 : memref<1837056xf32, #tpu.memory_space<vmem_shared>>)
        tpu.yield
      }) : () -> ()
    } else {
    }
    %barrier3A_413 = arith.constant 0 : index
    tpu.barrier barrier_id(%barrier3A_413)
    %scan3A_414 = arith.constant 0 : i32
    %scan3A_415 = arith.constant 0 : i32
    %scan3A_416 = arith.constant 28 : i32
    %scan3A_417 = arith.addi %scan3A_415, %scan3A_416 : i32
    %scan3A_418 = arith.constant 1 : i32
    %scan3A_419 = scf.for %scan3A_429 = %scan3A_415 to %scan3A_417 step %scan3A_418 iter_args(%scan3A_430 = %scan3A_414) -> (i32)  : i32 {
      %gt3A_431 = arith.constant 0 : i32
      %gt3A_432 = arith.cmpi sgt, %scan3A_429, %gt3A_431 : i32
      %convert_element_type3A_433 = arith.extui %gt3A_432 : i1 to i32
      %cond3A_434 = arith.constant 0 : i32
      %cond3A_435 = arith.cmpi ne, %convert_element_type3A_433, %cond3A_434 : i32
      scf.if %cond3A_435 {
        %mul3A_468 = arith.constant 2 : i32
        %mul3A_469 = arith.muli %mul3A_468, %scan3A_429 : i32
        %sub3A = arith.constant 2 : i32
        %sub3A_470 = arith.subi %mul3A_469, %sub3A : i32
        %mul3A_471 = arith.constant 2048 : i32
        %mul3A_472 = arith.muli %sub3A_470, %mul3A_471 : i32
        %add3A_473 = arith.addi %add3A_368, %mul3A_472 : i32
        %dma_wait3A_474 = tpu.memref_slice %arg6[%add3A_473] : memref<22020096xf32, #tpu.memory_space<hbm>> -> memref<2048xf32, #tpu.memory_space<hbm>>
        %dma_wait3A_475 = tpu.memref_slice %arg6[%add3A_473] : memref<22020096xf32, #tpu.memory_space<hbm>> -> memref<2048xf32, #tpu.memory_space<hbm>>
        tpu.wait_dma2 semaphore(%arg16 : memref<!tpu.dma_semaphore, #tpu.memory_space<semaphore_mem>>) src(%arg13 : memref<2048xf32, #tpu.memory_space<vmem>>) dst(%dma_wait3A_475 : memref<2048xf32, #tpu.memory_space<hbm>>)
        %mul3A_476 = arith.constant 2 : i32
        %mul3A_477 = arith.muli %mul3A_476, %scan3A_429 : i32
        %sub3A_478 = arith.constant 1 : i32
        %sub3A_479 = arith.subi %mul3A_477, %sub3A_478 : i32
        %mul3A_480 = arith.constant 2048 : i32
        %mul3A_481 = arith.muli %sub3A_479, %mul3A_480 : i32
        %add3A_482 = arith.addi %add3A_368, %mul3A_481 : i32
        %dma_wait3A_483 = tpu.memref_slice %arg6[%add3A_482] : memref<22020096xf32, #tpu.memory_space<hbm>> -> memref<2048xf32, #tpu.memory_space<hbm>>
        %dma_wait3A_484 = tpu.memref_slice %arg6[%add3A_482] : memref<22020096xf32, #tpu.memory_space<hbm>> -> memref<2048xf32, #tpu.memory_space<hbm>>
        tpu.wait_dma2 semaphore(%arg16 : memref<!tpu.dma_semaphore, #tpu.memory_space<semaphore_mem>>) src(%arg14 : memref<2048xf32, #tpu.memory_space<vmem>>) dst(%dma_wait3A_484 : memref<2048xf32, #tpu.memory_space<hbm>>)
      } else {
      }
      %mul3A_436 = arith.constant 2 : i32
      %mul3A_437 = arith.muli %mul3A_436, %scan3A_429 : i32
      %mul3A_438 = arith.constant 114688 : i32
      %mul3A_439 = arith.muli %arg1, %mul3A_438 : i32
      %mul3A_440 = arith.constant 2048 : i32
      %mul3A_441 = arith.muli %mul3A_437, %mul3A_440 : i32
      %add3A_442 = arith.addi %mul3A_439, %mul3A_441 : i32
      "tpu.region"() ({
        %run_scoped3A = tpu.sem_alloc : memref<!tpu.dma_semaphore, #tpu.memory_space<semaphore_mem>>
        %dma_start3A_468 = tpu.memref_slice %arg7[%add3A_442] : memref<1837056xf32, #tpu.memory_space<vmem_shared>> -> memref<2048xf32, #tpu.memory_space<vmem_shared>>
        %dma_start3A_469 = tpu.memref_slice %arg7[%add3A_442] : memref<1837056xf32, #tpu.memory_space<vmem_shared>> -> memref<2048xf32, #tpu.memory_space<vmem_shared>>
        tpu.enqueue_dma source(%dma_start3A_469 : memref<2048xf32, #tpu.memory_space<vmem_shared>>) target(%arg13 : memref<2048xf32, #tpu.memory_space<vmem>>) target_semaphore(%run_scoped3A : memref<!tpu.dma_semaphore, #tpu.memory_space<semaphore_mem>>)
        %dma_wait3A_470 = tpu.memref_slice %arg7[%add3A_442] : memref<1837056xf32, #tpu.memory_space<vmem_shared>> -> memref<2048xf32, #tpu.memory_space<vmem_shared>>
        %dma_wait3A_471 = tpu.memref_slice %arg7[%add3A_442] : memref<1837056xf32, #tpu.memory_space<vmem_shared>> -> memref<2048xf32, #tpu.memory_space<vmem_shared>>
        tpu.wait_dma2 semaphore(%run_scoped3A : memref<!tpu.dma_semaphore, #tpu.memory_space<semaphore_mem>>) src(%dma_wait3A_471 : memref<2048xf32, #tpu.memory_space<vmem_shared>>) dst(%arg13 : memref<2048xf32, #tpu.memory_space<vmem>>)
        tpu.yield
      }) : () -> ()
      %mul3A_443 = arith.constant 2 : i32
      %mul3A_444 = arith.muli %mul3A_443, %scan3A_429 : i32
      %mul3A_445 = arith.constant 2048 : i32
      %mul3A_446 = arith.muli %mul3A_444, %mul3A_445 : i32
      %add3A_447 = arith.addi %add3A_368, %mul3A_446 : i32
      %dma_start3A = tpu.memref_slice %arg6[%add3A_447] : memref<22020096xf32, #tpu.memory_space<hbm>> -> memref<2048xf32, #tpu.memory_space<hbm>>
      %dma_start3A_448 = tpu.memref_slice %arg6[%add3A_447] : memref<22020096xf32, #tpu.memory_space<hbm>> -> memref<2048xf32, #tpu.memory_space<hbm>>
      tpu.enqueue_dma source(%arg13 : memref<2048xf32, #tpu.memory_space<vmem>>) target(%dma_start3A_448 : memref<2048xf32, #tpu.memory_space<hbm>>) target_semaphore(%arg16 : memref<!tpu.dma_semaphore, #tpu.memory_space<semaphore_mem>>)
      %mul3A_449 = arith.constant 2 : i32
      %mul3A_450 = arith.muli %mul3A_449, %scan3A_429 : i32
      %add3A_451 = arith.constant 1 : i32
      %add3A_452 = arith.addi %mul3A_450, %add3A_451 : i32
      %mul3A_453 = arith.constant 114688 : i32
      %mul3A_454 = arith.muli %arg1, %mul3A_453 : i32
      %mul3A_455 = arith.constant 2048 : i32
      %mul3A_456 = arith.muli %add3A_452, %mul3A_455 : i32
      %add3A_457 = arith.addi %mul3A_454, %mul3A_456 : i32
      "tpu.region"() ({
        %run_scoped3A = tpu.sem_alloc : memref<!tpu.dma_semaphore, #tpu.memory_space<semaphore_mem>>
        %dma_start3A_468 = tpu.memref_slice %arg7[%add3A_457] : memref<1837056xf32, #tpu.memory_space<vmem_shared>> -> memref<2048xf32, #tpu.memory_space<vmem_shared>>
        %dma_start3A_469 = tpu.memref_slice %arg7[%add3A_457] : memref<1837056xf32, #tpu.memory_space<vmem_shared>> -> memref<2048xf32, #tpu.memory_space<vmem_shared>>
        tpu.enqueue_dma source(%dma_start3A_469 : memref<2048xf32, #tpu.memory_space<vmem_shared>>) target(%arg14 : memref<2048xf32, #tpu.memory_space<vmem>>) target_semaphore(%run_scoped3A : memref<!tpu.dma_semaphore, #tpu.memory_space<semaphore_mem>>)
        %dma_wait3A_470 = tpu.memref_slice %arg7[%add3A_457] : memref<1837056xf32, #tpu.memory_space<vmem_shared>> -> memref<2048xf32, #tpu.memory_space<vmem_shared>>
        %dma_wait3A_471 = tpu.memref_slice %arg7[%add3A_457] : memref<1837056xf32, #tpu.memory_space<vmem_shared>> -> memref<2048xf32, #tpu.memory_space<vmem_shared>>
        tpu.wait_dma2 semaphore(%run_scoped3A : memref<!tpu.dma_semaphore, #tpu.memory_space<semaphore_mem>>) src(%dma_wait3A_471 : memref<2048xf32, #tpu.memory_space<vmem_shared>>) dst(%arg14 : memref<2048xf32, #tpu.memory_space<vmem>>)
        tpu.yield
      }) : () -> ()
      %mul3A_458 = arith.constant 2 : i32
      %mul3A_459 = arith.muli %mul3A_458, %scan3A_429 : i32
      %add3A_460 = arith.constant 1 : i32
      %add3A_461 = arith.addi %mul3A_459, %add3A_460 : i32
      %mul3A_462 = arith.constant 2048 : i32
      %mul3A_463 = arith.muli %add3A_461, %mul3A_462 : i32
      %add3A_464 = arith.addi %add3A_368, %mul3A_463 : i32
      %dma_start3A_465 = tpu.memref_slice %arg6[%add3A_464] : memref<22020096xf32, #tpu.memory_space<hbm>> -> memref<2048xf32, #tpu.memory_space<hbm>>
      %dma_start3A_466 = tpu.memref_slice %arg6[%add3A_464] : memref<22020096xf32, #tpu.memory_space<hbm>> -> memref<2048xf32, #tpu.memory_space<hbm>>
      tpu.enqueue_dma source(%arg14 : memref<2048xf32, #tpu.memory_space<vmem>>) target(%dma_start3A_466 : memref<2048xf32, #tpu.memory_space<hbm>>) target_semaphore(%arg16 : memref<!tpu.dma_semaphore, #tpu.memory_space<semaphore_mem>>)
      %scan3A_467 = arith.constant 0 : i32
      scf.yield %scan3A_467 : i32
    }
    %scan3A_420 = arith.constant 28 : i32
    %add3A_421 = arith.constant 110592 : i32
    %add3A_422 = arith.addi %add3A_368, %add3A_421 : i32
    %dma_wait3A_423 = tpu.memref_slice %arg6[%add3A_422] : memref<22020096xf32, #tpu.memory_space<hbm>> -> memref<2048xf32, #tpu.memory_space<hbm>>
    %dma_wait3A_424 = tpu.memref_slice %arg6[%add3A_422] : memref<22020096xf32, #tpu.memory_space<hbm>> -> memref<2048xf32, #tpu.memory_space<hbm>>
    tpu.wait_dma2 semaphore(%arg16 : memref<!tpu.dma_semaphore, #tpu.memory_space<semaphore_mem>>) src(%arg13 : memref<2048xf32, #tpu.memory_space<vmem>>) dst(%dma_wait3A_424 : memref<2048xf32, #tpu.memory_space<hbm>>)
    %add3A_425 = arith.constant 112640 : i32
    %add3A_426 = arith.addi %add3A_368, %add3A_425 : i32
    %dma_wait3A_427 = tpu.memref_slice %arg6[%add3A_426] : memref<22020096xf32, #tpu.memory_space<hbm>> -> memref<2048xf32, #tpu.memory_space<hbm>>
    %dma_wait3A_428 = tpu.memref_slice %arg6[%add3A_426] : memref<22020096xf32, #tpu.memory_space<hbm>> -> memref<2048xf32, #tpu.memory_space<hbm>>
    tpu.wait_dma2 semaphore(%arg16 : memref<!tpu.dma_semaphore, #tpu.memory_space<semaphore_mem>>) src(%arg14 : memref<2048xf32, #tpu.memory_space<vmem>>) dst(%dma_wait3A_428 : memref<2048xf32, #tpu.memory_space<hbm>>)
    return
  }
}

module attributes {stable_mosaic.version = 14 : i64} {
  func.func @_t1_kernel(%arg0: i32, %arg1: memref<512x2048xf32, #tpu.memory_space<vmem>>, %arg2: memref<512x128xf32, #tpu.memory_space<vmem>>, %arg3: memref<2048x2048xf32, #tpu.memory_space<vmem>>, %arg4: memref<2048x128xf32, #tpu.memory_space<vmem>>, %arg5: memref<2048x8xf32, #tpu.memory_space<vmem>>) attributes {dimension_semantics = [#tpu.dimension_semantics<arbitrary>], iteration_bounds = array<i64: 20>, scalar_prefetch = 0 : i64, scratch_operands = 0 : i64, tpu.core_type = #tpu.core_type<tc>, window_params = [{transform_indices = @transform_0, window_bounds = array<i64: 512, 2048>}, {transform_indices = @transform_1, window_bounds = array<i64: 512, 128>}, {pipeline_mode = #tpu.pipeline_mode<synchronous>, transform_indices = @transform_2, window_bounds = array<i64: 2048, 2048>}, {pipeline_mode = #tpu.pipeline_mode<synchronous>, transform_indices = @transform_3, window_bounds = array<i64: 2048, 128>}, {pipeline_mode = #tpu.pipeline_mode<synchronous>, transform_indices = @transform_4, window_bounds = array<i64: 2048, 8>}]} {
    %get3A = arith.constant 0 : index
    %get3A_0 = arith.constant 0 : index
    %get3A_1 = vector.load %arg1[%get3A, %get3A_0] : memref<512x2048xf32, #tpu.memory_space<vmem>>, vector<512x2048xf32>
    %convert_element_type3A = arith.truncf %get3A_1 : vector<512x2048xf32> to vector<512x2048xbf16>
    %get3A_2 = arith.constant 0 : index
    %get3A_3 = arith.constant 0 : index
    %get3A_4 = vector.load %arg2[%get3A_2, %get3A_3] : memref<512x128xf32, #tpu.memory_space<vmem>>, vector<512x128xf32>
    %reduce_sum3A = arith.constant dense<0.000000e+00> : vector<512xf32>
    %reduce_sum3A_5 = vector.multi_reduction <add>, %get3A_1, %reduce_sum3A [1] : vector<512x2048xf32> to vector<512xf32>
    %gt3A = arith.constant 0.000000e+00 : f32
    %gt3A_6 = vector.broadcast %gt3A : f32 to vector<512xf32>
    %gt3A_7 = arith.cmpf ogt, %reduce_sum3A_5, %gt3A_6 : vector<512xf32>
    %div3A = arith.constant 1.000000e+00 : f32
    %div3A_8 = vector.broadcast %div3A : f32 to vector<512xf32>
    %div3A_9 = arith.divf %div3A_8, %reduce_sum3A_5 : vector<512xf32>
    %jit3A = arith.constant 0.000000e+00 : f32
    %broadcast_in_dim3A = vector.broadcast %jit3A : f32 to vector<512xf32>
    %select_n3A = arith.select %gt3A_7, %div3A_9, %broadcast_in_dim3A : vector<512xi1>, vector<512xf32>
    %broadcast_in_dim3A_10 = vector.shape_cast %select_n3A : vector<512xf32> to vector<512x1xf32>
    %mul3A = vector.broadcast %broadcast_in_dim3A_10 : vector<512x1xf32> to vector<512x2048xf32>
    %mul3A_11 = arith.mulf %get3A_1, %mul3A : vector<512x2048xf32>
    %dot_general3A = arith.constant dense<0.000000e+00> : vector<2048x128xf32>
    %dot_general3A_12 = tpu.matmul %mul3A_11, %get3A_4, %dot_general3A {dimension_numbers = #tpu.dot_dimension_numbers<[0], [0], [1], [1], [0, 1, 1, 1], [], []>, precision = #tpu.contract_precision<fp32>, transpose_lhs_hint = false} : vector<512x2048xf32>, vector<512x128xf32>, vector<2048x128xf32> -> vector<2048x128xf32>
    %transpose3A = tpu.transpose %mul3A_11, [1, 0] : vector<512x2048xf32> -> vector<2048x512xf32>
    %convert_element_type3A_13 = arith.truncf %transpose3A : vector<2048x512xf32> to vector<2048x512xbf16>
    %convert_element_type3A_14 = arith.extf %convert_element_type3A_13 : vector<2048x512xbf16> to vector<2048x512xf32>
    %sub3A = arith.subf %transpose3A, %convert_element_type3A_14 : vector<2048x512xf32>
    %convert_element_type3A_15 = arith.truncf %sub3A : vector<2048x512xf32> to vector<2048x512xbf16>
    %dot_general3A_16 = arith.constant dense<0.000000e+00> : vector<2048x2048xf32>
    %dot_general3A_17 = tpu.matmul %convert_element_type3A_13, %convert_element_type3A, %dot_general3A_16 {dimension_numbers = #tpu.dot_dimension_numbers<[1], [0], [0], [1], [0, 0, 1, 1], [], []>, transpose_lhs_hint = false} : vector<2048x512xbf16>, vector<512x2048xbf16>, vector<2048x2048xf32> -> vector<2048x2048xf32>
    %dot_general3A_18 = arith.constant dense<0.000000e+00> : vector<2048x2048xf32>
    %dot_general3A_19 = tpu.matmul %convert_element_type3A_15, %convert_element_type3A, %dot_general3A_18 {dimension_numbers = #tpu.dot_dimension_numbers<[1], [0], [0], [1], [0, 0, 1, 1], [], []>, transpose_lhs_hint = false} : vector<2048x512xbf16>, vector<512x2048xbf16>, vector<2048x2048xf32> -> vector<2048x2048xf32>
    %add3A = arith.addf %dot_general3A_17, %dot_general3A_19 : vector<2048x2048xf32>
    %broadcast_in_dim3A_20 = arith.constant 1.000000e+00 : f32
    %broadcast_in_dim3A_21 = vector.broadcast %broadcast_in_dim3A_20 : f32 to vector<512x8xf32>
    %dot_general3A_22 = arith.constant dense<0.000000e+00> : vector<2048x8xf32>
    %dot_general3A_23 = tpu.matmul %get3A_1, %broadcast_in_dim3A_21, %dot_general3A_22 {dimension_numbers = #tpu.dot_dimension_numbers<[0], [0], [1], [1], [0, 1, 1, 1], [], []>, precision = #tpu.contract_precision<fp32>, transpose_lhs_hint = false} : vector<512x2048xf32>, vector<512x8xf32>, vector<2048x8xf32> -> vector<2048x8xf32>
    %eq3A = arith.constant 0 : i32
    %eq3A_24 = arith.cmpi eq, %arg0, %eq3A : i32
    %convert_element_type3A_25 = arith.extui %eq3A_24 : i1 to i32
    %cond3A = arith.constant 0 : i32
    %cond3A_26 = arith.cmpi ne, %convert_element_type3A_25, %cond3A : i32
    scf.if %cond3A_26 {
      %swap3A = arith.constant 0 : index
      %swap3A_32 = arith.constant 0 : index
      %swap3A_33 = vector.load %arg3[%swap3A, %swap3A_32] : memref<2048x2048xf32, #tpu.memory_space<vmem>>, vector<2048x2048xf32>
      tpu.vector_store %arg3[%swap3A, %swap3A_32], %add3A {strides = array<i32>} : memref<2048x2048xf32, #tpu.memory_space<vmem>>, vector<2048x2048xf32>,
      %swap3A_34 = arith.constant 0 : index
      %swap3A_35 = arith.constant 0 : index
      %swap3A_36 = vector.load %arg4[%swap3A_34, %swap3A_35] : memref<2048x128xf32, #tpu.memory_space<vmem>>, vector<2048x128xf32>
      tpu.vector_store %arg4[%swap3A_34, %swap3A_35], %dot_general3A_12 {strides = array<i32>} : memref<2048x128xf32, #tpu.memory_space<vmem>>, vector<2048x128xf32>,
      %swap3A_37 = arith.constant 0 : index
      %swap3A_38 = arith.constant 0 : index
      %swap3A_39 = vector.load %arg5[%swap3A_37, %swap3A_38] : memref<2048x8xf32, #tpu.memory_space<vmem>>, vector<2048x8xf32>
      tpu.vector_store %arg5[%swap3A_37, %swap3A_38], %dot_general3A_23 {strides = array<i32>} : memref<2048x8xf32, #tpu.memory_space<vmem>>, vector<2048x8xf32>,
    } else {
    }
    %gt3A_27 = arith.constant 0 : i32
    %gt3A_28 = arith.cmpi sgt, %arg0, %gt3A_27 : i32
    %convert_element_type3A_29 = arith.extui %gt3A_28 : i1 to i32
    %cond3A_30 = arith.constant 0 : i32
    %cond3A_31 = arith.cmpi ne, %convert_element_type3A_29, %cond3A_30 : i32
    scf.if %cond3A_31 {
      %get3A_32 = arith.constant 0 : index
      %get3A_33 = arith.constant 0 : index
      %get3A_34 = vector.load %arg3[%get3A_32, %get3A_33] : memref<2048x2048xf32, #tpu.memory_space<vmem>>, vector<2048x2048xf32>
      %add3A_35 = arith.addf %get3A_34, %add3A : vector<2048x2048xf32>
      %swap3A = arith.constant 0 : index
      %swap3A_36 = arith.constant 0 : index
      %swap3A_37 = vector.load %arg3[%swap3A, %swap3A_36] : memref<2048x2048xf32, #tpu.memory_space<vmem>>, vector<2048x2048xf32>
      tpu.vector_store %arg3[%swap3A, %swap3A_36], %add3A_35 {strides = array<i32>} : memref<2048x2048xf32, #tpu.memory_space<vmem>>, vector<2048x2048xf32>,
      %get3A_38 = arith.constant 0 : index
      %get3A_39 = arith.constant 0 : index
      %get3A_40 = vector.load %arg4[%get3A_38, %get3A_39] : memref<2048x128xf32, #tpu.memory_space<vmem>>, vector<2048x128xf32>
      %add3A_41 = arith.addf %get3A_40, %dot_general3A_12 : vector<2048x128xf32>
      %swap3A_42 = arith.constant 0 : index
      %swap3A_43 = arith.constant 0 : index
      %swap3A_44 = vector.load %arg4[%swap3A_42, %swap3A_43] : memref<2048x128xf32, #tpu.memory_space<vmem>>, vector<2048x128xf32>
      tpu.vector_store %arg4[%swap3A_42, %swap3A_43], %add3A_41 {strides = array<i32>} : memref<2048x128xf32, #tpu.memory_space<vmem>>, vector<2048x128xf32>,
      %get3A_45 = arith.constant 0 : index
      %get3A_46 = arith.constant 0 : index
      %get3A_47 = vector.load %arg5[%get3A_45, %get3A_46] : memref<2048x8xf32, #tpu.memory_space<vmem>>, vector<2048x8xf32>
      %add3A_48 = arith.addf %get3A_47, %dot_general3A_23 : vector<2048x8xf32>
      %swap3A_49 = arith.constant 0 : index
      %swap3A_50 = arith.constant 0 : index
      %swap3A_51 = vector.load %arg5[%swap3A_49, %swap3A_50] : memref<2048x8xf32, #tpu.memory_space<vmem>>, vector<2048x8xf32>
      tpu.vector_store %arg5[%swap3A_49, %swap3A_50], %add3A_48 {strides = array<i32>} : memref<2048x8xf32, #tpu.memory_space<vmem>>, vector<2048x8xf32>,
    } else {
    }
    return
  }
  func.func @transform_0(%arg0: i32) -> (i32, i32) {
    %c0_i32 = arith.constant 0 : i32
    %c0_i32_0 = arith.constant 0 : i32
    return %arg0, %c0_i32 : i32, i32
  }
  func.func @transform_1(%arg0: i32) -> (i32, i32) {
    %c0_i32 = arith.constant 0 : i32
    %c0_i32_0 = arith.constant 0 : i32
    return %arg0, %c0_i32 : i32, i32
  }
  func.func @transform_2(%arg0: i32) -> (i32, i32) {
    %c0_i32 = arith.constant 0 : i32
    %c0_i32_0 = arith.constant 0 : i32
    %c0_i32_1 = arith.constant 0 : i32
    return %c0_i32, %c0_i32_0 : i32, i32
  }
  func.func @transform_3(%arg0: i32) -> (i32, i32) {
    %c0_i32 = arith.constant 0 : i32
    %c0_i32_0 = arith.constant 0 : i32
    %c0_i32_1 = arith.constant 0 : i32
    return %c0_i32, %c0_i32_0 : i32, i32
  }
  func.func @transform_4(%arg0: i32) -> (i32, i32) {
    %c0_i32 = arith.constant 0 : i32
    %c0_i32_0 = arith.constant 0 : i32
    %c0_i32_1 = arith.constant 0 : i32
    return %c0_i32, %c0_i32_0 : i32, i32
  }
}

module attributes {stable_mosaic.version = 14 : i64} {
  func.func @_t2_kernel(%arg0: memref<2048x2048xf32, #tpu.memory_space<vmem>>, %arg1: memref<2048x128xf32, #tpu.memory_space<vmem>>, %arg2: memref<2048x8xf32, #tpu.memory_space<vmem>>, %arg3: memref<2048x512xf32, #tpu.memory_space<vmem>>, %arg4: memref<2048x128xf32, #tpu.memory_space<vmem>>, %arg5: memref<2048x128xf32, #tpu.memory_space<vmem>>) attributes {dimension_semantics = [], scalar_prefetch = 0 : i64, scratch_operands = 2 : i64, tpu.core_type = #tpu.core_type<tc>} {
    %get3A = arith.constant 0 : index
    %get3A_0 = arith.constant 0 : index
    %get3A_1 = vector.load %arg2[%get3A, %get3A_0] : memref<2048x8xf32, #tpu.memory_space<vmem>>, vector<2048x1xf32>
    %gt3A = arith.constant 0.000000e+00 : f32
    %gt3A_2 = vector.broadcast %gt3A : f32 to vector<2048x1xf32>
    %gt3A_3 = arith.cmpf ogt, %get3A_1, %gt3A_2 : vector<2048x1xf32>
    %div3A = arith.constant 1.000000e+00 : f32
    %div3A_4 = vector.broadcast %div3A : f32 to vector<2048x1xf32>
    %div3A_5 = arith.divf %div3A_4, %get3A_1 : vector<2048x1xf32>
    %jit3A = arith.constant 0.000000e+00 : f32
    %broadcast_in_dim3A = vector.broadcast %jit3A : f32 to vector<2048x1xf32>
    %select_n3A = arith.select %gt3A_3, %div3A_5, %broadcast_in_dim3A : vector<2048x1xi1>, vector<2048x1xf32>
    %get3A_6 = arith.constant 0 : index
    %get3A_7 = arith.constant 0 : index
    %get3A_8 = vector.load %arg1[%get3A_6, %get3A_7] : memref<2048x128xf32, #tpu.memory_space<vmem>>, vector<2048x128xf32>
    %swap3A = arith.constant 0 : index
    %swap3A_9 = arith.constant 0 : index
    %swap3A_10 = vector.load %arg4[%swap3A, %swap3A_9] : memref<2048x128xf32, #tpu.memory_space<vmem>>, vector<2048x128xf32>
    tpu.vector_store %arg4[%swap3A, %swap3A_9], %get3A_8 {strides = array<i32>} : memref<2048x128xf32, #tpu.memory_space<vmem>>, vector<2048x128xf32>,
    %get3A_11 = arith.constant 0 : index
    %get3A_12 = arith.constant 0 : index
    %get3A_13 = vector.load %arg4[%get3A_11, %get3A_12] : memref<2048x128xf32, #tpu.memory_space<vmem>>, vector<2048x128xf32>
    %mul3A = vector.broadcast %select_n3A : vector<2048x1xf32> to vector<2048x128xf32>
    %mul3A_14 = arith.mulf %mul3A, %get3A_13 : vector<2048x128xf32>
    %scan3A = arith.constant 0 : i32
    %scan3A_15 = arith.constant 8 : i32
    %scan3A_16 = arith.addi %scan3A, %scan3A_15 : i32
    %scan3A_17 = arith.constant 1 : i32
    scf.for %scan3A_183 = %scan3A to %scan3A_16 step %scan3A_17  : i32 {
      %mul3A_184 = arith.constant 256 : i32
      %mul3A_185 = arith.muli %scan3A_183, %mul3A_184 : i32
      %get3A_186 = arith.index_cast %mul3A_185 : i32 to index
      %get3A_187 = arith.constant 0 : index
      %get3A_188 = vector.load %arg0[%get3A_186, %get3A_187] : memref<2048x2048xf32, #tpu.memory_space<vmem>>, vector<256x2048xf32>
      %dot_general3A = arith.constant dense<0.000000e+00> : vector<256x128xf32>
      %dot_general3A_189 = tpu.matmul %get3A_188, %mul3A_14, %dot_general3A {dimension_numbers = #tpu.dot_dimension_numbers<[1], [0], [0], [1], [0, 0, 1, 1], [], []>, precision = #tpu.contract_precision<fp32>, transpose_lhs_hint = false} : vector<256x2048xf32>, vector<2048x128xf32>, vector<256x128xf32> -> vector<256x128xf32>
      %mul3A_190 = arith.constant 256 : i32
      %mul3A_191 = arith.muli %scan3A_183, %mul3A_190 : i32
      %swap3A_192 = arith.index_cast %mul3A_191 : i32 to index
      %swap3A_193 = arith.constant 0 : index
      %swap3A_194 = vector.load %arg5[%swap3A_192, %swap3A_193] : memref<2048x128xf32, #tpu.memory_space<vmem>>, vector<256x128xf32>
      tpu.vector_store %arg5[%swap3A_192, %swap3A_193], %dot_general3A_189 {strides = array<i32>} : memref<2048x128xf32, #tpu.memory_space<vmem>>, vector<256x128xf32>,
    }
    %scan3A_18 = arith.constant 8 : i32
    %get3A_19 = arith.constant 0 : index
    %get3A_20 = arith.constant 0 : index
    %get3A_21 = vector.load %arg5[%get3A_19, %get3A_20] : memref<2048x128xf32, #tpu.memory_space<vmem>>, vector<2048x128xf32>
    %swap3A_22 = arith.constant 0 : index
    %swap3A_23 = arith.constant 0 : index
    %swap3A_24 = vector.load %arg3[%swap3A_22, %swap3A_23] : memref<2048x512xf32, #tpu.memory_space<vmem>>, vector<2048x128xf32>
    tpu.vector_store %arg3[%swap3A_22, %swap3A_23], %get3A_21 {strides = array<i32>} : memref<2048x512xf32, #tpu.memory_space<vmem>>, vector<2048x128xf32>,
    %get3A_25 = arith.constant 0 : index
    %get3A_26 = arith.constant 0 : index
    %get3A_27 = vector.load %arg5[%get3A_25, %get3A_26] : memref<2048x128xf32, #tpu.memory_space<vmem>>, vector<2048x128xf32>
    %mul3A_28 = vector.broadcast %select_n3A : vector<2048x1xf32> to vector<2048x128xf32>
    %mul3A_29 = arith.mulf %mul3A_28, %get3A_27 : vector<2048x128xf32>
    %scan3A_30 = arith.constant 0 : i32
    %scan3A_31 = arith.constant 8 : i32
    %scan3A_32 = arith.addi %scan3A_30, %scan3A_31 : i32
    %scan3A_33 = arith.constant 1 : i32
    scf.for %scan3A_183 = %scan3A_30 to %scan3A_32 step %scan3A_33  : i32 {
      %mul3A_184 = arith.constant 256 : i32
      %mul3A_185 = arith.muli %scan3A_183, %mul3A_184 : i32
      %get3A_186 = arith.index_cast %mul3A_185 : i32 to index
      %get3A_187 = arith.constant 0 : index
      %get3A_188 = vector.load %arg0[%get3A_186, %get3A_187] : memref<2048x2048xf32, #tpu.memory_space<vmem>>, vector<256x2048xf32>
      %dot_general3A = arith.constant dense<0.000000e+00> : vector<256x128xf32>
      %dot_general3A_189 = tpu.matmul %get3A_188, %mul3A_29, %dot_general3A {dimension_numbers = #tpu.dot_dimension_numbers<[1], [0], [0], [1], [0, 0, 1, 1], [], []>, precision = #tpu.contract_precision<fp32>, transpose_lhs_hint = false} : vector<256x2048xf32>, vector<2048x128xf32>, vector<256x128xf32> -> vector<256x128xf32>
      %mul3A_190 = arith.constant 256 : i32
      %mul3A_191 = arith.muli %scan3A_183, %mul3A_190 : i32
      %swap3A_192 = arith.index_cast %mul3A_191 : i32 to index
      %swap3A_193 = arith.constant 0 : index
      %swap3A_194 = vector.load %arg4[%swap3A_192, %swap3A_193] : memref<2048x128xf32, #tpu.memory_space<vmem>>, vector<256x128xf32>
      tpu.vector_store %arg4[%swap3A_192, %swap3A_193], %dot_general3A_189 {strides = array<i32>} : memref<2048x128xf32, #tpu.memory_space<vmem>>, vector<256x128xf32>,
    }
    %scan3A_34 = arith.constant 8 : i32
    %get3A_35 = arith.constant 0 : index
    %get3A_36 = arith.constant 0 : index
    %get3A_37 = vector.load %arg4[%get3A_35, %get3A_36] : memref<2048x128xf32, #tpu.memory_space<vmem>>, vector<2048x128xf32>
    %mul3A_38 = vector.broadcast %select_n3A : vector<2048x1xf32> to vector<2048x128xf32>
    %mul3A_39 = arith.mulf %mul3A_38, %get3A_37 : vector<2048x128xf32>
    %scan3A_40 = arith.constant 0 : i32
    %scan3A_41 = arith.constant 8 : i32
    %scan3A_42 = arith.addi %scan3A_40, %scan3A_41 : i32
    %scan3A_43 = arith.constant 1 : i32
    scf.for %scan3A_183 = %scan3A_40 to %scan3A_42 step %scan3A_43  : i32 {
      %mul3A_184 = arith.constant 256 : i32
      %mul3A_185 = arith.muli %scan3A_183, %mul3A_184 : i32
      %get3A_186 = arith.index_cast %mul3A_185 : i32 to index
      %get3A_187 = arith.constant 0 : index
      %get3A_188 = vector.load %arg0[%get3A_186, %get3A_187] : memref<2048x2048xf32, #tpu.memory_space<vmem>>, vector<256x2048xf32>
      %dot_general3A = arith.constant dense<0.000000e+00> : vector<256x128xf32>
      %dot_general3A_189 = tpu.matmul %get3A_188, %mul3A_39, %dot_general3A {dimension_numbers = #tpu.dot_dimension_numbers<[1], [0], [0], [1], [0, 0, 1, 1], [], []>, precision = #tpu.contract_precision<fp32>, transpose_lhs_hint = false} : vector<256x2048xf32>, vector<2048x128xf32>, vector<256x128xf32> -> vector<256x128xf32>
      %mul3A_190 = arith.constant 256 : i32
      %mul3A_191 = arith.muli %scan3A_183, %mul3A_190 : i32
      %swap3A_192 = arith.index_cast %mul3A_191 : i32 to index
      %swap3A_193 = arith.constant 0 : index
      %swap3A_194 = vector.load %arg5[%swap3A_192, %swap3A_193] : memref<2048x128xf32, #tpu.memory_space<vmem>>, vector<256x128xf32>
      tpu.vector_store %arg5[%swap3A_192, %swap3A_193], %dot_general3A_189 {strides = array<i32>} : memref<2048x128xf32, #tpu.memory_space<vmem>>, vector<256x128xf32>,
    }
    %scan3A_44 = arith.constant 8 : i32
    %get3A_45 = arith.constant 0 : index
    %get3A_46 = arith.constant 0 : index
    %get3A_47 = vector.load %arg5[%get3A_45, %get3A_46] : memref<2048x128xf32, #tpu.memory_space<vmem>>, vector<2048x128xf32>
    %swap3A_48 = arith.constant 0 : index
    %swap3A_49 = arith.constant 128 : index
    %swap3A_50 = vector.load %arg3[%swap3A_48, %swap3A_49] : memref<2048x512xf32, #tpu.memory_space<vmem>>, vector<2048x128xf32>
    tpu.vector_store %arg3[%swap3A_48, %swap3A_49], %get3A_47 {strides = array<i32>} : memref<2048x512xf32, #tpu.memory_space<vmem>>, vector<2048x128xf32>,
    %get3A_51 = arith.constant 0 : index
    %get3A_52 = arith.constant 0 : index
    %get3A_53 = vector.load %arg5[%get3A_51, %get3A_52] : memref<2048x128xf32, #tpu.memory_space<vmem>>, vector<2048x128xf32>
    %mul3A_54 = vector.broadcast %select_n3A : vector<2048x1xf32> to vector<2048x128xf32>
    %mul3A_55 = arith.mulf %mul3A_54, %get3A_53 : vector<2048x128xf32>
    %scan3A_56 = arith.constant 0 : i32
    %scan3A_57 = arith.constant 8 : i32
    %scan3A_58 = arith.addi %scan3A_56, %scan3A_57 : i32
    %scan3A_59 = arith.constant 1 : i32
    scf.for %scan3A_183 = %scan3A_56 to %scan3A_58 step %scan3A_59  : i32 {
      %mul3A_184 = arith.constant 256 : i32
      %mul3A_185 = arith.muli %scan3A_183, %mul3A_184 : i32
      %get3A_186 = arith.index_cast %mul3A_185 : i32 to index
      %get3A_187 = arith.constant 0 : index
      %get3A_188 = vector.load %arg0[%get3A_186, %get3A_187] : memref<2048x2048xf32, #tpu.memory_space<vmem>>, vector<256x2048xf32>
      %dot_general3A = arith.constant dense<0.000000e+00> : vector<256x128xf32>
      %dot_general3A_189 = tpu.matmul %get3A_188, %mul3A_55, %dot_general3A {dimension_numbers = #tpu.dot_dimension_numbers<[1], [0], [0], [1], [0, 0, 1, 1], [], []>, precision = #tpu.contract_precision<fp32>, transpose_lhs_hint = false} : vector<256x2048xf32>, vector<2048x128xf32>, vector<256x128xf32> -> vector<256x128xf32>
      %mul3A_190 = arith.constant 256 : i32
      %mul3A_191 = arith.muli %scan3A_183, %mul3A_190 : i32
      %swap3A_192 = arith.index_cast %mul3A_191 : i32 to index
      %swap3A_193 = arith.constant 0 : index
      %swap3A_194 = vector.load %arg4[%swap3A_192, %swap3A_193] : memref<2048x128xf32, #tpu.memory_space<vmem>>, vector<256x128xf32>
      tpu.vector_store %arg4[%swap3A_192, %swap3A_193], %dot_general3A_189 {strides = array<i32>} : memref<2048x128xf32, #tpu.memory_space<vmem>>, vector<256x128xf32>,
    }
    %scan3A_60 = arith.constant 8 : i32
    %get3A_61 = arith.constant 0 : index
    %get3A_62 = arith.constant 0 : index
    %get3A_63 = vector.load %arg4[%get3A_61, %get3A_62] : memref<2048x128xf32, #tpu.memory_space<vmem>>, vector<2048x128xf32>
    %mul3A_64 = vector.broadcast %select_n3A : vector<2048x1xf32> to vector<2048x128xf32>
    %mul3A_65 = arith.mulf %mul3A_64, %get3A_63 : vector<2048x128xf32>
    %scan3A_66 = arith.constant 0 : i32
    %scan3A_67 = arith.constant 8 : i32
    %scan3A_68 = arith.addi %scan3A_66, %scan3A_67 : i32
    %scan3A_69 = arith.constant 1 : i32
    scf.for %scan3A_183 = %scan3A_66 to %scan3A_68 step %scan3A_69  : i32 {
      %mul3A_184 = arith.constant 256 : i32
      %mul3A_185 = arith.muli %scan3A_183, %mul3A_184 : i32
      %get3A_186 = arith.index_cast %mul3A_185 : i32 to index
      %get3A_187 = arith.constant 0 : index
      %get3A_188 = vector.load %arg0[%get3A_186, %get3A_187] : memref<2048x2048xf32, #tpu.memory_space<vmem>>, vector<256x2048xf32>
      %dot_general3A = arith.constant dense<0.000000e+00> : vector<256x128xf32>
      %dot_general3A_189 = tpu.matmul %get3A_188, %mul3A_65, %dot_general3A {dimension_numbers = #tpu.dot_dimension_numbers<[1], [0], [0], [1], [0, 0, 1, 1], [], []>, precision = #tpu.contract_precision<fp32>, transpose_lhs_hint = false} : vector<256x2048xf32>, vector<2048x128xf32>, vector<256x128xf32> -> vector<256x128xf32>
      %mul3A_190 = arith.constant 256 : i32
      %mul3A_191 = arith.muli %scan3A_183, %mul3A_190 : i32
      %swap3A_192 = arith.index_cast %mul3A_191 : i32 to index
      %swap3A_193 = arith.constant 0 : index
      %swap3A_194 = vector.load %arg5[%swap3A_192, %swap3A_193] : memref<2048x128xf32, #tpu.memory_space<vmem>>, vector<256x128xf32>
      tpu.vector_store %arg5[%swap3A_192, %swap3A_193], %dot_general3A_189 {strides = array<i32>} : memref<2048x128xf32, #tpu.memory_space<vmem>>, vector<256x128xf32>,
    }
    %scan3A_70 = arith.constant 8 : i32
    %get3A_71 = arith.constant 0 : index
    %get3A_72 = arith.constant 0 : index
    %get3A_73 = vector.load %arg5[%get3A_71, %get3A_72] : memref<2048x128xf32, #tpu.memory_space<vmem>>, vector<2048x128xf32>
    %mul3A_74 = vector.broadcast %select_n3A : vector<2048x1xf32> to vector<2048x128xf32>
    %mul3A_75 = arith.mulf %mul3A_74, %get3A_73 : vector<2048x128xf32>
    %scan3A_76 = arith.constant 0 : i32
    %scan3A_77 = arith.constant 8 : i32
    %scan3A_78 = arith.addi %scan3A_76, %scan3A_77 : i32
    %scan3A_79 = arith.constant 1 : i32
    scf.for %scan3A_183 = %scan3A_76 to %scan3A_78 step %scan3A_79  : i32 {
      %mul3A_184 = arith.constant 256 : i32
      %mul3A_185 = arith.muli %scan3A_183, %mul3A_184 : i32
      %get3A_186 = arith.index_cast %mul3A_185 : i32 to index
      %get3A_187 = arith.constant 0 : index
      %get3A_188 = vector.load %arg0[%get3A_186, %get3A_187] : memref<2048x2048xf32, #tpu.memory_space<vmem>>, vector<256x2048xf32>
      %dot_general3A = arith.constant dense<0.000000e+00> : vector<256x128xf32>
      %dot_general3A_189 = tpu.matmul %get3A_188, %mul3A_75, %dot_general3A {dimension_numbers = #tpu.dot_dimension_numbers<[1], [0], [0], [1], [0, 0, 1, 1], [], []>, precision = #tpu.contract_precision<fp32>, transpose_lhs_hint = false} : vector<256x2048xf32>, vector<2048x128xf32>, vector<256x128xf32> -> vector<256x128xf32>
      %mul3A_190 = arith.constant 256 : i32
      %mul3A_191 = arith.muli %scan3A_183, %mul3A_190 : i32
      %swap3A_192 = arith.index_cast %mul3A_191 : i32 to index
      %swap3A_193 = arith.constant 0 : index
      %swap3A_194 = vector.load %arg4[%swap3A_192, %swap3A_193] : memref<2048x128xf32, #tpu.memory_space<vmem>>, vector<256x128xf32>
      tpu.vector_store %arg4[%swap3A_192, %swap3A_193], %dot_general3A_189 {strides = array<i32>} : memref<2048x128xf32, #tpu.memory_space<vmem>>, vector<256x128xf32>,
    }
    %scan3A_80 = arith.constant 8 : i32
    %get3A_81 = arith.constant 0 : index
    %get3A_82 = arith.constant 0 : index
    %get3A_83 = vector.load %arg4[%get3A_81, %get3A_82] : memref<2048x128xf32, #tpu.memory_space<vmem>>, vector<2048x128xf32>
    %mul3A_84 = vector.broadcast %select_n3A : vector<2048x1xf32> to vector<2048x128xf32>
    %mul3A_85 = arith.mulf %mul3A_84, %get3A_83 : vector<2048x128xf32>
    %scan3A_86 = arith.constant 0 : i32
    %scan3A_87 = arith.constant 8 : i32
    %scan3A_88 = arith.addi %scan3A_86, %scan3A_87 : i32
    %scan3A_89 = arith.constant 1 : i32
    scf.for %scan3A_183 = %scan3A_86 to %scan3A_88 step %scan3A_89  : i32 {
      %mul3A_184 = arith.constant 256 : i32
      %mul3A_185 = arith.muli %scan3A_183, %mul3A_184 : i32
      %get3A_186 = arith.index_cast %mul3A_185 : i32 to index
      %get3A_187 = arith.constant 0 : index
      %get3A_188 = vector.load %arg0[%get3A_186, %get3A_187] : memref<2048x2048xf32, #tpu.memory_space<vmem>>, vector<256x2048xf32>
      %dot_general3A = arith.constant dense<0.000000e+00> : vector<256x128xf32>
      %dot_general3A_189 = tpu.matmul %get3A_188, %mul3A_85, %dot_general3A {dimension_numbers = #tpu.dot_dimension_numbers<[1], [0], [0], [1], [0, 0, 1, 1], [], []>, precision = #tpu.contract_precision<fp32>, transpose_lhs_hint = false} : vector<256x2048xf32>, vector<2048x128xf32>, vector<256x128xf32> -> vector<256x128xf32>
      %mul3A_190 = arith.constant 256 : i32
      %mul3A_191 = arith.muli %scan3A_183, %mul3A_190 : i32
      %swap3A_192 = arith.index_cast %mul3A_191 : i32 to index
      %swap3A_193 = arith.constant 0 : index
      %swap3A_194 = vector.load %arg5[%swap3A_192, %swap3A_193] : memref<2048x128xf32, #tpu.memory_space<vmem>>, vector<256x128xf32>
      tpu.vector_store %arg5[%swap3A_192, %swap3A_193], %dot_general3A_189 {strides = array<i32>} : memref<2048x128xf32, #tpu.memory_space<vmem>>, vector<256x128xf32>,
    }
    %scan3A_90 = arith.constant 8 : i32
    %get3A_91 = arith.constant 0 : index
    %get3A_92 = arith.constant 0 : index
    %get3A_93 = vector.load %arg5[%get3A_91, %get3A_92] : memref<2048x128xf32, #tpu.memory_space<vmem>>, vector<2048x128xf32>
    %swap3A_94 = arith.constant 0 : index
    %swap3A_95 = arith.constant 256 : index
    %swap3A_96 = vector.load %arg3[%swap3A_94, %swap3A_95] : memref<2048x512xf32, #tpu.memory_space<vmem>>, vector<2048x128xf32>
    tpu.vector_store %arg3[%swap3A_94, %swap3A_95], %get3A_93 {strides = array<i32>} : memref<2048x512xf32, #tpu.memory_space<vmem>>, vector<2048x128xf32>,
    %get3A_97 = arith.constant 0 : index
    %get3A_98 = arith.constant 0 : index
    %get3A_99 = vector.load %arg5[%get3A_97, %get3A_98] : memref<2048x128xf32, #tpu.memory_space<vmem>>, vector<2048x128xf32>
    %mul3A_100 = vector.broadcast %select_n3A : vector<2048x1xf32> to vector<2048x128xf32>
    %mul3A_101 = arith.mulf %mul3A_100, %get3A_99 : vector<2048x128xf32>
    %scan3A_102 = arith.constant 0 : i32
    %scan3A_103 = arith.constant 8 : i32
    %scan3A_104 = arith.addi %scan3A_102, %scan3A_103 : i32
    %scan3A_105 = arith.constant 1 : i32
    scf.for %scan3A_183 = %scan3A_102 to %scan3A_104 step %scan3A_105  : i32 {
      %mul3A_184 = arith.constant 256 : i32
      %mul3A_185 = arith.muli %scan3A_183, %mul3A_184 : i32
      %get3A_186 = arith.index_cast %mul3A_185 : i32 to index
      %get3A_187 = arith.constant 0 : index
      %get3A_188 = vector.load %arg0[%get3A_186, %get3A_187] : memref<2048x2048xf32, #tpu.memory_space<vmem>>, vector<256x2048xf32>
      %dot_general3A = arith.constant dense<0.000000e+00> : vector<256x128xf32>
      %dot_general3A_189 = tpu.matmul %get3A_188, %mul3A_101, %dot_general3A {dimension_numbers = #tpu.dot_dimension_numbers<[1], [0], [0], [1], [0, 0, 1, 1], [], []>, precision = #tpu.contract_precision<fp32>, transpose_lhs_hint = false} : vector<256x2048xf32>, vector<2048x128xf32>, vector<256x128xf32> -> vector<256x128xf32>
      %mul3A_190 = arith.constant 256 : i32
      %mul3A_191 = arith.muli %scan3A_183, %mul3A_190 : i32
      %swap3A_192 = arith.index_cast %mul3A_191 : i32 to index
      %swap3A_193 = arith.constant 0 : index
      %swap3A_194 = vector.load %arg4[%swap3A_192, %swap3A_193] : memref<2048x128xf32, #tpu.memory_space<vmem>>, vector<256x128xf32>
      tpu.vector_store %arg4[%swap3A_192, %swap3A_193], %dot_general3A_189 {strides = array<i32>} : memref<2048x128xf32, #tpu.memory_space<vmem>>, vector<256x128xf32>,
    }
    %scan3A_106 = arith.constant 8 : i32
    %get3A_107 = arith.constant 0 : index
    %get3A_108 = arith.constant 0 : index
    %get3A_109 = vector.load %arg4[%get3A_107, %get3A_108] : memref<2048x128xf32, #tpu.memory_space<vmem>>, vector<2048x128xf32>
    %mul3A_110 = vector.broadcast %select_n3A : vector<2048x1xf32> to vector<2048x128xf32>
    %mul3A_111 = arith.mulf %mul3A_110, %get3A_109 : vector<2048x128xf32>
    %scan3A_112 = arith.constant 0 : i32
    %scan3A_113 = arith.constant 8 : i32
    %scan3A_114 = arith.addi %scan3A_112, %scan3A_113 : i32
    %scan3A_115 = arith.constant 1 : i32
    scf.for %scan3A_183 = %scan3A_112 to %scan3A_114 step %scan3A_115  : i32 {
      %mul3A_184 = arith.constant 256 : i32
      %mul3A_185 = arith.muli %scan3A_183, %mul3A_184 : i32
      %get3A_186 = arith.index_cast %mul3A_185 : i32 to index
      %get3A_187 = arith.constant 0 : index
      %get3A_188 = vector.load %arg0[%get3A_186, %get3A_187] : memref<2048x2048xf32, #tpu.memory_space<vmem>>, vector<256x2048xf32>
      %dot_general3A = arith.constant dense<0.000000e+00> : vector<256x128xf32>
      %dot_general3A_189 = tpu.matmul %get3A_188, %mul3A_111, %dot_general3A {dimension_numbers = #tpu.dot_dimension_numbers<[1], [0], [0], [1], [0, 0, 1, 1], [], []>, precision = #tpu.contract_precision<fp32>, transpose_lhs_hint = false} : vector<256x2048xf32>, vector<2048x128xf32>, vector<256x128xf32> -> vector<256x128xf32>
      %mul3A_190 = arith.constant 256 : i32
      %mul3A_191 = arith.muli %scan3A_183, %mul3A_190 : i32
      %swap3A_192 = arith.index_cast %mul3A_191 : i32 to index
      %swap3A_193 = arith.constant 0 : index
      %swap3A_194 = vector.load %arg5[%swap3A_192, %swap3A_193] : memref<2048x128xf32, #tpu.memory_space<vmem>>, vector<256x128xf32>
      tpu.vector_store %arg5[%swap3A_192, %swap3A_193], %dot_general3A_189 {strides = array<i32>} : memref<2048x128xf32, #tpu.memory_space<vmem>>, vector<256x128xf32>,
    }
    %scan3A_116 = arith.constant 8 : i32
    %get3A_117 = arith.constant 0 : index
    %get3A_118 = arith.constant 0 : index
    %get3A_119 = vector.load %arg5[%get3A_117, %get3A_118] : memref<2048x128xf32, #tpu.memory_space<vmem>>, vector<2048x128xf32>
    %mul3A_120 = vector.broadcast %select_n3A : vector<2048x1xf32> to vector<2048x128xf32>
    %mul3A_121 = arith.mulf %mul3A_120, %get3A_119 : vector<2048x128xf32>
    %scan3A_122 = arith.constant 0 : i32
    %scan3A_123 = arith.constant 8 : i32
    %scan3A_124 = arith.addi %scan3A_122, %scan3A_123 : i32
    %scan3A_125 = arith.constant 1 : i32
    scf.for %scan3A_183 = %scan3A_122 to %scan3A_124 step %scan3A_125  : i32 {
      %mul3A_184 = arith.constant 256 : i32
      %mul3A_185 = arith.muli %scan3A_183, %mul3A_184 : i32
      %get3A_186 = arith.index_cast %mul3A_185 : i32 to index
      %get3A_187 = arith.constant 0 : index
      %get3A_188 = vector.load %arg0[%get3A_186, %get3A_187] : memref<2048x2048xf32, #tpu.memory_space<vmem>>, vector<256x2048xf32>
      %dot_general3A = arith.constant dense<0.000000e+00> : vector<256x128xf32>
      %dot_general3A_189 = tpu.matmul %get3A_188, %mul3A_121, %dot_general3A {dimension_numbers = #tpu.dot_dimension_numbers<[1], [0], [0], [1], [0, 0, 1, 1], [], []>, precision = #tpu.contract_precision<fp32>, transpose_lhs_hint = false} : vector<256x2048xf32>, vector<2048x128xf32>, vector<256x128xf32> -> vector<256x128xf32>
      %mul3A_190 = arith.constant 256 : i32
      %mul3A_191 = arith.muli %scan3A_183, %mul3A_190 : i32
      %swap3A_192 = arith.index_cast %mul3A_191 : i32 to index
      %swap3A_193 = arith.constant 0 : index
      %swap3A_194 = vector.load %arg4[%swap3A_192, %swap3A_193] : memref<2048x128xf32, #tpu.memory_space<vmem>>, vector<256x128xf32>
      tpu.vector_store %arg4[%swap3A_192, %swap3A_193], %dot_general3A_189 {strides = array<i32>} : memref<2048x128xf32, #tpu.memory_space<vmem>>, vector<256x128xf32>,
    }
    %scan3A_126 = arith.constant 8 : i32
    %get3A_127 = arith.constant 0 : index
    %get3A_128 = arith.constant 0 : index
    %get3A_129 = vector.load %arg4[%get3A_127, %get3A_128] : memref<2048x128xf32, #tpu.memory_space<vmem>>, vector<2048x128xf32>
    %mul3A_130 = vector.broadcast %select_n3A : vector<2048x1xf32> to vector<2048x128xf32>
    %mul3A_131 = arith.mulf %mul3A_130, %get3A_129 : vector<2048x128xf32>
    %scan3A_132 = arith.constant 0 : i32
    %scan3A_133 = arith.constant 8 : i32
    %scan3A_134 = arith.addi %scan3A_132, %scan3A_133 : i32
    %scan3A_135 = arith.constant 1 : i32
    scf.for %scan3A_183 = %scan3A_132 to %scan3A_134 step %scan3A_135  : i32 {
      %mul3A_184 = arith.constant 256 : i32
      %mul3A_185 = arith.muli %scan3A_183, %mul3A_184 : i32
      %get3A_186 = arith.index_cast %mul3A_185 : i32 to index
      %get3A_187 = arith.constant 0 : index
      %get3A_188 = vector.load %arg0[%get3A_186, %get3A_187] : memref<2048x2048xf32, #tpu.memory_space<vmem>>, vector<256x2048xf32>
      %dot_general3A = arith.constant dense<0.000000e+00> : vector<256x128xf32>
      %dot_general3A_189 = tpu.matmul %get3A_188, %mul3A_131, %dot_general3A {dimension_numbers = #tpu.dot_dimension_numbers<[1], [0], [0], [1], [0, 0, 1, 1], [], []>, precision = #tpu.contract_precision<fp32>, transpose_lhs_hint = false} : vector<256x2048xf32>, vector<2048x128xf32>, vector<256x128xf32> -> vector<256x128xf32>
      %mul3A_190 = arith.constant 256 : i32
      %mul3A_191 = arith.muli %scan3A_183, %mul3A_190 : i32
      %swap3A_192 = arith.index_cast %mul3A_191 : i32 to index
      %swap3A_193 = arith.constant 0 : index
      %swap3A_194 = vector.load %arg5[%swap3A_192, %swap3A_193] : memref<2048x128xf32, #tpu.memory_space<vmem>>, vector<256x128xf32>
      tpu.vector_store %arg5[%swap3A_192, %swap3A_193], %dot_general3A_189 {strides = array<i32>} : memref<2048x128xf32, #tpu.memory_space<vmem>>, vector<256x128xf32>,
    }
    %scan3A_136 = arith.constant 8 : i32
    %get3A_137 = arith.constant 0 : index
    %get3A_138 = arith.constant 0 : index
    %get3A_139 = vector.load %arg5[%get3A_137, %get3A_138] : memref<2048x128xf32, #tpu.memory_space<vmem>>, vector<2048x128xf32>
    %mul3A_140 = vector.broadcast %select_n3A : vector<2048x1xf32> to vector<2048x128xf32>
    %mul3A_141 = arith.mulf %mul3A_140, %get3A_139 : vector<2048x128xf32>
    %scan3A_142 = arith.constant 0 : i32
    %scan3A_143 = arith.constant 8 : i32
    %scan3A_144 = arith.addi %scan3A_142, %scan3A_143 : i32
    %scan3A_145 = arith.constant 1 : i32
    scf.for %scan3A_183 = %scan3A_142 to %scan3A_144 step %scan3A_145  : i32 {
      %mul3A_184 = arith.constant 256 : i32
      %mul3A_185 = arith.muli %scan3A_183, %mul3A_184 : i32
      %get3A_186 = arith.index_cast %mul3A_185 : i32 to index
      %get3A_187 = arith.constant 0 : index
      %get3A_188 = vector.load %arg0[%get3A_186, %get3A_187] : memref<2048x2048xf32, #tpu.memory_space<vmem>>, vector<256x2048xf32>
      %dot_general3A = arith.constant dense<0.000000e+00> : vector<256x128xf32>
      %dot_general3A_189 = tpu.matmul %get3A_188, %mul3A_141, %dot_general3A {dimension_numbers = #tpu.dot_dimension_numbers<[1], [0], [0], [1], [0, 0, 1, 1], [], []>, precision = #tpu.contract_precision<fp32>, transpose_lhs_hint = false} : vector<256x2048xf32>, vector<2048x128xf32>, vector<256x128xf32> -> vector<256x128xf32>
      %mul3A_190 = arith.constant 256 : i32
      %mul3A_191 = arith.muli %scan3A_183, %mul3A_190 : i32
      %swap3A_192 = arith.index_cast %mul3A_191 : i32 to index
      %swap3A_193 = arith.constant 0 : index
      %swap3A_194 = vector.load %arg4[%swap3A_192, %swap3A_193] : memref<2048x128xf32, #tpu.memory_space<vmem>>, vector<256x128xf32>
      tpu.vector_store %arg4[%swap3A_192, %swap3A_193], %dot_general3A_189 {strides = array<i32>} : memref<2048x128xf32, #tpu.memory_space<vmem>>, vector<256x128xf32>,
    }
    %scan3A_146 = arith.constant 8 : i32
    %get3A_147 = arith.constant 0 : index
    %get3A_148 = arith.constant 0 : index
    %get3A_149 = vector.load %arg4[%get3A_147, %get3A_148] : memref<2048x128xf32, #tpu.memory_space<vmem>>, vector<2048x128xf32>
    %mul3A_150 = vector.broadcast %select_n3A : vector<2048x1xf32> to vector<2048x128xf32>
    %mul3A_151 = arith.mulf %mul3A_150, %get3A_149 : vector<2048x128xf32>
    %scan3A_152 = arith.constant 0 : i32
    %scan3A_153 = arith.constant 8 : i32
    %scan3A_154 = arith.addi %scan3A_152, %scan3A_153 : i32
    %scan3A_155 = arith.constant 1 : i32
    scf.for %scan3A_183 = %scan3A_152 to %scan3A_154 step %scan3A_155  : i32 {
      %mul3A_184 = arith.constant 256 : i32
      %mul3A_185 = arith.muli %scan3A_183, %mul3A_184 : i32
      %get3A_186 = arith.index_cast %mul3A_185 : i32 to index
      %get3A_187 = arith.constant 0 : index
      %get3A_188 = vector.load %arg0[%get3A_186, %get3A_187] : memref<2048x2048xf32, #tpu.memory_space<vmem>>, vector<256x2048xf32>
      %dot_general3A = arith.constant dense<0.000000e+00> : vector<256x128xf32>
      %dot_general3A_189 = tpu.matmul %get3A_188, %mul3A_151, %dot_general3A {dimension_numbers = #tpu.dot_dimension_numbers<[1], [0], [0], [1], [0, 0, 1, 1], [], []>, precision = #tpu.contract_precision<fp32>, transpose_lhs_hint = false} : vector<256x2048xf32>, vector<2048x128xf32>, vector<256x128xf32> -> vector<256x128xf32>
      %mul3A_190 = arith.constant 256 : i32
      %mul3A_191 = arith.muli %scan3A_183, %mul3A_190 : i32
      %swap3A_192 = arith.index_cast %mul3A_191 : i32 to index
      %swap3A_193 = arith.constant 0 : index
      %swap3A_194 = vector.load %arg5[%swap3A_192, %swap3A_193] : memref<2048x128xf32, #tpu.memory_space<vmem>>, vector<256x128xf32>
      tpu.vector_store %arg5[%swap3A_192, %swap3A_193], %dot_general3A_189 {strides = array<i32>} : memref<2048x128xf32, #tpu.memory_space<vmem>>, vector<256x128xf32>,
    }
    %scan3A_156 = arith.constant 8 : i32
    %get3A_157 = arith.constant 0 : index
    %get3A_158 = arith.constant 0 : index
    %get3A_159 = vector.load %arg5[%get3A_157, %get3A_158] : memref<2048x128xf32, #tpu.memory_space<vmem>>, vector<2048x128xf32>
    %mul3A_160 = vector.broadcast %select_n3A : vector<2048x1xf32> to vector<2048x128xf32>
    %mul3A_161 = arith.mulf %mul3A_160, %get3A_159 : vector<2048x128xf32>
    %scan3A_162 = arith.constant 0 : i32
    %scan3A_163 = arith.constant 8 : i32
    %scan3A_164 = arith.addi %scan3A_162, %scan3A_163 : i32
    %scan3A_165 = arith.constant 1 : i32
    scf.for %scan3A_183 = %scan3A_162 to %scan3A_164 step %scan3A_165  : i32 {
      %mul3A_184 = arith.constant 256 : i32
      %mul3A_185 = arith.muli %scan3A_183, %mul3A_184 : i32
      %get3A_186 = arith.index_cast %mul3A_185 : i32 to index
      %get3A_187 = arith.constant 0 : index
      %get3A_188 = vector.load %arg0[%get3A_186, %get3A_187] : memref<2048x2048xf32, #tpu.memory_space<vmem>>, vector<256x2048xf32>
      %dot_general3A = arith.constant dense<0.000000e+00> : vector<256x128xf32>
      %dot_general3A_189 = tpu.matmul %get3A_188, %mul3A_161, %dot_general3A {dimension_numbers = #tpu.dot_dimension_numbers<[1], [0], [0], [1], [0, 0, 1, 1], [], []>, precision = #tpu.contract_precision<fp32>, transpose_lhs_hint = false} : vector<256x2048xf32>, vector<2048x128xf32>, vector<256x128xf32> -> vector<256x128xf32>
      %mul3A_190 = arith.constant 256 : i32
      %mul3A_191 = arith.muli %scan3A_183, %mul3A_190 : i32
      %swap3A_192 = arith.index_cast %mul3A_191 : i32 to index
      %swap3A_193 = arith.constant 0 : index
      %swap3A_194 = vector.load %arg4[%swap3A_192, %swap3A_193] : memref<2048x128xf32, #tpu.memory_space<vmem>>, vector<256x128xf32>
      tpu.vector_store %arg4[%swap3A_192, %swap3A_193], %dot_general3A_189 {strides = array<i32>} : memref<2048x128xf32, #tpu.memory_space<vmem>>, vector<256x128xf32>,
    }
    %scan3A_166 = arith.constant 8 : i32
    %get3A_167 = arith.constant 0 : index
    %get3A_168 = arith.constant 0 : index
    %get3A_169 = vector.load %arg4[%get3A_167, %get3A_168] : memref<2048x128xf32, #tpu.memory_space<vmem>>, vector<2048x128xf32>
    %mul3A_170 = vector.broadcast %select_n3A : vector<2048x1xf32> to vector<2048x128xf32>
    %mul3A_171 = arith.mulf %mul3A_170, %get3A_169 : vector<2048x128xf32>
    %scan3A_172 = arith.constant 0 : i32
    %scan3A_173 = arith.constant 8 : i32
    %scan3A_174 = arith.addi %scan3A_172, %scan3A_173 : i32
    %scan3A_175 = arith.constant 1 : i32
    scf.for %scan3A_183 = %scan3A_172 to %scan3A_174 step %scan3A_175  : i32 {
      %mul3A_184 = arith.constant 256 : i32
      %mul3A_185 = arith.muli %scan3A_183, %mul3A_184 : i32
      %get3A_186 = arith.index_cast %mul3A_185 : i32 to index
      %get3A_187 = arith.constant 0 : index
      %get3A_188 = vector.load %arg0[%get3A_186, %get3A_187] : memref<2048x2048xf32, #tpu.memory_space<vmem>>, vector<256x2048xf32>
      %dot_general3A = arith.constant dense<0.000000e+00> : vector<256x128xf32>
      %dot_general3A_189 = tpu.matmul %get3A_188, %mul3A_171, %dot_general3A {dimension_numbers = #tpu.dot_dimension_numbers<[1], [0], [0], [1], [0, 0, 1, 1], [], []>, precision = #tpu.contract_precision<fp32>, transpose_lhs_hint = false} : vector<256x2048xf32>, vector<2048x128xf32>, vector<256x128xf32> -> vector<256x128xf32>
      %mul3A_190 = arith.constant 256 : i32
      %mul3A_191 = arith.muli %scan3A_183, %mul3A_190 : i32
      %swap3A_192 = arith.index_cast %mul3A_191 : i32 to index
      %swap3A_193 = arith.constant 0 : index
      %swap3A_194 = vector.load %arg5[%swap3A_192, %swap3A_193] : memref<2048x128xf32, #tpu.memory_space<vmem>>, vector<256x128xf32>
      tpu.vector_store %arg5[%swap3A_192, %swap3A_193], %dot_general3A_189 {strides = array<i32>} : memref<2048x128xf32, #tpu.memory_space<vmem>>, vector<256x128xf32>,
    }
    %scan3A_176 = arith.constant 8 : i32
    %get3A_177 = arith.constant 0 : index
    %get3A_178 = arith.constant 0 : index
    %get3A_179 = vector.load %arg5[%get3A_177, %get3A_178] : memref<2048x128xf32, #tpu.memory_space<vmem>>, vector<2048x128xf32>
    %swap3A_180 = arith.constant 0 : index
    %swap3A_181 = arith.constant 384 : index
    %swap3A_182 = vector.load %arg3[%swap3A_180, %swap3A_181] : memref<2048x512xf32, #tpu.memory_space<vmem>>, vector<2048x128xf32>
    tpu.vector_store %arg3[%swap3A_180, %swap3A_181], %get3A_179 {strides = array<i32>} : memref<2048x512xf32, #tpu.memory_space<vmem>>, vector<2048x128xf32>,
    return
  }
}

module attributes {stable_mosaic.version = 14 : i64} {
  func.func @_t2b_kernel(%arg0: memref<2048x128xf32, #tpu.memory_space<vmem>>, %arg1: memref<2048x512xf32, #tpu.memory_space<vmem>>, %arg2: memref<2048x128xf32, #tpu.memory_space<vmem>>, %arg3: memref<2048x8xf32, #tpu.memory_space<vmem>>, %arg4: memref<2048x768xf32, #tpu.memory_space<vmem>>, %arg5: memref<2048x768xf32, #tpu.memory_space<vmem>>, %arg6: memref<2048x768xf32, #tpu.memory_space<vmem>>) attributes {dimension_semantics = [], scalar_prefetch = 0 : i64, scratch_operands = 0 : i64, tpu.core_type = #tpu.core_type<tc>} {
    %get3A = arith.constant 0 : index
    %get3A_0 = arith.constant 0 : index
    %get3A_1 = vector.load %arg3[%get3A, %get3A_0] : memref<2048x8xf32, #tpu.memory_space<vmem>>, vector<2048x1xf32>
    %gt3A = arith.constant 0.000000e+00 : f32
    %gt3A_2 = vector.broadcast %gt3A : f32 to vector<2048x1xf32>
    %gt3A_3 = arith.cmpf ogt, %get3A_1, %gt3A_2 : vector<2048x1xf32>
    %div3A = arith.constant 1.000000e+00 : f32
    %div3A_4 = vector.broadcast %div3A : f32 to vector<2048x1xf32>
    %div3A_5 = arith.divf %div3A_4, %get3A_1 : vector<2048x1xf32>
    %jit3A = arith.constant 0.000000e+00 : f32
    %broadcast_in_dim3A = vector.broadcast %jit3A : f32 to vector<2048x1xf32>
    %select_n3A = arith.select %gt3A_3, %div3A_5, %broadcast_in_dim3A : vector<2048x1xi1>, vector<2048x1xf32>
    %get3A_6 = arith.constant 0 : index
    %get3A_7 = arith.constant 0 : index
    %get3A_8 = vector.load %arg0[%get3A_6, %get3A_7] : memref<2048x128xf32, #tpu.memory_space<vmem>>, vector<2048x128xf32>
    %get3A_9 = arith.constant 0 : index
    %get3A_10 = arith.constant 0 : index
    %get3A_11 = vector.load %arg1[%get3A_9, %get3A_10] : memref<2048x512xf32, #tpu.memory_space<vmem>>, vector<2048x128xf32>
    %get3A_12 = arith.constant 0 : index
    %get3A_13 = arith.constant 128 : index
    %get3A_14 = vector.load %arg1[%get3A_12, %get3A_13] : memref<2048x512xf32, #tpu.memory_space<vmem>>, vector<2048x128xf32>
    %get3A_15 = arith.constant 0 : index
    %get3A_16 = arith.constant 256 : index
    %get3A_17 = vector.load %arg1[%get3A_15, %get3A_16] : memref<2048x512xf32, #tpu.memory_space<vmem>>, vector<2048x128xf32>
    %get3A_18 = arith.constant 0 : index
    %get3A_19 = arith.constant 384 : index
    %get3A_20 = vector.load %arg1[%get3A_18, %get3A_19] : memref<2048x512xf32, #tpu.memory_space<vmem>>, vector<2048x128xf32>
    %neg3A = arith.constant 0.000000e+00 : f32
    %neg3A_21 = vector.broadcast %neg3A : f32 to vector<2048x128xf32>
    %neg3A_22 = arith.subf %neg3A_21, %get3A_8 : vector<2048x128xf32>
    %sub3A = arith.subf %get3A_8, %get3A_11 : vector<2048x128xf32>
    %sub3A_23 = arith.subf %get3A_11, %get3A_14 : vector<2048x128xf32>
    %sub3A_24 = arith.subf %get3A_14, %get3A_17 : vector<2048x128xf32>
    %sub3A_25 = arith.subf %get3A_17, %get3A_20 : vector<2048x128xf32>
    %get3A_26 = arith.constant 0 : index
    %get3A_27 = arith.constant 0 : index
    %get3A_28 = vector.load %arg2[%get3A_26, %get3A_27] : memref<2048x128xf32, #tpu.memory_space<vmem>>, vector<2048x128xf32>
    %add3A = arith.addf %neg3A_22, %get3A_28 : vector<2048x128xf32>
    %max3A = arith.constant 0.000000e+00 : f32
    %max3A_29 = vector.broadcast %max3A : f32 to vector<2048x128xf32>
    %max3A_30 = arith.maximumf %add3A, %max3A_29 : vector<2048x128xf32>
    %swap3A = arith.constant 0 : index
    %swap3A_31 = arith.constant 0 : index
    %swap3A_32 = vector.load %arg4[%swap3A, %swap3A_31] : memref<2048x768xf32, #tpu.memory_space<vmem>>, vector<2048x128xf32>
    tpu.vector_store %arg4[%swap3A, %swap3A_31], %max3A_30 {strides = array<i32>} : memref<2048x768xf32, #tpu.memory_space<vmem>>, vector<2048x128xf32>,
    %neg3A_33 = arith.constant 0.000000e+00 : f32
    %neg3A_34 = vector.broadcast %neg3A_33 : f32 to vector<2048x128xf32>
    %neg3A_35 = arith.subf %neg3A_34, %add3A : vector<2048x128xf32>
    %max3A_36 = arith.constant 0.000000e+00 : f32
    %max3A_37 = vector.broadcast %max3A_36 : f32 to vector<2048x128xf32>
    %max3A_38 = arith.maximumf %neg3A_35, %max3A_37 : vector<2048x128xf32>
    %swap3A_39 = arith.constant 0 : index
    %swap3A_40 = arith.constant 0 : index
    %swap3A_41 = vector.load %arg5[%swap3A_39, %swap3A_40] : memref<2048x768xf32, #tpu.memory_space<vmem>>, vector<2048x128xf32>
    tpu.vector_store %arg5[%swap3A_39, %swap3A_40], %max3A_38 {strides = array<i32>} : memref<2048x768xf32, #tpu.memory_space<vmem>>, vector<2048x128xf32>,
    %mul3A = vector.broadcast %select_n3A : vector<2048x1xf32> to vector<2048x128xf32>
    %mul3A_42 = arith.mulf %mul3A, %neg3A_22 : vector<2048x128xf32>
    %swap3A_43 = arith.constant 0 : index
    %swap3A_44 = arith.constant 0 : index
    %swap3A_45 = vector.load %arg6[%swap3A_43, %swap3A_44] : memref<2048x768xf32, #tpu.memory_space<vmem>>, vector<2048x128xf32>
    tpu.vector_store %arg6[%swap3A_43, %swap3A_44], %mul3A_42 {strides = array<i32>} : memref<2048x768xf32, #tpu.memory_space<vmem>>, vector<2048x128xf32>,
    %max3A_46 = arith.constant 0.000000e+00 : f32
    %max3A_47 = vector.broadcast %max3A_46 : f32 to vector<2048x128xf32>
    %max3A_48 = arith.maximumf %sub3A, %max3A_47 : vector<2048x128xf32>
    %swap3A_49 = arith.constant 0 : index
    %swap3A_50 = arith.constant 128 : index
    %swap3A_51 = vector.load %arg4[%swap3A_49, %swap3A_50] : memref<2048x768xf32, #tpu.memory_space<vmem>>, vector<2048x128xf32>
    tpu.vector_store %arg4[%swap3A_49, %swap3A_50], %max3A_48 {strides = array<i32>} : memref<2048x768xf32, #tpu.memory_space<vmem>>, vector<2048x128xf32>,
    %neg3A_52 = arith.constant 0.000000e+00 : f32
    %neg3A_53 = vector.broadcast %neg3A_52 : f32 to vector<2048x128xf32>
    %neg3A_54 = arith.subf %neg3A_53, %sub3A : vector<2048x128xf32>
    %max3A_55 = arith.constant 0.000000e+00 : f32
    %max3A_56 = vector.broadcast %max3A_55 : f32 to vector<2048x128xf32>
    %max3A_57 = arith.maximumf %neg3A_54, %max3A_56 : vector<2048x128xf32>
    %swap3A_58 = arith.constant 0 : index
    %swap3A_59 = arith.constant 128 : index
    %swap3A_60 = vector.load %arg5[%swap3A_58, %swap3A_59] : memref<2048x768xf32, #tpu.memory_space<vmem>>, vector<2048x128xf32>
    tpu.vector_store %arg5[%swap3A_58, %swap3A_59], %max3A_57 {strides = array<i32>} : memref<2048x768xf32, #tpu.memory_space<vmem>>, vector<2048x128xf32>,
    %mul3A_61 = vector.broadcast %select_n3A : vector<2048x1xf32> to vector<2048x128xf32>
    %mul3A_62 = arith.mulf %mul3A_61, %sub3A : vector<2048x128xf32>
    %swap3A_63 = arith.constant 0 : index
    %swap3A_64 = arith.constant 128 : index
    %swap3A_65 = vector.load %arg6[%swap3A_63, %swap3A_64] : memref<2048x768xf32, #tpu.memory_space<vmem>>, vector<2048x128xf32>
    tpu.vector_store %arg6[%swap3A_63, %swap3A_64], %mul3A_62 {strides = array<i32>} : memref<2048x768xf32, #tpu.memory_space<vmem>>, vector<2048x128xf32>,
    %max3A_66 = arith.constant 0.000000e+00 : f32
    %max3A_67 = vector.broadcast %max3A_66 : f32 to vector<2048x128xf32>
    %max3A_68 = arith.maximumf %sub3A_23, %max3A_67 : vector<2048x128xf32>
    %swap3A_69 = arith.constant 0 : index
    %swap3A_70 = arith.constant 256 : index
    %swap3A_71 = vector.load %arg4[%swap3A_69, %swap3A_70] : memref<2048x768xf32, #tpu.memory_space<vmem>>, vector<2048x128xf32>
    tpu.vector_store %arg4[%swap3A_69, %swap3A_70], %max3A_68 {strides = array<i32>} : memref<2048x768xf32, #tpu.memory_space<vmem>>, vector<2048x128xf32>,
    %neg3A_72 = arith.constant 0.000000e+00 : f32
    %neg3A_73 = vector.broadcast %neg3A_72 : f32 to vector<2048x128xf32>
    %neg3A_74 = arith.subf %neg3A_73, %sub3A_23 : vector<2048x128xf32>
    %max3A_75 = arith.constant 0.000000e+00 : f32
    %max3A_76 = vector.broadcast %max3A_75 : f32 to vector<2048x128xf32>
    %max3A_77 = arith.maximumf %neg3A_74, %max3A_76 : vector<2048x128xf32>
    %swap3A_78 = arith.constant 0 : index
    %swap3A_79 = arith.constant 256 : index
    %swap3A_80 = vector.load %arg5[%swap3A_78, %swap3A_79] : memref<2048x768xf32, #tpu.memory_space<vmem>>, vector<2048x128xf32>
    tpu.vector_store %arg5[%swap3A_78, %swap3A_79], %max3A_77 {strides = array<i32>} : memref<2048x768xf32, #tpu.memory_space<vmem>>, vector<2048x128xf32>,
    %mul3A_81 = vector.broadcast %select_n3A : vector<2048x1xf32> to vector<2048x128xf32>
    %mul3A_82 = arith.mulf %mul3A_81, %sub3A_23 : vector<2048x128xf32>
    %swap3A_83 = arith.constant 0 : index
    %swap3A_84 = arith.constant 256 : index
    %swap3A_85 = vector.load %arg6[%swap3A_83, %swap3A_84] : memref<2048x768xf32, #tpu.memory_space<vmem>>, vector<2048x128xf32>
    tpu.vector_store %arg6[%swap3A_83, %swap3A_84], %mul3A_82 {strides = array<i32>} : memref<2048x768xf32, #tpu.memory_space<vmem>>, vector<2048x128xf32>,
    %max3A_86 = arith.constant 0.000000e+00 : f32
    %max3A_87 = vector.broadcast %max3A_86 : f32 to vector<2048x128xf32>
    %max3A_88 = arith.maximumf %sub3A_24, %max3A_87 : vector<2048x128xf32>
    %swap3A_89 = arith.constant 0 : index
    %swap3A_90 = arith.constant 384 : index
    %swap3A_91 = vector.load %arg4[%swap3A_89, %swap3A_90] : memref<2048x768xf32, #tpu.memory_space<vmem>>, vector<2048x128xf32>
    tpu.vector_store %arg4[%swap3A_89, %swap3A_90], %max3A_88 {strides = array<i32>} : memref<2048x768xf32, #tpu.memory_space<vmem>>, vector<2048x128xf32>,
    %neg3A_92 = arith.constant 0.000000e+00 : f32
    %neg3A_93 = vector.broadcast %neg3A_92 : f32 to vector<2048x128xf32>
    %neg3A_94 = arith.subf %neg3A_93, %sub3A_24 : vector<2048x128xf32>
    %max3A_95 = arith.constant 0.000000e+00 : f32
    %max3A_96 = vector.broadcast %max3A_95 : f32 to vector<2048x128xf32>
    %max3A_97 = arith.maximumf %neg3A_94, %max3A_96 : vector<2048x128xf32>
    %swap3A_98 = arith.constant 0 : index
    %swap3A_99 = arith.constant 384 : index
    %swap3A_100 = vector.load %arg5[%swap3A_98, %swap3A_99] : memref<2048x768xf32, #tpu.memory_space<vmem>>, vector<2048x128xf32>
    tpu.vector_store %arg5[%swap3A_98, %swap3A_99], %max3A_97 {strides = array<i32>} : memref<2048x768xf32, #tpu.memory_space<vmem>>, vector<2048x128xf32>,
    %mul3A_101 = vector.broadcast %select_n3A : vector<2048x1xf32> to vector<2048x128xf32>
    %mul3A_102 = arith.mulf %mul3A_101, %sub3A_24 : vector<2048x128xf32>
    %swap3A_103 = arith.constant 0 : index
    %swap3A_104 = arith.constant 384 : index
    %swap3A_105 = vector.load %arg6[%swap3A_103, %swap3A_104] : memref<2048x768xf32, #tpu.memory_space<vmem>>, vector<2048x128xf32>
    tpu.vector_store %arg6[%swap3A_103, %swap3A_104], %mul3A_102 {strides = array<i32>} : memref<2048x768xf32, #tpu.memory_space<vmem>>, vector<2048x128xf32>,
    %max3A_106 = arith.constant 0.000000e+00 : f32
    %max3A_107 = vector.broadcast %max3A_106 : f32 to vector<2048x128xf32>
    %max3A_108 = arith.maximumf %sub3A_25, %max3A_107 : vector<2048x128xf32>
    %swap3A_109 = arith.constant 0 : index
    %swap3A_110 = arith.constant 512 : index
    %swap3A_111 = vector.load %arg4[%swap3A_109, %swap3A_110] : memref<2048x768xf32, #tpu.memory_space<vmem>>, vector<2048x128xf32>
    tpu.vector_store %arg4[%swap3A_109, %swap3A_110], %max3A_108 {strides = array<i32>} : memref<2048x768xf32, #tpu.memory_space<vmem>>, vector<2048x128xf32>,
    %neg3A_112 = arith.constant 0.000000e+00 : f32
    %neg3A_113 = vector.broadcast %neg3A_112 : f32 to vector<2048x128xf32>
    %neg3A_114 = arith.subf %neg3A_113, %sub3A_25 : vector<2048x128xf32>
    %max3A_115 = arith.constant 0.000000e+00 : f32
    %max3A_116 = vector.broadcast %max3A_115 : f32 to vector<2048x128xf32>
    %max3A_117 = arith.maximumf %neg3A_114, %max3A_116 : vector<2048x128xf32>
    %swap3A_118 = arith.constant 0 : index
    %swap3A_119 = arith.constant 512 : index
    %swap3A_120 = vector.load %arg5[%swap3A_118, %swap3A_119] : memref<2048x768xf32, #tpu.memory_space<vmem>>, vector<2048x128xf32>
    tpu.vector_store %arg5[%swap3A_118, %swap3A_119], %max3A_117 {strides = array<i32>} : memref<2048x768xf32, #tpu.memory_space<vmem>>, vector<2048x128xf32>,
    %mul3A_121 = vector.broadcast %select_n3A : vector<2048x1xf32> to vector<2048x128xf32>
    %mul3A_122 = arith.mulf %mul3A_121, %sub3A_25 : vector<2048x128xf32>
    %swap3A_123 = arith.constant 0 : index
    %swap3A_124 = arith.constant 512 : index
    %swap3A_125 = vector.load %arg6[%swap3A_123, %swap3A_124] : memref<2048x768xf32, #tpu.memory_space<vmem>>, vector<2048x128xf32>
    tpu.vector_store %arg6[%swap3A_123, %swap3A_124], %mul3A_122 {strides = array<i32>} : memref<2048x768xf32, #tpu.memory_space<vmem>>, vector<2048x128xf32>,
    %max3A_126 = arith.constant 0.000000e+00 : f32
    %max3A_127 = vector.broadcast %max3A_126 : f32 to vector<2048x128xf32>
    %max3A_128 = arith.maximumf %get3A_20, %max3A_127 : vector<2048x128xf32>
    %swap3A_129 = arith.constant 0 : index
    %swap3A_130 = arith.constant 640 : index
    %swap3A_131 = vector.load %arg4[%swap3A_129, %swap3A_130] : memref<2048x768xf32, #tpu.memory_space<vmem>>, vector<2048x128xf32>
    tpu.vector_store %arg4[%swap3A_129, %swap3A_130], %max3A_128 {strides = array<i32>} : memref<2048x768xf32, #tpu.memory_space<vmem>>, vector<2048x128xf32>,
    %neg3A_132 = arith.constant 0.000000e+00 : f32
    %neg3A_133 = vector.broadcast %neg3A_132 : f32 to vector<2048x128xf32>
    %neg3A_134 = arith.subf %neg3A_133, %get3A_20 : vector<2048x128xf32>
    %max3A_135 = arith.constant 0.000000e+00 : f32
    %max3A_136 = vector.broadcast %max3A_135 : f32 to vector<2048x128xf32>
    %max3A_137 = arith.maximumf %neg3A_134, %max3A_136 : vector<2048x128xf32>
    %swap3A_138 = arith.constant 0 : index
    %swap3A_139 = arith.constant 640 : index
    %swap3A_140 = vector.load %arg5[%swap3A_138, %swap3A_139] : memref<2048x768xf32, #tpu.memory_space<vmem>>, vector<2048x128xf32>
    tpu.vector_store %arg5[%swap3A_138, %swap3A_139], %max3A_137 {strides = array<i32>} : memref<2048x768xf32, #tpu.memory_space<vmem>>, vector<2048x128xf32>,
    %mul3A_141 = vector.broadcast %select_n3A : vector<2048x1xf32> to vector<2048x128xf32>
    %mul3A_142 = arith.mulf %mul3A_141, %get3A_20 : vector<2048x128xf32>
    %swap3A_143 = arith.constant 0 : index
    %swap3A_144 = arith.constant 640 : index
    %swap3A_145 = vector.load %arg6[%swap3A_143, %swap3A_144] : memref<2048x768xf32, #tpu.memory_space<vmem>>, vector<2048x128xf32>
    tpu.vector_store %arg6[%swap3A_143, %swap3A_144], %mul3A_142 {strides = array<i32>} : memref<2048x768xf32, #tpu.memory_space<vmem>>, vector<2048x128xf32>,
    return
  }
}

module attributes {stable_mosaic.version = 14 : i64} {
  func.func @_t3_kernel(%arg0: i32, %arg1: memref<512x2048xf32, #tpu.memory_space<vmem>>, %arg2: memref<512x128xf32, #tpu.memory_space<vmem>>, %arg3: memref<2048x768xf32, #tpu.memory_space<vmem>>, %arg4: memref<512x768xf32, #tpu.memory_space<vmem>>, %arg5: memref<512x768xf32, #tpu.memory_space<vmem>>) attributes {dimension_semantics = [#tpu.dimension_semantics<arbitrary>], iteration_bounds = array<i64: 20>, scalar_prefetch = 0 : i64, scratch_operands = 0 : i64, tpu.core_type = #tpu.core_type<tc>, window_params = [{transform_indices = @transform_0, window_bounds = array<i64: 512, 2048>}, {transform_indices = @transform_1, window_bounds = array<i64: 512, 128>}, {pipeline_mode = #tpu.pipeline_mode<synchronous>, transform_indices = @transform_2, window_bounds = array<i64: 2048, 768>}, {transform_indices = @transform_3, window_bounds = array<i64: 512, 768>}, {transform_indices = @transform_4, window_bounds = array<i64: 512, 768>}]} {
    %get3A = arith.constant 0 : index
    %get3A_0 = arith.constant 0 : index
    %get3A_1 = vector.load %arg1[%get3A, %get3A_0] : memref<512x2048xf32, #tpu.memory_space<vmem>>, vector<512x2048xf32>
    %convert_element_type3A = arith.truncf %get3A_1 : vector<512x2048xf32> to vector<512x2048xbf16>
    %get3A_2 = arith.constant 0 : index
    %get3A_3 = arith.constant 0 : index
    %get3A_4 = vector.load %arg3[%get3A_2, %get3A_3] : memref<2048x768xf32, #tpu.memory_space<vmem>>, vector<2048x768xf32>
    %convert_element_type3A_5 = arith.truncf %get3A_4 : vector<2048x768xf32> to vector<2048x768xbf16>
    %convert_element_type3A_6 = arith.extf %convert_element_type3A_5 : vector<2048x768xbf16> to vector<2048x768xf32>
    %sub3A = arith.subf %get3A_4, %convert_element_type3A_6 : vector<2048x768xf32>
    %convert_element_type3A_7 = arith.truncf %sub3A : vector<2048x768xf32> to vector<2048x768xbf16>
    %dot_general3A = arith.constant dense<0.000000e+00> : vector<512x768xf32>
    %dot_general3A_8 = tpu.matmul %convert_element_type3A, %convert_element_type3A_5, %dot_general3A {dimension_numbers = #tpu.dot_dimension_numbers<[1], [0], [0], [1], [0, 0, 1, 1], [], []>, transpose_lhs_hint = false} : vector<512x2048xbf16>, vector<2048x768xbf16>, vector<512x768xf32> -> vector<512x768xf32>
    %dot_general3A_9 = arith.constant dense<0.000000e+00> : vector<512x768xf32>
    %dot_general3A_10 = tpu.matmul %convert_element_type3A, %convert_element_type3A_7, %dot_general3A_9 {dimension_numbers = #tpu.dot_dimension_numbers<[1], [0], [0], [1], [0, 0, 1, 1], [], []>, transpose_lhs_hint = false} : vector<512x2048xbf16>, vector<2048x768xbf16>, vector<512x768xf32> -> vector<512x768xf32>
    %add3A = arith.addf %dot_general3A_8, %dot_general3A_10 : vector<512x768xf32>
    %slice3A = vector.extract_strided_slice %add3A {offsets = [0, 0], sizes = [512, 128], strides = [1, 1]} : vector<512x768xf32> to vector<512x128xf32>
    %get3A_11 = arith.constant 0 : index
    %get3A_12 = arith.constant 0 : index
    %get3A_13 = vector.load %arg2[%get3A_11, %get3A_12] : memref<512x128xf32, #tpu.memory_space<vmem>>, vector<512x128xf32>
    %add3A_14 = arith.addf %slice3A, %get3A_13 : vector<512x128xf32>
    %slice3A_15 = vector.extract_strided_slice %add3A {offsets = [0, 128], sizes = [512, 640], strides = [1, 1]} : vector<512x768xf32> to vector<512x640xf32>
    %concatenate3A = tpu.concatenate %add3A_14, %slice3A_15 in 1 : vector<512x128xf32>, vector<512x640xf32> -> vector<512x768xf32>
    %max3A = arith.constant 0.000000e+00 : f32
    %max3A_16 = vector.broadcast %max3A : f32 to vector<512x768xf32>
    %max3A_17 = arith.maximumf %concatenate3A, %max3A_16 : vector<512x768xf32>
    %swap3A = arith.constant 0 : index
    %swap3A_18 = arith.constant 0 : index
    %swap3A_19 = vector.load %arg4[%swap3A, %swap3A_18] : memref<512x768xf32, #tpu.memory_space<vmem>>, vector<512x768xf32>
    tpu.vector_store %arg4[%swap3A, %swap3A_18], %max3A_17 {strides = array<i32>} : memref<512x768xf32, #tpu.memory_space<vmem>>, vector<512x768xf32>,
    %neg3A = arith.constant 0.000000e+00 : f32
    %neg3A_20 = vector.broadcast %neg3A : f32 to vector<512x768xf32>
    %neg3A_21 = arith.subf %neg3A_20, %concatenate3A : vector<512x768xf32>
    %max3A_22 = arith.constant 0.000000e+00 : f32
    %max3A_23 = vector.broadcast %max3A_22 : f32 to vector<512x768xf32>
    %max3A_24 = arith.maximumf %neg3A_21, %max3A_23 : vector<512x768xf32>
    %swap3A_25 = arith.constant 0 : index
    %swap3A_26 = arith.constant 0 : index
    %swap3A_27 = vector.load %arg5[%swap3A_25, %swap3A_26] : memref<512x768xf32, #tpu.memory_space<vmem>>, vector<512x768xf32>
    tpu.vector_store %arg5[%swap3A_25, %swap3A_26], %max3A_24 {strides = array<i32>} : memref<512x768xf32, #tpu.memory_space<vmem>>, vector<512x768xf32>,
    return
  }
  func.func @transform_0(%arg0: i32) -> (i32, i32) {
    %c0_i32 = arith.constant 0 : i32
    %c0_i32_0 = arith.constant 0 : i32
    return %arg0, %c0_i32 : i32, i32
  }
  func.func @transform_1(%arg0: i32) -> (i32, i32) {
    %c0_i32 = arith.constant 0 : i32
    %c0_i32_0 = arith.constant 0 : i32
    return %arg0, %c0_i32 : i32, i32
  }
  func.func @transform_2(%arg0: i32) -> (i32, i32) {
    %c0_i32 = arith.constant 0 : i32
    %c0_i32_0 = arith.constant 0 : i32
    %c0_i32_1 = arith.constant 0 : i32
    return %c0_i32, %c0_i32_0 : i32, i32
  }
  func.func @transform_3(%arg0: i32) -> (i32, i32) {
    %c0_i32 = arith.constant 0 : i32
    %c0_i32_0 = arith.constant 0 : i32
    return %arg0, %c0_i32 : i32, i32
  }
  func.func @transform_4(%arg0: i32) -> (i32, i32) {
    %c0_i32 = arith.constant 0 : i32
    %c0_i32_0 = arith.constant 0 : i32
    return %arg0, %c0_i32 : i32, i32
  }
}

</mosaic_0001>

<sc_bundles>
// kernel: kernel.7.cloned.1.call-start
scs
__scs_entry_jumppad:
0x0: {  	(pc) =	sbr.rel $0x88, $3  }
0x1: {  	(tag) =	ssettag $0x0;
	lr =	simm.s32 $0x1  }
0x2: {  	[smem:$0x3F9E] =	sst lr;
	_ =	strace $0xD0000000  }
0x3: {  	_ = 	snop  }
0x4: {  	_ = 	snop  }
0x5: {  	_ = 	snop  }
0x6: {  	_ = 	snop  }
0x7: {  	_ = 	snop  }
__scs_overlays_trampoline_lowered:
0x8: {  	[smem:$0x3FAD] =	sst s0  }
0x9: {  	[smem:$0x3FAE] =	sst s1  }
0xa: {  	[smem:$0x3FAF] =	sst s2  }
0xb: {  	[smem:$0x3FB0] =	sst s3  }
0xc: {  	[smem:$0x3FB1] =	sst s4  }
0xd: {  	[smem:$0x3FB2] =	sst s5  }
0xe: {  	[smem:$0x3FB3] =	sst s6  }
0xf: {  	[smem:$0x3FB4] =	sst s7  }
0x10: {  	[smem:$0x3FB5] =	sst s8  }
0x11: {  	[smem:$0x3FB6] =	sst s9;
	s0 =	simm.s32 @!p0 $0x0  }
0x12: {  	s1 =	sld [smem:$0x3F9C];
	s0 =	simm.s32 @p0 $0x1  }
0x13: {  	[smem:$0x3FB7] =	sst s0;
	s0 =	simm.s32 @!p1 $0x0  }
0x14: {  	s2 =	sld [smem:$0x3F9B];
	s0 =	simm.s32 @p1 $0x1  }
0x15: {  	[smem:$0x3FB8] =	sst s0;
	s0 =	simm.s32 @!p2 $0x0  }
0x16: {  	s3 =	sld [smem:$0x3FDB];
	s0 =	simm.s32 @p2 $0x1  }
0x17: {  	s4 =	simm.s32 $0x1BF5;
	[smem:$0x3FBA] =	sst s0  }
0x18: {  	s0 =	sld [smem:$0x3F9D];
	_ =	swait.ge [sflag:s4], $0x0  }
0x19: {  	s7 =	sld [smem:$0x3F9E]  }
0x1a: {  	s8 =	sadd.s32 $0xFFFFE003, lr  }
0x1b: {  	s9 =	sadd.s32 $0xFFFFFEF7, lr;
	s5 =	simm.s32 $0xFFFFFFFF;
	p2 =	slt.u32 s8, $0xFFFFF086  }
0x1c: {  	p1 =	slt.u32 s9, $0xF7A;
	s5 =	simm.s32 @!p2 $0x0  }
0x1d: {  	s5 =	simm.s32 @p1 $0x1;
	p0 =	seq.s32 s7, s2  }
0x1e: {  	s7 =	smul.u32 @!p0 $0xF7A, s2;
	p2 =	seq.s32 @!p0 s5, $0x0  }
0x1f: {  	s9 =	smul.u32 $0xF7A, s1;
	s8 =	simm.s32 @!p0 $0x1BF5;
	p2 =	por !p2, p0  }
0x20: {  	[sflag:s8] =	ssyncset.s32 @!p0 $0xFFFFF086;
	s6 =	sadd.s32 @!p0 s3, s7;
	s7 =	simm.s32 @!p0 $0x108  }
0x21: {  	s3 =	sadd.s32 s3, s9;
	s6 =	sadd.s32 @!p0 $0x88, s6;
	s7 =	simm.s32 @p2 $0x1082  }
0x22: {  	[simem:s7], [sflag:s8] =	dma.local @!p0 [hbm:s6], $0xF7A  }
0x23: {  	s9 =	sor.u32 $0xD0000000, s2;
	s6 =	simm.s32 $0x108;
	_ =	swait.ge @!p0 [sflag:s8], $0x0  }
0x24: {  	s3 =	sadd.s32 $0x88, s3;
	s6 =	simm.s32 @!p1 $0x1082;
	[sflag:s4] =	ssyncset.s32 $0xFFFFF086  }
0x25: {  	[simem:s6], [sflag:s4] =	dma.local [hbm:s3], $0xF7A  }
0x26: {  	[smem:$0x3F9E] =	sst s1;
	(tag) =	ssettag s2;
	_ =	strace s9  }
0x27: {  	s1 =	sld [smem:$0x3FAE]  }
0x28: {  	s2 =	sld [smem:$0x3FAF]  }
0x29: {  	s4 =	sld [smem:$0x3FB1]  }
0x2a: {  	p0 =	seq.s32 s5, $0x0;
	s5 =	sld [smem:$0x3FB2]  }
0x2b: {  	s6 =	sld [smem:$0x3FB3]  }
0x2c: {  	s7 =	sld [smem:$0x3FB4]  }
0x2d: {  	s3 =	simm.s32 $0x108;
	s8 =	sld [smem:$0x3FB5]  }
0x2e: {  	s3 =	simm.s32 @!p0 $0x1082;
	s9 =	sld [smem:$0x3FB6]  }
0x2f: {  	lr =	sadd.s32 s0, s3;
	s0 =	sld [smem:$0x3FAD]  }
0x30: {  	s3 =	sld [smem:$0x3FB0]  }
0x31: {  	[smem:$0x3FB9] =	sst s10  }
0x32: {  	s10 =	sld [smem:$0x3FB7];
	_ =	sdelay $0x3  }
0x33: {  	p0 =	seq.s32 s10, $0x1;
	s10 =	sld [smem:$0x3FB9];
	_ =	sdelay $0x3  }
0x34: {  	[smem:$0x3FB9] =	sst s10  }
0x35: {  	s10 =	sld [smem:$0x3FB8];
	_ =	sdelay $0x3  }
0x36: {  	p1 =	seq.s32 s10, $0x1;
	s10 =	sld [smem:$0x3FB9];
	_ =	sdelay $0x3  }
0x37: {  	[smem:$0x3FB9] =	sst s10  }
0x38: {  	s10 =	sld [smem:$0x3FBA]  }
0x39: {  	_ = 	snop;
	(pc) =	sbr.ind lr, $3  }
0x3a: {  	_ = 	snop  }
0x3b: {  	_ = 	snop  }
0x3c: {  	p2 =	seq.s32 s10, $0x1;
	s10 =	sld [smem:$0x3FB9]  }
0x3d: {  	_ =	shalt  }
0x3e: {  	_ =	shalt  }
0x3f: {  	_ =	shalt  }
0x40: {  	_ =	shalt  }
0x41: {  	_ =	shalt  }
0x42: {  	_ =	shalt  }
0x43: {  	_ =	shalt  }
0x44: {  	_ =	shalt  }
0x45: {  	_ =	shalt  }
0x46: {  	_ =	shalt  }
0x47: {  	_ =	shalt  }
0x48: {  	_ =	shalt  }
0x49: {  	_ =	shalt  }
0x4a: {  	_ =	shalt  }
0x4b: {  	_ =	shalt  }
0x4c: {  	_ =	shalt  }
0x4d: {  	_ =	shalt  }
0x4e: {  	_ =	shalt  }
0x4f: {  	_ =	shalt  }
0x50: {  	_ =	shalt  }
0x51: {  	_ =	shalt  }
0x52: {  	_ =	shalt  }
0x53: {  	_ =	shalt  }
0x54: {  	_ =	shalt  }
0x55: {  	_ =	shalt  }
0x56: {  	_ =	shalt  }
0x57: {  	_ =	shalt  }
0x58: {  	_ =	shalt  }
0x59: {  	_ =	shalt  }
0x5a: {  	_ =	shalt  }
0x5b: {  	_ =	shalt  }
0x5c: {  	_ =	shalt  }
0x5d: {  	_ =	shalt  }
0x5e: {  	_ =	shalt  }
0x5f: {  	_ =	shalt  }
0x60: {  	_ =	shalt  }
0x61: {  	_ =	shalt  }
0x62: {  	_ =	shalt  }
0x63: {  	_ =	shalt  }
0x64: {  	_ =	shalt  }
0x65: {  	_ =	shalt  }
0x66: {  	_ =	shalt  }
0x67: {  	_ =	shalt  }
0x68: {  	_ =	shalt  }
0x69: {  	_ =	shalt  }
0x6a: {  	_ =	shalt  }
0x6b: {  	_ =	shalt  }
0x6c: {  	_ =	shalt  }
0x6d: {  	_ =	shalt  }
0x6e: {  	_ =	shalt  }
0x6f: {  	_ =	shalt  }
0x70: {  	_ =	shalt  }
0x71: {  	_ =	shalt  }
0x72: {  	_ =	shalt  }
0x73: {  	_ =	shalt  }
0x74: {  	_ =	shalt  }
0x75: {  	_ =	shalt  }
0x76: {  	_ =	shalt  }
0x77: {  	_ =	shalt  }
0x78: {  	_ =	shalt  }
0x79: {  	_ =	shalt  }
0x7a: {  	_ =	shalt  }
0x7b: {  	_ =	shalt  }
0x7c: {  	_ =	shalt  }
0x7d: {  	_ =	shalt  }
0x7e: {  	_ =	shalt  }
0x7f: {  	_ =	shalt  }
0x80: {  	_ =	shalt  }
0x81: {  	_ =	shalt  }
0x82: {  	_ =	shalt  }
0x83: {  	_ =	shalt  }
0x84: {  	_ =	shalt  }
0x85: {  	_ =	shalt  }
0x86: {  	_ =	shalt  }
0x87: {  	_ =	shalt  }
.Lfunc_end0:
.L_simem_size_0:
called_computation.2_lowered:
.L_overlay_start_0:
0x88: {  	s2 =	sld [smem:$0x3FD9]  }
0x89: {  	s3 =	sld [smem:$0x3FFE];
	_ =	sdelay $0x1  }
0x8a: {  	s1 =	srdreg.scid  }
0x8b: {  	s0 =	sand.u32 $0x1, s1  }
0x8c: {  	s14 =	sshll.u32 s0, $0xA;
	s2 =	sadd.s32 s3, s2  }
0x8d: {  	s2 =	sadd.s32 s2, s14  }
0x8e: {  	[smem:$0x3FC5] =	sst s2  }
0x8f: {  	_ = 	snop  }
0x90: {  	s2 =	sld [smem:$0x3FD0];
	_ =	sdelay $0x2  }
0x91: {  	s15 =	simm.s32 $0xA;
	s4 =	simm.s32 $0x10  }
0x92: {  	[smem:s4], [sflag:s15] =	dma.local [hbm:s2], $0x1  }
0x93: {  	_ =	swait.eq [sflag:s15], $0x1  }
0x94: {  	[sflag:s15] =	ssyncset.done $0x0  }
0x95: {  	s16 =	sld [smem:$0x10];
	[sflag:s15] =	ssyncadd.s32 $0xFFFFFFFF  }
0x96: {  	s17 =	sld [smem:$0x11];
	(tm) =	ssettm $0x1  }
0x97: {  	s18 =	sld [smem:$0x3FFB];
	_ =	sdelay $0x3  }
0x98: {  	_ =	strace s18  }
0x99: {  	s4 =	sld [smem:$0x3FFC];
	_ =	sdelay $0x3  }
0x9a: {  	_ =	strace s4  }
0x9b: {  	s4 =	sld [smem:$0x3FFD];
	_ =	sdelay $0x3  }
0x9c: {  	_ =	strace s4  }
0x9d: {  	_ =	strace $0x8FFFFFFF  }
0x9e: {  	s19 =	sld [smem:$0x3FDB];
	_ =	sdelay $0x1  }
0x9f: {  	s5 =	simm.s32 $_scs_section_size  }
0xa0: {  	s6 =	simm.s32 $_size__tile_overlayer_lowered;
	s7 =	simm.s32 $_tile_overlayer_lowered  }
0xa1: {  	s22 =	simm.s32 $0x1BFF;
	s21 =	sshll.u32 s7, $0x1;
	s4 =	sadd.s32 s5, s19  }
0xa2: {  	s8 =	simm.s32 $0x0;
	s20 =	sshll.u32 s6, $0x1;
	s6 =	sadd.s32 s21, s4  }
0xa3: {  	[timem:s8], [sflag:s22] =	dma.local [hbm:s6], s20  }
0xa4: {  	_ =	swait.ge [sflag:s22], s20  }
0xa5: {  	s5 =	ssub.s32 $0x0, s20;
	[sflag:s22] =	ssyncset.done $0x0  }
0xa6: {  	[sflag:s22] =	ssyncadd.s32 s5;
	_ =	sdelay $0x1  }
0xa7: {  	s23 =	simm.s32 $0x1B8B  }
0xa8: {  	_ =	swait.ge [sflag:s23], $0x1  }
0xa9: {  	[sflag:s23] =	ssyncset.done $0x0  }
0xaa: {  	s25 =	simm.s32 $0x1B8E;
	s24 =	sld [smem:$0x3FFE];
	[sflag:s23] =	ssyncadd.s32 $0xFFFFFFFF  }
0xab: {  	s26 =	simm.s32 $execute0_lowered;
	[smem:$0x3FD2] =	sst s25  }
0xac: {  	s6 =	sshll.u32 s26, $0x1;
	_ =	strace $0x80000046;
	[dreg:$0x1] =	wrdreg $0xFFFFFFFF  }
0xad: {  	s28 =	simm.s32 $_size_execute0_lowered;
	s4 =	sadd.s32 s4, s6;
	[dreg:$0x0] =	wrdreg $0x0  }
0xae: {  	s6 =	sshll.u32 s28, $0x1;
	[dreg:$0x2] =	wrdreg s4  }
0xaf: {  	[dreg:$0x3] =	wrdreg s6  }
0xb0: {  	[dreg:$0x4] =	wrdreg $0xC0  }
0xb1: {  	_ =	task [dreg:s8], $0x5FFFF  }
0xb2: {  	[dreg:$0x1] =	wrdreg $0xFFFFFFFF  }
0xb3: {  	[dreg:$0x0] =	wrdreg $0x60  }
0xb4: {  	[dreg:$0x2] =	wrdreg s17  }
0xb5: {  	[dreg:$0x3] =	wrdreg s16  }
0xb6: {  	[dreg:$0x4] =	wrdreg s24  }
0xb7: {  	[dreg:$0x5] =	wrdreg $0x0  }
0xb8: {  	[dreg:$0x6] =	wrdreg $0x9  }
0xb9: {  	_ =	task.clear_ibuf [dreg:s8], $0x7FFFF;
	_ =	strace $0x90000046  }
0xba: {  	s29 =	simm.s32 $0x9;
	_ =	strace $0x80000048  }
0xbb: {  	_ =	swait.ge [sflag:s29], $0x1  }
0xbc: {  	[sflag:s29] =	ssyncadd.s32 $0xFFFFFFFF  }
0xbd: {  	_ =	strace $0x90000048  }
0xbe: {  	_ =	sfence  }
0xbf: {  	s30 =	sld [smem:$0x0];
	_ =	sdelay $0x2  }
0xc0: {  	s31 =	sshll.u32 s1, $0xD;
	s1 =	sshrl.u32 s1, $0x2  }
0xc1: {  	s3 =	sand.u32 $0x4000, s31;
	s1 =	sadd.s32 s1, s30  }
0xc2: {  	s0 =	sor.u32 s3, s0;
	s1 =	sshll.u32 s1, $0x11  }
0xc3: {  	s0 =	sor.u32 s1, s0  }
0xc4: {  	s0 =	sadd.s32 $0x8F2B, s0  }
0xc5: {  	[sflag:s0] =	ssyncadd.remote.s32 $0x1  }
0xc6: {  	_ =	sfence.sel $0xFFFF  }
0xc7: {  	[dreg:$0x0] =	wrdreg $0xFFFFFFFF;
	(pc) =	sbr.abs _section_cstart, $3  }
0xc8: {  	[dreg:$0x1] =	wrdreg $0xFFFFFFFF  }
0xc9: {  	_ =	task.clear_ibuf [dreg:s8], $0x2FFFF;
	_ =	strace $0x9FFFFFFF  }
0xca: {  	(tm) =	ssettm $0x7FFFFFFF  }
0xcb: {  	_ =	shalt  }
tec
execute0_lowered:
.L_overlay_start_1:
0x0: {  	(tag) =	ssettag $0x1  }
0x1: {  	s0 =	srdreg.scid;
	s3 =	stileid.u32  }
0x2: {  	s4 =	rddreg [dreg:$0x2];
	s0 =	sand.u32 $0x1, s0;
	s18 =	smul.u32 $0x1C000, s3  }
0x3: {  	s22 =	sadd.s32 $0x1E00, s4;
	s1 =	smul.u32 $0x380, s0  }
0x4: {  	s2 =	ssub.s32 $0x2, s0;
	s6 =	smul.u32 $0x1C0000, s0;
	s0 =	simm.s32 $0x0  }
0x5: {  	s26 =	smul.u32 $0x70000, s3;
	s5 =	sshrl.u32 s2, $0x1;
	[smem:$0x7FF] =	sst s0  }
0x6: {  	s2 =	ssub.s32 s2, s5;
	s19 =	sadd.s32 s18, s6;
	s10 =	sadd.s32 $0x700, s1  }
0x7: {  	s11 =	sadd.s32 $0xE00, s1;
	s12 =	sadd.s32 $0x1500, s1;
	[dreg:$0x1c] =	wrdreg s2  }
0x8: {  	s30 =	sor.u32 $0x1C00, s1;
	s31 =	sadd.s32 $0x2300, s1;
	[dreg:$0x19] =	wrdreg s10  }
0x9: {  	[dreg:$0x1a] =	wrdreg s11;
	s7 =	sshll.u32 s10, $0xB;
	s8 =	sshll.u32 s11, $0xB  }
0xa: {  	[dreg:$0x1b] =	wrdreg s12;
	s9 =	sshll.u32 s12, $0xB;
	s10 =	sshll.u32 s30, $0xB  }
0xb: {  	s11 =	sshll.u32 s31, $0xB;
	s12 =	sshrl.u32 s19, $0x3;
	s15 =	sor.u32 $0x1800, s19  }
0xc: {  	s17 =	sor.u32 $0x1000, s19;
	s20 =	sadd.s32 $0x381800, s19;
	s21 =	sadd.s32 $0x381000, s19  }
0xd: {  	s23 =	sadd.s32 $0x701800, s19;
	s25 =	sadd.s32 $0x701000, s19;
	s7 =	sadd.s32 s18, s7  }
0xe: {  	s8 =	sadd.s32 s18, s8;
	s9 =	sadd.s32 s18, s9;
	s10 =	sadd.s32 s18, s10  }
0xf: {  	s11 =	sadd.s32 s18, s11;
	s28 =	sadd.s32 s22, s12;
	s16 =	sshrl.u32 s15, $0x3  }
0x10: {  	s12 =	sshrl.u32 s25, $0x3;
	s15 =	sadd.s32 $0xE01800, s19;
	s25 =	sadd.s32 $0x1A00, s4  }
0x11: {  	s7 =	sshrl.u32 s7, $0x3;
	s8 =	sshrl.u32 s8, $0x3;
	s9 =	sshrl.u32 s9, $0x3  }
0x12: {  	s13 =	sshrl.u32 s10, $0x3;
	s14 =	sshrl.u32 s11, $0x3;
	s10 =	sshrl.u32 s21, $0x3  }
0x13: {  	s21 =	sadd.s32 $0x1181000, s19;
	s29 =	sadd.s32 s22, s7;
	s6 =	sadd.s32 s22, s8  }
0x14: {  	s24 =	sadd.s32 s22, s9;
	s2 =	sadd.s32 s22, s13;
	s5 =	sadd.s32 s22, s14  }
0x15: {  	s7 =	sadd.s32 s16, s22;
	s8 =	sshrl.u32 s17, $0x3;
	s9 =	sshrl.u32 s20, $0x3  }
0x16: {  	s13 =	sadd.s32 $0xA81800, s19;
	s14 =	sadd.s32 $0xA81000, s19;
	s17 =	rddreg [dreg:$0x0]  }
0x17: {  	s16 =	sadd.s32 $0xE01000, s19;
	s20 =	sadd.s32 $0x1181800, s19;
	s19 =	rddreg [dreg:$0x1]  }
0x18: {  	s11 =	sshrl.u32 s23, $0x3;
	s23 =	sshrl.u32 s21, $0x3;
	s21 =	rddreg [dreg:$0x3]  }
0x19: {  	s4 =	sadd.s32 $0x1C00, s4;
	_ =	strace $0x80000047;
	[dreg:$0xb] =	wrdreg s25  }
0x1a: {  	p0 =	sne.s32 s3, $0x0;
	s12 =	sadd.s32 s12, s22;
	[dreg:$0xc] =	wrdreg s4  }
0x1b: {  	s15 =	sshrl.u32 s15, $0x3;
	s10 =	sadd.s32 s10, s22;
	[dreg:$0x5] =	wrdreg s28  }
0x1c: {  	s11 =	sadd.s32 s11, s22;
	s15 =	sadd.s32 s15, s22;
	[dreg:$0x6] =	wrdreg s29  }
0x1d: {  	s8 =	sadd.s32 s8, s22;
	s9 =	sadd.s32 s9, s22;
	[dreg:$0x7] =	wrdreg s6  }
0x1e: {  	s13 =	sshrl.u32 s13, $0x3;
	s14 =	sshrl.u32 s14, $0x3;
	[dreg:$0x8] =	wrdreg s24  }
0x1f: {  	s16 =	sshrl.u32 s16, $0x3;
	s20 =	sshrl.u32 s20, $0x3;
	[dreg:$0x9] =	wrdreg s2  }
0x20: {  	s25 =	sadd.s32 s18, s21;
	s24 =	sadd.s32 $0x100, s24;
	[dreg:$0xa] =	wrdreg s5  }
0x21: {  	s13 =	sadd.s32 s13, s22;
	s14 =	sadd.s32 s14, s22;
	s16 =	sadd.s32 s16, s22  }
0x22: {  	s20 =	sadd.s32 s20, s22;
	s22 =	sadd.s32 s23, s22;
	s23 =	rddreg [dreg:$0x1c]  }
0x23: {  	s18 =	sshrl.u32 s26, $0x2;
	s2 =	sadd.s32 $0x100, s2;
	[dreg:$0x14] =	wrdreg s24  }
0x24: {  	s4 =	sadd.s32 s18, s21;
	s18 =	sadd.s32 $0x1C0000, s21;
	[dreg:$0x15] =	wrdreg s2  }
0x25: {  	s26 =	smul.u32 $0x5000, s3;
	s3 =	smax.u32 s23, $0x1;
	[dreg:$0xf] =	wrdreg s18  }
0x26: {  	s23 =	sadd.s32 $0x800, s25;
	[dreg:$0xd] =	wrdreg s3  }
0x27: {  	s18 =	sadd.s32 $0x100, s29;
	[dreg:$0x10] =	wrdreg s23  }
0x28: {  	s29 =	sadd.s32 $0x100, s5;
	[dreg:$0x12] =	wrdreg s18  }
0x29: {  	[dreg:$0x16] =	wrdreg s29  }
0x2a: {  	s23 =	sadd.s32 $0x100, s6;
	s6 =	rddreg [dreg:$0x1a]  }
0x2b: {  	s3 =	sadd.s32 $0x1800, s4;
	s29 =	rddreg [dreg:$0x1b]  }
0x2c: {  	s4 =	sadd.s32 $0x100, s28;
	[dreg:$0xe] =	wrdreg s3  }
0x2d: {  	v4 =	vmov s30;
	s30 =	simm.s32 $0x2;
	s24 =	simm.s32 $0x1C080;
	[dreg:$0x11] =	wrdreg s4  }
0x2e: {  	s2 =	simm.s32 $0x1E980;
	s5 =	simm.s32 $0x1C480;
	[dreg:$0x13] =	wrdreg s23  }
0x2f: {  	v6 =	vimm.s32 $0x1C0000;
	v0 =	vmov s1;
	v5 =	vmov s31;
	s18 =	simm.s32 $0x1D980;
	s28 =	simm.s32 $0x1E180;
	s3 =	rddreg [dreg:$0x19]  }
0x30: {  	s4 =	simm.s32 $0x3;
	s23 =	simm.s32 $0x1;
	v2 =	vmov s6;
	v3 =	vmov s29;
	v1 =	vmov s3;
	s3 =	simm.s32 $0x0  }
.LBB2_1:
0x31: {  	[dreg:$0x17] =	wrdreg s3  }
0x32: {  	s1 =	rddreg [dreg:$0xb];
	s6 =	simm.s32 $0x1D100  }
0x33: {  	[tilespmem:s6], [sflag:$0x3] =	stream.linear.gather [hbm4b:s1+s0], $0x880, $0x38;
	[tilespmem:$0x1F180] =	vst v63  }
0x34: {  	_ =	swait.ge [sflag:s4], $0x880  }
0x35: {  	[sflag:s4] =	ssyncset.done $0x0  }
0x36: {  	s31 =	rddreg [dreg:$0xc];
	[sflag:s4] =	ssyncadd.s32 $0xFFFFF780  }
0x37: {  	[tilespmem:s18], [sflag:$0x3] =	stream.linear.gather [hbm4b:s31+s0], $0x800, $0x38;
	[tilespmem:$0x1F180] =	vst v63  }
0x38: {  	_ =	swait.ge [sflag:s4], $0x800  }
0x39: {  	[sflag:s4] =	ssyncset.done $0x0  }
0x3a: {  	s29 =	sadd.s32 $0x0, s25;
	s1 =	simm.s32 $0x2000;
	[sflag:s4] =	ssyncadd.s32 $0xFFFFF800  }
.LBB2_2:
0x3b: {  	[spmem:s29] =	stream.linear.scatter [tilespmem:s18], [sflag:$0x1], $0x800, $0x38;
	[tilespmem:$0x1F180] =	vst v63  }
0x3c: {  	s29 =	smov.u32 s1;
	p1 =	sne.s32 s1, $0x6E000  }
.Ltmp0:
0x3d: {  	s1 =	sadd.s32 $0x2000, s1;
	(pc) =	sbr.rel @p1 .LBB2_2-.Ltmp0, $3  }
0x3e: {  	_ =	sdelay $0x1  }
0x3f: {  	s29 =	sshra.s32 s29, $0x2  }
0x40: {  	s29 =	sadd.s32 s29, s25  }
0x41: {  	[spmem:s29] =	stream.linear.scatter [tilespmem:s18], [sflag:$0x1], $0x800, $0x38;
	[tilespmem:$0x1F180] =	vst v63  }
0x42: {  	s1 =	simm.s32 @!p0 $0x1D980;
	s3 =	rddreg [dreg:$0xf]  }
0x43: {  	[spmem:s3] =	stream.linear.scatter @!p0 [tilespmem:s1], [sflag:$0x1], $0x800, $0x38;
	[tilespmem:$0x1F180] =	vst v63  }
0x44: {  	_ =	swait.ge [sflag:s23], $0x800  }
0x45: {  	s1 =	simm.s32 $0x37;
	[sflag:s23] =	ssyncset.done $0x0  }
.LBB2_4:
0x46: {  	p1 =	sne.s32 s1, $0x1;
	s1 =	sadd.s32 $0xFFFFFFFF, s1;
	[sflag:s23] =	ssyncadd.s32 $0xFFFFF800  }
.Ltmp1:
0x47: {  	(pc) =	sbr.rel @p1 .LBB2_4-.Ltmp1, $3  }
0x48: {  	_ =	sdelay $0x1  }
0x49: {  	_ =	swait.ge [sflag:s23], $0x800  }
0x4a: {  	[sflag:s23] =	ssyncset.done $0x0  }
0x4b: {  	[sflag:s23] =	ssyncadd.s32 $0xFFFFF800;
	s1 =	simm.s32 @!p0 $0x1  }
0x4c: {  	_ =	swait.ge @!p0 [sflag:s1], $0x800  }
0x4d: {  	[sflag:s1] =	ssyncset.done @!p0 $0x0  }
0x4e: {  	s29 =	simm.s32 $0x0;
	[sflag:s1] =	ssyncadd.s32 @!p0 $0xFFFFF800  }
0x4f: {  	s31 =	simm.s32 $0x0;
	s1 =	simm.s32 $0x40;
	[bflag:$0x0] =	sbarrier.arrive $0xFFFF  }
.LBB2_6:
0x50: {  	p1 =	sne.s32 s1, $0x2040;
	[tilespmem:s31+$0x1C880] =	vst v6;
	s31 =	smov.u32 s1;
	s1 =	sadd.s32 $0x40, s1  }
.Ltmp2:
0x51: {  	(pc) =	sbr.rel @p1 .LBB2_6-.Ltmp2, $2  }
0x52: {  	_ =	sdelay $0x2  }
0x53: {  	s31 =	sshra.s32 s31, $0x2  }
.Ltmp3:
0x54: {  	(pc) =	sbr.rel .LBB2_8-.Ltmp3, $2  }
0x55: {  	_ =	sdelay $0x2  }
0x56: {  	[tilespmem:s31+$0x1C880] =	vst v6;
	s31 =	simm.s32 $0x0  }
.LBB2_14:
0x57: {  	s31 =	sadd.s32 $0x1, s31  }
0x58: {  	p1 =	seq.s32 s31, $0x14  }
.Ltmp4:
0x59: {  	_ = 	snop;
	(pc) =	sbr.rel @p1 .LBB2_15-.Ltmp4, $1  }
0x5a: {  	_ =	sdelay $0x3  }
.LBB2_8:
0x5b: {  	s1 =	sshll.u32 s31, $0xA  }
0x5c: {  	s1 =	sadd.s32 s26, s1  }
0x5d: {  	s1 =	sshrl.u32 s1, $0x3  }
0x5e: {  	s3 =	simm.s32 $0x0;
	s6 =	sadd.s32 s17, s1  }
0x5f: {  	[tilespmem:s24], [sflag:$0x3] =	stream.linear.gather [hbm4b:s6+s3], $0x400, $0x38;
	[tilespmem:$0x1F180] =	vst v63  }
0x60: {  	_ =	swait.ge [sflag:s4], $0x400  }
0x61: {  	[sflag:s4] =	ssyncset.done $0x0  }
0x62: {  	s1 =	sadd.s32 s19, s1;
	[sflag:s4] =	ssyncadd.s32 $0xFFFFFC00  }
0x63: {  	[tilespmem:s5], [sflag:$0x3] =	stream.linear.gather [hbm4b:s1+s3], $0x400, $0x38;
	[tilespmem:$0x1F180] =	vst v63  }
0x64: {  	_ =	swait.ge [sflag:s4], $0x400  }
0x65: {  	[sflag:s4] =	ssyncset.done $0x0  }
0x66: {  	s6 =	simm.s32 $0x0;
	[sflag:s4] =	ssyncadd.s32 $0xFFFFFC00  }
0x67: {  	v7 =	vld [tilespmem:s6+$0x1C080];
	_ =	sdelay $0x1  }
0x68: {  	v8 =	vld [tilespmem:s6+$0x1C480];
	_ =	sdelay $0x2  }
0x69: {  	v7 =	vsub.s32 v7, v0  }
0x6a: {  	vm0 =	vlt.u32 v7, $0x380;
	v7 =	vshll.u32 v7, $0xB  }
0x6b: {  	v7 =	vadd.s32 v8, v7;
	v8 =	vmpcnt.ones.xlane vm0  }
0x6c: {  	v7 =	vnsel vm0, $0x1C0000, v7  }
0x6d: {  	v8 =	vxor.u32 $0x80000000, v8;
	(xrf1) =	vsort.ascd.msk.u32 $0xffff, v7, v7  }
0x6e: {  	(xrf0) =	vmax.scan.msk.u32 $0xffff, v8;
	_ =	sdelay $0x5  }
0x6f: {  	v7, _, _ =	vpop (xrf0)  }
0x70: {  	(v2sf) =	vpush v7, $0xF;
	_ =	sdelay $0x5  }
0x71: {  	v7, _, _ =	vpop (xrf1)  }
0x72: {  	s3 =	simm.s32 $0x10;
	[tilespmem:s29+$0x1C880] =	vst v7  }
0x73: {  	v7 =	vld [tilespmem:s3+$0x1C080];
	_ =	sdelay $0x1  }
0x74: {  	v8 =	vld [tilespmem:s3+$0x1C480];
	_ =	sdelay $0x2  }
0x75: {  	v7 =	vsub.s32 v7, v0  }
0x76: {  	v9 =	vshll.u32 v7, $0xB  }
0x77: {  	vm15 =	vlt.u32 v7, $0x380;
	v7 =	vadd.s32 v8, v9;
	s6 =	spop (v2sf)  }
0x78: {  	s1 =	simm.s32 $0x80;
	v8 =	vmpcnt.ones.xlane vm15;
	v7 =	vnsel vm15, $0x1C0000, v7;
	s29 =	sadd.s32 s6, s29  }
.LBB2_9:
0x79: {  	p1 =	sne.s32 s1, $0xFC0  }
0x7a: {  	v8 =	vxor.u32 $0x80000000, v8;
	(xrf1) =	vsort.ascd.msk.u32 $0xffff, v7, v7;
	s3 =	sadd.s32 $0x80000000, s29;
	s6 =	smov.u32 s1;
	s1 =	sadd.s32 $0x40, s1  }
0x7b: {  	(xrf0) =	vmax.scan.msk.u32 $0xffff, v8;
	_ =	sdelay $0x5  }
0x7c: {  	v7, _, _ =	vpop (xrf0)  }
0x7d: {  	(v2sf) =	vpush v7, $0xF;
	_ =	sdelay $0x5  }
0x7e: {  	v7, _, _ =	vpop (xrf1)  }
0x7f: {  	s6 =	sshra.s32 s6, $0x2;
	[tilespmem:s3+$0x1C880] =	vst v7  }
0x80: {  	v7 =	vld [tilespmem:s6+$0x1C080];
	_ =	sdelay $0x1  }
0x81: {  	v8 =	vld [tilespmem:s6+$0x1C480];
	_ =	sdelay $0x1  }
.Ltmp5:
0x82: {  	(pc) =	sbr.rel @p1 .LBB2_9-.Ltmp5, $4  }
0x83: {  	v7 =	vsub.s32 v7, v0  }
0x84: {  	vm0 =	vlt.u32 v7, $0x380;
	v7 =	vshll.u32 v7, $0xB  }
0x85: {  	v7 =	vadd.s32 v8, v7;
	v8 =	vmpcnt.ones.xlane vm0;
	s6 =	spop (v2sf)  }
0x86: {  	v7 =	vnsel vm0, $0x1C0000, v7;
	s29 =	sadd.s32 s6, s3  }
0x87: {  	v8 =	vxor.u32 $0x80000000, v8  }
0x88: {  	(xrf0) =	vmax.scan.msk.u32 $0xffff, v8;
	_ =	sdelay $0x5  }
0x89: {  	v8, _, _ =	vpop (xrf0)  }
0x8a: {  	(v2sf) =	vpush v8, $0xF;
	_ =	sdelay $0x7  }
0x8b: {  	(xrf1) =	vsort.ascd.msk.u32 $0xffff, v7, v7;
	_ =	sdelay $0x6  }
0x8c: {  	s1 =	sadd.s32 $0x80000000, s29;
	s3 =	spop (v2sf)  }
0x8d: {  	s3 =	sadd.s32 s3, s1  }
0x8e: {  	s29 =	sadd.s32 $0x80000000, s3  }
0x8f: {  	p1 =	slt.s32 s29, $0x400  }
.Ltmp6:
0x90: {  	_ = 	snop;
	(pc) =	sbr.rel @p1 .LBB2_14-.Ltmp6, $3  }
0x91: {  	_ =	sdelay $0x1  }
0x92: {  	v7, _, _ =	vpop (xrf1)  }
0x93: {  	[tilespmem:s1+$0x1C880] =	vst v7  }
0x94: {  	s1 =	simm.s32 $0x1D100;
	s3 =	simm.s32 $0x820;
	s6 =	simm.s32 $0x1C880  }
0x95: {  	[spmem:s21] =	stream.indirect.scatter.add.f32 [tilespmem:s1], [sflag:$0x3], $0x1, s6, s3, $0xb8;
	[tilespmem:$0x1F180] =	vst v63  }
0x96: {  	_ =	swait.ge [sflag:s4], $0x820  }
0x97: {  	[sflag:s4] =	ssyncset.done $0x0  }
0x98: {  	s29 =	simm.s32 $0x0;
	s1 =	simm.s32 $0x40;
	[sflag:s4] =	ssyncadd.s32 $0xFFFFF7E0  }
.LBB2_12:
0x99: {  	p1 =	seq.s32 s1, $0x2040;
	[tilespmem:s29+$0x1C880] =	vst v6;
	s3 =	smov.u32 s1;
	s1 =	sadd.s32 $0x40, s1  }
.Ltmp7:
0x9a: {  	(pc) =	sbr.rel @!p1 .LBB2_12-.Ltmp7, $2  }
0x9b: {  	_ =	sdelay $0x2  }
0x9c: {  	s29 =	sshra.s32 s3, $0x2  }
0x9d: {  	s31 =	sadd.s32 $0x1, s31  }
0x9e: {  	p1 =	seq.s32 s31, $0x14  }
.Ltmp8:
0x9f: {  	_ = 	snop;
	(pc) =	sbr.rel @!p1 .LBB2_8-.Ltmp8, $4  }
.Ltmp9:
0xa0: {  	_ = 	snop;
	(pc) =	sbr.rel @p1 .LBB2_16-.Ltmp9, $4  }
0xa1: {  	_ = 	snop  }
0xa2: {  	_ = 	snop  }
0xa3: {  	[tilespmem:s29+$0x1C880] =	vst v6;
	s29 =	simm.s32 $0x0  }
0xa4: {  	_ = 	snop  }
.LBB2_15:
0xa5: {  	p1 =	slt.s32 s29, $0x1  }
0xa6: {  	s1 =	simm.s32 @!p1 $0x820;
	s3 =	simm.s32 @!p1 $0x1C880;
	s6 =	simm.s32 @!p1 $0x1D100  }
0xa7: {  	[spmem:s21] =	stream.indirect.scatter.add.f32 @!p1 [tilespmem:s6], [sflag:$0x3], $0x1, s3, s1, $0xb8;
	[tilespmem:$0x1F180] =	vst v63  }
0xa8: {  	s1 =	simm.s32 @!p1 $0x3  }
0xa9: {  	_ =	swait.ge @!p1 [sflag:s1], $0x820  }
0xaa: {  	[sflag:s1] =	ssyncset.done @!p1 $0x0  }
0xab: {  	[sflag:s1] =	ssyncadd.s32 @!p1 $0xFFFFF7E0  }
.LBB2_16:
0xac: {  	[bflag:$0x0] =	sbarrier.arrive $0xFFFF  }
0xad: {  	[tilespmem:s28], [sflag:$0x3] =	stream.linear.gather [spmem:s25], $0x800, $0x38;
	[tilespmem:$0x1F180] =	vst v63  }
0xae: {  	_ =	swait.ge [sflag:s4], $0x800  }
0xaf: {  	[sflag:s4] =	ssyncset.done $0x0  }
0xb0: {  	s1 =	simm.s32 $0x0;
	s3 =	rddreg [dreg:$0x5];
	[sflag:s4] =	ssyncadd.s32 $0xFFFFF800  }
0xb1: {  	[hbm4b:s3+s1] =	stream.linear.scatter [tilespmem:s28], [sflag:$0x2], $0x800, $0x38;
	[tilespmem:$0x1F180] =	vst v63  }
0xb2: {  	s6 =	rddreg [dreg:$0x10]  }
0xb3: {  	[tilespmem:s2], [sflag:$0x3] =	stream.linear.gather [spmem:s6], $0x800, $0x38;
	[tilespmem:$0x1F180] =	vst v63  }
0xb4: {  	_ =	swait.ge [sflag:s4], $0x800  }
0xb5: {  	[sflag:s4] =	ssyncset.done $0x0  }
0xb6: {  	s6 =	rddreg [dreg:$0x11];
	[sflag:s4] =	ssyncadd.s32 $0xFFFFF800  }
0xb7: {  	[hbm4b:s6+s1] =	stream.linear.scatter [tilespmem:s2], [sflag:$0x2], $0x800, $0x38;
	[tilespmem:$0x1F180] =	vst v63  }
0xb8: {  	_ =	swait.ge [sflag:s30], $0x800  }
0xb9: {  	[sflag:s30] =	ssyncset.done $0x0  }
0xba: {  	[sflag:s30] =	ssyncadd.s32 $0xFFFFF800  }
0xbb: {  	_ =	swait.ge [sflag:s30], $0x800  }
0xbc: {  	s3 =	rddreg [dreg:$0xe]  }
0xbd: {  	[sflag:s30] =	ssyncset.done $0x0;
	s6 =	sadd.s32 $0xFFFFF800, s3  }
0xbe: {  	[sflag:s30] =	ssyncadd.s32 $0xFFFFF800;
	[dreg:$0x18] =	wrdreg s6  }
0xbf: {  	[tilespmem:s28], [sflag:$0x3] =	stream.linear.gather [spmem:s6], $0x800, $0x38;
	[tilespmem:$0x1F180] =	vst v63  }
0xc0: {  	_ =	swait.ge [sflag:s4], $0x800  }
0xc1: {  	[sflag:s4] =	ssyncset.done $0x0  }
0xc2: {  	s6 =	sadd.s32 $0x0, s8;
	[sflag:s4] =	ssyncadd.s32 $0xFFFFF800  }
0xc3: {  	[hbm4b:s6+s0] =	stream.linear.scatter [tilespmem:s28], [sflag:$0x2], $0x800, $0x38;
	[tilespmem:$0x1F180] =	vst v63  }
0xc4: {  	_ = 	snop  }
0xc5: {  	[tilespmem:s2], [sflag:$0x3] =	stream.linear.gather [spmem:s3], $0x800, $0x38;
	[tilespmem:$0x1F180] =	vst v63  }
0xc6: {  	_ =	swait.ge [sflag:s4], $0x800  }
0xc7: {  	s31 =	sadd.s32 $0x0, s7;
	[sflag:s4] =	ssyncset.done $0x0  }
0xc8: {  	s1 =	simm.s32 $0x200;
	s29 =	sadd.s32 $0x1000, s3;
	[sflag:s4] =	ssyncadd.s32 $0xFFFFF800  }
.LBB2_17:
0xc9: {  	[hbm4b:s31+s0] =	stream.linear.scatter [tilespmem:s2], [sflag:$0x2], $0x800, $0x38;
	[tilespmem:$0x1F180] =	vst v63  }
0xca: {  	s3 =	smov.u32 s1  }
0xcb: {  	p1 =	sne.s32 s1, $0x3400;
	s1 =	sadd.s32 $0x200, s1;
	_ =	swait.ge [sflag:s30], $0x800  }
0xcc: {  	[sflag:s30] =	ssyncset.done $0x0  }
0xcd: {  	[sflag:s30] =	ssyncadd.s32 $0xFFFFF800  }
0xce: {  	_ =	swait.ge [sflag:s30], $0x800  }
0xcf: {  	[sflag:s30] =	ssyncset.done $0x0  }
0xd0: {  	s6 =	sadd.s32 $0xFFFFF800, s29;
	[sflag:s30] =	ssyncadd.s32 $0xFFFFF800  }
0xd1: {  	[tilespmem:s28], [sflag:$0x3] =	stream.linear.gather [spmem:s6], $0x800, $0x38;
	[tilespmem:$0x1F180] =	vst v63  }
0xd2: {  	_ =	swait.ge [sflag:s4], $0x800  }
0xd3: {  	[sflag:s4] =	ssyncset.done $0x0  }
0xd4: {  	s6 =	sadd.s32 s3, s8;
	[sflag:s4] =	ssyncadd.s32 $0xFFFFF800  }
0xd5: {  	[hbm4b:s6+s0] =	stream.linear.scatter [tilespmem:s28], [sflag:$0x2], $0x800, $0x38;
	[tilespmem:$0x1F180] =	vst v63  }
.Ltmp10:
0xd6: {  	(pc) =	sbr.rel @p1 .LBB2_17-.Ltmp10, $4  }
0xd7: {  	[tilespmem:s2], [sflag:$0x3] =	stream.linear.gather [spmem:s29], $0x800, $0x38;
	[tilespmem:$0x1F180] =	vst v63  }
0xd8: {  	_ =	swait.ge [sflag:s4], $0x800  }
0xd9: {  	[sflag:s4] =	ssyncset.done $0x0  }
0xda: {  	s31 =	sadd.s32 s3, s7;
	s29 =	sadd.s32 $0x1000, s29;
	[sflag:s4] =	ssyncadd.s32 $0xFFFFF800  }
0xdb: {  	[hbm4b:s31+s0] =	stream.linear.scatter [tilespmem:s2], [sflag:$0x2], $0x800, $0x38;
	[tilespmem:$0x1F180] =	vst v63  }
0xdc: {  	_ =	swait.ge [sflag:s30], $0x800  }
0xdd: {  	[sflag:s30] =	ssyncset.done $0x0  }
0xde: {  	[sflag:s30] =	ssyncadd.s32 $0xFFFFF800  }
0xdf: {  	_ =	swait.ge [sflag:s30], $0x800  }
0xe0: {  	[sflag:s30] =	ssyncset.done $0x0  }
0xe1: {  	s1 =	simm.s32 $0x2000;
	s29 =	sadd.s32 $0x0, s25;
	[sflag:s30] =	ssyncadd.s32 $0xFFFFF800  }
.LBB2_19:
0xe2: {  	[spmem:s29] =	stream.linear.scatter [tilespmem:s18], [sflag:$0x1], $0x800, $0x38;
	[tilespmem:$0x1F180] =	vst v63  }
0xe3: {  	s3 =	smov.u32 s1;
	p1 =	sne.s32 s1, $0x6E000  }
.Ltmp11:
0xe4: {  	s1 =	sadd.s32 $0x2000, s1;
	(pc) =	sbr.rel @p1 .LBB2_19-.Ltmp11, $3  }
0xe5: {  	_ =	sdelay $0x1  }
0xe6: {  	s3 =	sshra.s32 s3, $0x2  }
0xe7: {  	s29 =	sadd.s32 s3, s25  }
0xe8: {  	[spmem:s29] =	stream.linear.scatter [tilespmem:s18], [sflag:$0x1], $0x800, $0x38;
	[tilespmem:$0x1F180] =	vst v63  }
0xe9: {  	s1 =	simm.s32 @!p0 $0x1D980;
	s3 =	rddreg [dreg:$0xf]  }
0xea: {  	[spmem:s3] =	stream.linear.scatter @!p0 [tilespmem:s1], [sflag:$0x1], $0x800, $0x38;
	[tilespmem:$0x1F180] =	vst v63  }
0xeb: {  	_ =	swait.ge [sflag:s23], $0x800  }
0xec: {  	s1 =	simm.s32 $0x37;
	[sflag:s23] =	ssyncset.done $0x0  }
.LBB2_21:
0xed: {  	p1 =	sne.s32 s1, $0x1;
	s1 =	sadd.s32 $0xFFFFFFFF, s1;
	[sflag:s23] =	ssyncadd.s32 $0xFFFFF800  }
.Ltmp12:
0xee: {  	(pc) =	sbr.rel @p1 .LBB2_21-.Ltmp12, $3  }
0xef: {  	_ =	sdelay $0x1  }
0xf0: {  	_ =	swait.ge [sflag:s23], $0x800  }
0xf1: {  	[sflag:s23] =	ssyncset.done $0x0  }
0xf2: {  	[sflag:s23] =	ssyncadd.s32 $0xFFFFF800;
	s1 =	simm.s32 @!p0 $0x1  }
0xf3: {  	_ =	swait.ge @!p0 [sflag:s1], $0x800  }
0xf4: {  	[sflag:s1] =	ssyncset.done @!p0 $0x0  }
0xf5: {  	s29 =	simm.s32 $0x0;
	[sflag:s1] =	ssyncadd.s32 @!p0 $0xFFFFF800  }
0xf6: {  	s31 =	simm.s32 $0x0;
	s1 =	simm.s32 $0x40;
	[bflag:$0x0] =	sbarrier.arrive $0xFFFF  }
.LBB2_23:
0xf7: {  	p1 =	sne.s32 s1, $0x2040;
	[tilespmem:s31+$0x1C880] =	vst v6;
	s3 =	smov.u32 s1;
	s1 =	sadd.s32 $0x40, s1  }
.Ltmp13:
0xf8: {  	(pc) =	sbr.rel @p1 .LBB2_23-.Ltmp13, $2  }
0xf9: {  	_ =	sdelay $0x2  }
0xfa: {  	s31 =	sshra.s32 s3, $0x2  }
.Ltmp14:
0xfb: {  	(pc) =	sbr.rel .LBB2_25-.Ltmp14, $2  }
0xfc: {  	_ =	sdelay $0x2  }
0xfd: {  	[tilespmem:s31+$0x1C880] =	vst v6;
	s31 =	simm.s32 $0x0  }
.LBB2_31:
0xfe: {  	s31 =	sadd.s32 $0x1, s31  }
0xff: {  	p1 =	seq.s32 s31, $0x14  }
.Ltmp15:
0x100: {  	_ = 	snop;
	(pc) =	sbr.rel @p1 .LBB2_32-.Ltmp15, $1  }
0x101: {  	_ =	sdelay $0x3  }
.LBB2_25:
0x102: {  	s1 =	sshll.u32 s31, $0xA  }
0x103: {  	s1 =	sadd.s32 s26, s1  }
0x104: {  	s1 =	sshrl.u32 s1, $0x3  }
0x105: {  	s6 =	simm.s32 $0x0;
	s3 =	sadd.s32 s17, s1  }
0x106: {  	[tilespmem:s24], [sflag:$0x3] =	stream.linear.gather [hbm4b:s3+s6], $0x400, $0x38;
	[tilespmem:$0x1F180] =	vst v63  }
0x107: {  	_ =	swait.ge [sflag:s4], $0x400  }
0x108: {  	[sflag:s4] =	ssyncset.done $0x0  }
0x109: {  	s1 =	sadd.s32 s19, s1;
	[sflag:s4] =	ssyncadd.s32 $0xFFFFFC00  }
0x10a: {  	[tilespmem:s5], [sflag:$0x3] =	stream.linear.gather [hbm4b:s1+s6], $0x400, $0x38;
	[tilespmem:$0x1F180] =	vst v63  }
0x10b: {  	_ =	swait.ge [sflag:s4], $0x400  }
0x10c: {  	[sflag:s4] =	ssyncset.done $0x0  }
0x10d: {  	s6 =	simm.s32 $0x0;
	[sflag:s4] =	ssyncadd.s32 $0xFFFFFC00  }
0x10e: {  	v7 =	vld [tilespmem:s6+$0x1C080];
	_ =	sdelay $0x1  }
0x10f: {  	v8 =	vld [tilespmem:s6+$0x1C480];
	_ =	sdelay $0x2  }
0x110: {  	v7 =	vsub.s32 v7, v1  }
0x111: {  	vm0 =	vlt.u32 v7, $0x380;
	v7 =	vshll.u32 v7, $0xB  }
0x112: {  	v7 =	vadd.s32 v8, v7;
	v8 =	vmpcnt.ones.xlane vm0  }
0x113: {  	v7 =	vnsel vm0, $0x1C0000, v7  }
0x114: {  	v8 =	vxor.u32 $0x80000000, v8;
	(xrf1) =	vsort.ascd.msk.u32 $0xffff, v7, v7  }
0x115: {  	(xrf0) =	vmax.scan.msk.u32 $0xffff, v8;
	_ =	sdelay $0x5  }
0x116: {  	v7, _, _ =	vpop (xrf0)  }
0x117: {  	(v2sf) =	vpush v7, $0xF;
	_ =	sdelay $0x5  }
0x118: {  	v7, _, _ =	vpop (xrf1)  }
0x119: {  	s3 =	simm.s32 $0x10;
	[tilespmem:s29+$0x1C880] =	vst v7  }
0x11a: {  	v7 =	vld [tilespmem:s3+$0x1C080];
	_ =	sdelay $0x1  }
0x11b: {  	v8 =	vld [tilespmem:s3+$0x1C480];
	_ =	sdelay $0x2  }
0x11c: {  	v7 =	vsub.s32 v7, v1  }
0x11d: {  	v9 =	vshll.u32 v7, $0xB  }
0x11e: {  	vm15 =	vlt.u32 v7, $0x380;
	v7 =	vadd.s32 v8, v9;
	s6 =	spop (v2sf)  }
0x11f: {  	s1 =	simm.s32 $0x80;
	v8 =	vmpcnt.ones.xlane vm15;
	v7 =	vnsel vm15, $0x1C0000, v7;
	s29 =	sadd.s32 s6, s29  }
.LBB2_26:
0x120: {  	p1 =	sne.s32 s1, $0xFC0  }
0x121: {  	v8 =	vxor.u32 $0x80000000, v8;
	(xrf1) =	vsort.ascd.msk.u32 $0xffff, v7, v7;
	s3 =	sadd.s32 $0x80000000, s29;
	s6 =	smov.u32 s1;
	s1 =	sadd.s32 $0x40, s1  }
0x122: {  	(xrf0) =	vmax.scan.msk.u32 $0xffff, v8;
	_ =	sdelay $0x5  }
0x123: {  	v7, _, _ =	vpop (xrf0)  }
0x124: {  	(v2sf) =	vpush v7, $0xF;
	_ =	sdelay $0x5  }
0x125: {  	v7, _, _ =	vpop (xrf1)  }
0x126: {  	s6 =	sshra.s32 s6, $0x2;
	[tilespmem:s3+$0x1C880] =	vst v7  }
0x127: {  	v7 =	vld [tilespmem:s6+$0x1C080];
	_ =	sdelay $0x1  }
0x128: {  	v8 =	vld [tilespmem:s6+$0x1C480];
	_ =	sdelay $0x1  }
.Ltmp16:
0x129: {  	(pc) =	sbr.rel @p1 .LBB2_26-.Ltmp16, $4  }
0x12a: {  	v7 =	vsub.s32 v7, v1  }
0x12b: {  	vm0 =	vlt.u32 v7, $0x380;
	v7 =	vshll.u32 v7, $0xB  }
0x12c: {  	v7 =	vadd.s32 v8, v7;
	v8 =	vmpcnt.ones.xlane vm0;
	s6 =	spop (v2sf)  }
0x12d: {  	v7 =	vnsel vm0, $0x1C0000, v7;
	s29 =	sadd.s32 s6, s3  }
0x12e: {  	v8 =	vxor.u32 $0x80000000, v8  }
0x12f: {  	(xrf0) =	vmax.scan.msk.u32 $0xffff, v8;
	_ =	sdelay $0x5  }
0x130: {  	v8, _, _ =	vpop (xrf0)  }
0x131: {  	(v2sf) =	vpush v8, $0xF;
	_ =	sdelay $0x7  }
0x132: {  	(xrf1) =	vsort.ascd.msk.u32 $0xffff, v7, v7;
	_ =	sdelay $0x6  }
0x133: {  	s1 =	sadd.s32 $0x80000000, s29;
	s3 =	spop (v2sf)  }
0x134: {  	s3 =	sadd.s32 s3, s1  }
0x135: {  	s29 =	sadd.s32 $0x80000000, s3  }
0x136: {  	p1 =	slt.s32 s29, $0x400  }
.Ltmp17:
0x137: {  	_ = 	snop;
	(pc) =	sbr.rel @p1 .LBB2_31-.Ltmp17, $3  }
0x138: {  	_ =	sdelay $0x1  }
0x139: {  	v7, _, _ =	vpop (xrf1)  }
0x13a: {  	[tilespmem:s1+$0x1C880] =	vst v7  }
0x13b: {  	s1 =	simm.s32 $0x1D100;
	s3 =	simm.s32 $0x820;
	s6 =	simm.s32 $0x1C880  }
0x13c: {  	[spmem:s21] =	stream.indirect.scatter.add.f32 [tilespmem:s1], [sflag:$0x3], $0x1, s6, s3, $0xb8;
	[tilespmem:$0x1F180] =	vst v63  }
0x13d: {  	_ =	swait.ge [sflag:s4], $0x820  }
0x13e: {  	[sflag:s4] =	ssyncset.done $0x0  }
0x13f: {  	s29 =	simm.s32 $0x0;
	s1 =	simm.s32 $0x40;
	[sflag:s4] =	ssyncadd.s32 $0xFFFFF7E0  }
.LBB2_29:
0x140: {  	p1 =	seq.s32 s1, $0x2040;
	[tilespmem:s29+$0x1C880] =	vst v6;
	s3 =	smov.u32 s1;
	s1 =	sadd.s32 $0x40, s1  }
.Ltmp18:
0x141: {  	(pc) =	sbr.rel @!p1 .LBB2_29-.Ltmp18, $2  }
0x142: {  	_ =	sdelay $0x2  }
0x143: {  	s29 =	sshra.s32 s3, $0x2  }
0x144: {  	s31 =	sadd.s32 $0x1, s31  }
0x145: {  	p1 =	seq.s32 s31, $0x14  }
.Ltmp19:
0x146: {  	_ = 	snop;
	(pc) =	sbr.rel @!p1 .LBB2_25-.Ltmp19, $4  }
.Ltmp20:
0x147: {  	_ = 	snop;
	(pc) =	sbr.rel @p1 .LBB2_33-.Ltmp20, $4  }
0x148: {  	_ = 	snop  }
0x149: {  	_ = 	snop  }
0x14a: {  	[tilespmem:s29+$0x1C880] =	vst v6;
	s29 =	simm.s32 $0x0  }
0x14b: {  	_ = 	snop  }
.LBB2_32:
0x14c: {  	p1 =	slt.s32 s29, $0x1  }
0x14d: {  	s1 =	simm.s32 @!p1 $0x820;
	s3 =	simm.s32 @!p1 $0x1C880;
	s6 =	simm.s32 @!p1 $0x1D100  }
0x14e: {  	[spmem:s21] =	stream.indirect.scatter.add.f32 @!p1 [tilespmem:s6], [sflag:$0x3], $0x1, s3, s1, $0xb8;
	[tilespmem:$0x1F180] =	vst v63  }
0x14f: {  	s1 =	simm.s32 @!p1 $0x3  }
0x150: {  	_ =	swait.ge @!p1 [sflag:s1], $0x820  }
0x151: {  	[sflag:s1] =	ssyncset.done @!p1 $0x0  }
0x152: {  	[sflag:s1] =	ssyncadd.s32 @!p1 $0xFFFFF7E0  }
.LBB2_33:
0x153: {  	[bflag:$0x0] =	sbarrier.arrive $0xFFFF  }
0x154: {  	[tilespmem:s28], [sflag:$0x3] =	stream.linear.gather [spmem:s25], $0x800, $0x38;
	[tilespmem:$0x1F180] =	vst v63  }
0x155: {  	_ =	swait.ge [sflag:s4], $0x800  }
0x156: {  	[sflag:s4] =	ssyncset.done $0x0  }
0x157: {  	s1 =	simm.s32 $0x0;
	s3 =	rddreg [dreg:$0x6];
	[sflag:s4] =	ssyncadd.s32 $0xFFFFF800  }
0x158: {  	[hbm4b:s3+s1] =	stream.linear.scatter [tilespmem:s28], [sflag:$0x2], $0x800, $0x38;
	[tilespmem:$0x1F180] =	vst v63  }
0x159: {  	s6 =	rddreg [dreg:$0x10]  }
0x15a: {  	[tilespmem:s2], [sflag:$0x3] =	stream.linear.gather [spmem:s6], $0x800, $0x38;
	[tilespmem:$0x1F180] =	vst v63  }
0x15b: {  	_ =	swait.ge [sflag:s4], $0x800  }
0x15c: {  	[sflag:s4] =	ssyncset.done $0x0  }
0x15d: {  	s6 =	rddreg [dreg:$0x12];
	[sflag:s4] =	ssyncadd.s32 $0xFFFFF800  }
0x15e: {  	[hbm4b:s6+s1] =	stream.linear.scatter [tilespmem:s2], [sflag:$0x2], $0x800, $0x38;
	[tilespmem:$0x1F180] =	vst v63  }
0x15f: {  	_ =	swait.ge [sflag:s30], $0x800  }
0x160: {  	[sflag:s30] =	ssyncset.done $0x0  }
0x161: {  	[sflag:s30] =	ssyncadd.s32 $0xFFFFF800  }
0x162: {  	_ =	swait.ge [sflag:s30], $0x800  }
0x163: {  	[sflag:s30] =	ssyncset.done $0x0  }
0x164: {  	s6 =	rddreg [dreg:$0x18];
	[sflag:s30] =	ssyncadd.s32 $0xFFFFF800  }
0x165: {  	[tilespmem:s28], [sflag:$0x3] =	stream.linear.gather [spmem:s6], $0x800, $0x38;
	[tilespmem:$0x1F180] =	vst v63  }
0x166: {  	_ =	swait.ge [sflag:s4], $0x800  }
0x167: {  	[sflag:s4] =	ssyncset.done $0x0  }
0x168: {  	s3 =	sadd.s32 $0x0, s10;
	[sflag:s4] =	ssyncadd.s32 $0xFFFFF800  }
0x169: {  	[hbm4b:s3+s0] =	stream.linear.scatter [tilespmem:s28], [sflag:$0x2], $0x800, $0x38;
	[tilespmem:$0x1F180] =	vst v63  }
0x16a: {  	s6 =	rddreg [dreg:$0xe]  }
0x16b: {  	[tilespmem:s2], [sflag:$0x3] =	stream.linear.gather [spmem:s6], $0x800, $0x38;
	[tilespmem:$0x1F180] =	vst v63  }
0x16c: {  	_ =	swait.ge [sflag:s4], $0x800  }
0x16d: {  	s31 =	sadd.s32 $0x0, s9;
	[sflag:s4] =	ssyncset.done $0x0  }
0x16e: {  	s1 =	simm.s32 $0x200;
	s29 =	sadd.s32 $0x1000, s6;
	[sflag:s4] =	ssyncadd.s32 $0xFFFFF800  }
.LBB2_34:
0x16f: {  	[hbm4b:s31+s0] =	stream.linear.scatter [tilespmem:s2], [sflag:$0x2], $0x800, $0x38;
	[tilespmem:$0x1F180] =	vst v63  }
0x170: {  	s3 =	smov.u32 s1  }
0x171: {  	p1 =	sne.s32 s1, $0x3400;
	s1 =	sadd.s32 $0x200, s1;
	_ =	swait.ge [sflag:s30], $0x800  }
0x172: {  	[sflag:s30] =	ssyncset.done $0x0  }
0x173: {  	[sflag:s30] =	ssyncadd.s32 $0xFFFFF800  }
0x174: {  	_ =	swait.ge [sflag:s30], $0x800  }
0x175: {  	[sflag:s30] =	ssyncset.done $0x0  }
0x176: {  	s6 =	sadd.s32 $0xFFFFF800, s29;
	[sflag:s30] =	ssyncadd.s32 $0xFFFFF800  }
0x177: {  	[tilespmem:s28], [sflag:$0x3] =	stream.linear.gather [spmem:s6], $0x800, $0x38;
	[tilespmem:$0x1F180] =	vst v63  }
0x178: {  	_ =	swait.ge [sflag:s4], $0x800  }
0x179: {  	[sflag:s4] =	ssyncset.done $0x0  }
0x17a: {  	s6 =	sadd.s32 s3, s10;
	[sflag:s4] =	ssyncadd.s32 $0xFFFFF800  }
0x17b: {  	[hbm4b:s6+s0] =	stream.linear.scatter [tilespmem:s28], [sflag:$0x2], $0x800, $0x38;
	[tilespmem:$0x1F180] =	vst v63  }
.Ltmp21:
0x17c: {  	(pc) =	sbr.rel @p1 .LBB2_34-.Ltmp21, $4  }
0x17d: {  	[tilespmem:s2], [sflag:$0x3] =	stream.linear.gather [spmem:s29], $0x800, $0x38;
	[tilespmem:$0x1F180] =	vst v63  }
0x17e: {  	_ =	swait.ge [sflag:s4], $0x800  }
0x17f: {  	[sflag:s4] =	ssyncset.done $0x0  }
0x180: {  	s31 =	sadd.s32 s3, s9;
	s29 =	sadd.s32 $0x1000, s29;
	[sflag:s4] =	ssyncadd.s32 $0xFFFFF800  }
0x181: {  	[hbm4b:s31+s0] =	stream.linear.scatter [tilespmem:s2], [sflag:$0x2], $0x800, $0x38;
	[tilespmem:$0x1F180] =	vst v63  }
0x182: {  	_ =	swait.ge [sflag:s30], $0x800  }
0x183: {  	[sflag:s30] =	ssyncset.done $0x0  }
0x184: {  	[sflag:s30] =	ssyncadd.s32 $0xFFFFF800  }
0x185: {  	_ =	swait.ge [sflag:s30], $0x800  }
0x186: {  	[sflag:s30] =	ssyncset.done $0x0  }
0x187: {  	s1 =	simm.s32 $0x2000;
	s29 =	sadd.s32 $0x0, s25;
	[sflag:s30] =	ssyncadd.s32 $0xFFFFF800  }
.LBB2_36:
0x188: {  	[spmem:s29] =	stream.linear.scatter [tilespmem:s18], [sflag:$0x1], $0x800, $0x38;
	[tilespmem:$0x1F180] =	vst v63  }
0x189: {  	s3 =	smov.u32 s1;
	p1 =	sne.s32 s1, $0x6E000  }
.Ltmp22:
0x18a: {  	s1 =	sadd.s32 $0x2000, s1;
	(pc) =	sbr.rel @p1 .LBB2_36-.Ltmp22, $3  }
0x18b: {  	_ =	sdelay $0x1  }
0x18c: {  	s3 =	sshra.s32 s3, $0x2  }
0x18d: {  	s29 =	sadd.s32 s3, s25  }
0x18e: {  	[spmem:s29] =	stream.linear.scatter [tilespmem:s18], [sflag:$0x1], $0x800, $0x38;
	[tilespmem:$0x1F180] =	vst v63  }
0x18f: {  	s1 =	simm.s32 @!p0 $0x1D980;
	s3 =	rddreg [dreg:$0xf]  }
0x190: {  	[spmem:s3] =	stream.linear.scatter @!p0 [tilespmem:s1], [sflag:$0x1], $0x800, $0x38;
	[tilespmem:$0x1F180] =	vst v63  }
0x191: {  	_ =	swait.ge [sflag:s23], $0x800  }
0x192: {  	s1 =	simm.s32 $0x37;
	[sflag:s23] =	ssyncset.done $0x0  }
.LBB2_38:
0x193: {  	p1 =	sne.s32 s1, $0x1;
	s1 =	sadd.s32 $0xFFFFFFFF, s1;
	[sflag:s23] =	ssyncadd.s32 $0xFFFFF800  }
.Ltmp23:
0x194: {  	(pc) =	sbr.rel @p1 .LBB2_38-.Ltmp23, $3  }
0x195: {  	_ =	sdelay $0x1  }
0x196: {  	_ =	swait.ge [sflag:s23], $0x800  }
0x197: {  	[sflag:s23] =	ssyncset.done $0x0  }
0x198: {  	[sflag:s23] =	ssyncadd.s32 $0xFFFFF800;
	s1 =	simm.s32 @!p0 $0x1  }
0x199: {  	_ =	swait.ge @!p0 [sflag:s1], $0x800  }
0x19a: {  	[sflag:s1] =	ssyncset.done @!p0 $0x0  }
0x19b: {  	s29 =	simm.s32 $0x0;
	[sflag:s1] =	ssyncadd.s32 @!p0 $0xFFFFF800  }
0x19c: {  	s31 =	simm.s32 $0x0;
	s1 =	simm.s32 $0x40;
	[bflag:$0x0] =	sbarrier.arrive $0xFFFF  }
.LBB2_40:
0x19d: {  	p1 =	sne.s32 s1, $0x2040;
	[tilespmem:s31+$0x1C880] =	vst v6;
	s3 =	smov.u32 s1;
	s1 =	sadd.s32 $0x40, s1  }
.Ltmp24:
0x19e: {  	(pc) =	sbr.rel @p1 .LBB2_40-.Ltmp24, $2  }
0x19f: {  	_ =	sdelay $0x2  }
0x1a0: {  	s31 =	sshra.s32 s3, $0x2  }
.Ltmp25:
0x1a1: {  	(pc) =	sbr.rel .LBB2_42-.Ltmp25, $2  }
0x1a2: {  	_ =	sdelay $0x2  }
0x1a3: {  	[tilespmem:s31+$0x1C880] =	vst v6;
	s31 =	simm.s32 $0x0  }
.LBB2_48:
0x1a4: {  	s31 =	sadd.s32 $0x1, s31  }
0x1a5: {  	p1 =	seq.s32 s31, $0x14  }
.Ltmp26:
0x1a6: {  	_ = 	snop;
	(pc) =	sbr.rel @p1 .LBB2_49-.Ltmp26, $1  }
0x1a7: {  	_ =	sdelay $0x3  }
.LBB2_42:
0x1a8: {  	s1 =	sshll.u32 s31, $0xA  }
0x1a9: {  	s1 =	sadd.s32 s26, s1  }
0x1aa: {  	s1 =	sshrl.u32 s1, $0x3  }
0x1ab: {  	s6 =	simm.s32 $0x0;
	s3 =	sadd.s32 s17, s1  }
0x1ac: {  	[tilespmem:s24], [sflag:$0x3] =	stream.linear.gather [hbm4b:s3+s6], $0x400, $0x38;
	[tilespmem:$0x1F180] =	vst v63  }
0x1ad: {  	_ =	swait.ge [sflag:s4], $0x400  }
0x1ae: {  	[sflag:s4] =	ssyncset.done $0x0  }
0x1af: {  	s1 =	sadd.s32 s19, s1;
	[sflag:s4] =	ssyncadd.s32 $0xFFFFFC00  }
0x1b0: {  	[tilespmem:s5], [sflag:$0x3] =	stream.linear.gather [hbm4b:s1+s6], $0x400, $0x38;
	[tilespmem:$0x1F180] =	vst v63  }
0x1b1: {  	_ =	swait.ge [sflag:s4], $0x400  }
0x1b2: {  	[sflag:s4] =	ssyncset.done $0x0  }
0x1b3: {  	s6 =	simm.s32 $0x0;
	[sflag:s4] =	ssyncadd.s32 $0xFFFFFC00  }
0x1b4: {  	v7 =	vld [tilespmem:s6+$0x1C080];
	_ =	sdelay $0x1  }
0x1b5: {  	v8 =	vld [tilespmem:s6+$0x1C480];
	_ =	sdelay $0x2  }
0x1b6: {  	v7 =	vsub.s32 v7, v2  }
0x1b7: {  	vm0 =	vlt.u32 v7, $0x380;
	v7 =	vshll.u32 v7, $0xB  }
0x1b8: {  	v7 =	vadd.s32 v8, v7;
	v8 =	vmpcnt.ones.xlane vm0  }
0x1b9: {  	v7 =	vnsel vm0, $0x1C0000, v7  }
0x1ba: {  	v8 =	vxor.u32 $0x80000000, v8;
	(xrf1) =	vsort.ascd.msk.u32 $0xffff, v7, v7  }
0x1bb: {  	(xrf0) =	vmax.scan.msk.u32 $0xffff, v8;
	_ =	sdelay $0x5  }
0x1bc: {  	v7, _, _ =	vpop (xrf0)  }
0x1bd: {  	(v2sf) =	vpush v7, $0xF;
	_ =	sdelay $0x5  }
0x1be: {  	v7, _, _ =	vpop (xrf1)  }
0x1bf: {  	s3 =	simm.s32 $0x10;
	[tilespmem:s29+$0x1C880] =	vst v7  }
0x1c0: {  	v7 =	vld [tilespmem:s3+$0x1C080];
	_ =	sdelay $0x1  }
0x1c1: {  	v8 =	vld [tilespmem:s3+$0x1C480];
	_ =	sdelay $0x2  }
0x1c2: {  	v7 =	vsub.s32 v7, v2  }
0x1c3: {  	v9 =	vshll.u32 v7, $0xB  }
0x1c4: {  	vm15 =	vlt.u32 v7, $0x380;
	v7 =	vadd.s32 v8, v9;
	s6 =	spop (v2sf)  }
0x1c5: {  	s1 =	simm.s32 $0x80;
	v8 =	vmpcnt.ones.xlane vm15;
	v7 =	vnsel vm15, $0x1C0000, v7;
	s29 =	sadd.s32 s6, s29  }
.LBB2_43:
0x1c6: {  	p1 =	sne.s32 s1, $0xFC0  }
0x1c7: {  	v8 =	vxor.u32 $0x80000000, v8;
	(xrf1) =	vsort.ascd.msk.u32 $0xffff, v7, v7;
	s3 =	sadd.s32 $0x80000000, s29;
	s6 =	smov.u32 s1;
	s1 =	sadd.s32 $0x40, s1  }
0x1c8: {  	(xrf0) =	vmax.scan.msk.u32 $0xffff, v8;
	_ =	sdelay $0x5  }
0x1c9: {  	v7, _, _ =	vpop (xrf0)  }
0x1ca: {  	(v2sf) =	vpush v7, $0xF;
	_ =	sdelay $0x5  }
0x1cb: {  	v7, _, _ =	vpop (xrf1)  }
0x1cc: {  	s6 =	sshra.s32 s6, $0x2;
	[tilespmem:s3+$0x1C880] =	vst v7  }
0x1cd: {  	v7 =	vld [tilespmem:s6+$0x1C080];
	_ =	sdelay $0x1  }
0x1ce: {  	v8 =	vld [tilespmem:s6+$0x1C480];
	_ =	sdelay $0x1  }
.Ltmp27:
0x1cf: {  	(pc) =	sbr.rel @p1 .LBB2_43-.Ltmp27, $4  }
0x1d0: {  	v7 =	vsub.s32 v7, v2  }
0x1d1: {  	vm0 =	vlt.u32 v7, $0x380;
	v7 =	vshll.u32 v7, $0xB  }
0x1d2: {  	v7 =	vadd.s32 v8, v7;
	v8 =	vmpcnt.ones.xlane vm0;
	s6 =	spop (v2sf)  }
0x1d3: {  	v7 =	vnsel vm0, $0x1C0000, v7;
	s29 =	sadd.s32 s6, s3  }
0x1d4: {  	v8 =	vxor.u32 $0x80000000, v8  }
0x1d5: {  	(xrf0) =	vmax.scan.msk.u32 $0xffff, v8;
	_ =	sdelay $0x5  }
0x1d6: {  	v8, _, _ =	vpop (xrf0)  }
0x1d7: {  	(v2sf) =	vpush v8, $0xF;
	_ =	sdelay $0x7  }
0x1d8: {  	(xrf1) =	vsort.ascd.msk.u32 $0xffff, v7, v7;
	_ =	sdelay $0x6  }
0x1d9: {  	s1 =	sadd.s32 $0x80000000, s29;
	s3 =	spop (v2sf)  }
0x1da: {  	s3 =	sadd.s32 s3, s1  }
0x1db: {  	s29 =	sadd.s32 $0x80000000, s3  }
0x1dc: {  	p1 =	slt.s32 s29, $0x400  }
.Ltmp28:
0x1dd: {  	_ = 	snop;
	(pc) =	sbr.rel @p1 .LBB2_48-.Ltmp28, $3  }
0x1de: {  	_ =	sdelay $0x1  }
0x1df: {  	v7, _, _ =	vpop (xrf1)  }
0x1e0: {  	[tilespmem:s1+$0x1C880] =	vst v7  }
0x1e1: {  	s1 =	simm.s32 $0x1D100;
	s3 =	simm.s32 $0x820;
	s6 =	simm.s32 $0x1C880  }
0x1e2: {  	[spmem:s21] =	stream.indirect.scatter.add.f32 [tilespmem:s1], [sflag:$0x3], $0x1, s6, s3, $0xb8;
	[tilespmem:$0x1F180] =	vst v63  }
0x1e3: {  	_ =	swait.ge [sflag:s4], $0x820  }
0x1e4: {  	[sflag:s4] =	ssyncset.done $0x0  }
0x1e5: {  	s29 =	simm.s32 $0x0;
	s1 =	simm.s32 $0x40;
	[sflag:s4] =	ssyncadd.s32 $0xFFFFF7E0  }
.LBB2_46:
0x1e6: {  	p1 =	seq.s32 s1, $0x2040;
	[tilespmem:s29+$0x1C880] =	vst v6;
	s3 =	smov.u32 s1;
	s1 =	sadd.s32 $0x40, s1  }
.Ltmp29:
0x1e7: {  	(pc) =	sbr.rel @!p1 .LBB2_46-.Ltmp29, $2  }
0x1e8: {  	_ =	sdelay $0x2  }
0x1e9: {  	s29 =	sshra.s32 s3, $0x2  }
0x1ea: {  	s31 =	sadd.s32 $0x1, s31  }
0x1eb: {  	p1 =	seq.s32 s31, $0x14  }
.Ltmp30:
0x1ec: {  	_ = 	snop;
	(pc) =	sbr.rel @!p1 .LBB2_42-.Ltmp30, $4  }
.Ltmp31:
0x1ed: {  	_ = 	snop;
	(pc) =	sbr.rel @p1 .LBB2_50-.Ltmp31, $4  }
0x1ee: {  	_ = 	snop  }
0x1ef: {  	_ = 	snop  }
0x1f0: {  	[tilespmem:s29+$0x1C880] =	vst v6;
	s29 =	simm.s32 $0x0  }
0x1f1: {  	_ = 	snop  }
.LBB2_49:
0x1f2: {  	p1 =	slt.s32 s29, $0x1  }
0x1f3: {  	s1 =	simm.s32 @!p1 $0x820;
	s3 =	simm.s32 @!p1 $0x1C880;
	s6 =	simm.s32 @!p1 $0x1D100  }
0x1f4: {  	[spmem:s21] =	stream.indirect.scatter.add.f32 @!p1 [tilespmem:s6], [sflag:$0x3], $0x1, s3, s1, $0xb8;
	[tilespmem:$0x1F180] =	vst v63  }
0x1f5: {  	s1 =	simm.s32 @!p1 $0x3  }
0x1f6: {  	_ =	swait.ge @!p1 [sflag:s1], $0x820  }
0x1f7: {  	[sflag:s1] =	ssyncset.done @!p1 $0x0  }
0x1f8: {  	[sflag:s1] =	ssyncadd.s32 @!p1 $0xFFFFF7E0  }
.LBB2_50:
0x1f9: {  	[bflag:$0x0] =	sbarrier.arrive $0xFFFF  }
0x1fa: {  	[tilespmem:s28], [sflag:$0x3] =	stream.linear.gather [spmem:s25], $0x800, $0x38;
	[tilespmem:$0x1F180] =	vst v63  }
0x1fb: {  	_ =	swait.ge [sflag:s4], $0x800  }
0x1fc: {  	[sflag:s4] =	ssyncset.done $0x0  }
0x1fd: {  	s1 =	simm.s32 $0x0;
	s3 =	rddreg [dreg:$0x7];
	[sflag:s4] =	ssyncadd.s32 $0xFFFFF800  }
0x1fe: {  	[hbm4b:s3+s1] =	stream.linear.scatter [tilespmem:s28], [sflag:$0x2], $0x800, $0x38;
	[tilespmem:$0x1F180] =	vst v63  }
0x1ff: {  	s6 =	rddreg [dreg:$0x10]  }
0x200: {  	[tilespmem:s2], [sflag:$0x3] =	stream.linear.gather [spmem:s6], $0x800, $0x38;
	[tilespmem:$0x1F180] =	vst v63  }
0x201: {  	_ =	swait.ge [sflag:s4], $0x800  }
0x202: {  	[sflag:s4] =	ssyncset.done $0x0  }
0x203: {  	s6 =	rddreg [dreg:$0x13];
	[sflag:s4] =	ssyncadd.s32 $0xFFFFF800  }
0x204: {  	[hbm4b:s6+s1] =	stream.linear.scatter [tilespmem:s2], [sflag:$0x2], $0x800, $0x38;
	[tilespmem:$0x1F180] =	vst v63  }
0x205: {  	_ =	swait.ge [sflag:s30], $0x800  }
0x206: {  	[sflag:s30] =	ssyncset.done $0x0  }
0x207: {  	[sflag:s30] =	ssyncadd.s32 $0xFFFFF800  }
0x208: {  	_ =	swait.ge [sflag:s30], $0x800  }
0x209: {  	[sflag:s30] =	ssyncset.done $0x0  }
0x20a: {  	s6 =	rddreg [dreg:$0x18];
	[sflag:s30] =	ssyncadd.s32 $0xFFFFF800  }
0x20b: {  	[tilespmem:s28], [sflag:$0x3] =	stream.linear.gather [spmem:s6], $0x800, $0x38;
	[tilespmem:$0x1F180] =	vst v63  }
0x20c: {  	_ =	swait.ge [sflag:s4], $0x800  }
0x20d: {  	[sflag:s4] =	ssyncset.done $0x0  }
0x20e: {  	s3 =	sadd.s32 $0x0, s12;
	[sflag:s4] =	ssyncadd.s32 $0xFFFFF800  }
0x20f: {  	[hbm4b:s3+s0] =	stream.linear.scatter [tilespmem:s28], [sflag:$0x2], $0x800, $0x38;
	[tilespmem:$0x1F180] =	vst v63  }
0x210: {  	s6 =	rddreg [dreg:$0xe]  }
0x211: {  	[tilespmem:s2], [sflag:$0x3] =	stream.linear.gather [spmem:s6], $0x800, $0x38;
	[tilespmem:$0x1F180] =	vst v63  }
0x212: {  	_ =	swait.ge [sflag:s4], $0x800  }
0x213: {  	s31 =	sadd.s32 $0x0, s11;
	[sflag:s4] =	ssyncset.done $0x0  }
0x214: {  	s1 =	simm.s32 $0x200;
	s29 =	sadd.s32 $0x1000, s6;
	[sflag:s4] =	ssyncadd.s32 $0xFFFFF800  }
.LBB2_51:
0x215: {  	[hbm4b:s31+s0] =	stream.linear.scatter [tilespmem:s2], [sflag:$0x2], $0x800, $0x38;
	[tilespmem:$0x1F180] =	vst v63  }
0x216: {  	s3 =	smov.u32 s1  }
0x217: {  	p1 =	sne.s32 s1, $0x3400;
	s1 =	sadd.s32 $0x200, s1;
	_ =	swait.ge [sflag:s30], $0x800  }
0x218: {  	[sflag:s30] =	ssyncset.done $0x0  }
0x219: {  	[sflag:s30] =	ssyncadd.s32 $0xFFFFF800  }
0x21a: {  	_ =	swait.ge [sflag:s30], $0x800  }
0x21b: {  	[sflag:s30] =	ssyncset.done $0x0  }
0x21c: {  	s6 =	sadd.s32 $0xFFFFF800, s29;
	[sflag:s30] =	ssyncadd.s32 $0xFFFFF800  }
0x21d: {  	[tilespmem:s28], [sflag:$0x3] =	stream.linear.gather [spmem:s6], $0x800, $0x38;
	[tilespmem:$0x1F180] =	vst v63  }
0x21e: {  	_ =	swait.ge [sflag:s4], $0x800  }
0x21f: {  	[sflag:s4] =	ssyncset.done $0x0  }
0x220: {  	s6 =	sadd.s32 s3, s12;
	[sflag:s4] =	ssyncadd.s32 $0xFFFFF800  }
0x221: {  	[hbm4b:s6+s0] =	stream.linear.scatter [tilespmem:s28], [sflag:$0x2], $0x800, $0x38;
	[tilespmem:$0x1F180] =	vst v63  }
.Ltmp32:
0x222: {  	(pc) =	sbr.rel @p1 .LBB2_51-.Ltmp32, $4  }
0x223: {  	[tilespmem:s2], [sflag:$0x3] =	stream.linear.gather [spmem:s29], $0x800, $0x38;
	[tilespmem:$0x1F180] =	vst v63  }
0x224: {  	_ =	swait.ge [sflag:s4], $0x800  }
0x225: {  	[sflag:s4] =	ssyncset.done $0x0  }
0x226: {  	s31 =	sadd.s32 s3, s11;
	s29 =	sadd.s32 $0x1000, s29;
	[sflag:s4] =	ssyncadd.s32 $0xFFFFF800  }
0x227: {  	[hbm4b:s31+s0] =	stream.linear.scatter [tilespmem:s2], [sflag:$0x2], $0x800, $0x38;
	[tilespmem:$0x1F180] =	vst v63  }
0x228: {  	_ =	swait.ge [sflag:s30], $0x800  }
0x229: {  	[sflag:s30] =	ssyncset.done $0x0  }
0x22a: {  	[sflag:s30] =	ssyncadd.s32 $0xFFFFF800  }
0x22b: {  	_ =	swait.ge [sflag:s30], $0x800  }
0x22c: {  	[sflag:s30] =	ssyncset.done $0x0  }
0x22d: {  	s1 =	simm.s32 $0x2000;
	s29 =	sadd.s32 $0x0, s25;
	[sflag:s30] =	ssyncadd.s32 $0xFFFFF800  }
.LBB2_53:
0x22e: {  	[spmem:s29] =	stream.linear.scatter [tilespmem:s18], [sflag:$0x1], $0x800, $0x38;
	[tilespmem:$0x1F180] =	vst v63  }
0x22f: {  	s3 =	smov.u32 s1;
	p1 =	sne.s32 s1, $0x6E000  }
.Ltmp33:
0x230: {  	s1 =	sadd.s32 $0x2000, s1;
	(pc) =	sbr.rel @p1 .LBB2_53-.Ltmp33, $3  }
0x231: {  	_ =	sdelay $0x1  }
0x232: {  	s3 =	sshra.s32 s3, $0x2  }
0x233: {  	s29 =	sadd.s32 s3, s25  }
0x234: {  	[spmem:s29] =	stream.linear.scatter [tilespmem:s18], [sflag:$0x1], $0x800, $0x38;
	[tilespmem:$0x1F180] =	vst v63  }
0x235: {  	s1 =	simm.s32 @!p0 $0x1D980;
	s3 =	rddreg [dreg:$0xf]  }
0x236: {  	[spmem:s3] =	stream.linear.scatter @!p0 [tilespmem:s1], [sflag:$0x1], $0x800, $0x38;
	[tilespmem:$0x1F180] =	vst v63  }
0x237: {  	_ =	swait.ge [sflag:s23], $0x800  }
0x238: {  	s1 =	simm.s32 $0x37;
	[sflag:s23] =	ssyncset.done $0x0  }
.LBB2_55:
0x239: {  	p1 =	sne.s32 s1, $0x1;
	s1 =	sadd.s32 $0xFFFFFFFF, s1;
	[sflag:s23] =	ssyncadd.s32 $0xFFFFF800  }
.Ltmp34:
0x23a: {  	(pc) =	sbr.rel @p1 .LBB2_55-.Ltmp34, $3  }
0x23b: {  	_ =	sdelay $0x1  }
0x23c: {  	_ =	swait.ge [sflag:s23], $0x800  }
0x23d: {  	[sflag:s23] =	ssyncset.done $0x0  }
0x23e: {  	[sflag:s23] =	ssyncadd.s32 $0xFFFFF800;
	s1 =	simm.s32 @!p0 $0x1  }
0x23f: {  	_ =	swait.ge @!p0 [sflag:s1], $0x800  }
0x240: {  	[sflag:s1] =	ssyncset.done @!p0 $0x0  }
0x241: {  	s29 =	simm.s32 $0x0;
	[sflag:s1] =	ssyncadd.s32 @!p0 $0xFFFFF800  }
0x242: {  	s31 =	simm.s32 $0x0;
	s1 =	simm.s32 $0x40;
	[bflag:$0x0] =	sbarrier.arrive $0xFFFF  }
.LBB2_57:
0x243: {  	p1 =	sne.s32 s1, $0x2040;
	[tilespmem:s31+$0x1C880] =	vst v6;
	s3 =	smov.u32 s1;
	s1 =	sadd.s32 $0x40, s1  }
.Ltmp35:
0x244: {  	(pc) =	sbr.rel @p1 .LBB2_57-.Ltmp35, $2  }
0x245: {  	_ =	sdelay $0x2  }
0x246: {  	s31 =	sshra.s32 s3, $0x2  }
.Ltmp36:
0x247: {  	(pc) =	sbr.rel .LBB2_59-.Ltmp36, $2  }
0x248: {  	_ =	sdelay $0x2  }
0x249: {  	[tilespmem:s31+$0x1C880] =	vst v6;
	s31 =	simm.s32 $0x0  }
.LBB2_65:
0x24a: {  	s31 =	sadd.s32 $0x1, s31  }
0x24b: {  	p1 =	seq.s32 s31, $0x14  }
.Ltmp37:
0x24c: {  	_ = 	snop;
	(pc) =	sbr.rel @p1 .LBB2_66-.Ltmp37, $1  }
0x24d: {  	_ =	sdelay $0x3  }
.LBB2_59:
0x24e: {  	s1 =	sshll.u32 s31, $0xA  }
0x24f: {  	s1 =	sadd.s32 s26, s1  }
0x250: {  	s1 =	sshrl.u32 s1, $0x3  }
0x251: {  	s6 =	simm.s32 $0x0;
	s3 =	sadd.s32 s17, s1  }
0x252: {  	[tilespmem:s24], [sflag:$0x3] =	stream.linear.gather [hbm4b:s3+s6], $0x400, $0x38;
	[tilespmem:$0x1F180] =	vst v63  }
0x253: {  	_ =	swait.ge [sflag:s4], $0x400  }
0x254: {  	[sflag:s4] =	ssyncset.done $0x0  }
0x255: {  	s1 =	sadd.s32 s19, s1;
	[sflag:s4] =	ssyncadd.s32 $0xFFFFFC00  }
0x256: {  	[tilespmem:s5], [sflag:$0x3] =	stream.linear.gather [hbm4b:s1+s6], $0x400, $0x38;
	[tilespmem:$0x1F180] =	vst v63  }
0x257: {  	_ =	swait.ge [sflag:s4], $0x400  }
0x258: {  	[sflag:s4] =	ssyncset.done $0x0  }
0x259: {  	s6 =	simm.s32 $0x0;
	[sflag:s4] =	ssyncadd.s32 $0xFFFFFC00  }
0x25a: {  	v7 =	vld [tilespmem:s6+$0x1C080];
	_ =	sdelay $0x1  }
0x25b: {  	v8 =	vld [tilespmem:s6+$0x1C480];
	_ =	sdelay $0x2  }
0x25c: {  	v7 =	vsub.s32 v7, v3  }
0x25d: {  	vm0 =	vlt.u32 v7, $0x380;
	v7 =	vshll.u32 v7, $0xB  }
0x25e: {  	v7 =	vadd.s32 v8, v7;
	v8 =	vmpcnt.ones.xlane vm0  }
0x25f: {  	v7 =	vnsel vm0, $0x1C0000, v7  }
0x260: {  	v8 =	vxor.u32 $0x80000000, v8;
	(xrf1) =	vsort.ascd.msk.u32 $0xffff, v7, v7  }
0x261: {  	(xrf0) =	vmax.scan.msk.u32 $0xffff, v8;
	_ =	sdelay $0x5  }
0x262: {  	v7, _, _ =	vpop (xrf0)  }
0x263: {  	(v2sf) =	vpush v7, $0xF;
	_ =	sdelay $0x5  }
0x264: {  	v7, _, _ =	vpop (xrf1)  }
0x265: {  	s3 =	simm.s32 $0x10;
	[tilespmem:s29+$0x1C880] =	vst v7  }
0x266: {  	v7 =	vld [tilespmem:s3+$0x1C080];
	_ =	sdelay $0x1  }
0x267: {  	v8 =	vld [tilespmem:s3+$0x1C480];
	_ =	sdelay $0x2  }
0x268: {  	v7 =	vsub.s32 v7, v3  }
0x269: {  	v9 =	vshll.u32 v7, $0xB  }
0x26a: {  	vm15 =	vlt.u32 v7, $0x380;
	v7 =	vadd.s32 v8, v9;
	s6 =	spop (v2sf)  }
0x26b: {  	s1 =	simm.s32 $0x80;
	v8 =	vmpcnt.ones.xlane vm15;
	v7 =	vnsel vm15, $0x1C0000, v7;
	s29 =	sadd.s32 s6, s29  }
.LBB2_60:
0x26c: {  	p1 =	sne.s32 s1, $0xFC0  }
0x26d: {  	v8 =	vxor.u32 $0x80000000, v8;
	(xrf1) =	vsort.ascd.msk.u32 $0xffff, v7, v7;
	s3 =	sadd.s32 $0x80000000, s29;
	s6 =	smov.u32 s1;
	s1 =	sadd.s32 $0x40, s1  }
0x26e: {  	(xrf0) =	vmax.scan.msk.u32 $0xffff, v8;
	_ =	sdelay $0x5  }
0x26f: {  	v7, _, _ =	vpop (xrf0)  }
0x270: {  	(v2sf) =	vpush v7, $0xF;
	_ =	sdelay $0x5  }
0x271: {  	v7, _, _ =	vpop (xrf1)  }
0x272: {  	s6 =	sshra.s32 s6, $0x2;
	[tilespmem:s3+$0x1C880] =	vst v7  }
0x273: {  	v7 =	vld [tilespmem:s6+$0x1C080];
	_ =	sdelay $0x1  }
0x274: {  	v8 =	vld [tilespmem:s6+$0x1C480];
	_ =	sdelay $0x1  }
.Ltmp38:
0x275: {  	(pc) =	sbr.rel @p1 .LBB2_60-.Ltmp38, $4  }
0x276: {  	v7 =	vsub.s32 v7, v3  }
0x277: {  	vm0 =	vlt.u32 v7, $0x380;
	v7 =	vshll.u32 v7, $0xB  }
0x278: {  	v7 =	vadd.s32 v8, v7;
	v8 =	vmpcnt.ones.xlane vm0;
	s6 =	spop (v2sf)  }
0x279: {  	v7 =	vnsel vm0, $0x1C0000, v7;
	s29 =	sadd.s32 s6, s3  }
0x27a: {  	v8 =	vxor.u32 $0x80000000, v8  }
0x27b: {  	(xrf0) =	vmax.scan.msk.u32 $0xffff, v8;
	_ =	sdelay $0x5  }
0x27c: {  	v8, _, _ =	vpop (xrf0)  }
0x27d: {  	(v2sf) =	vpush v8, $0xF;
	_ =	sdelay $0x7  }
0x27e: {  	(xrf1) =	vsort.ascd.msk.u32 $0xffff, v7, v7;
	_ =	sdelay $0x6  }
0x27f: {  	s1 =	sadd.s32 $0x80000000, s29;
	s3 =	spop (v2sf)  }
0x280: {  	s3 =	sadd.s32 s3, s1  }
0x281: {  	s29 =	sadd.s32 $0x80000000, s3  }
0x282: {  	p1 =	slt.s32 s29, $0x400  }
.Ltmp39:
0x283: {  	_ = 	snop;
	(pc) =	sbr.rel @p1 .LBB2_65-.Ltmp39, $3  }
0x284: {  	_ =	sdelay $0x1  }
0x285: {  	v7, _, _ =	vpop (xrf1)  }
0x286: {  	[tilespmem:s1+$0x1C880] =	vst v7  }
0x287: {  	s1 =	simm.s32 $0x1D100;
	s3 =	simm.s32 $0x820;
	s6 =	simm.s32 $0x1C880  }
0x288: {  	[spmem:s21] =	stream.indirect.scatter.add.f32 [tilespmem:s1], [sflag:$0x3], $0x1, s6, s3, $0xb8;
	[tilespmem:$0x1F180] =	vst v63  }
0x289: {  	_ =	swait.ge [sflag:s4], $0x820  }
0x28a: {  	[sflag:s4] =	ssyncset.done $0x0  }
0x28b: {  	s29 =	simm.s32 $0x0;
	s1 =	simm.s32 $0x40;
	[sflag:s4] =	ssyncadd.s32 $0xFFFFF7E0  }
.LBB2_63:
0x28c: {  	p1 =	seq.s32 s1, $0x2040;
	[tilespmem:s29+$0x1C880] =	vst v6;
	s3 =	smov.u32 s1;
	s1 =	sadd.s32 $0x40, s1  }
.Ltmp40:
0x28d: {  	(pc) =	sbr.rel @!p1 .LBB2_63-.Ltmp40, $2  }
0x28e: {  	_ =	sdelay $0x2  }
0x28f: {  	s29 =	sshra.s32 s3, $0x2  }
0x290: {  	s31 =	sadd.s32 $0x1, s31  }
0x291: {  	p1 =	seq.s32 s31, $0x14  }
.Ltmp41:
0x292: {  	_ = 	snop;
	(pc) =	sbr.rel @!p1 .LBB2_59-.Ltmp41, $4  }
.Ltmp42:
0x293: {  	_ = 	snop;
	(pc) =	sbr.rel @p1 .LBB2_67-.Ltmp42, $4  }
0x294: {  	_ = 	snop  }
0x295: {  	_ = 	snop  }
0x296: {  	[tilespmem:s29+$0x1C880] =	vst v6;
	s29 =	simm.s32 $0x0  }
0x297: {  	_ = 	snop  }
.LBB2_66:
0x298: {  	p1 =	slt.s32 s29, $0x1  }
0x299: {  	s1 =	simm.s32 @!p1 $0x820;
	s3 =	simm.s32 @!p1 $0x1C880;
	s6 =	simm.s32 @!p1 $0x1D100  }
0x29a: {  	[spmem:s21] =	stream.indirect.scatter.add.f32 @!p1 [tilespmem:s6], [sflag:$0x3], $0x1, s3, s1, $0xb8;
	[tilespmem:$0x1F180] =	vst v63  }
0x29b: {  	s1 =	simm.s32 @!p1 $0x3  }
0x29c: {  	_ =	swait.ge @!p1 [sflag:s1], $0x820  }
0x29d: {  	[sflag:s1] =	ssyncset.done @!p1 $0x0  }
0x29e: {  	[sflag:s1] =	ssyncadd.s32 @!p1 $0xFFFFF7E0  }
.LBB2_67:
0x29f: {  	[bflag:$0x0] =	sbarrier.arrive $0xFFFF  }
0x2a0: {  	[tilespmem:s28], [sflag:$0x3] =	stream.linear.gather [spmem:s25], $0x800, $0x38;
	[tilespmem:$0x1F180] =	vst v63  }
0x2a1: {  	_ =	swait.ge [sflag:s4], $0x800  }
0x2a2: {  	[sflag:s4] =	ssyncset.done $0x0  }
0x2a3: {  	s1 =	simm.s32 $0x0;
	s3 =	rddreg [dreg:$0x8];
	[sflag:s4] =	ssyncadd.s32 $0xFFFFF800  }
0x2a4: {  	[hbm4b:s3+s1] =	stream.linear.scatter [tilespmem:s28], [sflag:$0x2], $0x800, $0x38;
	[tilespmem:$0x1F180] =	vst v63  }
0x2a5: {  	s6 =	rddreg [dreg:$0x10]  }
0x2a6: {  	[tilespmem:s2], [sflag:$0x3] =	stream.linear.gather [spmem:s6], $0x800, $0x38;
	[tilespmem:$0x1F180] =	vst v63  }
0x2a7: {  	_ =	swait.ge [sflag:s4], $0x800  }
0x2a8: {  	[sflag:s4] =	ssyncset.done $0x0  }
0x2a9: {  	s6 =	rddreg [dreg:$0x14];
	[sflag:s4] =	ssyncadd.s32 $0xFFFFF800  }
0x2aa: {  	[hbm4b:s6+s1] =	stream.linear.scatter [tilespmem:s2], [sflag:$0x2], $0x800, $0x38;
	[tilespmem:$0x1F180] =	vst v63  }
0x2ab: {  	_ =	swait.ge [sflag:s30], $0x800  }
0x2ac: {  	[sflag:s30] =	ssyncset.done $0x0  }
0x2ad: {  	[sflag:s30] =	ssyncadd.s32 $0xFFFFF800  }
0x2ae: {  	_ =	swait.ge [sflag:s30], $0x800  }
0x2af: {  	[sflag:s30] =	ssyncset.done $0x0  }
0x2b0: {  	s6 =	rddreg [dreg:$0x18];
	[sflag:s30] =	ssyncadd.s32 $0xFFFFF800  }
0x2b1: {  	[tilespmem:s28], [sflag:$0x3] =	stream.linear.gather [spmem:s6], $0x800, $0x38;
	[tilespmem:$0x1F180] =	vst v63  }
0x2b2: {  	_ =	swait.ge [sflag:s4], $0x800  }
0x2b3: {  	[sflag:s4] =	ssyncset.done $0x0  }
0x2b4: {  	s3 =	sadd.s32 $0x0, s14;
	[sflag:s4] =	ssyncadd.s32 $0xFFFFF800  }
0x2b5: {  	[hbm4b:s3+s0] =	stream.linear.scatter [tilespmem:s28], [sflag:$0x2], $0x800, $0x38;
	[tilespmem:$0x1F180] =	vst v63  }
0x2b6: {  	s6 =	rddreg [dreg:$0xe]  }
0x2b7: {  	[tilespmem:s2], [sflag:$0x3] =	stream.linear.gather [spmem:s6], $0x800, $0x38;
	[tilespmem:$0x1F180] =	vst v63  }
0x2b8: {  	_ =	swait.ge [sflag:s4], $0x800  }
0x2b9: {  	s31 =	sadd.s32 $0x0, s13;
	[sflag:s4] =	ssyncset.done $0x0  }
0x2ba: {  	s1 =	simm.s32 $0x200;
	s29 =	sadd.s32 $0x1000, s6;
	[sflag:s4] =	ssyncadd.s32 $0xFFFFF800  }
.LBB2_68:
0x2bb: {  	[hbm4b:s31+s0] =	stream.linear.scatter [tilespmem:s2], [sflag:$0x2], $0x800, $0x38;
	[tilespmem:$0x1F180] =	vst v63  }
0x2bc: {  	s3 =	smov.u32 s1  }
0x2bd: {  	p1 =	sne.s32 s1, $0x3400;
	s1 =	sadd.s32 $0x200, s1;
	_ =	swait.ge [sflag:s30], $0x800  }
0x2be: {  	[sflag:s30] =	ssyncset.done $0x0  }
0x2bf: {  	[sflag:s30] =	ssyncadd.s32 $0xFFFFF800  }
0x2c0: {  	_ =	swait.ge [sflag:s30], $0x800  }
0x2c1: {  	[sflag:s30] =	ssyncset.done $0x0  }
0x2c2: {  	s6 =	sadd.s32 $0xFFFFF800, s29;
	[sflag:s30] =	ssyncadd.s32 $0xFFFFF800  }
0x2c3: {  	[tilespmem:s28], [sflag:$0x3] =	stream.linear.gather [spmem:s6], $0x800, $0x38;
	[tilespmem:$0x1F180] =	vst v63  }
0x2c4: {  	_ =	swait.ge [sflag:s4], $0x800  }
0x2c5: {  	[sflag:s4] =	ssyncset.done $0x0  }
0x2c6: {  	s6 =	sadd.s32 s3, s14;
	[sflag:s4] =	ssyncadd.s32 $0xFFFFF800  }
0x2c7: {  	[hbm4b:s6+s0] =	stream.linear.scatter [tilespmem:s28], [sflag:$0x2], $0x800, $0x38;
	[tilespmem:$0x1F180] =	vst v63  }
.Ltmp43:
0x2c8: {  	(pc) =	sbr.rel @p1 .LBB2_68-.Ltmp43, $4  }
0x2c9: {  	[tilespmem:s2], [sflag:$0x3] =	stream.linear.gather [spmem:s29], $0x800, $0x38;
	[tilespmem:$0x1F180] =	vst v63  }
0x2ca: {  	_ =	swait.ge [sflag:s4], $0x800  }
0x2cb: {  	[sflag:s4] =	ssyncset.done $0x0  }
0x2cc: {  	s31 =	sadd.s32 s3, s13;
	s29 =	sadd.s32 $0x1000, s29;
	[sflag:s4] =	ssyncadd.s32 $0xFFFFF800  }
0x2cd: {  	[hbm4b:s31+s0] =	stream.linear.scatter [tilespmem:s2], [sflag:$0x2], $0x800, $0x38;
	[tilespmem:$0x1F180] =	vst v63  }
0x2ce: {  	_ =	swait.ge [sflag:s30], $0x800  }
0x2cf: {  	[sflag:s30] =	ssyncset.done $0x0  }
0x2d0: {  	[sflag:s30] =	ssyncadd.s32 $0xFFFFF800  }
0x2d1: {  	_ =	swait.ge [sflag:s30], $0x800  }
0x2d2: {  	[sflag:s30] =	ssyncset.done $0x0  }
0x2d3: {  	s1 =	simm.s32 $0x2000;
	s29 =	sadd.s32 $0x0, s25;
	[sflag:s30] =	ssyncadd.s32 $0xFFFFF800  }
.LBB2_70:
0x2d4: {  	[spmem:s29] =	stream.linear.scatter [tilespmem:s18], [sflag:$0x1], $0x800, $0x38;
	[tilespmem:$0x1F180] =	vst v63  }
0x2d5: {  	s3 =	smov.u32 s1;
	p1 =	sne.s32 s1, $0x6E000  }
.Ltmp44:
0x2d6: {  	s1 =	sadd.s32 $0x2000, s1;
	(pc) =	sbr.rel @p1 .LBB2_70-.Ltmp44, $3  }
0x2d7: {  	_ =	sdelay $0x1  }
0x2d8: {  	s3 =	sshra.s32 s3, $0x2  }
0x2d9: {  	s29 =	sadd.s32 s3, s25  }
0x2da: {  	[spmem:s29] =	stream.linear.scatter [tilespmem:s18], [sflag:$0x1], $0x800, $0x38;
	[tilespmem:$0x1F180] =	vst v63  }
0x2db: {  	s1 =	simm.s32 @!p0 $0x1D980;
	s3 =	rddreg [dreg:$0xf]  }
0x2dc: {  	[spmem:s3] =	stream.linear.scatter @!p0 [tilespmem:s1], [sflag:$0x1], $0x800, $0x38;
	[tilespmem:$0x1F180] =	vst v63  }
0x2dd: {  	_ =	swait.ge [sflag:s23], $0x800  }
0x2de: {  	s1 =	simm.s32 $0x37;
	[sflag:s23] =	ssyncset.done $0x0  }
.LBB2_72:
0x2df: {  	p1 =	sne.s32 s1, $0x1;
	s1 =	sadd.s32 $0xFFFFFFFF, s1;
	[sflag:s23] =	ssyncadd.s32 $0xFFFFF800  }
.Ltmp45:
0x2e0: {  	(pc) =	sbr.rel @p1 .LBB2_72-.Ltmp45, $3  }
0x2e1: {  	_ =	sdelay $0x1  }
0x2e2: {  	_ =	swait.ge [sflag:s23], $0x800  }
0x2e3: {  	[sflag:s23] =	ssyncset.done $0x0  }
0x2e4: {  	[sflag:s23] =	ssyncadd.s32 $0xFFFFF800;
	s1 =	simm.s32 @!p0 $0x1  }
0x2e5: {  	_ =	swait.ge @!p0 [sflag:s1], $0x800  }
0x2e6: {  	[sflag:s1] =	ssyncset.done @!p0 $0x0  }
0x2e7: {  	s29 =	simm.s32 $0x0;
	[sflag:s1] =	ssyncadd.s32 @!p0 $0xFFFFF800  }
0x2e8: {  	s31 =	simm.s32 $0x0;
	s1 =	simm.s32 $0x40;
	[bflag:$0x0] =	sbarrier.arrive $0xFFFF  }
.LBB2_74:
0x2e9: {  	p1 =	sne.s32 s1, $0x2040;
	[tilespmem:s31+$0x1C880] =	vst v6;
	s3 =	smov.u32 s1;
	s1 =	sadd.s32 $0x40, s1  }
.Ltmp46:
0x2ea: {  	(pc) =	sbr.rel @p1 .LBB2_74-.Ltmp46, $2  }
0x2eb: {  	_ =	sdelay $0x2  }
0x2ec: {  	s31 =	sshra.s32 s3, $0x2  }
.Ltmp47:
0x2ed: {  	(pc) =	sbr.rel .LBB2_76-.Ltmp47, $2  }
0x2ee: {  	_ =	sdelay $0x2  }
0x2ef: {  	[tilespmem:s31+$0x1C880] =	vst v6;
	s31 =	simm.s32 $0x0  }
.LBB2_82:
0x2f0: {  	s31 =	sadd.s32 $0x1, s31  }
0x2f1: {  	p1 =	seq.s32 s31, $0x14  }
.Ltmp48:
0x2f2: {  	_ = 	snop;
	(pc) =	sbr.rel @p1 .LBB2_83-.Ltmp48, $1  }
0x2f3: {  	_ =	sdelay $0x3  }
.LBB2_76:
0x2f4: {  	s1 =	sshll.u32 s31, $0xA  }
0x2f5: {  	s1 =	sadd.s32 s26, s1  }
0x2f6: {  	s1 =	sshrl.u32 s1, $0x3  }
0x2f7: {  	s6 =	simm.s32 $0x0;
	s3 =	sadd.s32 s17, s1  }
0x2f8: {  	[tilespmem:s24], [sflag:$0x3] =	stream.linear.gather [hbm4b:s3+s6], $0x400, $0x38;
	[tilespmem:$0x1F180] =	vst v63  }
0x2f9: {  	_ =	swait.ge [sflag:s4], $0x400  }
0x2fa: {  	[sflag:s4] =	ssyncset.done $0x0  }
0x2fb: {  	s1 =	sadd.s32 s19, s1;
	[sflag:s4] =	ssyncadd.s32 $0xFFFFFC00  }
0x2fc: {  	[tilespmem:s5], [sflag:$0x3] =	stream.linear.gather [hbm4b:s1+s6], $0x400, $0x38;
	[tilespmem:$0x1F180] =	vst v63  }
0x2fd: {  	_ =	swait.ge [sflag:s4], $0x400  }
0x2fe: {  	[sflag:s4] =	ssyncset.done $0x0  }
0x2ff: {  	s6 =	simm.s32 $0x0;
	[sflag:s4] =	ssyncadd.s32 $0xFFFFFC00  }
0x300: {  	v7 =	vld [tilespmem:s6+$0x1C080];
	_ =	sdelay $0x1  }
0x301: {  	v8 =	vld [tilespmem:s6+$0x1C480];
	_ =	sdelay $0x2  }
0x302: {  	v7 =	vsub.s32 v7, v4  }
0x303: {  	vm0 =	vlt.u32 v7, $0x380;
	v7 =	vshll.u32 v7, $0xB  }
0x304: {  	v7 =	vadd.s32 v8, v7;
	v8 =	vmpcnt.ones.xlane vm0  }
0x305: {  	v7 =	vnsel vm0, $0x1C0000, v7  }
0x306: {  	v8 =	vxor.u32 $0x80000000, v8;
	(xrf1) =	vsort.ascd.msk.u32 $0xffff, v7, v7  }
0x307: {  	(xrf0) =	vmax.scan.msk.u32 $0xffff, v8;
	_ =	sdelay $0x5  }
0x308: {  	v7, _, _ =	vpop (xrf0)  }
0x309: {  	(v2sf) =	vpush v7, $0xF;
	_ =	sdelay $0x5  }
0x30a: {  	v7, _, _ =	vpop (xrf1)  }
0x30b: {  	s3 =	simm.s32 $0x10;
	[tilespmem:s29+$0x1C880] =	vst v7  }
0x30c: {  	v7 =	vld [tilespmem:s3+$0x1C080];
	_ =	sdelay $0x1  }
0x30d: {  	v8 =	vld [tilespmem:s3+$0x1C480];
	_ =	sdelay $0x2  }
0x30e: {  	v7 =	vsub.s32 v7, v4  }
0x30f: {  	v9 =	vshll.u32 v7, $0xB  }
0x310: {  	vm15 =	vlt.u32 v7, $0x380;
	v7 =	vadd.s32 v8, v9;
	s6 =	spop (v2sf)  }
0x311: {  	s1 =	simm.s32 $0x80;
	v8 =	vmpcnt.ones.xlane vm15;
	v7 =	vnsel vm15, $0x1C0000, v7;
	s29 =	sadd.s32 s6, s29  }
.LBB2_77:
0x312: {  	p1 =	sne.s32 s1, $0xFC0  }
0x313: {  	v8 =	vxor.u32 $0x80000000, v8;
	(xrf1) =	vsort.ascd.msk.u32 $0xffff, v7, v7;
	s3 =	sadd.s32 $0x80000000, s29;
	s6 =	smov.u32 s1;
	s1 =	sadd.s32 $0x40, s1  }
0x314: {  	(xrf0) =	vmax.scan.msk.u32 $0xffff, v8;
	_ =	sdelay $0x5  }
0x315: {  	v7, _, _ =	vpop (xrf0)  }
0x316: {  	(v2sf) =	vpush v7, $0xF;
	_ =	sdelay $0x5  }
0x317: {  	v7, _, _ =	vpop (xrf1)  }
0x318: {  	s6 =	sshra.s32 s6, $0x2;
	[tilespmem:s3+$0x1C880] =	vst v7  }
0x319: {  	v7 =	vld [tilespmem:s6+$0x1C080];
	_ =	sdelay $0x1  }
0x31a: {  	v8 =	vld [tilespmem:s6+$0x1C480];
	_ =	sdelay $0x1  }
.Ltmp49:
0x31b: {  	(pc) =	sbr.rel @p1 .LBB2_77-.Ltmp49, $4  }
0x31c: {  	v7 =	vsub.s32 v7, v4  }
0x31d: {  	vm0 =	vlt.u32 v7, $0x380;
	v7 =	vshll.u32 v7, $0xB  }
0x31e: {  	v7 =	vadd.s32 v8, v7;
	v8 =	vmpcnt.ones.xlane vm0;
	s6 =	spop (v2sf)  }
0x31f: {  	v7 =	vnsel vm0, $0x1C0000, v7;
	s29 =	sadd.s32 s6, s3  }
0x320: {  	v8 =	vxor.u32 $0x80000000, v8  }
0x321: {  	(xrf0) =	vmax.scan.msk.u32 $0xffff, v8;
	_ =	sdelay $0x5  }
0x322: {  	v8, _, _ =	vpop (xrf0)  }
0x323: {  	(v2sf) =	vpush v8, $0xF;
	_ =	sdelay $0x7  }
0x324: {  	(xrf1) =	vsort.ascd.msk.u32 $0xffff, v7, v7;
	_ =	sdelay $0x6  }
0x325: {  	s1 =	sadd.s32 $0x80000000, s29;
	s3 =	spop (v2sf)  }
0x326: {  	s3 =	sadd.s32 s3, s1  }
0x327: {  	s29 =	sadd.s32 $0x80000000, s3  }
0x328: {  	p1 =	slt.s32 s29, $0x400  }
.Ltmp50:
0x329: {  	_ = 	snop;
	(pc) =	sbr.rel @p1 .LBB2_82-.Ltmp50, $3  }
0x32a: {  	_ =	sdelay $0x1  }
0x32b: {  	v7, _, _ =	vpop (xrf1)  }
0x32c: {  	[tilespmem:s1+$0x1C880] =	vst v7  }
0x32d: {  	s1 =	simm.s32 $0x1D100;
	s3 =	simm.s32 $0x820;
	s6 =	simm.s32 $0x1C880  }
0x32e: {  	[spmem:s21] =	stream.indirect.scatter.add.f32 [tilespmem:s1], [sflag:$0x3], $0x1, s6, s3, $0xb8;
	[tilespmem:$0x1F180] =	vst v63  }
0x32f: {  	_ =	swait.ge [sflag:s4], $0x820  }
0x330: {  	[sflag:s4] =	ssyncset.done $0x0  }
0x331: {  	s29 =	simm.s32 $0x0;
	s1 =	simm.s32 $0x40;
	[sflag:s4] =	ssyncadd.s32 $0xFFFFF7E0  }
.LBB2_80:
0x332: {  	p1 =	seq.s32 s1, $0x2040;
	[tilespmem:s29+$0x1C880] =	vst v6;
	s3 =	smov.u32 s1;
	s1 =	sadd.s32 $0x40, s1  }
.Ltmp51:
0x333: {  	(pc) =	sbr.rel @!p1 .LBB2_80-.Ltmp51, $2  }
0x334: {  	_ =	sdelay $0x2  }
0x335: {  	s29 =	sshra.s32 s3, $0x2  }
0x336: {  	s31 =	sadd.s32 $0x1, s31  }
0x337: {  	p1 =	seq.s32 s31, $0x14  }
.Ltmp52:
0x338: {  	_ = 	snop;
	(pc) =	sbr.rel @!p1 .LBB2_76-.Ltmp52, $4  }
.Ltmp53:
0x339: {  	_ = 	snop;
	(pc) =	sbr.rel @p1 .LBB2_84-.Ltmp53, $4  }
0x33a: {  	_ = 	snop  }
0x33b: {  	_ = 	snop  }
0x33c: {  	[tilespmem:s29+$0x1C880] =	vst v6;
	s29 =	simm.s32 $0x0  }
0x33d: {  	_ = 	snop  }
.LBB2_83:
0x33e: {  	p1 =	slt.s32 s29, $0x1  }
0x33f: {  	s1 =	simm.s32 @!p1 $0x820;
	s3 =	simm.s32 @!p1 $0x1C880;
	s6 =	simm.s32 @!p1 $0x1D100  }
0x340: {  	[spmem:s21] =	stream.indirect.scatter.add.f32 @!p1 [tilespmem:s6], [sflag:$0x3], $0x1, s3, s1, $0xb8;
	[tilespmem:$0x1F180] =	vst v63  }
0x341: {  	s1 =	simm.s32 @!p1 $0x3  }
0x342: {  	_ =	swait.ge @!p1 [sflag:s1], $0x820  }
0x343: {  	[sflag:s1] =	ssyncset.done @!p1 $0x0  }
0x344: {  	[sflag:s1] =	ssyncadd.s32 @!p1 $0xFFFFF7E0  }
.LBB2_84:
0x345: {  	[bflag:$0x0] =	sbarrier.arrive $0xFFFF  }
0x346: {  	[tilespmem:s28], [sflag:$0x3] =	stream.linear.gather [spmem:s25], $0x800, $0x38;
	[tilespmem:$0x1F180] =	vst v63  }
0x347: {  	_ =	swait.ge [sflag:s4], $0x800  }
0x348: {  	[sflag:s4] =	ssyncset.done $0x0  }
0x349: {  	s1 =	simm.s32 $0x0;
	s3 =	rddreg [dreg:$0x9];
	[sflag:s4] =	ssyncadd.s32 $0xFFFFF800  }
0x34a: {  	[hbm4b:s3+s1] =	stream.linear.scatter [tilespmem:s28], [sflag:$0x2], $0x800, $0x38;
	[tilespmem:$0x1F180] =	vst v63  }
0x34b: {  	s6 =	rddreg [dreg:$0x10]  }
0x34c: {  	[tilespmem:s2], [sflag:$0x3] =	stream.linear.gather [spmem:s6], $0x800, $0x38;
	[tilespmem:$0x1F180] =	vst v63  }
0x34d: {  	_ =	swait.ge [sflag:s4], $0x800  }
0x34e: {  	[sflag:s4] =	ssyncset.done $0x0  }
0x34f: {  	s6 =	rddreg [dreg:$0x15];
	[sflag:s4] =	ssyncadd.s32 $0xFFFFF800  }
0x350: {  	[hbm4b:s6+s1] =	stream.linear.scatter [tilespmem:s2], [sflag:$0x2], $0x800, $0x38;
	[tilespmem:$0x1F180] =	vst v63  }
0x351: {  	_ =	swait.ge [sflag:s30], $0x800  }
0x352: {  	[sflag:s30] =	ssyncset.done $0x0  }
0x353: {  	[sflag:s30] =	ssyncadd.s32 $0xFFFFF800  }
0x354: {  	_ =	swait.ge [sflag:s30], $0x800  }
0x355: {  	[sflag:s30] =	ssyncset.done $0x0  }
0x356: {  	s6 =	rddreg [dreg:$0x18];
	[sflag:s30] =	ssyncadd.s32 $0xFFFFF800  }
0x357: {  	[tilespmem:s28], [sflag:$0x3] =	stream.linear.gather [spmem:s6], $0x800, $0x38;
	[tilespmem:$0x1F180] =	vst v63  }
0x358: {  	_ =	swait.ge [sflag:s4], $0x800  }
0x359: {  	[sflag:s4] =	ssyncset.done $0x0  }
0x35a: {  	s3 =	sadd.s32 $0x0, s16;
	[sflag:s4] =	ssyncadd.s32 $0xFFFFF800  }
0x35b: {  	[hbm4b:s3+s0] =	stream.linear.scatter [tilespmem:s28], [sflag:$0x2], $0x800, $0x38;
	[tilespmem:$0x1F180] =	vst v63  }
0x35c: {  	s6 =	rddreg [dreg:$0xe]  }
0x35d: {  	[tilespmem:s2], [sflag:$0x3] =	stream.linear.gather [spmem:s6], $0x800, $0x38;
	[tilespmem:$0x1F180] =	vst v63  }
0x35e: {  	_ =	swait.ge [sflag:s4], $0x800  }
0x35f: {  	s31 =	sadd.s32 $0x0, s15;
	[sflag:s4] =	ssyncset.done $0x0  }
0x360: {  	s1 =	simm.s32 $0x200;
	s29 =	sadd.s32 $0x1000, s6;
	[sflag:s4] =	ssyncadd.s32 $0xFFFFF800  }
.LBB2_85:
0x361: {  	[hbm4b:s31+s0] =	stream.linear.scatter [tilespmem:s2], [sflag:$0x2], $0x800, $0x38;
	[tilespmem:$0x1F180] =	vst v63  }
0x362: {  	s3 =	smov.u32 s1  }
0x363: {  	p1 =	sne.s32 s1, $0x3400;
	s1 =	sadd.s32 $0x200, s1;
	_ =	swait.ge [sflag:s30], $0x800  }
0x364: {  	[sflag:s30] =	ssyncset.done $0x0  }
0x365: {  	[sflag:s30] =	ssyncadd.s32 $0xFFFFF800  }
0x366: {  	_ =	swait.ge [sflag:s30], $0x800  }
0x367: {  	[sflag:s30] =	ssyncset.done $0x0  }
0x368: {  	s6 =	sadd.s32 $0xFFFFF800, s29;
	[sflag:s30] =	ssyncadd.s32 $0xFFFFF800  }
0x369: {  	[tilespmem:s28], [sflag:$0x3] =	stream.linear.gather [spmem:s6], $0x800, $0x38;
	[tilespmem:$0x1F180] =	vst v63  }
0x36a: {  	_ =	swait.ge [sflag:s4], $0x800  }
0x36b: {  	[sflag:s4] =	ssyncset.done $0x0  }
0x36c: {  	s6 =	sadd.s32 s3, s16;
	[sflag:s4] =	ssyncadd.s32 $0xFFFFF800  }
0x36d: {  	[hbm4b:s6+s0] =	stream.linear.scatter [tilespmem:s28], [sflag:$0x2], $0x800, $0x38;
	[tilespmem:$0x1F180] =	vst v63  }
.Ltmp54:
0x36e: {  	(pc) =	sbr.rel @p1 .LBB2_85-.Ltmp54, $4  }
0x36f: {  	[tilespmem:s2], [sflag:$0x3] =	stream.linear.gather [spmem:s29], $0x800, $0x38;
	[tilespmem:$0x1F180] =	vst v63  }
0x370: {  	_ =	swait.ge [sflag:s4], $0x800  }
0x371: {  	[sflag:s4] =	ssyncset.done $0x0  }
0x372: {  	s31 =	sadd.s32 s3, s15;
	s29 =	sadd.s32 $0x1000, s29;
	[sflag:s4] =	ssyncadd.s32 $0xFFFFF800  }
0x373: {  	[hbm4b:s31+s0] =	stream.linear.scatter [tilespmem:s2], [sflag:$0x2], $0x800, $0x38;
	[tilespmem:$0x1F180] =	vst v63  }
0x374: {  	_ =	swait.ge [sflag:s30], $0x800  }
0x375: {  	[sflag:s30] =	ssyncset.done $0x0  }
0x376: {  	[sflag:s30] =	ssyncadd.s32 $0xFFFFF800  }
0x377: {  	_ =	swait.ge [sflag:s30], $0x800  }
0x378: {  	[sflag:s30] =	ssyncset.done $0x0  }
0x379: {  	s1 =	simm.s32 $0x2000;
	s29 =	sadd.s32 $0x0, s25;
	[sflag:s30] =	ssyncadd.s32 $0xFFFFF800  }
.LBB2_87:
0x37a: {  	[spmem:s29] =	stream.linear.scatter [tilespmem:s18], [sflag:$0x1], $0x800, $0x38;
	[tilespmem:$0x1F180] =	vst v63  }
0x37b: {  	s3 =	smov.u32 s1;
	p1 =	sne.s32 s1, $0x6E000  }
.Ltmp55:
0x37c: {  	s1 =	sadd.s32 $0x2000, s1;
	(pc) =	sbr.rel @p1 .LBB2_87-.Ltmp55, $3  }
0x37d: {  	_ =	sdelay $0x1  }
0x37e: {  	s3 =	sshra.s32 s3, $0x2  }
0x37f: {  	s29 =	sadd.s32 s3, s25  }
0x380: {  	[spmem:s29] =	stream.linear.scatter [tilespmem:s18], [sflag:$0x1], $0x800, $0x38;
	[tilespmem:$0x1F180] =	vst v63  }
0x381: {  	s1 =	simm.s32 @!p0 $0x1D980;
	s3 =	rddreg [dreg:$0xf]  }
0x382: {  	[spmem:s3] =	stream.linear.scatter @!p0 [tilespmem:s1], [sflag:$0x1], $0x800, $0x38;
	[tilespmem:$0x1F180] =	vst v63  }
0x383: {  	_ =	swait.ge [sflag:s23], $0x800  }
0x384: {  	s1 =	simm.s32 $0x37;
	[sflag:s23] =	ssyncset.done $0x0  }
.LBB2_89:
0x385: {  	p1 =	sne.s32 s1, $0x1;
	s1 =	sadd.s32 $0xFFFFFFFF, s1;
	[sflag:s23] =	ssyncadd.s32 $0xFFFFF800  }
.Ltmp56:
0x386: {  	(pc) =	sbr.rel @p1 .LBB2_89-.Ltmp56, $3  }
0x387: {  	_ =	sdelay $0x1  }
0x388: {  	_ =	swait.ge [sflag:s23], $0x800  }
0x389: {  	[sflag:s23] =	ssyncset.done $0x0  }
0x38a: {  	[sflag:s23] =	ssyncadd.s32 $0xFFFFF800;
	s1 =	simm.s32 @!p0 $0x1  }
0x38b: {  	_ =	swait.ge @!p0 [sflag:s1], $0x800  }
0x38c: {  	[sflag:s1] =	ssyncset.done @!p0 $0x0  }
0x38d: {  	s29 =	simm.s32 $0x0;
	[sflag:s1] =	ssyncadd.s32 @!p0 $0xFFFFF800  }
0x38e: {  	s31 =	simm.s32 $0x0;
	s1 =	simm.s32 $0x40;
	[bflag:$0x0] =	sbarrier.arrive $0xFFFF  }
.LBB2_91:
0x38f: {  	p1 =	sne.s32 s1, $0x2040;
	[tilespmem:s31+$0x1C880] =	vst v6;
	s3 =	smov.u32 s1;
	s1 =	sadd.s32 $0x40, s1  }
.Ltmp57:
0x390: {  	(pc) =	sbr.rel @p1 .LBB2_91-.Ltmp57, $2  }
0x391: {  	_ =	sdelay $0x2  }
0x392: {  	s31 =	sshra.s32 s3, $0x2  }
.Ltmp58:
0x393: {  	(pc) =	sbr.rel .LBB2_93-.Ltmp58, $2  }
0x394: {  	_ =	sdelay $0x2  }
0x395: {  	[tilespmem:s31+$0x1C880] =	vst v6;
	s31 =	simm.s32 $0x0  }
.LBB2_99:
0x396: {  	s31 =	sadd.s32 $0x1, s31  }
0x397: {  	p1 =	seq.s32 s31, $0x14  }
.Ltmp59:
0x398: {  	_ = 	snop;
	(pc) =	sbr.rel @p1 .LBB2_100-.Ltmp59, $1  }
0x399: {  	_ =	sdelay $0x3  }
.LBB2_93:
0x39a: {  	s1 =	sshll.u32 s31, $0xA  }
0x39b: {  	s1 =	sadd.s32 s26, s1  }
0x39c: {  	s1 =	sshrl.u32 s1, $0x3  }
0x39d: {  	s6 =	simm.s32 $0x0;
	s3 =	sadd.s32 s17, s1  }
0x39e: {  	[tilespmem:s24], [sflag:$0x3] =	stream.linear.gather [hbm4b:s3+s6], $0x400, $0x38;
	[tilespmem:$0x1F180] =	vst v63  }
0x39f: {  	_ =	swait.ge [sflag:s4], $0x400  }
0x3a0: {  	[sflag:s4] =	ssyncset.done $0x0  }
0x3a1: {  	s1 =	sadd.s32 s19, s1;
	[sflag:s4] =	ssyncadd.s32 $0xFFFFFC00  }
0x3a2: {  	[tilespmem:s5], [sflag:$0x3] =	stream.linear.gather [hbm4b:s1+s6], $0x400, $0x38;
	[tilespmem:$0x1F180] =	vst v63  }
0x3a3: {  	_ =	swait.ge [sflag:s4], $0x400  }
0x3a4: {  	[sflag:s4] =	ssyncset.done $0x0  }
0x3a5: {  	s6 =	simm.s32 $0x0;
	[sflag:s4] =	ssyncadd.s32 $0xFFFFFC00  }
0x3a6: {  	v7 =	vld [tilespmem:s6+$0x1C080];
	_ =	sdelay $0x1  }
0x3a7: {  	v8 =	vld [tilespmem:s6+$0x1C480];
	_ =	sdelay $0x2  }
0x3a8: {  	v7 =	vsub.s32 v7, v5  }
0x3a9: {  	vm0 =	vlt.u32 v7, $0x380;
	v7 =	vshll.u32 v7, $0xB  }
0x3aa: {  	v7 =	vadd.s32 v8, v7;
	v8 =	vmpcnt.ones.xlane vm0  }
0x3ab: {  	v7 =	vnsel vm0, $0x1C0000, v7  }
0x3ac: {  	v8 =	vxor.u32 $0x80000000, v8;
	(xrf1) =	vsort.ascd.msk.u32 $0xffff, v7, v7  }
0x3ad: {  	(xrf0) =	vmax.scan.msk.u32 $0xffff, v8;
	_ =	sdelay $0x5  }
0x3ae: {  	v7, _, _ =	vpop (xrf0)  }
0x3af: {  	(v2sf) =	vpush v7, $0xF;
	_ =	sdelay $0x5  }
0x3b0: {  	v7, _, _ =	vpop (xrf1)  }
0x3b1: {  	s3 =	simm.s32 $0x10;
	[tilespmem:s29+$0x1C880] =	vst v7  }
0x3b2: {  	v7 =	vld [tilespmem:s3+$0x1C080];
	_ =	sdelay $0x1  }
0x3b3: {  	v8 =	vld [tilespmem:s3+$0x1C480];
	_ =	sdelay $0x2  }
0x3b4: {  	v7 =	vsub.s32 v7, v5  }
0x3b5: {  	v9 =	vshll.u32 v7, $0xB  }
0x3b6: {  	vm15 =	vlt.u32 v7, $0x380;
	v7 =	vadd.s32 v8, v9;
	s6 =	spop (v2sf)  }
0x3b7: {  	s1 =	simm.s32 $0x80;
	v8 =	vmpcnt.ones.xlane vm15;
	v7 =	vnsel vm15, $0x1C0000, v7;
	s29 =	sadd.s32 s6, s29  }
.LBB2_94:
0x3b8: {  	p1 =	sne.s32 s1, $0xFC0  }
0x3b9: {  	v8 =	vxor.u32 $0x80000000, v8;
	(xrf1) =	vsort.ascd.msk.u32 $0xffff, v7, v7;
	s3 =	sadd.s32 $0x80000000, s29;
	s6 =	smov.u32 s1;
	s1 =	sadd.s32 $0x40, s1  }
0x3ba: {  	(xrf0) =	vmax.scan.msk.u32 $0xffff, v8;
	_ =	sdelay $0x5  }
0x3bb: {  	v7, _, _ =	vpop (xrf0)  }
0x3bc: {  	(v2sf) =	vpush v7, $0xF;
	_ =	sdelay $0x5  }
0x3bd: {  	v7, _, _ =	vpop (xrf1)  }
0x3be: {  	s6 =	sshra.s32 s6, $0x2;
	[tilespmem:s3+$0x1C880] =	vst v7  }
0x3bf: {  	v7 =	vld [tilespmem:s6+$0x1C080];
	_ =	sdelay $0x1  }
0x3c0: {  	v8 =	vld [tilespmem:s6+$0x1C480];
	_ =	sdelay $0x1  }
.Ltmp60:
0x3c1: {  	(pc) =	sbr.rel @p1 .LBB2_94-.Ltmp60, $4  }
0x3c2: {  	v7 =	vsub.s32 v7, v5  }
0x3c3: {  	vm0 =	vlt.u32 v7, $0x380;
	v7 =	vshll.u32 v7, $0xB  }
0x3c4: {  	v7 =	vadd.s32 v8, v7;
	v8 =	vmpcnt.ones.xlane vm0;
	s6 =	spop (v2sf)  }
0x3c5: {  	v7 =	vnsel vm0, $0x1C0000, v7;
	s29 =	sadd.s32 s6, s3  }
0x3c6: {  	v8 =	vxor.u32 $0x80000000, v8  }
0x3c7: {  	(xrf0) =	vmax.scan.msk.u32 $0xffff, v8;
	_ =	sdelay $0x5  }
0x3c8: {  	v8, _, _ =	vpop (xrf0)  }
0x3c9: {  	(v2sf) =	vpush v8, $0xF;
	_ =	sdelay $0x7  }
0x3ca: {  	(xrf1) =	vsort.ascd.msk.u32 $0xffff, v7, v7;
	_ =	sdelay $0x6  }
0x3cb: {  	s1 =	sadd.s32 $0x80000000, s29;
	s3 =	spop (v2sf)  }
0x3cc: {  	s3 =	sadd.s32 s3, s1  }
0x3cd: {  	s29 =	sadd.s32 $0x80000000, s3  }
0x3ce: {  	p1 =	slt.s32 s29, $0x400  }
.Ltmp61:
0x3cf: {  	_ = 	snop;
	(pc) =	sbr.rel @p1 .LBB2_99-.Ltmp61, $3  }
0x3d0: {  	_ =	sdelay $0x1  }
0x3d1: {  	v7, _, _ =	vpop (xrf1)  }
0x3d2: {  	[tilespmem:s1+$0x1C880] =	vst v7  }
0x3d3: {  	s1 =	simm.s32 $0x1D100;
	s3 =	simm.s32 $0x820;
	s6 =	simm.s32 $0x1C880  }
0x3d4: {  	[spmem:s21] =	stream.indirect.scatter.add.f32 [tilespmem:s1], [sflag:$0x3], $0x1, s6, s3, $0xb8;
	[tilespmem:$0x1F180] =	vst v63  }
0x3d5: {  	_ =	swait.ge [sflag:s4], $0x820  }
0x3d6: {  	[sflag:s4] =	ssyncset.done $0x0  }
0x3d7: {  	s29 =	simm.s32 $0x0;
	s1 =	simm.s32 $0x40;
	[sflag:s4] =	ssyncadd.s32 $0xFFFFF7E0  }
.LBB2_97:
0x3d8: {  	p1 =	seq.s32 s1, $0x2040;
	[tilespmem:s29+$0x1C880] =	vst v6;
	s3 =	smov.u32 s1;
	s1 =	sadd.s32 $0x40, s1  }
.Ltmp62:
0x3d9: {  	(pc) =	sbr.rel @!p1 .LBB2_97-.Ltmp62, $2  }
0x3da: {  	_ =	sdelay $0x2  }
0x3db: {  	s29 =	sshra.s32 s3, $0x2  }
0x3dc: {  	s31 =	sadd.s32 $0x1, s31  }
0x3dd: {  	p1 =	seq.s32 s31, $0x14  }
.Ltmp63:
0x3de: {  	_ = 	snop;
	(pc) =	sbr.rel @!p1 .LBB2_93-.Ltmp63, $4  }
.Ltmp64:
0x3df: {  	_ = 	snop;
	(pc) =	sbr.rel @p1 .LBB2_101-.Ltmp64, $4  }
0x3e0: {  	_ = 	snop  }
0x3e1: {  	_ = 	snop  }
0x3e2: {  	[tilespmem:s29+$0x1C880] =	vst v6;
	s29 =	simm.s32 $0x0  }
0x3e3: {  	_ = 	snop  }
.LBB2_100:
0x3e4: {  	p1 =	slt.s32 s29, $0x1  }
0x3e5: {  	s1 =	simm.s32 @!p1 $0x820;
	s3 =	simm.s32 @!p1 $0x1C880;
	s6 =	simm.s32 @!p1 $0x1D100  }
0x3e6: {  	[spmem:s21] =	stream.indirect.scatter.add.f32 @!p1 [tilespmem:s6], [sflag:$0x3], $0x1, s3, s1, $0xb8;
	[tilespmem:$0x1F180] =	vst v63  }
0x3e7: {  	s1 =	simm.s32 @!p1 $0x3  }
0x3e8: {  	_ =	swait.ge @!p1 [sflag:s1], $0x820  }
0x3e9: {  	[sflag:s1] =	ssyncset.done @!p1 $0x0  }
0x3ea: {  	[sflag:s1] =	ssyncadd.s32 @!p1 $0xFFFFF7E0  }
.LBB2_101:
0x3eb: {  	[bflag:$0x0] =	sbarrier.arrive $0xFFFF  }
0x3ec: {  	[tilespmem:s28], [sflag:$0x3] =	stream.linear.gather [spmem:s25], $0x800, $0x38;
	[tilespmem:$0x1F180] =	vst v63  }
0x3ed: {  	_ =	swait.ge [sflag:s4], $0x800  }
0x3ee: {  	[sflag:s4] =	ssyncset.done $0x0  }
0x3ef: {  	s1 =	simm.s32 $0x0;
	s3 =	rddreg [dreg:$0xa];
	[sflag:s4] =	ssyncadd.s32 $0xFFFFF800  }
0x3f0: {  	[hbm4b:s3+s1] =	stream.linear.scatter [tilespmem:s28], [sflag:$0x2], $0x800, $0x38;
	[tilespmem:$0x1F180] =	vst v63  }
0x3f1: {  	s6 =	rddreg [dreg:$0x10]  }
0x3f2: {  	[tilespmem:s2], [sflag:$0x3] =	stream.linear.gather [spmem:s6], $0x800, $0x38;
	[tilespmem:$0x1F180] =	vst v63  }
0x3f3: {  	_ =	swait.ge [sflag:s4], $0x800  }
0x3f4: {  	[sflag:s4] =	ssyncset.done $0x0  }
0x3f5: {  	s6 =	rddreg [dreg:$0x16];
	[sflag:s4] =	ssyncadd.s32 $0xFFFFF800  }
0x3f6: {  	[hbm4b:s6+s1] =	stream.linear.scatter [tilespmem:s2], [sflag:$0x2], $0x800, $0x38;
	[tilespmem:$0x1F180] =	vst v63  }
0x3f7: {  	_ =	swait.ge [sflag:s30], $0x800  }
0x3f8: {  	[sflag:s30] =	ssyncset.done $0x0  }
0x3f9: {  	[sflag:s30] =	ssyncadd.s32 $0xFFFFF800  }
0x3fa: {  	_ =	swait.ge [sflag:s30], $0x800  }
0x3fb: {  	[sflag:s30] =	ssyncset.done $0x0  }
0x3fc: {  	s6 =	rddreg [dreg:$0x18];
	[sflag:s30] =	ssyncadd.s32 $0xFFFFF800  }
0x3fd: {  	[tilespmem:s28], [sflag:$0x3] =	stream.linear.gather [spmem:s6], $0x800, $0x38;
	[tilespmem:$0x1F180] =	vst v63  }
0x3fe: {  	_ =	swait.ge [sflag:s4], $0x800  }
0x3ff: {  	[sflag:s4] =	ssyncset.done $0x0  }
0x400: {  	s3 =	sadd.s32 $0x0, s22;
	[sflag:s4] =	ssyncadd.s32 $0xFFFFF800  }
0x401: {  	[hbm4b:s3+s0] =	stream.linear.scatter [tilespmem:s28], [sflag:$0x2], $0x800, $0x38;
	[tilespmem:$0x1F180] =	vst v63  }
0x402: {  	s6 =	rddreg [dreg:$0xe]  }
0x403: {  	[tilespmem:s2], [sflag:$0x3] =	stream.linear.gather [spmem:s6], $0x800, $0x38;
	[tilespmem:$0x1F180] =	vst v63  }
0x404: {  	_ =	swait.ge [sflag:s4], $0x800  }
0x405: {  	s31 =	sadd.s32 $0x0, s20;
	[sflag:s4] =	ssyncset.done $0x0  }
0x406: {  	s1 =	simm.s32 $0x200;
	s29 =	sadd.s32 $0x1000, s6;
	[sflag:s4] =	ssyncadd.s32 $0xFFFFF800  }
.LBB2_102:
0x407: {  	[hbm4b:s31+s0] =	stream.linear.scatter [tilespmem:s2], [sflag:$0x2], $0x800, $0x38;
	[tilespmem:$0x1F180] =	vst v63  }
0x408: {  	s3 =	smov.u32 s1  }
0x409: {  	p1 =	sne.s32 s1, $0x3400;
	s1 =	sadd.s32 $0x200, s1;
	_ =	swait.ge [sflag:s30], $0x800  }
0x40a: {  	[sflag:s30] =	ssyncset.done $0x0  }
0x40b: {  	[sflag:s30] =	ssyncadd.s32 $0xFFFFF800  }
0x40c: {  	_ =	swait.ge [sflag:s30], $0x800  }
0x40d: {  	[sflag:s30] =	ssyncset.done $0x0  }
0x40e: {  	s6 =	sadd.s32 $0xFFFFF800, s29;
	[sflag:s30] =	ssyncadd.s32 $0xFFFFF800  }
0x40f: {  	[tilespmem:s28], [sflag:$0x3] =	stream.linear.gather [spmem:s6], $0x800, $0x38;
	[tilespmem:$0x1F180] =	vst v63  }
0x410: {  	_ =	swait.ge [sflag:s4], $0x800  }
0x411: {  	[sflag:s4] =	ssyncset.done $0x0  }
0x412: {  	s6 =	sadd.s32 s3, s22;
	[sflag:s4] =	ssyncadd.s32 $0xFFFFF800  }
0x413: {  	[hbm4b:s6+s0] =	stream.linear.scatter [tilespmem:s28], [sflag:$0x2], $0x800, $0x38;
	[tilespmem:$0x1F180] =	vst v63  }
.Ltmp65:
0x414: {  	(pc) =	sbr.rel @p1 .LBB2_102-.Ltmp65, $4  }
0x415: {  	[tilespmem:s2], [sflag:$0x3] =	stream.linear.gather [spmem:s29], $0x800, $0x38;
	[tilespmem:$0x1F180] =	vst v63  }
0x416: {  	_ =	swait.ge [sflag:s4], $0x800  }
0x417: {  	[sflag:s4] =	ssyncset.done $0x0  }
0x418: {  	s31 =	sadd.s32 s3, s20;
	s29 =	sadd.s32 $0x1000, s29;
	[sflag:s4] =	ssyncadd.s32 $0xFFFFF800  }
0x419: {  	[hbm4b:s31+s0] =	stream.linear.scatter [tilespmem:s2], [sflag:$0x2], $0x800, $0x38;
	[tilespmem:$0x1F180] =	vst v63  }
0x41a: {  	_ =	swait.ge [sflag:s30], $0x800  }
0x41b: {  	[sflag:s30] =	ssyncset.done $0x0  }
0x41c: {  	[sflag:s30] =	ssyncadd.s32 $0xFFFFF800  }
0x41d: {  	_ =	swait.ge [sflag:s30], $0x800  }
0x41e: {  	s3 =	rddreg [dreg:$0x17]  }
0x41f: {  	s1 =	rddreg [dreg:$0xd];
	s3 =	sadd.s32 $0x1, s3  }
0x420: {  	p1 =	sne.s32 s3, s1  }
.Ltmp66:
0x421: {  	_ = 	snop;
	(pc) =	sbr.rel @p1 .LBB2_1-.Ltmp66, $3  }
0x422: {  	_ =	sdelay $0x1  }
0x423: {  	[sflag:s30] =	ssyncset.done $0x0  }
0x424: {  	[sflag:s30] =	ssyncadd.s32 $0xFFFFF800  }
0x425: {  	_ =	sfence.sel $0x180000  }
0x426: {  	[bflag:$0x0] =	sbarrier.arrive $0xFFFF  }
0x427: {  	_ =	strace $0x90000047  }
0x428: {  	[bflag:$0x2] =	sbarrier.arrive $0xFFFF  }
0x429: {  	s0 =	rddreg [dreg:$0x4]  }
0x42a: {  	s0 =	sadd.s32 @!p0 $0x100000, s0  }
0x42b: {  	[sflag:s0] =	ssyncadd.tile.s32 @!p0 $0x1;
	_ =	shalt  }
.Lfunc_end2:
_tile_overlayer_lowered:
.L_overlay_start_2:
0x42c: {  	(tag) =	ssettag $0x2  }
0x42d: {  	s0 =	rddreg [dreg:$0x0];
	s2 =	stileid.u32  }
0x42e: {  	s1 =	rddreg [dreg:$0x1];
	p0 =	sne.s32 s2, $0x0  }
0x42f: {  	s3 =	rddreg [dreg:$0x2];
	[bflag:$0x3] =	sbarrier.arrive $0xFFFF;
	s2 =	simm.s32 @!p0 $0x1C03  }
0x430: {  	[timem:s3], [sflag:s2] =	dma.local @!p0 [hbm:s0], s1  }
0x431: {  	s0 =	simm.s32 @!p0 $0x3  }
0x432: {  	_ =	swait.ge @!p0 [sflag:s0], s1  }
0x433: {  	s1 =	ssub.s32 @!p0 $0x0, s1;
	[sflag:s0] =	ssyncset.done @!p0 $0x0  }
0x434: {  	[sflag:s0] =	ssyncadd.s32 @!p0 s1  }
0x435: {  	[bflag:$0x3] =	sbarrier.arrive $0xFFFF  }
0x436: {  	_ =	shalt  }

// kernel: sparse-core-data-format-call.1.cloned.1.call-start
scs
called_computation.1_lowered:
.L_overlay_start_0:
0x0: {  	s2 =	sld [smem:$0x3FD9]  }
0x1: {  	s3 =	sld [smem:$0x3FFE];
	_ =	sdelay $0x1  }
0x2: {  	s1 =	srdreg.scid  }
0x3: {  	s0 =	sand.u32 $0x1, s1  }
0x4: {  	s15 =	sshll.u32 s0, $0xA;
	s2 =	sadd.s32 s3, s2  }
0x5: {  	s2 =	sadd.s32 s2, s15  }
0x6: {  	[smem:$0x3FC5] =	sst s2  }
0x7: {  	_ = 	snop  }
0x8: {  	s2 =	sld [smem:$0x3FD0];
	_ =	sdelay $0x2  }
0x9: {  	s16 =	simm.s32 $0xA;
	s4 =	simm.s32 $0x10  }
0xa: {  	[smem:s4], [sflag:s16] =	dma.local [hbm:s2], $0x1  }
0xb: {  	_ =	swait.eq [sflag:s16], $0x1  }
0xc: {  	[sflag:s16] =	ssyncset.done $0x0  }
0xd: {  	[sflag:s16] =	ssyncadd.s32 $0xFFFFFFFF  }
0xe: {  	s17 =	sld [smem:$0x10];
	(tm) =	ssettm $0x1  }
0xf: {  	s18 =	sld [smem:$0x3FFB];
	_ =	sdelay $0x3  }
0x10: {  	_ =	strace s18  }
0x11: {  	s3 =	sld [smem:$0x3FFC];
	_ =	sdelay $0x3  }
0x12: {  	_ =	strace s3  }
0x13: {  	s3 =	sld [smem:$0x3FFD];
	_ =	sdelay $0x3  }
0x14: {  	_ =	strace s3  }
0x15: {  	_ =	strace $0x8FFFFFFF  }
0x16: {  	s19 =	sld [smem:$0x3FDB];
	_ =	sdelay $0x1  }
0x17: {  	s20 =	simm.s32 $_scs_section_size  }
0x18: {  	s5 =	simm.s32 $_size__tile_overlayer_lowered;
	s6 =	simm.s32 $_tile_overlayer_lowered  }
0x19: {  	s23 =	simm.s32 $0x1BFF;
	s22 =	sshll.u32 s6, $0x1;
	s3 =	sadd.s32 s20, s19  }
0x1a: {  	s7 =	simm.s32 $0x0;
	s21 =	sshll.u32 s5, $0x1;
	s5 =	sadd.s32 s22, s3  }
0x1b: {  	[timem:s7], [sflag:s23] =	dma.local [hbm:s5], s21  }
0x1c: {  	_ =	swait.ge [sflag:s23], s21  }
0x1d: {  	s4 =	ssub.s32 $0x0, s21;
	[sflag:s23] =	ssyncset.done $0x0  }
0x1e: {  	[sflag:s23] =	ssyncadd.s32 s4;
	_ =	sdelay $0x1  }
0x1f: {  	s24 =	simm.s32 $0x1B8B  }
0x20: {  	_ =	swait.ge [sflag:s24], $0x1  }
0x21: {  	[sflag:s24] =	ssyncset.done $0x0  }
0x22: {  	s26 =	simm.s32 $0x1B8E;
	s25 =	sld [smem:$0x3FFE];
	[sflag:s24] =	ssyncadd.s32 $0xFFFFFFFF  }
0x23: {  	s27 =	simm.s32 $execute0_lowered;
	[smem:$0x3FD2] =	sst s26  }
0x24: {  	s5 =	sshll.u32 s27, $0x1;
	_ =	strace $0x80000049;
	[dreg:$0x1] =	wrdreg $0xFFFFFFFF  }
0x25: {  	s28 =	simm.s32 $_size_execute0_lowered;
	s3 =	sadd.s32 s3, s5;
	[dreg:$0x0] =	wrdreg $0x0  }
0x26: {  	s5 =	sshll.u32 s28, $0x1;
	[dreg:$0x2] =	wrdreg s3  }
0x27: {  	[dreg:$0x3] =	wrdreg s5  }
0x28: {  	[dreg:$0x4] =	wrdreg $0xC0  }
0x29: {  	_ =	task [dreg:s7], $0x5FFFF  }
0x2a: {  	[dreg:$0x1] =	wrdreg $0xFFFFFFFF  }
0x2b: {  	[dreg:$0x0] =	wrdreg $0x60  }
0x2c: {  	[dreg:$0x2] =	wrdreg s17  }
0x2d: {  	[dreg:$0x3] =	wrdreg s25  }
0x2e: {  	[dreg:$0x4] =	wrdreg $0x9  }
0x2f: {  	_ =	task.clear_ibuf [dreg:s7], $0x5FFFF;
	_ =	strace $0x90000049  }
0x30: {  	s29 =	simm.s32 $0x9;
	_ =	strace $0x8000004B  }
0x31: {  	_ =	swait.ge [sflag:s29], $0x1  }
0x32: {  	[sflag:s29] =	ssyncadd.s32 $0xFFFFFFFF  }
0x33: {  	_ =	strace $0x9000004B  }
0x34: {  	_ =	sfence  }
0x35: {  	s30 =	sld [smem:$0x0];
	_ =	sdelay $0x2  }
0x36: {  	s31 =	sshll.u32 s1, $0xD;
	s1 =	sshrl.u32 s1, $0x2  }
0x37: {  	s3 =	sand.u32 $0x4000, s31;
	s1 =	sadd.s32 s1, s30  }
0x38: {  	s0 =	sor.u32 s3, s0;
	s1 =	sshll.u32 s1, $0x11  }
0x39: {  	s0 =	sor.u32 s1, s0  }
0x3a: {  	s0 =	sadd.s32 $0x8F2B, s0  }
0x3b: {  	[sflag:s0] =	ssyncadd.remote.s32 $0x1  }
0x3c: {  	_ =	sfence.sel $0xFFFF  }
0x3d: {  	[dreg:$0x0] =	wrdreg $0xFFFFFFFF;
	(pc) =	sbr.abs _section_cstart, $3  }
0x3e: {  	[dreg:$0x1] =	wrdreg $0xFFFFFFFF  }
0x3f: {  	_ =	task.clear_ibuf [dreg:s7], $0x2FFFF;
	_ =	strace $0x9FFFFFFF  }
0x40: {  	(tm) =	ssettm $0x7FFFFFFF  }
0x41: {  	_ =	shalt  }
tec
execute0_lowered:
.L_overlay_start_1:
0x0: {  	(tag) =	ssettag $0x1  }
0x1: {  	s0 =	stileid.u32;
	s1 =	srdreg.scid  }
0x2: {  	s2 =	sshll.u32 s0, $0x6;
	s1 =	sshll.u32 s1, $0xA  }
0x3: {  	s7 =	rddreg [dreg:$0x1];
	s2 =	sor.u32 s2, s1  }
0x4: {  	s8 =	simm.s32 $0x2;
	s1 =	sand.u32 $0x1, s0;
	s2 =	sand.u32 $0x780, s2  }
0x5: {  	s14 =	simm.s32 $0x0;
	s3 =	ssub.s32 $0x2, s1;
	s4 =	ssub.s32 $0x2700, s2  }
0x6: {  	s5 =	sshrl.u32 s3, $0x1;
	s3 =	sand.u32 $0x1, s3;
	s6 =	sshrl.u32 s4, $0xB  }
0x7: {  	p0 =	por $0x0, $0x0;
	s3 =	sadd.s32 s3, s5;
	s31 =	sadd.s32 $0x1, s6  }
0x8: {  	s9 =	simm.s32 $0x4F00;
	s15 =	simm.s32 $0x0;
	s6 =	smul.u32 s31, s3  }
.Ltmp0:
0x9: {  	s16 =	simm.s32 $0x0;
	s10 =	simm.s32 $0x0;
	(pc) =	sbr.rel .LBB1_1-.Ltmp0, $4  }
0xa: {  	s13 =	simm.s32 $0x0;
	s4 =	rddreg [dreg:$0x0];
	s5 =	simm.s32 $0x1  }
0xb: {  	s3 =	rddreg [dreg:$0x2];
	_ =	strace $0x8000004A;
	s6 =	smul.u32 $0x6, s6  }
0xc: {  	s7 =	sadd.s32 $0x61A00, s7;
	s12 =	smov.u32 s1;
	[sflag:s5] =	ssyncpa.u1 $0x0  }
0xd: {  	s11 =	smov.u32 s2;
	[sflag:s8] =	ssyncpa.u1 $0x0;
	s8 =	sor.u32 $0x1, s6  }
.LBB1_4:
0xe: {  	s22 =	sshrl.u32 s16, $0x1  }
0xf: {  	s23 =	sshll.u32 s15, $0x1;
	s22 =	smul.u32 $0x4F00, s22  }
0x10: {  	s27 =	sshll.u32 s16, $0x7;
	s23 =	sand.u32 $0xFFFFFF00, s23  }
0x11: {  	v5 =	vld [tilespmem:s20+$0xFFFFFFD0];
	[tilespmem:s19+$0x2040 ss:$0x81] =	vst.msk $0xffff, v4;
	s16 =	sand.u32 $0x80, s27;
	s22 =	sadd.s32 s22, s23  }
0x12: {  	v58 =	vld [tilespmem:s20+$0xFFFFFFE0];
	[tilespmem:s19+$0x2850 ss:$0x81] =	vst.msk $0xffff, v3;
	s28 =	sand.u32 $0x7F, s15;
	s16 =	sor.u32 s16, s22  }
0x13: {  	s21 =	sshra.s32 s21, $0x2;
	v59 =	vld [tilespmem:s20+$0xFFFFFFF0];
	[tilespmem:s19+$0x3060 ss:$0x81] =	vst.msk $0xffff, v2;
	s15 =	sor.u32 s28, s16  }
0x14: {  	v60 =	vld [tilespmem:s20+$0x0];
	[tilespmem:s19+$0x0 ss:$0x81] =	vst.msk $0xffff, v0;
	s18 =	sadd.s32 s21, s18;
	s29 =	smulhi.u32 $0xCF6474A9, s15  }
0x15: {  	v61 =	vld [tilespmem:s20+$0x10];
	[tilespmem:s18+$0x3870 ss:$0x81] =	vst.msk $0xffff, v1;
	s16 =	smulhi.u32 $0xCF6474A9, s16  }
0x16: {  	v62 =	vld [tilespmem:s20+$0x20];
	[tilespmem:s18+$0x810 ss:$0x81] =	vst.msk $0xffff, v5;
	s19 =	sshrl.u32 s29, $0xD  }
0x17: {  	v63 =	vld [tilespmem:s20+$0xFFFFFFC0];
	[tilespmem:s18+$0x1020 ss:$0x81] =	vst.msk $0xffff, v58;
	s16 =	sshrl.u32 s16, $0xD;
	s19 =	smul.u32 $0x2780, s19  }
0x18: {  	s14 =	smul.u32 $0x9E0, s14;
	[tilespmem:s18+$0x1830 ss:$0x81] =	vst.msk $0xffff, v59;
	s16 =	sand.u32 $0x1, s16  }
0x19: {  	[tilespmem:s18+$0x2040 ss:$0x81] =	vst.msk $0xffff, v60;
	p1 =	seq.s32 s16, $0x1;
	s16 =	simm.s32 $0x4F0;
	s15 =	ssub.s32 s15, s19  }
0x1a: {  	s14 =	sadd.s32 s7, s14;
	[tilespmem:s18+$0x2850 ss:$0x81] =	vst.msk $0xffff, v61;
	s16 =	simm.s32 @!p1 $0x0;
	s19 =	sand.u32 $0x7, s15  }
0x1b: {  	[tilespmem:s18+$0x3060 ss:$0x81] =	vst.msk $0xffff, v62;
	s14 =	sadd.s32 s16, s14;
	s15 =	sshrl.u32 s15, $0x3;
	s30 =	sshll.u32 s19, $0x12  }
0x1c: {  	[tilespmem:s18+$0x0 ss:$0x81] =	vst.msk $0xffff, v63;
	s14 =	sadd.s32 s15, s14;
	s31 =	sor.u32 $0x80, s30  }
0x1d: {  	[hbm4b:s14+s31] =	stream.strided.scatter [tilespmem:s17], [sflag:$0x2], $0x4000, s9, s31, $0x20;
	[tilespmem:$0x10100] =	vst v63  }
.LBB1_5:
0x1e: {  	s17 =	sadd.s32 $0x80, s10  }
0x1f: {  	s14 =	sadd.s32 $0x800, s11;
	s18 =	smov.u32 s11;
	p2 =	sgt.s32 s17, $0x2FF  }
0x20: {  	s18 =	smov.u32 @p2 s14  }
0x21: {  	s20 =	smov.u32 s12;
	s14 =	sadd.s32 $0x2, s12;
	p3 =	sgt.s32 s18, $0x270F  }
0x22: {  	s20 =	smov.u32 @p3 s14  }
0x23: {  	s17 =	simm.s32 @p2 $0x0;
	p2 =	sgt.s32 s20, $0x1  }
0x24: {  	p1 =	slt.u32 s13, $0x2;
	s20 =	smov.u32 @p2 s1;
	p2 =	sne.s32 s13, s8  }
.Ltmp1:
0x25: {  	s19 =	simm.s32 @!p1 $0x2;
	(pc) =	sbr.rel @!p2 .LBB1_6-.Ltmp1, $4  }
0x26: {  	s15 =	smov.u32 s11;
	s16 =	smov.u32 s12;
	_ =	swait.ge @!p1 [sflag:s19], $0x4000  }
0x27: {  	p0 =	por !p0, !p0;
	[sflag:s19] =	ssyncset.done @!p1 $0x0;
	s18 =	smov.u32 @p3 s2  }
0x28: {  	s14 =	smov.u32 s10;
	[sflag:s19] =	ssyncadd.s32 @!p1 $0xFFFFC000;
	s10 =	smov.u32 s17  }
0x29: {  	s11 =	smov.u32 s18;
	s13 =	sadd.s32 $0x1, s13;
	s12 =	smov.u32 s20  }
.LBB1_1:
0x2a: {  	p1 =	sge.u32 s13, s6  }
0x2b: {  	s17 =	sshrl.u32 @!p1 s11, $0x3  }
0x2c: {  	s18 =	sshll.u32 @!p1 s10, $0x3;
	s17 =	smul.u32 @!p1 $0x1800, s17  }
0x2d: {  	s23 =	smov.u32 s10;
	s19 =	sand.u32 @!p1 $0x7F, s10;
	s18 =	sand.u32 @!p1 $0xFFFFFC00, s18  }
0x2e: {  	p2 =	sgt.s32 @!p1 s12, $0x1;
	s17 =	sadd.s32 @!p1 s17, s18;
	s18 =	sshll.u32 @!p1 s11, $0x7  }
0x2f: {  	s20 =	sshra.s32 @!p1 s12, $0x1F;
	p2 =	por !p2, p1;
	s18 =	sand.u32 @!p1 $0x380, s18  }
0x30: {  	s20 =	sand.u32 @!p1 s20, s12;
	s17 =	sor.u32 @!p1 s18, s17;
	s18 =	smov.u32 s12  }
0x31: {  	s20 =	sxor.u32 @!p1 $0xFFFFFFFF, s20;
	s18 =	simm.s32 @p2 $0x1;
	p2 =	sgt.s32 @!p1 s11, $0x2690  }
0x32: {  	s18 =	sadd.s32 @!p1 s20, s18;
	p2 =	por !p2, p1;
	s20 =	smov.u32 s11  }
0x33: {  	s22 =	sshra.s32 @!p1 s11, $0x1F;
	s20 =	simm.s32 @p2 $0x2690;
	p2 =	sgt.s32 @!p1 s18, $0x0  }
0x34: {  	s22 =	sand.u32 @!p1 s22, s11;
	s18 =	ssub.s32 @!p1 $0x1, s18;
	p2 =	por !p2, p1  }
0x35: {  	s20 =	ssub.s32 @!p1 s20, s22;
	s18 =	simm.s32 @!p2 $0x0;
	p2 =	sgt.s32 @!p1 s10, $0x280  }
0x36: {  	s21 =	smulhi.u32 @!p1 $0xAAAAAAAB, s17;
	s22 =	sadd.s32 @!p1 $0xFFFFD970, s20;
	p2 =	por !p2, p1  }
0x37: {  	s23 =	simm.s32 @p2 $0x280;
	p2 =	sgt.s32 @!p1 s22, $0x7F;
	s22 =	sshra.s32 @!p1 s10, $0x1F  }
0x38: {  	s17 =	sor.u32 @!p1 s19, s17;
	s21 =	sshrl.u32 @!p1 s21, $0x9;
	s22 =	sand.u32 @!p1 s22, s10  }
0x39: {  	s20 =	ssub.s32 @!p1 $0x2710, s20;
	p2 =	por !p2, p1;
	s22 =	ssub.s32 @!p1 s23, s22  }
0x3a: {  	s23 =	smulhi.u32 @!p1 $0x1A36E3, s21;
	s20 =	simm.s32 @!p2 $0x0;
	s19 =	sadd.s32 @!p1 $0xFFFFFD80, s22  }
0x3b: {  	s18 =	smul.u32 @!p1 s18, s20;
	s22 =	ssub.s32 @!p1 $0x300, s22;
	p2 =	sgt.s32 @!p1 s19, $0x7F  }
0x3c: {  	s19 =	smulhi.u32 @!p1 $0xAAAAAAAB, s17;
	s20 =	sshrl.u32 @!p1 s23, $0x2;
	p2 =	por !p2, p1  }
0x3d: {  	s20 =	smul.u32 @!p1 $0x2710, s20;
	s22 =	simm.s32 @!p2 $0x0  }
0x3e: {  	s19 =	sshrl.u32 @!p1 s19, $0x9;
	s18 =	smul.u32 @!p1 s22, s18  }
0x3f: {  	s31 =	sadd.s32 $0xFFFFFFFF, s13;
	s22 =	sxor.u32 @!p1 $0xFFFFFFFF, s13;
	s19 =	smul.u32 @!p1 $0x300, s19  }
0x40: {  	s20 =	ssub.s32 @!p1 s21, s20;
	s21 =	smul.u32 @!p1 $0xEA600, s12;
	s22 =	sshll.u32 @!p1 s22, $0xE  }
0x41: {  	s22 =	sand.u32 @!p1 $0x4000, s22;
	s17 =	ssub.s32 @!p1 s17, s19;
	s19 =	smul.u32 @!p1 $0x60, s20  }
0x42: {  	s18 =	sand.u32 @!p1 $0x3FFFFFFF, s18;
	s20 =	sadd.s32 @!p1 s4, s21;
	s21 =	sand.u32 @!p1 $0x7, s17  }
0x43: {  	s17 =	sshrl.u32 @!p1 s17, $0x3;
	s19 =	sadd.s32 @!p1 s19, s20;
	s20 =	sshll.u32 @!p1 s21, $0x12  }
0x44: {  	s17 =	sadd.s32 @!p1 s17, s19;
	s19 =	sor.u32 @!p1 $0x400, s20;
	s20 =	simm.s32 @!p1 $0x1800  }
0x45: {  	[tilespmem:s22], [sflag:$0x1] =	stream.strided.gather @!p1 [hbm4b:s17+s19], s18, s20, s19, $0x38;
	[tilespmem:$0x10100] =	vst v63  }
0x46: {  	p1 =	sge.u32 s31, s6  }
.Ltmp2:
0x47: {  	_ = 	snop;
	(pc) =	sbr.rel @p1 .LBB1_5-.Ltmp2, $1  }
0x48: {  	_ =	sdelay $0x3  }
0x49: {  	s17 =	sshra.s32 s16, $0x1F;
	p1 =	sgt.s32 s16, $0x1;
	s18 =	smov.u32 s16  }
0x4a: {  	p2 =	sgt.s32 s15, $0x2690;
	s19 =	sshra.s32 s15, $0x1F;
	s17 =	sand.u32 s17, s16  }
0x4b: {  	s20 =	sshra.s32 s14, $0x1F;
	s18 =	simm.s32 @!p1 $0x1;
	s17 =	sxor.u32 $0xFFFFFFFF, s17  }
0x4c: {  	s19 =	sand.u32 s19, s15;
	s17 =	sadd.s32 s17, s18;
	s18 =	smov.u32 s15  }
0x4d: {  	s20 =	sand.u32 s20, s14;
	p1 =	sgt.s32 s17, $0x0;
	s18 =	simm.s32 @!p2 $0x2690  }
0x4e: {  	p2 =	sgt.s32 s14, $0x280;
	s18 =	ssub.s32 s18, s19;
	s19 =	smov.u32 s14  }
0x4f: {  	s17 =	ssub.s32 $0x1, s17;
	s21 =	sadd.s32 $0xFFFFD970, s18;
	s19 =	simm.s32 @!p2 $0x280  }
0x50: {  	s18 =	ssub.s32 $0x2710, s18;
	p2 =	sgt.s32 s21, $0x7F;
	s19 =	ssub.s32 s19, s20  }
0x51: {  	s17 =	simm.s32 @p1 $0x0;
	s18 =	simm.s32 @p2 $0x0;
	s20 =	sadd.s32 $0xFFFFFD80, s19  }
0x52: {  	s17 =	smul.u32 s17, s18;
	p1 =	sgt.s32 s20, $0x7F;
	s18 =	ssub.s32 $0x300, s19  }
0x53: {  	s18 =	simm.s32 @p1 $0x0  }
0x54: {  	s17 =	smul.u32 s18, s17;
	_ =	sdelay $0x1  }
0x55: {  	s18 =	simm.s32 $0x1;
	s17 =	sand.u32 $0x3FFFFFFF, s17  }
0x56: {  	s18 =	simm.s32 @!p0 $0x0;
	_ =	swait.ge [sflag:s5], s17  }
0x57: {  	s28 =	sshll.u32 s18, $0xE;
	s17 =	ssub.s32 $0x0, s17;
	[sflag:s5] =	ssyncset.done $0x0  }
0x58: {  	s29 =	sor.u32 $0x40, s28;
	[sflag:s5] =	ssyncadd.s32 s17  }
0x59: {  	s30 =	smul.u32 $0x10200, s18;
	v0 =	vld [tilespmem:s29+$0x30]  }
0x5a: {  	v1 =	vld [tilespmem:s29+$0xFFFFFFD0]  }
0x5b: {  	s17 =	sshrl.u32 s30, $0x2;
	v5 =	vld [tilespmem:s29+$0xFFFFFFE0]  }
0x5c: {  	s18 =	sor.u32 $0x8000, s17;
	v6 =	vld [tilespmem:s29+$0xFFFFFFF0]  }
0x5d: {  	s31 =	sand.u32 $0x1, s13;
	v4 =	vld [tilespmem:s29+$0x0];
	s19 =	sadd.s32 $0x0, s18  }
0x5e: {  	s17 =	smul.u32 $0x10200, s31;
	v3 =	vld [tilespmem:s29+$0x10];
	[tilespmem:s19+$0x3870 ss:$0x81] =	vst.msk $0xffff, v0  }
0x5f: {  	v2 =	vld [tilespmem:s29+$0x20];
	[tilespmem:s19+$0x810 ss:$0x81] =	vst.msk $0xffff, v1  }
0x60: {  	s20 =	sadd.s32 $0x80, s29;
	s17 =	sshrl.u32 s17, $0x2;
	v0 =	vld [tilespmem:s29+$0xFFFFFFC0];
	[tilespmem:s19+$0x1020 ss:$0x81] =	vst.msk $0xffff, v5  }
0x61: {  	s22 =	simm.s32 $0x8;
	s21 =	simm.s32 $0x4;
	s17 =	sor.u32 $0x8000, s17;
	v1 =	vld [tilespmem:s20+$0x30];
	[tilespmem:s19+$0x1830 ss:$0x81] =	vst.msk $0xffff, v6  }
.LBB1_3:
0x62: {  	p1 =	sne.s32 s22, $0x1FC;
	v5 =	vld [tilespmem:s20+$0xFFFFFFD0];
	[tilespmem:s19+$0x2040 ss:$0x81] =	vst.msk $0xffff, v4  }
0x63: {  	v6 =	vld [tilespmem:s20+$0xFFFFFFE0];
	[tilespmem:s19+$0x2850 ss:$0x81] =	vst.msk $0xffff, v3  }
0x64: {  	s23 =	sshra.s32 s21, $0x2;
	s21 =	smov.u32 s22;
	v7 =	vld [tilespmem:s20+$0xFFFFFFF0];
	[tilespmem:s19+$0x3060 ss:$0x81] =	vst.msk $0xffff, v2  }
.Ltmp3:
0x65: {  	v4 =	vld [tilespmem:s20+$0x0];
	[tilespmem:s19+$0x0 ss:$0x81] =	vst.msk $0xffff, v0;
	s19 =	sadd.s32 s23, s18;
	(pc) =	sbr.rel @p1 .LBB1_3-.Ltmp3, $4  }
0x66: {  	v3 =	vld [tilespmem:s20+$0x10];
	[tilespmem:s19+$0x3870 ss:$0x81] =	vst.msk $0xffff, v1  }
0x67: {  	[tilespmem:s19+$0x810 ss:$0x81] =	vst.msk $0xffff, v5;
	v2 =	vld [tilespmem:s20+$0x20]  }
0x68: {  	v0 =	vld [tilespmem:s20+$0xFFFFFFC0];
	[tilespmem:s19+$0x1020 ss:$0x81] =	vst.msk $0xffff, v6;
	s20 =	sadd.s32 $0x80, s20  }
0x69: {  	s22 =	sadd.s32 $0x4, s22;
	v1 =	vld [tilespmem:s20+$0x30];
	[tilespmem:s19+$0x1830 ss:$0x81] =	vst.msk $0xffff, v7  }
.Ltmp4:
0x6a: {  	_ = 	snop;
	(pc) =	sbr.rel .LBB1_4-.Ltmp4, $1  }
0x6b: {  	_ =	sdelay $0x3  }
.LBB1_6:
0x6c: {  	_ =	sfence.sel $0x180000  }
0x6d: {  	s1 =	simm.s32 $0x1;
	[bflag:$0x0] =	sbarrier.arrive $0xFFFF  }
0x6e: {  	s31 =	simm.s32 $0x2;
	[sflag:s1] =	ssyncpa.u1 $0x1  }
0x6f: {  	[sflag:s31] =	ssyncpa.u1 $0x1  }
0x70: {  	p0 =	sne.s32 s0, $0x0;
	_ =	strace $0x9000004A  }
0x71: {  	s0 =	sadd.s32 @!p0 $0x100000, s3;
	[bflag:$0x2] =	sbarrier.arrive $0xFFFF  }
0x72: {  	[sflag:s0] =	ssyncadd.tile.s32 @!p0 $0x1;
	_ =	shalt  }
.Lfunc_end1:
_tile_overlayer_lowered:
.L_overlay_start_2:
0x73: {  	(tag) =	ssettag $0x2  }
0x74: {  	s0 =	rddreg [dreg:$0x0];
	s2 =	stileid.u32  }
0x75: {  	s1 =	rddreg [dreg:$0x1];
	p0 =	sne.s32 s2, $0x0  }
0x76: {  	s3 =	rddreg [dreg:$0x2];
	[bflag:$0x3] =	sbarrier.arrive $0xFFFF;
	s2 =	simm.s32 @!p0 $0x1C01  }
0x77: {  	[timem:s3], [sflag:s2] =	dma.local @!p0 [hbm:s0], s1  }
0x78: {  	s0 =	simm.s32 @!p0 $0x1  }
0x79: {  	_ =	swait.ge @!p0 [sflag:s0], s1  }
0x7a: {  	s1 =	ssub.s32 @!p0 $0x0, s1;
	[sflag:s0] =	ssyncset.done @!p0 $0x0  }
0x7b: {  	[sflag:s0] =	ssyncadd.s32 @!p0 s1  }
0x7c: {  	[bflag:$0x3] =	sbarrier.arrive $0xFFFF  }
0x7d: {  	_ =	shalt  }

// kernel: sparse-core-data-format-call.cloned.1.call-start
scs
called_computation_lowered:
.L_overlay_start_0:
0x0: {  	s2 =	sld [smem:$0x3FD9]  }
0x1: {  	s3 =	sld [smem:$0x3FFE];
	_ =	sdelay $0x1  }
0x2: {  	s1 =	srdreg.scid  }
0x3: {  	s0 =	sand.u32 $0x1, s1  }
0x4: {  	s15 =	sshll.u32 s0, $0xA;
	s2 =	sadd.s32 s3, s2  }
0x5: {  	s2 =	sadd.s32 s2, s15  }
0x6: {  	[smem:$0x3FC5] =	sst s2  }
0x7: {  	_ = 	snop  }
0x8: {  	s2 =	sld [smem:$0x3FD0];
	_ =	sdelay $0x2  }
0x9: {  	s16 =	simm.s32 $0xA;
	s4 =	simm.s32 $0x10  }
0xa: {  	[smem:s4], [sflag:s16] =	dma.local [hbm:s2], $0x1  }
0xb: {  	_ =	swait.eq [sflag:s16], $0x1  }
0xc: {  	[sflag:s16] =	ssyncset.done $0x0  }
0xd: {  	[sflag:s16] =	ssyncadd.s32 $0xFFFFFFFF  }
0xe: {  	s17 =	sld [smem:$0x10];
	(tm) =	ssettm $0x1  }
0xf: {  	s18 =	sld [smem:$0x3FFB];
	_ =	sdelay $0x3  }
0x10: {  	_ =	strace s18  }
0x11: {  	s3 =	sld [smem:$0x3FFC];
	_ =	sdelay $0x3  }
0x12: {  	_ =	strace s3  }
0x13: {  	s3 =	sld [smem:$0x3FFD];
	_ =	sdelay $0x3  }
0x14: {  	_ =	strace s3  }
0x15: {  	_ =	strace $0x8FFFFFFF  }
0x16: {  	s19 =	sld [smem:$0x3FDB];
	_ =	sdelay $0x1  }
0x17: {  	s20 =	simm.s32 $_scs_section_size  }
0x18: {  	s5 =	simm.s32 $_size__tile_overlayer_lowered;
	s6 =	simm.s32 $_tile_overlayer_lowered  }
0x19: {  	s23 =	simm.s32 $0x1BFF;
	s22 =	sshll.u32 s6, $0x1;
	s3 =	sadd.s32 s20, s19  }
0x1a: {  	s7 =	simm.s32 $0x0;
	s21 =	sshll.u32 s5, $0x1;
	s5 =	sadd.s32 s22, s3  }
0x1b: {  	[timem:s7], [sflag:s23] =	dma.local [hbm:s5], s21  }
0x1c: {  	_ =	swait.ge [sflag:s23], s21  }
0x1d: {  	s4 =	ssub.s32 $0x0, s21;
	[sflag:s23] =	ssyncset.done $0x0  }
0x1e: {  	[sflag:s23] =	ssyncadd.s32 s4;
	_ =	sdelay $0x1  }
0x1f: {  	s24 =	simm.s32 $0x1B8B  }
0x20: {  	_ =	swait.ge [sflag:s24], $0x1  }
0x21: {  	[sflag:s24] =	ssyncset.done $0x0  }
0x22: {  	s26 =	simm.s32 $0x1B8E;
	s25 =	sld [smem:$0x3FFE];
	[sflag:s24] =	ssyncadd.s32 $0xFFFFFFFF  }
0x23: {  	s27 =	simm.s32 $execute0_lowered;
	[smem:$0x3FD2] =	sst s26  }
0x24: {  	s5 =	sshll.u32 s27, $0x1;
	_ =	strace $0x8000004C;
	[dreg:$0x1] =	wrdreg $0xFFFFFFFF  }
0x25: {  	s28 =	simm.s32 $_size_execute0_lowered;
	s3 =	sadd.s32 s3, s5;
	[dreg:$0x0] =	wrdreg $0x0  }
0x26: {  	s5 =	sshll.u32 s28, $0x1;
	[dreg:$0x2] =	wrdreg s3  }
0x27: {  	[dreg:$0x3] =	wrdreg s5  }
0x28: {  	[dreg:$0x4] =	wrdreg $0xC0  }
0x29: {  	_ =	task [dreg:s7], $0x5FFFF  }
0x2a: {  	[dreg:$0x1] =	wrdreg $0xFFFFFFFF  }
0x2b: {  	[dreg:$0x0] =	wrdreg $0x60  }
0x2c: {  	[dreg:$0x2] =	wrdreg s25  }
0x2d: {  	[dreg:$0x3] =	wrdreg s17  }
0x2e: {  	[dreg:$0x4] =	wrdreg $0x9  }
0x2f: {  	_ =	task.clear_ibuf [dreg:s7], $0x5FFFF;
	_ =	strace $0x9000004C  }
0x30: {  	s29 =	simm.s32 $0x9;
	_ =	strace $0x8000004E  }
0x31: {  	_ =	swait.ge [sflag:s29], $0x1  }
0x32: {  	[sflag:s29] =	ssyncadd.s32 $0xFFFFFFFF  }
0x33: {  	_ =	strace $0x9000004E  }
0x34: {  	_ =	sfence  }
0x35: {  	s30 =	sld [smem:$0x0];
	_ =	sdelay $0x2  }
0x36: {  	s31 =	sshll.u32 s1, $0xD;
	s1 =	sshrl.u32 s1, $0x2  }
0x37: {  	s3 =	sand.u32 $0x4000, s31;
	s1 =	sadd.s32 s1, s30  }
0x38: {  	s0 =	sor.u32 s3, s0;
	s1 =	sshll.u32 s1, $0x11  }
0x39: {  	s0 =	sor.u32 s1, s0  }
0x3a: {  	s0 =	sadd.s32 $0x8F2B, s0  }
0x3b: {  	[sflag:s0] =	ssyncadd.remote.s32 $0x1  }
0x3c: {  	_ =	sfence.sel $0xFFFF  }
0x3d: {  	[dreg:$0x0] =	wrdreg $0xFFFFFFFF;
	(pc) =	sbr.abs _section_cstart, $3  }
0x3e: {  	[dreg:$0x1] =	wrdreg $0xFFFFFFFF  }
0x3f: {  	_ =	task.clear_ibuf [dreg:s7], $0x2FFFF;
	_ =	strace $0x9FFFFFFF  }
0x40: {  	(tm) =	ssettm $0x7FFFFFFF  }
0x41: {  	_ =	shalt  }
tec
execute0_lowered:
.L_overlay_start_1:
0x0: {  	(tag) =	ssettag $0x1  }
0x1: {  	s5 =	rddreg [dreg:$0x0]  }
0x2: {  	s0 =	srdreg.scid;
	s3 =	rddreg [dreg:$0x1]  }
0x3: {  	s31 =	simm.s32 $0x2;
	s15 =	simm.s32 $0x0;
	s1 =	sshll.u32 s0, $0x4  }
0x4: {  	p0 =	por $0x0, $0x0;
	s0 =	stileid.u32;
	s1 =	sand.u32 $0x10, s1  }
0x5: {  	s8 =	simm.s32 $0x3000;
	s14 =	simm.s32 $0x0;
	s1 =	sor.u32 s0, s1  }
0x6: {  	s9 =	simm.s32 $0x0;
	s10 =	simm.s32 $0x0;
	s2 =	sshll.u32 s1, $0x7  }
.Ltmp0:
0x7: {  	s12 =	simm.s32 $0x0;
	s4 =	ssub.s32 $0x2700, s2;
	(pc) =	sbr.rel .LBB1_1-.Ltmp0, $4  }
0x8: {  	s13 =	simm.s32 $0x0;
	s1 =	rddreg [dreg:$0x2];
	s6 =	sshrl.u32 s4, $0xC  }
0x9: {  	_ =	strace $0x8000004D;
	s4 =	simm.s32 $0x1;
	s7 =	smul.u32 $0xC, s6  }
0xa: {  	s5 =	sadd.s32 $0x23BA00, s5;
	s11 =	smov.u32 s2;
	[sflag:s4] =	ssyncpa.u1 $0x0  }
0xb: {  	[sflag:s31] =	ssyncpa.u1 $0x0;
	s6 =	sadd.s32 $0xC, s7;
	s7 =	sadd.s32 $0xD, s7  }
.LBB1_5:
0xc: {  	p1 =	slt.u32 s13, $0x2  }
0xd: {  	s17 =	smov.u32 s15;
	p2 =	sgt.s32 @!p1 s15, $0x2690;
	s16 =	sshra.s32 @!p1 s15, $0x1F  }
0xe: {  	p3 =	sgt.s32 @!p1 s14, $0x580;
	s18 =	sshra.s32 @!p1 s14, $0x1F;
	p2 =	por !p2, p1  }
0xf: {  	s15 =	sand.u32 @!p1 s16, s15;
	p3 =	por !p3, p1;
	s16 =	smov.u32 s14  }
0x10: {  	s14 =	sand.u32 @!p1 s18, s14;
	s17 =	simm.s32 @p2 $0x2690;
	s16 =	simm.s32 @p3 $0x580  }
0x11: {  	s15 =	ssub.s32 @!p1 s17, s15;
	s14 =	ssub.s32 @!p1 s16, s14  }
0x12: {  	s18 =	smov.u32 s12;
	s16 =	sadd.s32 @!p1 $0xFFFFD970, s15;
	s17 =	sadd.s32 @!p1 $0xFFFFFA80, s14  }
0x13: {  	s15 =	ssub.s32 @!p1 $0x2710, s15;
	p2 =	sgt.s32 @!p1 s16, $0x7F;
	p3 =	sgt.s32 @!p1 s17, $0x7F  }
0x14: {  	s14 =	ssub.s32 @!p1 $0x600, s14;
	p2 =	por !p2, p1;
	p3 =	por !p3, p1  }
0x15: {  	s16 =	sadd.s32 $0x1000, s11;
	s15 =	simm.s32 @!p2 $0x0;
	s14 =	simm.s32 @!p3 $0x0  }
0x16: {  	p2 =	sgt.s32 s16, $0x270F;
	s14 =	smul.u32 @!p1 s14, s15;
	s15 =	sadd.s32 $0x80, s12  }
0x17: {  	s18 =	smov.u32 @p2 s15  }
0x18: {  	s16 =	smov.u32 @p2 s2;
	p2 =	sgt.s32 s18, $0x5FF  }
0x19: {  	s18 =	simm.s32 @p2 $0x0;
	p2 =	sne.s32 s13, s7  }
.Ltmp1:
0x1a: {  	p0 =	por !p0, !p0;
	s17 =	simm.s32 @!p1 $0x2;
	(pc) =	sbr.rel @!p2 .LBB1_6-.Ltmp1, $4  }
0x1b: {  	s15 =	smov.u32 s9;
	s9 =	smov.u32 s11;
	s14 =	sand.u32 @!p1 $0x3FFFFFFF, s14  }
0x1c: {  	s11 =	smov.u32 s16;
	_ =	swait.ge @!p1 [sflag:s17], s14;
	s19 =	ssub.s32 @!p1 $0x0, s14  }
0x1d: {  	s14 =	smov.u32 s10;
	s13 =	sadd.s32 $0x1, s13;
	[sflag:s17] =	ssyncset.done @!p1 $0x0  }
0x1e: {  	s10 =	smov.u32 s12;
	s12 =	smov.u32 s18;
	[sflag:s17] =	ssyncadd.s32 @!p1 s19  }
.LBB1_1:
0x1f: {  	p1 =	sge.u32 s13, s6  }
0x20: {  	s16 =	sshrl.u32 @!p1 s12, $0x3  }
0x21: {  	s17 =	sshll.u32 @!p1 s11, $0x3;
	s16 =	smul.u32 @!p1 $0x13C00, s16  }
0x22: {  	s18 =	sshll.u32 @!p1 s12, $0x7;
	s17 =	sand.u32 @!p1 $0xFFFFFC00, s17  }
0x23: {  	s16 =	sadd.s32 @!p1 s16, s17;
	s17 =	sand.u32 @!p1 $0x380, s18  }
0x24: {  	s18 =	sand.u32 @!p1 $0x7F, s11;
	s16 =	sor.u32 @!p1 s17, s16  }
0x25: {  	s17 =	sor.u32 @!p1 s18, s16;
	s16 =	smulhi.u32 @!p1 $0xCF6474A9, s16  }
0x26: {  	s18 =	smulhi.u32 @!p1 $0xCF6474A9, s17  }
0x27: {  	s16 =	sshrl.u32 @!p1 s16, $0xD  }
0x28: {  	s18 =	sshrl.u32 @!p1 s18, $0xD;
	s19 =	smulhi.u32 @!p1 $0x2AAAAB, s16  }
0x29: {  	s18 =	smul.u32 @!p1 $0x2780, s18  }
0x2a: {  	s19 =	smul.u32 @!p1 $0x600, s19  }
0x2b: {  	s20 =	sxor.u32 @!p1 $0xFFFFFFFF, s13  }
0x2c: {  	s17 =	ssub.s32 @!p1 s17, s18;
	s18 =	sshll.u32 @!p1 s20, $0xE;
	s16 =	ssub.s32 @!p1 s16, s19  }
0x2d: {  	s19 =	sshrl.u32 @!p1 s17, $0x3;
	s17 =	sand.u32 @!p1 $0x7, s17;
	s16 =	smul.u32 @!p1 $0x4F0, s16  }
0x2e: {  	s18 =	sand.u32 @!p1 $0x4000, s18;
	s19 =	sadd.s32 @!p1 s5, s19;
	s17 =	sshll.u32 @!p1 s17, $0x12  }
0x2f: {  	s17 =	sor.u32 @!p1 $0x400, s17;
	s16 =	sadd.s32 @!p1 s16, s19;
	s19 =	simm.s32 @!p1 $0x13C00  }
0x30: {  	[tilespmem:s18], [sflag:$0x1] =	stream.strided.gather @!p1 [hbm4b:s16+s17], $0x4000, s19, s17, $0x38;
	[tilespmem:$0x10100] =	vst v63  }
0x31: {  	p1 =	seq.s32 s13, $0x0  }
0x32: {  	p2 =	sge.u32 @!p1 s13, s7  }
0x33: {  	p1 =	por p1, p2  }
.Ltmp2:
0x34: {  	_ = 	snop;
	(pc) =	sbr.rel @p1 .LBB1_5-.Ltmp2, $1  }
0x35: {  	_ =	sdelay $0x3  }
0x36: {  	s16 =	simm.s32 $0x1  }
0x37: {  	_ =	swait.ge [sflag:s4], $0x4000;
	s16 =	simm.s32 @!p0 $0x0  }
0x38: {  	[sflag:s4] =	ssyncset.done $0x0;
	s17 =	sshll.u32 s16, $0xE  }
0x39: {  	[sflag:s4] =	ssyncadd.s32 $0xFFFFC000;
	s17 =	sor.u32 $0x40, s17  }
0x3a: {  	s16 =	smul.u32 $0x10200, s16;
	v0 =	vld [tilespmem:s17+$0x30]  }
0x3b: {  	v1 =	vld [tilespmem:s17+$0xFFFFFFD0]  }
0x3c: {  	s16 =	sshrl.u32 s16, $0x2;
	v5 =	vld [tilespmem:s17+$0xFFFFFFE0]  }
0x3d: {  	v6 =	vld [tilespmem:s17+$0xFFFFFFF0];
	s19 =	sor.u32 $0x8000, s16  }
0x3e: {  	s31 =	sand.u32 $0x1, s13;
	v4 =	vld [tilespmem:s17+$0x0];
	s18 =	sadd.s32 $0x0, s19  }
0x3f: {  	v3 =	vld [tilespmem:s17+$0x10];
	s16 =	smul.u32 $0x10200, s31;
	[tilespmem:s18+$0x3870 ss:$0x81] =	vst.msk $0xffff, v0  }
0x40: {  	v2 =	vld [tilespmem:s17+$0x20];
	[tilespmem:s18+$0x810 ss:$0x81] =	vst.msk $0xffff, v1  }
0x41: {  	s16 =	sshrl.u32 s16, $0x2;
	v0 =	vld [tilespmem:s17+$0xFFFFFFC0];
	[tilespmem:s18+$0x1020 ss:$0x81] =	vst.msk $0xffff, v5;
	s17 =	sadd.s32 $0x80, s17  }
0x42: {  	s20 =	simm.s32 $0x4;
	s21 =	simm.s32 $0x8;
	s16 =	sor.u32 $0x8000, s16;
	[tilespmem:s18+$0x1830 ss:$0x81] =	vst.msk $0xffff, v6;
	v1 =	vld [tilespmem:s17+$0x30]  }
.LBB1_3:
0x43: {  	p1 =	sne.s32 s21, $0x1FC;
	v5 =	vld [tilespmem:s17+$0xFFFFFFD0];
	[tilespmem:s18+$0x2040 ss:$0x81] =	vst.msk $0xffff, v4  }
0x44: {  	v6 =	vld [tilespmem:s17+$0xFFFFFFE0];
	[tilespmem:s18+$0x2850 ss:$0x81] =	vst.msk $0xffff, v3  }
0x45: {  	s22 =	sshra.s32 s20, $0x2;
	s20 =	smov.u32 s21;
	v7 =	vld [tilespmem:s17+$0xFFFFFFF0];
	[tilespmem:s18+$0x3060 ss:$0x81] =	vst.msk $0xffff, v2  }
.Ltmp3:
0x46: {  	v4 =	vld [tilespmem:s17+$0x0];
	[tilespmem:s18+$0x0 ss:$0x81] =	vst.msk $0xffff, v0;
	s18 =	sadd.s32 s22, s19;
	(pc) =	sbr.rel @p1 .LBB1_3-.Ltmp3, $4  }
0x47: {  	v3 =	vld [tilespmem:s17+$0x10];
	[tilespmem:s18+$0x3870 ss:$0x81] =	vst.msk $0xffff, v1  }
0x48: {  	[tilespmem:s18+$0x810 ss:$0x81] =	vst.msk $0xffff, v5;
	v2 =	vld [tilespmem:s17+$0x20]  }
0x49: {  	v0 =	vld [tilespmem:s17+$0xFFFFFFC0];
	[tilespmem:s18+$0x1020 ss:$0x81] =	vst.msk $0xffff, v6;
	s17 =	sadd.s32 $0x80, s17  }
0x4a: {  	s21 =	sadd.s32 $0x4, s21;
	v1 =	vld [tilespmem:s17+$0x30];
	[tilespmem:s18+$0x1830 ss:$0x81] =	vst.msk $0xffff, v7  }
0x4b: {  	s21 =	sshrl.u32 s9, $0x3  }
0x4c: {  	s22 =	sshll.u32 s10, $0x3;
	s23 =	sshll.u32 s9, $0x7;
	s20 =	sshra.s32 s20, $0x2  }
0x4d: {  	s29 =	sand.u32 $0x7F, s10;
	p1 =	sgt.s32 s9, $0x2690;
	s21 =	smul.u32 $0x3000, s21  }
0x4e: {  	s24 =	sshra.s32 s9, $0x1F;
	s25 =	sshra.s32 s10, $0x1F;
	s22 =	sand.u32 $0xFFFFFC00, s22  }
0x4f: {  	s28 =	sand.u32 $0x380, s23;
	s23 =	smov.u32 s9;
	s21 =	sadd.s32 s22, s21  }
0x50: {  	s24 =	sand.u32 s24, s9;
	s25 =	sand.u32 s25, s10;
	s21 =	sor.u32 s28, s21  }
0x51: {  	v5 =	vld [tilespmem:s17+$0xFFFFFFD0];
	s23 =	simm.s32 @!p1 $0x2690;
	s30 =	sor.u32 s29, s21;
	s21 =	smulhi.u32 $0xAAAAAAAB, s21  }
0x52: {  	[tilespmem:s18+$0x2040 ss:$0x81] =	vst.msk $0xffff, v4;
	v58 =	vld [tilespmem:s17+$0xFFFFFFE0];
	p1 =	sgt.s32 s10, $0x580;
	s23 =	ssub.s32 s23, s24;
	s24 =	smov.u32 s10  }
0x53: {  	[tilespmem:s18+$0x2850 ss:$0x81] =	vst.msk $0xffff, v3;
	s24 =	simm.s32 @!p1 $0x580;
	s31 =	smulhi.u32 $0xAAAAAAAB, s30;
	s21 =	sshrl.u32 s21, $0xA  }
0x54: {  	v59 =	vld [tilespmem:s17+$0xFFFFFFF0];
	[tilespmem:s18+$0x3060 ss:$0x81] =	vst.msk $0xffff, v2;
	s27 =	sadd.s32 $0xFFFFD970, s23;
	s24 =	ssub.s32 s24, s25;
	s26 =	smulhi.u32 $0x1A36E3, s21  }
0x55: {  	v60 =	vld [tilespmem:s17+$0x0];
	s19 =	sadd.s32 s20, s19;
	[tilespmem:s18+$0x0 ss:$0x81] =	vst.msk $0xffff, v0;
	p1 =	sgt.s32 s27, $0x7F;
	s28 =	sadd.s32 $0xFFFFFA80, s24  }
0x56: {  	v61 =	vld [tilespmem:s17+$0x10];
	[tilespmem:s19+$0x3870 ss:$0x81] =	vst.msk $0xffff, v1;
	p2 =	sgt.s32 s28, $0x7F;
	s22 =	sshrl.u32 s31, $0xA;
	s18 =	sshrl.u32 s26, $0x2  }
0x57: {  	v62 =	vld [tilespmem:s17+$0x20];
	[tilespmem:s19+$0x810 ss:$0x81] =	vst.msk $0xffff, v5;
	s29 =	smul.u32 $0x2710, s18;
	s18 =	ssub.s32 $0x2710, s23;
	s23 =	ssub.s32 $0x600, s24  }
0x58: {  	v63 =	vld [tilespmem:s17+$0xFFFFFFC0];
	[tilespmem:s19+$0x1020 ss:$0x81] =	vst.msk $0xffff, v58;
	s22 =	smul.u32 $0x600, s22;
	s18 =	simm.s32 @p1 $0x0;
	s23 =	simm.s32 @p2 $0x0  }
0x59: {  	[tilespmem:s19+$0x1830 ss:$0x81] =	vst.msk $0xffff, v59;
	s18 =	smul.u32 s23, s18  }
.Ltmp4:
0x5a: {  	[tilespmem:s19+$0x2040 ss:$0x81] =	vst.msk $0xffff, v60;
	s20 =	ssub.s32 s30, s22;
	s17 =	ssub.s32 s21, s29;
	(pc) =	sbr.rel .LBB1_5-.Ltmp4, $4  }
0x5b: {  	[tilespmem:s19+$0x2850 ss:$0x81] =	vst.msk $0xffff, v61;
	s30 =	sshrl.u32 s20, $0x3;
	s20 =	sand.u32 $0x7, s20;
	s17 =	smul.u32 $0xC0, s17  }
0x5c: {  	[tilespmem:s19+$0x3060 ss:$0x81] =	vst.msk $0xffff, v62;
	s21 =	sadd.s32 s3, s30;
	s20 =	sshll.u32 s20, $0x12  }
0x5d: {  	[tilespmem:s19+$0x0 ss:$0x81] =	vst.msk $0xffff, v63;
	s31 =	sor.u32 $0x400, s20;
	s18 =	sand.u32 $0x3FFFFFFF, s18;
	s17 =	sadd.s32 s17, s21  }
0x5e: {  	[hbm4b:s17+s31] =	stream.strided.scatter [tilespmem:s16], [sflag:$0x2], s18, s8, s31, $0x20;
	[tilespmem:$0x10100] =	vst v63  }
.LBB1_6:
0x5f: {  	_ =	sfence.sel $0x180000  }
0x60: {  	s2 =	simm.s32 $0x1;
	[bflag:$0x0] =	sbarrier.arrive $0xFFFF  }
0x61: {  	s31 =	simm.s32 $0x2;
	[sflag:s2] =	ssyncpa.u1 $0x1  }
0x62: {  	[sflag:s31] =	ssyncpa.u1 $0x1  }
0x63: {  	p0 =	sne.s32 s0, $0x0;
	_ =	strace $0x9000004D  }
0x64: {  	s0 =	sadd.s32 @!p0 $0x100000, s1;
	[bflag:$0x2] =	sbarrier.arrive $0xFFFF  }
0x65: {  	[sflag:s0] =	ssyncadd.tile.s32 @!p0 $0x1;
	_ =	shalt  }
.Lfunc_end1:
_tile_overlayer_lowered:
.L_overlay_start_2:
0x66: {  	(tag) =	ssettag $0x2  }
0x67: {  	s0 =	rddreg [dreg:$0x0];
	s2 =	stileid.u32  }
0x68: {  	s1 =	rddreg [dreg:$0x1];
	p0 =	sne.s32 s2, $0x0  }
0x69: {  	s3 =	rddreg [dreg:$0x2];
	[bflag:$0x3] =	sbarrier.arrive $0xFFFF;
	s2 =	simm.s32 @!p0 $0x1C01  }
0x6a: {  	[timem:s3], [sflag:s2] =	dma.local @!p0 [hbm:s0], s1  }
0x6b: {  	s0 =	simm.s32 @!p0 $0x1  }
0x6c: {  	_ =	swait.ge @!p0 [sflag:s0], s1  }
0x6d: {  	s1 =	ssub.s32 @!p0 $0x0, s1;
	[sflag:s0] =	ssyncset.done @!p0 $0x0  }
0x6e: {  	[sflag:s0] =	ssyncadd.s32 @!p0 s1  }
0x6f: {  	[bflag:$0x3] =	sbarrier.arrive $0xFFFF  }
0x70: {  	_ =	shalt  }

</sc_bundles>
